<compile_context>
chip_gen: v7x
topology: tpu7x:2x2x1
jax: 0.10.2.dev20260603
libtpu: 0.0.44.dev20260713+nightly
codegen_flags: <defaults>
</compile_context>

<pallas_src>
import functools

import jax
import jax.numpy as jnp
from jax import lax
from jax.experimental import pallas as pl
from jax.experimental.pallas import tpu as pltpu
from jax.experimental.pallas import tpu_sc as plsc

N_SUBCORES = 16
N_CORES = 2
CHUNK = 128
SC_SPLIT = (28, 22)


def _make_sc_agg(n_pad, cpts, h):
    stripe = n_pad // N_SUBCORES
    cmax = max(cpts)
    mesh = plsc.VectorSubcoreMesh(core_axis_name="c", subcore_axis_name="s")

    @functools.partial(
        pl.kernel,
        mesh=mesh,
        compiler_params=pltpu.CompilerParams(
            use_tc_tiling_on_sc=False, needs_layout_passes=False),
        out_type=jax.ShapeDtypeStruct((N_CORES, n_pad, h), jnp.float32),
        scratch_types=[
            pltpu.VMEM((cmax, CHUNK), jnp.int32),
            pltpu.VMEM((cmax, CHUNK), jnp.int32),
            pltpu.VMEM((2, CHUNK, h), jnp.bfloat16),
            pltpu.VMEM((2, CHUNK, h), jnp.float32),
            pltpu.VMEM_SHARED((n_pad, h), jnp.float32),
            pltpu.SemaphoreType.DMA,
            pltpu.SemaphoreType.DMA,
            pltpu.SemaphoreType.DMA,
            pltpu.SemaphoreType.DMA,
        ],
    )
    def sc_agg(y_hbm, idx0_hbm, dst0_hbm, idx1_hbm, dst1_hbm, zeros_hbm,
               out_hbm, idx_v, dst_v, rows_bf, rows_f, agg_sh,
               sem_g0, sem_g1, sem_s0, sem_s1):
        cid = lax.axis_index("c")
        sid = lax.axis_index("s")
        base = sid * stripe
        pltpu.sync_copy(zeros_hbm, agg_sh.at[pl.ds(base, stripe)])
        plsc.subcore_barrier()

        sem_g = (sem_g0, sem_g1)
        sem_s = (sem_s0, sem_s1)

        def run(idx_hbm, dst_hbm, cpt):
            cp_i = pltpu.async_copy(
                idx_hbm.at[sid], idx_v.at[pl.ds(0, cpt)], sem_g0)
            cp_d = pltpu.async_copy(
                dst_hbm.at[sid], dst_v.at[pl.ds(0, cpt)], sem_g1)
            cp_i.wait()
            cp_d.wait()

            def start_gather(j, b):
                pltpu.async_copy(
                    y_hbm.at[idx_v.at[j]], rows_bf.at[b], sem_g[b])

            def wait_gather(b):
                pltpu.make_async_copy(
                    y_hbm.at[idx_v.at[0]], rows_bf.at[0], sem_g[b]).wait()

            def start_scatter(j, b):
                pltpu.async_copy(rows_f.at[b], agg_sh.at[dst_v.at[j]],
                                 sem_s[b], add=True)

            def wait_scatter(b):
                pltpu.make_async_copy(
                    rows_f.at[b], agg_sh.at[pl.ds(0, CHUNK)],
                    sem_s[b]).wait()

            def convert(b):
                def cbody(i, carry):
                    lo, hi = plsc.unpack(
                        rows_bf[b, i, :], format=plsc.PackFormat.INTERLEAVED)
                    rows_f[b, i, 0:16] = lo
                    rows_f[b, i, 16:32] = hi
                    return carry

                lax.fori_loop(0, CHUNK, cbody, 0)

            start_gather(0, 0)
            if cpt > 1:
                start_gather(1, 1)
            wait_gather(0)
            convert(0)
            start_scatter(0, 0)
            if cpt > 1:
                start_gather(jnp.minimum(2, cpt - 1), 0)
                wait_gather(1)
                convert(1)
                start_scatter(1, 1)

            def chunk_step(j, b):
                start_gather(jnp.minimum(j + 1, cpt - 1), 1 - b)
                wait_scatter(b)
                wait_gather(b)
                convert(b)
                start_scatter(j, b)

            def pair_body(jj, carry):
                chunk_step(2 * jj + 2, 0)
                chunk_step(2 * jj + 3, 1)
                return carry

            if cpt > 2:
                lax.fori_loop(0, (cpt - 2) // 2, pair_body, 0)
                if (cpt - 2) % 2:
                    chunk_step(cpt - 1, (cpt - 1) % 2)
            if cpt > 1:
                wait_scatter((cpt - 2) % 2)
            wait_scatter((cpt - 1) % 2)
            wait_gather(cpt % 2)

        @pl.when(cid == 0)
        def _():
            run(idx0_hbm, dst0_hbm, cpts[0])

        @pl.when(cid == 1)
        def _():
            run(idx1_hbm, dst1_hbm, cpts[1])

        plsc.subcore_barrier()
        pltpu.sync_copy(agg_sh.at[pl.ds(base, stripe)],
                        out_hbm.at[cid, pl.ds(base, stripe)])

    return sc_agg


def _dense_pre(feature, wall, n, h, th, grid, r):
    def body(f_ref, w_ref, y_ref):
        y_ref[:] = jnp.dot(f_ref[:], w_ref[:],
                           preferred_element_type=jnp.float32
                           ).astype(jnp.bfloat16)

    return pl.pallas_call(
        body,
        grid=(grid,),
        in_specs=[
            pl.BlockSpec((r, h), lambda i: (i, 0)),
            pl.BlockSpec((h, th), lambda i: (0, 0)),
        ],
        out_specs=pl.BlockSpec((r, th), lambda i: (i, 0)),
        out_shape=jax.ShapeDtypeStruct((n, th), jnp.bfloat16),
    )(feature, wall)


def _dense_mid(out_prev, partial, wall, n, n_pad, h, th, grid, r):
    def body(o_ref, p_ref, w_ref, onew_ref, y_ref):
        o = (o_ref[:] + p_ref[0] + p_ref[1]) * 0.5
        onew_ref[:] = o
        y_ref[:] = jnp.dot(o, w_ref[:], preferred_element_type=jnp.float32
                           ).astype(jnp.bfloat16)

    return pl.pallas_call(
        body,
        grid=(grid,),
        in_specs=[
            pl.BlockSpec((r, h), lambda i: (i, 0)),
            pl.BlockSpec((N_CORES, r, h), lambda i: (0, i, 0)),
            pl.BlockSpec((h, th), lambda i: (0, 0)),
        ],
        out_specs=[
            pl.BlockSpec((r, h), lambda i: (i, 0)),
            pl.BlockSpec((r, th), lambda i: (i, 0)),
        ],
        out_shape=[
            jax.ShapeDtypeStruct((n, h), jnp.float32),
            jax.ShapeDtypeStruct((n, th), jnp.bfloat16),
        ],
    )(out_prev, partial, wall)


def _finish(out_prev, partial, w1, b1, w2, b2, w3, b3, n, h, grid, r):
    d1 = w1.shape[1]
    d2 = w2.shape[1]

    def body(o_ref, p_ref, w1_ref, b1_ref, w2_ref, b2_ref, w3_ref, b3_ref,
             prob_ref):
        o = (o_ref[:] + p_ref[0] + p_ref[1]) * 0.5
        nrm = jnp.sqrt(jnp.sum(o * o, axis=1, keepdims=True))
        o = o / jnp.maximum(nrm, 1e-12)
        hh = jnp.tanh(jnp.dot(o, w1_ref[:],
                              preferred_element_type=jnp.float32) + b1_ref[:])
        hh = jnp.tanh(jnp.dot(hh, w2_ref[:],
                              preferred_element_type=jnp.float32) + b2_ref[:])
        z = jnp.dot(hh, w3_ref[:], preferred_element_type=jnp.float32) \
            + b3_ref[:]
        prob_ref[:] = jax.nn.sigmoid(z[:, 0])

    return pl.pallas_call(
        body,
        grid=(grid,),
        in_specs=[
            pl.BlockSpec((r, h), lambda i: (i, 0)),
            pl.BlockSpec((N_CORES, r, h), lambda i: (0, i, 0)),
            pl.BlockSpec((h, d1), lambda i: (0, 0)),
            pl.BlockSpec((1, d1), lambda i: (0, 0)),
            pl.BlockSpec((d1, d2), lambda i: (0, 0)),
            pl.BlockSpec((1, d2), lambda i: (0, 0)),
            pl.BlockSpec((d2, 1), lambda i: (0, 0)),
            pl.BlockSpec((1, 1), lambda i: (0, 0)),
        ],
        out_specs=pl.BlockSpec((r,), lambda i: (i,)),
        out_shape=jax.ShapeDtypeStruct((n,), jnp.float32),
    )(out_prev, partial, w1, b1.reshape(1, d1), w2, b2.reshape(1, d2),
      w3, b3.reshape(1, 1))


def kernel(feature, edge_index, param_id, param, W1, b1, W2, b2, W3, b3):
    n, h = feature.shape
    e = edge_index.shape[1]
    t = param.shape[0]
    th = t * h

    cpt0, cpt1 = SC_SPLIT
    e0 = N_SUBCORES * cpt0 * CHUNK
    e_pad = e0 + N_SUBCORES * cpt1 * CHUNK
    assert e_pad >= e
    n_pad = -(-(n + 1) // (16 * N_SUBCORES)) * (16 * N_SUBCORES)
    stripe = n_pad // N_SUBCORES

    grid = 1
    r = n // grid

    src = edge_index[0]
    dst = edge_index[1]
    gidx = src * t + param_id
    pad = e_pad - e
    gidx_p = jnp.concatenate([gidx, jnp.zeros((pad,), jnp.int32)])
    dst_p = jnp.concatenate([dst, jnp.full((pad,), n, jnp.int32)])
    gidx0 = gidx_p[:e0].reshape(N_SUBCORES, cpt0, CHUNK)
    dst0 = dst_p[:e0].reshape(N_SUBCORES, cpt0, CHUNK)
    gidx1 = gidx_p[e0:].reshape(N_SUBCORES, cpt1, CHUNK)
    dst1 = dst_p[e0:].reshape(N_SUBCORES, cpt1, CHUNK)
    zeros_blk = jnp.zeros((stripe, h), jnp.float32)

    wall = param.transpose(1, 0, 2).reshape(h, th)
    k = jnp.arange(th)
    within = k % h
    src_col = (k // h) * h + (within % 2) * (h // 2) + within // 2
    wall = wall[:, src_col]

    sc_agg = _make_sc_agg(n_pad, (cpt0, cpt1), h)

    out = feature
    y = _dense_pre(feature, wall, n, h, th, grid, r)
    for layer in range(3):
        partial = sc_agg(y.reshape(n * t, h), gidx0, dst0, gidx1, dst1,
                         zeros_blk)
        if layer < 2:
            out, y = _dense_mid(out, partial, wall, n, n_pad, h, th, grid, r)
        else:
            probs = _finish(out, partial, W1, b1, W2, b2, W3, b3,
                            n, h, grid, r)
    return probs

# --- scband reference (transcript-rebuilt; emitter-appended) ---
"""Pipeline reference for scband-gnn-24386824306931 (READ-ONLY COPY).

The authoritative reference and input builder live on the scoring server;
editing this copy changes nothing except your own understanding.
"""

import jax, jax.numpy as jnp
import numpy as np

N_LAYER = 3
N_NODES = 10000
N_EDGES = 100000
H = 32
N_ETYPES = 8


def setup_inputs(seed: int = 0) -> dict:
    key = jax.random.key(seed)
    ks = jax.random.split(key, 12)
    feature = jax.random.normal(ks[0], (N_NODES, H), dtype=jnp.float32)
    edge_index = jax.random.randint(ks[1], (2, N_EDGES), 0, N_NODES, dtype=jnp.int32)
    param_id = jax.random.randint(ks[2], (N_EDGES,), 0, N_ETYPES, dtype=jnp.int32)
    param = jax.random.normal(ks[3], (N_ETYPES, H, H), dtype=jnp.float32)
    # final MLP: dims [H, 2H, 2H, 1] -> Linear(H,2H), Tanh, Linear(2H,2H), Tanh, Linear(2H,1)
    def lin(k, fan_in, fan_out):
        bound = 1.0 / np.sqrt(fan_in)
        kw, kb = jax.random.split(k)
        W = jax.random.uniform(kw, (fan_in, fan_out), jnp.float32, -bound, bound)
        b = jax.random.uniform(kb, (fan_out,), jnp.float32, -bound, bound)
        return W, b
    W1, b1 = lin(ks[4], H, 2 * H)
    W2, b2 = lin(ks[5], 2 * H, 2 * H)
    W3, b3 = lin(ks[6], 2 * H, 1)
    return {"feature": feature, "edge_index": edge_index, "param_id": param_id,
            "param": param, "W1": W1, "b1": b1, "W2": W2, "b2": b2, "W3": W3, "b3": b3}


def reference(feature, edge_index, param_id, param, W1, b1, W2, b2, W3, b3):
    src = edge_index[0]
    dst = edge_index[1]
    n = feature.shape[0]
    out = feature
    for _ in range(N_LAYER):
        # G_homo.edata['weight'] = self.param[self.param_id]
        w = jnp.take(param, param_id, axis=0)  # (E, H, H)
        # message = einsum('ei,eij->ej', src_feature, weight)
        msg = jnp.einsum('ei,eij->ej', jnp.take(out, src, axis=0), w)  # (E, H)
        # sum-reduce messages at dst
        agg = jax.ops.segment_sum(msg, dst, num_segments=n)  # (N, H)
        # note: conv-internal MLP output is dead code in the original forward
        out = (out + agg) / 2.0
    # F.normalize(output, dim=-1)
    norm = jnp.maximum(jnp.linalg.norm(out, axis=-1, keepdims=True), 1e-12)
    h = out / norm
    h = jnp.tanh(h @ W1 + b1)
    h = jnp.tanh(h @ W2 + b2)
    logits = (h @ W3 + b3)[:, 0]
    return jax.nn.sigmoid(logits)

if __name__ == "__main__":
    import jax
    _d = setup_inputs()
    print(jax.jit(kernel)(*tuple(_d.values())))

</pallas_src>

<mosaic_0001>
#map = affine_map<(d0, d1) -> (0, 0)>
#map1 = affine_map<(d0, d1) -> (0, 0, 0)>
module attributes {stable_mosaic.version = 14 : i64} {
  func.func @sc_agg(%arg0: i32, %arg1: i32, %arg2: memref<80000x32xbf16, #tpu.memory_space<hbm>>, %arg3: memref<16x28x128xi32, #tpu.memory_space<hbm>>, %arg4: memref<16x28x128xi32, #tpu.memory_space<hbm>>, %arg5: memref<16x22x128xi32, #tpu.memory_space<hbm>>, %arg6: memref<16x22x128xi32, #tpu.memory_space<hbm>>, %arg7: memref<640x32xf32, #tpu.memory_space<hbm>>, %arg8: memref<2x10240x32xf32, #tpu.memory_space<hbm>>, %arg9: memref<28x128xi32, #tpu.memory_space<vmem>>, %arg10: memref<28x128xi32, #tpu.memory_space<vmem>>, %arg11: memref<2x128x32xbf16, #tpu.memory_space<vmem>>, %arg12: memref<2x128x32xf32, #tpu.memory_space<vmem>>, %arg13: memref<10240x32xf32, #tpu.memory_space<vmem_shared>>, %arg14: memref<!tpu.dma_semaphore, #tpu.memory_space<semaphore_mem>>, %arg15: memref<!tpu.dma_semaphore, #tpu.memory_space<semaphore_mem>>, %arg16: memref<!tpu.dma_semaphore, #tpu.memory_space<semaphore_mem>>, %arg17: memref<!tpu.dma_semaphore, #tpu.memory_space<semaphore_mem>>) attributes {dimension_semantics = [#tpu.dimension_semantics<core_parallel>, #tpu.dimension_semantics<subcore_parallel>], iteration_bounds = array<i64: 2, 16>, scalar_prefetch = 0 : i64, scratch_operands = 9 : i64, tpu.core_type = #tpu.core_type<sc_vector_subcore>, window_params = [{transform_indices = #map}, {transform_indices = #map1}, {transform_indices = #map1}, {transform_indices = #map1}, {transform_indices = #map1}, {transform_indices = #map}, {transform_indices = #map1}]} {
    %mul3A = arith.constant 640 : i32
    %mul3A_0 = arith.muli %arg1, %mul3A : i32
    "tpu.region"() ({
      %run_scoped3A = tpu.sem_alloc : memref<!tpu.dma_semaphore, #tpu.memory_space<semaphore_mem>>
      %dma_start3A = arith.constant 0 : i32
      %dma_start3A_9 = tpu.memref_slice %arg13[%mul3A_0, %dma_start3A] : memref<10240x32xf32, #tpu.memory_space<vmem_shared>> -> memref<640x32xf32, #tpu.memory_space<vmem_shared>>
      tpu.enqueue_dma source(%arg7 : memref<640x32xf32, #tpu.memory_space<hbm>>) target(%dma_start3A_9 : memref<640x32xf32, #tpu.memory_space<vmem_shared>>) target_semaphore(%run_scoped3A : memref<!tpu.dma_semaphore, #tpu.memory_space<semaphore_mem>>)
      %dma_wait3A = arith.constant 0 : i32
      %dma_wait3A_10 = tpu.memref_slice %arg13[%mul3A_0, %dma_wait3A] : memref<10240x32xf32, #tpu.memory_space<vmem_shared>> -> memref<640x32xf32, #tpu.memory_space<vmem_shared>>
      tpu.wait_dma2 semaphore(%run_scoped3A : memref<!tpu.dma_semaphore, #tpu.memory_space<semaphore_mem>>) src(%arg7 : memref<640x32xf32, #tpu.memory_space<hbm>>) dst(%dma_wait3A_10 : memref<640x32xf32, #tpu.memory_space<vmem_shared>>)
      tpu.yield
    }) : () -> ()
    %barrier3A = arith.constant 0 : index
    tpu.barrier barrier_id(%barrier3A)
    %eq3A = arith.constant 0 : i32
    %eq3A_1 = arith.cmpi eq, %arg0, %eq3A : i32
    %convert_element_type3A = arith.extui %eq3A_1 : i1 to i32
    %cond3A = arith.constant 0 : i32
    %cond3A_2 = arith.cmpi ne, %convert_element_type3A, %cond3A : i32
    scf.if %cond3A_2 {
      %dma_start3A = arith.constant 0 : i32
      %dma_start3A_9 = arith.constant 0 : i32
      %dma_start3A_10 = tpu.memref_slice %arg9[%dma_start3A, %dma_start3A_9] : memref<28x128xi32, #tpu.memory_space<vmem>> -> memref<28x128xi32, #tpu.memory_space<vmem>>
      %dma_start3A_11 = arith.constant 0 : i32
      %dma_start3A_12 = arith.constant 0 : i32
      %dma_start3A_13 = tpu.memref_slice %arg3[%arg1, %dma_start3A_11, %dma_start3A_12] : memref<16x28x128xi32, #tpu.memory_space<hbm>> -> memref<1x28x128xi32, #tpu.memory_space<hbm>>
      %dma_start3A_14 = tpu.memref_squeeze %dma_start3A_13 : memref<1x28x128xi32, #tpu.memory_space<hbm>> -> memref<28x128xi32, #tpu.memory_space<hbm>>
      %dma_start3A_15 = arith.constant 0 : i32
      %dma_start3A_16 = arith.constant 0 : i32
      %dma_start3A_17 = tpu.memref_slice %arg9[%dma_start3A_15, %dma_start3A_16] : memref<28x128xi32, #tpu.memory_space<vmem>> -> memref<28x128xi32, #tpu.memory_space<vmem>>
      %dma_start3A_18 = arith.constant 0 : i32
      %dma_start3A_19 = arith.constant 0 : i32
      %dma_start3A_20 = tpu.memref_slice %arg3[%arg1, %dma_start3A_18, %dma_start3A_19] : memref<16x28x128xi32, #tpu.memory_space<hbm>> -> memref<1x28x128xi32, #tpu.memory_space<hbm>>
      %dma_start3A_21 = tpu.memref_squeeze %dma_start3A_20 : memref<1x28x128xi32, #tpu.memory_space<hbm>> -> memref<28x128xi32, #tpu.memory_space<hbm>>
      tpu.enqueue_dma source(%dma_start3A_21 : memref<28x128xi32, #tpu.memory_space<hbm>>) target(%dma_start3A_17 : memref<28x128xi32, #tpu.memory_space<vmem>>) target_semaphore(%arg14 : memref<!tpu.dma_semaphore, #tpu.memory_space<semaphore_mem>>)
      %dma_start3A_22 = arith.constant 0 : i32
      %dma_start3A_23 = arith.constant 0 : i32
      %dma_start3A_24 = tpu.memref_slice %arg10[%dma_start3A_22, %dma_start3A_23] : memref<28x128xi32, #tpu.memory_space<vmem>> -> memref<28x128xi32, #tpu.memory_space<vmem>>
      %dma_start3A_25 = arith.constant 0 : i32
      %dma_start3A_26 = arith.constant 0 : i32
      %dma_start3A_27 = tpu.memref_slice %arg4[%arg1, %dma_start3A_25, %dma_start3A_26] : memref<16x28x128xi32, #tpu.memory_space<hbm>> -> memref<1x28x128xi32, #tpu.memory_space<hbm>>
      %dma_start3A_28 = tpu.memref_squeeze %dma_start3A_27 : memref<1x28x128xi32, #tpu.memory_space<hbm>> -> memref<28x128xi32, #tpu.memory_space<hbm>>
      %dma_start3A_29 = arith.constant 0 : i32
      %dma_start3A_30 = arith.constant 0 : i32
      %dma_start3A_31 = tpu.memref_slice %arg10[%dma_start3A_29, %dma_start3A_30] : memref<28x128xi32, #tpu.memory_space<vmem>> -> memref<28x128xi32, #tpu.memory_space<vmem>>
      %dma_start3A_32 = arith.constant 0 : i32
      %dma_start3A_33 = arith.constant 0 : i32
      %dma_start3A_34 = tpu.memref_slice %arg4[%arg1, %dma_start3A_32, %dma_start3A_33] : memref<16x28x128xi32, #tpu.memory_space<hbm>> -> memref<1x28x128xi32, #tpu.memory_space<hbm>>
      %dma_start3A_35 = tpu.memref_squeeze %dma_start3A_34 : memref<1x28x128xi32, #tpu.memory_space<hbm>> -> memref<28x128xi32, #tpu.memory_space<hbm>>
      tpu.enqueue_dma source(%dma_start3A_35 : memref<28x128xi32, #tpu.memory_space<hbm>>) target(%dma_start3A_31 : memref<28x128xi32, #tpu.memory_space<vmem>>) target_semaphore(%arg15 : memref<!tpu.dma_semaphore, #tpu.memory_space<semaphore_mem>>)
      %dma_wait3A = arith.constant 0 : i32
      %dma_wait3A_36 = arith.constant 0 : i32
      %dma_wait3A_37 = tpu.memref_slice %arg9[%dma_wait3A, %dma_wait3A_36] : memref<28x128xi32, #tpu.memory_space<vmem>> -> memref<28x128xi32, #tpu.memory_space<vmem>>
      %dma_wait3A_38 = arith.constant 0 : i32
      %dma_wait3A_39 = arith.constant 0 : i32
      %dma_wait3A_40 = tpu.memref_slice %arg3[%arg1, %dma_wait3A_38, %dma_wait3A_39] : memref<16x28x128xi32, #tpu.memory_space<hbm>> -> memref<1x28x128xi32, #tpu.memory_space<hbm>>
      %dma_wait3A_41 = tpu.memref_squeeze %dma_wait3A_40 : memref<1x28x128xi32, #tpu.memory_space<hbm>> -> memref<28x128xi32, #tpu.memory_space<hbm>>
      %dma_wait3A_42 = arith.constant 0 : i32
      %dma_wait3A_43 = arith.constant 0 : i32
      %dma_wait3A_44 = tpu.memref_slice %arg9[%dma_wait3A_42, %dma_wait3A_43] : memref<28x128xi32, #tpu.memory_space<vmem>> -> memref<28x128xi32, #tpu.memory_space<vmem>>
      %dma_wait3A_45 = arith.constant 0 : i32
      %dma_wait3A_46 = arith.constant 0 : i32
      %dma_wait3A_47 = tpu.memref_slice %arg3[%arg1, %dma_wait3A_45, %dma_wait3A_46] : memref<16x28x128xi32, #tpu.memory_space<hbm>> -> memref<1x28x128xi32, #tpu.memory_space<hbm>>
      %dma_wait3A_48 = tpu.memref_squeeze %dma_wait3A_47 : memref<1x28x128xi32, #tpu.memory_space<hbm>> -> memref<28x128xi32, #tpu.memory_space<hbm>>
      tpu.wait_dma2 semaphore(%arg14 : memref<!tpu.dma_semaphore, #tpu.memory_space<semaphore_mem>>) src(%dma_wait3A_48 : memref<28x128xi32, #tpu.memory_space<hbm>>) dst(%dma_wait3A_44 : memref<28x128xi32, #tpu.memory_space<vmem>>)
      %dma_wait3A_49 = arith.constant 0 : i32
      %dma_wait3A_50 = arith.constant 0 : i32
      %dma_wait3A_51 = tpu.memref_slice %arg10[%dma_wait3A_49, %dma_wait3A_50] : memref<28x128xi32, #tpu.memory_space<vmem>> -> memref<28x128xi32, #tpu.memory_space<vmem>>
      %dma_wait3A_52 = arith.constant 0 : i32
      %dma_wait3A_53 = arith.constant 0 : i32
      %dma_wait3A_54 = tpu.memref_slice %arg4[%arg1, %dma_wait3A_52, %dma_wait3A_53] : memref<16x28x128xi32, #tpu.memory_space<hbm>> -> memref<1x28x128xi32, #tpu.memory_space<hbm>>
      %dma_wait3A_55 = tpu.memref_squeeze %dma_wait3A_54 : memref<1x28x128xi32, #tpu.memory_space<hbm>> -> memref<28x128xi32, #tpu.memory_space<hbm>>
      %dma_wait3A_56 = arith.constant 0 : i32
      %dma_wait3A_57 = arith.constant 0 : i32
      %dma_wait3A_58 = tpu.memref_slice %arg10[%dma_wait3A_56, %dma_wait3A_57] : memref<28x128xi32, #tpu.memory_space<vmem>> -> memref<28x128xi32, #tpu.memory_space<vmem>>
      %dma_wait3A_59 = arith.constant 0 : i32
      %dma_wait3A_60 = arith.constant 0 : i32
      %dma_wait3A_61 = tpu.memref_slice %arg4[%arg1, %dma_wait3A_59, %dma_wait3A_60] : memref<16x28x128xi32, #tpu.memory_space<hbm>> -> memref<1x28x128xi32, #tpu.memory_space<hbm>>
      %dma_wait3A_62 = tpu.memref_squeeze %dma_wait3A_61 : memref<1x28x128xi32, #tpu.memory_space<hbm>> -> memref<28x128xi32, #tpu.memory_space<hbm>>
      tpu.wait_dma2 semaphore(%arg15 : memref<!tpu.dma_semaphore, #tpu.memory_space<semaphore_mem>>) src(%dma_wait3A_62 : memref<28x128xi32, #tpu.memory_space<hbm>>) dst(%dma_wait3A_58 : memref<28x128xi32, #tpu.memory_space<vmem>>)
      %dma_start3A_63 = arith.constant 0 : i32
      %dma_start3A_64 = arith.constant 0 : i32
      %dma_start3A_65 = arith.constant 0 : i32
      %dma_start3A_66 = arith.constant 0 : i32
      %dma_start3A_67 = tpu.memref_slice %arg11[%dma_start3A_64, %dma_start3A_65, %dma_start3A_66] : memref<2x128x32xbf16, #tpu.memory_space<vmem>> -> memref<1x128x32xbf16, #tpu.memory_space<vmem>>
      %dma_start3A_68 = tpu.memref_squeeze %dma_start3A_67 : memref<1x128x32xbf16, #tpu.memory_space<vmem>> -> memref<128x32xbf16, #tpu.memory_space<vmem>>
      %dma_start3A_69 = arith.constant 0 : i32
      %dma_start3A_70 = tpu.memref_slice %arg9[%dma_start3A_63, %dma_start3A_69] : memref<28x128xi32, #tpu.memory_space<vmem>> -> memref<1x128xi32, #tpu.memory_space<vmem>>
      %dma_start3A_71 = tpu.memref_squeeze %dma_start3A_70 : memref<1x128xi32, #tpu.memory_space<vmem>> -> memref<128xi32, #tpu.memory_space<vmem>>
      %dma_start3A_72 = arith.constant 0 : i32
      %dma_start3A_73 = arith.constant 0 : i32
      %dma_start3A_74 = tpu.memref_slice %arg2[%dma_start3A_72, %dma_start3A_73] : memref<80000x32xbf16, #tpu.memory_space<hbm>> -> memref<80000x32xbf16, #tpu.memory_space<hbm>>
      tpu.enqueue_indirect_dma source(%dma_start3A_74 : memref<80000x32xbf16, #tpu.memory_space<hbm>>) target(%dma_start3A_68 : memref<128x32xbf16, #tpu.memory_space<vmem>>) offsets(%dma_start3A_71 : memref<128xi32, #tpu.memory_space<vmem>>) semaphore(%arg14 : memref<!tpu.dma_semaphore, #tpu.memory_space<semaphore_mem>>)
      %dma_start3A_75 = arith.constant 1 : i32
      %dma_start3A_76 = arith.constant 1 : i32
      %dma_start3A_77 = arith.constant 0 : i32
      %dma_start3A_78 = arith.constant 0 : i32
      %dma_start3A_79 = tpu.memref_slice %arg11[%dma_start3A_76, %dma_start3A_77, %dma_start3A_78] : memref<2x128x32xbf16, #tpu.memory_space<vmem>> -> memref<1x128x32xbf16, #tpu.memory_space<vmem>>
      %dma_start3A_80 = tpu.memref_squeeze %dma_start3A_79 : memref<1x128x32xbf16, #tpu.memory_space<vmem>> -> memref<128x32xbf16, #tpu.memory_space<vmem>>
      %dma_start3A_81 = arith.constant 0 : i32
      %dma_start3A_82 = tpu.memref_slice %arg9[%dma_start3A_75, %dma_start3A_81] : memref<28x128xi32, #tpu.memory_space<vmem>> -> memref<1x128xi32, #tpu.memory_space<vmem>>
      %dma_start3A_83 = tpu.memref_squeeze %dma_start3A_82 : memref<1x128xi32, #tpu.memory_space<vmem>> -> memref<128xi32, #tpu.memory_space<vmem>>
      %dma_start3A_84 = arith.constant 0 : i32
      %dma_start3A_85 = arith.constant 0 : i32
      %dma_start3A_86 = tpu.memref_slice %arg2[%dma_start3A_84, %dma_start3A_85] : memref<80000x32xbf16, #tpu.memory_space<hbm>> -> memref<80000x32xbf16, #tpu.memory_space<hbm>>
      tpu.enqueue_indirect_dma source(%dma_start3A_86 : memref<80000x32xbf16, #tpu.memory_space<hbm>>) target(%dma_start3A_80 : memref<128x32xbf16, #tpu.memory_space<vmem>>) offsets(%dma_start3A_83 : memref<128xi32, #tpu.memory_space<vmem>>) semaphore(%arg15 : memref<!tpu.dma_semaphore, #tpu.memory_space<semaphore_mem>>)
      %dma_wait3A_87 = arith.constant 0 : i32
      %dma_wait3A_88 = arith.constant 0 : i32
      %dma_wait3A_89 = arith.constant 0 : i32
      %dma_wait3A_90 = arith.constant 0 : i32
      %dma_wait3A_91 = tpu.memref_slice %arg11[%dma_wait3A_88, %dma_wait3A_89, %dma_wait3A_90] : memref<2x128x32xbf16, #tpu.memory_space<vmem>> -> memref<1x128x32xbf16, #tpu.memory_space<vmem>>
      %dma_wait3A_92 = tpu.memref_squeeze %dma_wait3A_91 : memref<1x128x32xbf16, #tpu.memory_space<vmem>> -> memref<128x32xbf16, #tpu.memory_space<vmem>>
      %dma_wait3A_93 = arith.constant 0 : i32
      %dma_wait3A_94 = tpu.memref_slice %arg9[%dma_wait3A_87, %dma_wait3A_93] : memref<28x128xi32, #tpu.memory_space<vmem>> -> memref<1x128xi32, #tpu.memory_space<vmem>>
      %dma_wait3A_95 = tpu.memref_squeeze %dma_wait3A_94 : memref<1x128xi32, #tpu.memory_space<vmem>> -> memref<128xi32, #tpu.memory_space<vmem>>
      %dma_wait3A_96 = arith.constant 0 : i32
      %dma_wait3A_97 = arith.constant 0 : i32
      %dma_wait3A_98 = tpu.memref_slice %arg2[%dma_wait3A_96, %dma_wait3A_97] : memref<80000x32xbf16, #tpu.memory_space<hbm>> -> memref<80000x32xbf16, #tpu.memory_space<hbm>>
      tpu.wait_indirect_dma semaphore(%arg14 : memref<!tpu.dma_semaphore, #tpu.memory_space<semaphore_mem>>) src(%dma_wait3A_98 : memref<80000x32xbf16, #tpu.memory_space<hbm>>) dst(%dma_wait3A_92 : memref<128x32xbf16, #tpu.memory_space<vmem>>)
      %scan3A = arith.constant 0 : i32
      %scan3A_99 = arith.constant 0 : i32
      %scan3A_100 = arith.constant 128 : i32
      %scan3A_101 = arith.addi %scan3A_99, %scan3A_100 : i32
      %scan3A_102 = arith.constant 1 : i32
      scf.for %scan3A_207 = %scan3A_99 to %scan3A_101 step %scan3A_102  : i32 {
        %get3A = arith.constant 0 : i32
        %get3A_208 = arith.index_cast %get3A : i32 to index
        %get3A_209 = arith.index_cast %scan3A_207 : i32 to index
        %get3A_210 = arith.constant 0 : index
        %get3A_211 = tpu.vector_load %arg11[%get3A_208, %get3A_209, %get3A_210] {strides = array<i32>} : memref<2x128x32xbf16, #tpu.memory_space<vmem>>, vector<32xbf16>,
        %unpack3A = tpu.unpack_subelements %get3A_211, 0 {pack_format = #tpu.pack_format<interleaved>} : vector<32xbf16> -> vector<16xf32>
        %unpack3A_212 = tpu.unpack_subelements %get3A_211, 1 {pack_format = #tpu.pack_format<interleaved>} : vector<32xbf16> -> vector<16xf32>
        %swap3A = arith.constant 0 : i32
        %swap3A_213 = arith.index_cast %swap3A : i32 to index
        %swap3A_214 = arith.index_cast %scan3A_207 : i32 to index
        %swap3A_215 = arith.constant 0 : index
        %swap3A_216 = tpu.vector_load %arg12[%swap3A_213, %swap3A_214, %swap3A_215] {strides = array<i32>} : memref<2x128x32xf32, #tpu.memory_space<vmem>>, vector<16xf32>,
        tpu.vector_store %arg12[%swap3A_213, %swap3A_214, %swap3A_215], %unpack3A {strides = array<i32>} : memref<2x128x32xf32, #tpu.memory_space<vmem>>, vector<16xf32>,
        %swap3A_217 = arith.constant 0 : i32
        %swap3A_218 = arith.index_cast %swap3A_217 : i32 to index
        %swap3A_219 = arith.index_cast %scan3A_207 : i32 to index
        %swap3A_220 = arith.constant 16 : index
        %swap3A_221 = tpu.vector_load %arg12[%swap3A_218, %swap3A_219, %swap3A_220] {strides = array<i32>} : memref<2x128x32xf32, #tpu.memory_space<vmem>>, vector<16xf32>,
        tpu.vector_store %arg12[%swap3A_218, %swap3A_219, %swap3A_220], %unpack3A_212 {strides = array<i32>} : memref<2x128x32xf32, #tpu.memory_space<vmem>>, vector<16xf32>,
      }
      %scan3A_103 = arith.constant 128 : i32
      %dma_start3A_104 = arith.constant 0 : i32
      %dma_start3A_105 = arith.constant 0 : i32
      %dma_start3A_106 = arith.constant 0 : i32
      %dma_start3A_107 = arith.constant 0 : i32
      %dma_start3A_108 = tpu.memref_slice %arg12[%dma_start3A_104, %dma_start3A_106, %dma_start3A_107] : memref<2x128x32xf32, #tpu.memory_space<vmem>> -> memref<1x128x32xf32, #tpu.memory_space<vmem>>
      %dma_start3A_109 = tpu.memref_squeeze %dma_start3A_108 : memref<1x128x32xf32, #tpu.memory_space<vmem>> -> memref<128x32xf32, #tpu.memory_space<vmem>>
      %dma_start3A_110 = arith.constant 0 : i32
      %dma_start3A_111 = tpu.memref_slice %arg10[%dma_start3A_105, %dma_start3A_110] : memref<28x128xi32, #tpu.memory_space<vmem>> -> memref<1x128xi32, #tpu.memory_space<vmem>>
      %dma_start3A_112 = tpu.memref_squeeze %dma_start3A_111 : memref<1x128xi32, #tpu.memory_space<vmem>> -> memref<128xi32, #tpu.memory_space<vmem>>
      %dma_start3A_113 = arith.constant 0 : i32
      %dma_start3A_114 = arith.constant 0 : i32
      %dma_start3A_115 = tpu.memref_slice %arg13[%dma_start3A_113, %dma_start3A_114] : memref<10240x32xf32, #tpu.memory_space<vmem_shared>> -> memref<10240x32xf32, #tpu.memory_space<vmem_shared>>
      tpu.enqueue_indirect_dma source(%dma_start3A_109 : memref<128x32xf32, #tpu.memory_space<vmem>>) target(%dma_start3A_115 : memref<10240x32xf32, #tpu.memory_space<vmem_shared>>) offsets(%dma_start3A_112 : memref<128xi32, #tpu.memory_space<vmem>>) semaphore(%arg16 : memref<!tpu.dma_semaphore, #tpu.memory_space<semaphore_mem>>) {add = true}
      %min3A = arith.constant 2 : i32
      %min3A_116 = arith.constant 27 : i32
      %min3A_117 = arith.minsi %min3A, %min3A_116 : i32
      %dma_start3A_118 = arith.constant 0 : i32
      %dma_start3A_119 = arith.constant 0 : i32
      %dma_start3A_120 = arith.constant 0 : i32
      %dma_start3A_121 = tpu.memref_slice %arg11[%dma_start3A_118, %dma_start3A_119, %dma_start3A_120] : memref<2x128x32xbf16, #tpu.memory_space<vmem>> -> memref<1x128x32xbf16, #tpu.memory_space<vmem>>
      %dma_start3A_122 = tpu.memref_squeeze %dma_start3A_121 : memref<1x128x32xbf16, #tpu.memory_space<vmem>> -> memref<128x32xbf16, #tpu.memory_space<vmem>>
      %dma_start3A_123 = arith.constant 0 : i32
      %dma_start3A_124 = tpu.memref_slice %arg9[%min3A_117, %dma_start3A_123] : memref<28x128xi32, #tpu.memory_space<vmem>> -> memref<1x128xi32, #tpu.memory_space<vmem>>
      %dma_start3A_125 = tpu.memref_squeeze %dma_start3A_124 : memref<1x128xi32, #tpu.memory_space<vmem>> -> memref<128xi32, #tpu.memory_space<vmem>>
      %dma_start3A_126 = arith.constant 0 : i32
      %dma_start3A_127 = arith.constant 0 : i32
      %dma_start3A_128 = tpu.memref_slice %arg2[%dma_start3A_126, %dma_start3A_127] : memref<80000x32xbf16, #tpu.memory_space<hbm>> -> memref<80000x32xbf16, #tpu.memory_space<hbm>>
      tpu.enqueue_indirect_dma source(%dma_start3A_128 : memref<80000x32xbf16, #tpu.memory_space<hbm>>) target(%dma_start3A_122 : memref<128x32xbf16, #tpu.memory_space<vmem>>) offsets(%dma_start3A_125 : memref<128xi32, #tpu.memory_space<vmem>>) semaphore(%arg14 : memref<!tpu.dma_semaphore, #tpu.memory_space<semaphore_mem>>)
      %dma_wait3A_129 = arith.constant 0 : i32
      %dma_wait3A_130 = arith.constant 0 : i32
      %dma_wait3A_131 = arith.constant 0 : i32
      %dma_wait3A_132 = arith.constant 0 : i32
      %dma_wait3A_133 = tpu.memref_slice %arg11[%dma_wait3A_130, %dma_wait3A_131, %dma_wait3A_132] : memref<2x128x32xbf16, #tpu.memory_space<vmem>> -> memref<1x128x32xbf16, #tpu.memory_space<vmem>>
      %dma_wait3A_134 = tpu.memref_squeeze %dma_wait3A_133 : memref<1x128x32xbf16, #tpu.memory_space<vmem>> -> memref<128x32xbf16, #tpu.memory_space<vmem>>
      %dma_wait3A_135 = arith.constant 0 : i32
      %dma_wait3A_136 = tpu.memref_slice %arg9[%dma_wait3A_129, %dma_wait3A_135] : memref<28x128xi32, #tpu.memory_space<vmem>> -> memref<1x128xi32, #tpu.memory_space<vmem>>
      %dma_wait3A_137 = tpu.memref_squeeze %dma_wait3A_136 : memref<1x128xi32, #tpu.memory_space<vmem>> -> memref<128xi32, #tpu.memory_space<vmem>>
      %dma_wait3A_138 = arith.constant 0 : i32
      %dma_wait3A_139 = arith.constant 0 : i32
      %dma_wait3A_140 = tpu.memref_slice %arg2[%dma_wait3A_138, %dma_wait3A_139] : memref<80000x32xbf16, #tpu.memory_space<hbm>> -> memref<80000x32xbf16, #tpu.memory_space<hbm>>
      tpu.wait_indirect_dma semaphore(%arg15 : memref<!tpu.dma_semaphore, #tpu.memory_space<semaphore_mem>>) src(%dma_wait3A_140 : memref<80000x32xbf16, #tpu.memory_space<hbm>>) dst(%dma_wait3A_134 : memref<128x32xbf16, #tpu.memory_space<vmem>>)
      %scan3A_141 = arith.constant 0 : i32
      %scan3A_142 = arith.constant 0 : i32
      %scan3A_143 = arith.constant 128 : i32
      %scan3A_144 = arith.addi %scan3A_142, %scan3A_143 : i32
      %scan3A_145 = arith.constant 1 : i32
      scf.for %scan3A_207 = %scan3A_142 to %scan3A_144 step %scan3A_145  : i32 {
        %get3A = arith.constant 1 : i32
        %get3A_208 = arith.index_cast %get3A : i32 to index
        %get3A_209 = arith.index_cast %scan3A_207 : i32 to index
        %get3A_210 = arith.constant 0 : index
        %get3A_211 = tpu.vector_load %arg11[%get3A_208, %get3A_209, %get3A_210] {strides = array<i32>} : memref<2x128x32xbf16, #tpu.memory_space<vmem>>, vector<32xbf16>,
        %unpack3A = tpu.unpack_subelements %get3A_211, 0 {pack_format = #tpu.pack_format<interleaved>} : vector<32xbf16> -> vector<16xf32>
        %unpack3A_212 = tpu.unpack_subelements %get3A_211, 1 {pack_format = #tpu.pack_format<interleaved>} : vector<32xbf16> -> vector<16xf32>
        %swap3A = arith.constant 1 : i32
        %swap3A_213 = arith.index_cast %swap3A : i32 to index
        %swap3A_214 = arith.index_cast %scan3A_207 : i32 to index
        %swap3A_215 = arith.constant 0 : index
        %swap3A_216 = tpu.vector_load %arg12[%swap3A_213, %swap3A_214, %swap3A_215] {strides = array<i32>} : memref<2x128x32xf32, #tpu.memory_space<vmem>>, vector<16xf32>,
        tpu.vector_store %arg12[%swap3A_213, %swap3A_214, %swap3A_215], %unpack3A {strides = array<i32>} : memref<2x128x32xf32, #tpu.memory_space<vmem>>, vector<16xf32>,
        %swap3A_217 = arith.constant 1 : i32
        %swap3A_218 = arith.index_cast %swap3A_217 : i32 to index
        %swap3A_219 = arith.index_cast %scan3A_207 : i32 to index
        %swap3A_220 = arith.constant 16 : index
        %swap3A_221 = tpu.vector_load %arg12[%swap3A_218, %swap3A_219, %swap3A_220] {strides = array<i32>} : memref<2x128x32xf32, #tpu.memory_space<vmem>>, vector<16xf32>,
        tpu.vector_store %arg12[%swap3A_218, %swap3A_219, %swap3A_220], %unpack3A_212 {strides = array<i32>} : memref<2x128x32xf32, #tpu.memory_space<vmem>>, vector<16xf32>,
      }
      %scan3A_146 = arith.constant 128 : i32
      %dma_start3A_147 = arith.constant 1 : i32
      %dma_start3A_148 = arith.constant 1 : i32
      %dma_start3A_149 = arith.constant 0 : i32
      %dma_start3A_150 = arith.constant 0 : i32
      %dma_start3A_151 = tpu.memref_slice %arg12[%dma_start3A_147, %dma_start3A_149, %dma_start3A_150] : memref<2x128x32xf32, #tpu.memory_space<vmem>> -> memref<1x128x32xf32, #tpu.memory_space<vmem>>
      %dma_start3A_152 = tpu.memref_squeeze %dma_start3A_151 : memref<1x128x32xf32, #tpu.memory_space<vmem>> -> memref<128x32xf32, #tpu.memory_space<vmem>>
      %dma_start3A_153 = arith.constant 0 : i32
      %dma_start3A_154 = tpu.memref_slice %arg10[%dma_start3A_148, %dma_start3A_153] : memref<28x128xi32, #tpu.memory_space<vmem>> -> memref<1x128xi32, #tpu.memory_space<vmem>>
      %dma_start3A_155 = tpu.memref_squeeze %dma_start3A_154 : memref<1x128xi32, #tpu.memory_space<vmem>> -> memref<128xi32, #tpu.memory_space<vmem>>
      %dma_start3A_156 = arith.constant 0 : i32
      %dma_start3A_157 = arith.constant 0 : i32
      %dma_start3A_158 = tpu.memref_slice %arg13[%dma_start3A_156, %dma_start3A_157] : memref<10240x32xf32, #tpu.memory_space<vmem_shared>> -> memref<10240x32xf32, #tpu.memory_space<vmem_shared>>
      tpu.enqueue_indirect_dma source(%dma_start3A_152 : memref<128x32xf32, #tpu.memory_space<vmem>>) target(%dma_start3A_158 : memref<10240x32xf32, #tpu.memory_space<vmem_shared>>) offsets(%dma_start3A_155 : memref<128xi32, #tpu.memory_space<vmem>>) semaphore(%arg17 : memref<!tpu.dma_semaphore, #tpu.memory_space<semaphore_mem>>) {add = true}
      %scan3A_159 = arith.constant 0 : i32
      %scan3A_160 = arith.constant 0 : i32
      %scan3A_161 = arith.constant 13 : i32
      %scan3A_162 = arith.addi %scan3A_160, %scan3A_161 : i32
      %scan3A_163 = arith.constant 1 : i32
      scf.for %scan3A_207 = %scan3A_160 to %scan3A_162 step %scan3A_163  : i32 {
        %mul3A_208 = arith.constant 2 : i32
        %mul3A_209 = arith.muli %mul3A_208, %scan3A_207 : i32
        %add3A = arith.constant 2 : i32
        %add3A_210 = arith.addi %mul3A_209, %add3A : i32
        %add3A_211 = arith.constant 1 : i32
        %add3A_212 = arith.addi %add3A_210, %add3A_211 : i32
        %min3A_213 = arith.constant 27 : i32
        %min3A_214 = arith.minsi %add3A_212, %min3A_213 : i32
        %dma_start3A_215 = arith.constant 1 : i32
        %dma_start3A_216 = arith.constant 0 : i32
        %dma_start3A_217 = arith.constant 0 : i32
        %dma_start3A_218 = tpu.memref_slice %arg11[%dma_start3A_215, %dma_start3A_216, %dma_start3A_217] : memref<2x128x32xbf16, #tpu.memory_space<vmem>> -> memref<1x128x32xbf16, #tpu.memory_space<vmem>>
        %dma_start3A_219 = tpu.memref_squeeze %dma_start3A_218 : memref<1x128x32xbf16, #tpu.memory_space<vmem>> -> memref<128x32xbf16, #tpu.memory_space<vmem>>
        %dma_start3A_220 = arith.constant 0 : i32
        %dma_start3A_221 = tpu.memref_slice %arg9[%min3A_214, %dma_start3A_220] : memref<28x128xi32, #tpu.memory_space<vmem>> -> memref<1x128xi32, #tpu.memory_space<vmem>>
        %dma_start3A_222 = tpu.memref_squeeze %dma_start3A_221 : memref<1x128xi32, #tpu.memory_space<vmem>> -> memref<128xi32, #tpu.memory_space<vmem>>
        %dma_start3A_223 = arith.constant 0 : i32
        %dma_start3A_224 = arith.constant 0 : i32
        %dma_start3A_225 = tpu.memref_slice %arg2[%dma_start3A_223, %dma_start3A_224] : memref<80000x32xbf16, #tpu.memory_space<hbm>> -> memref<80000x32xbf16, #tpu.memory_space<hbm>>
        tpu.enqueue_indirect_dma source(%dma_start3A_225 : memref<80000x32xbf16, #tpu.memory_space<hbm>>) target(%dma_start3A_219 : memref<128x32xbf16, #tpu.memory_space<vmem>>) offsets(%dma_start3A_222 : memref<128xi32, #tpu.memory_space<vmem>>) semaphore(%arg15 : memref<!tpu.dma_semaphore, #tpu.memory_space<semaphore_mem>>)
        %dma_wait3A_226 = arith.constant 0 : i32
        %dma_wait3A_227 = arith.constant 0 : i32
        %dma_wait3A_228 = arith.constant 0 : i32
        %dma_wait3A_229 = tpu.memref_slice %arg12[%dma_wait3A_226, %dma_wait3A_227, %dma_wait3A_228] : memref<2x128x32xf32, #tpu.memory_space<vmem>> -> memref<1x128x32xf32, #tpu.memory_space<vmem>>
        %dma_wait3A_230 = tpu.memref_squeeze %dma_wait3A_229 : memref<1x128x32xf32, #tpu.memory_space<vmem>> -> memref<128x32xf32, #tpu.memory_space<vmem>>
        %dma_wait3A_231 = arith.constant 0 : i32
        %dma_wait3A_232 = arith.constant 0 : i32
        %dma_wait3A_233 = tpu.memref_slice %arg13[%dma_wait3A_231, %dma_wait3A_232] : memref<10240x32xf32, #tpu.memory_space<vmem_shared>> -> memref<128x32xf32, #tpu.memory_space<vmem_shared>>
        %dma_wait3A_234 = arith.constant 0 : i32
        %dma_wait3A_235 = arith.constant 0 : i32
        %dma_wait3A_236 = tpu.memref_slice %arg13[%dma_wait3A_234, %dma_wait3A_235] : memref<10240x32xf32, #tpu.memory_space<vmem_shared>> -> memref<128x32xf32, #tpu.memory_space<vmem_shared>>
        %dma_wait3A_237 = arith.constant 0 : i32
        %dma_wait3A_238 = arith.constant 0 : i32
        %dma_wait3A_239 = tpu.memref_slice %arg12[%dma_wait3A_226, %dma_wait3A_237, %dma_wait3A_238] : memref<2x128x32xf32, #tpu.memory_space<vmem>> -> memref<1x128x32xf32, #tpu.memory_space<vmem>>
        %dma_wait3A_240 = tpu.memref_squeeze %dma_wait3A_239 : memref<1x128x32xf32, #tpu.memory_space<vmem>> -> memref<128x32xf32, #tpu.memory_space<vmem>>
        tpu.wait_dma2 semaphore(%arg16 : memref<!tpu.dma_semaphore, #tpu.memory_space<semaphore_mem>>) src(%dma_wait3A_240 : memref<128x32xf32, #tpu.memory_space<vmem>>) dst(%dma_wait3A_236 : memref<128x32xf32, #tpu.memory_space<vmem_shared>>)
        %dma_wait3A_241 = arith.constant 0 : i32
        %dma_wait3A_242 = arith.constant 0 : i32
        %dma_wait3A_243 = arith.constant 0 : i32
        %dma_wait3A_244 = arith.constant 0 : i32
        %dma_wait3A_245 = tpu.memref_slice %arg11[%dma_wait3A_242, %dma_wait3A_243, %dma_wait3A_244] : memref<2x128x32xbf16, #tpu.memory_space<vmem>> -> memref<1x128x32xbf16, #tpu.memory_space<vmem>>
        %dma_wait3A_246 = tpu.memref_squeeze %dma_wait3A_245 : memref<1x128x32xbf16, #tpu.memory_space<vmem>> -> memref<128x32xbf16, #tpu.memory_space<vmem>>
        %dma_wait3A_247 = arith.constant 0 : i32
        %dma_wait3A_248 = tpu.memref_slice %arg9[%dma_wait3A_241, %dma_wait3A_247] : memref<28x128xi32, #tpu.memory_space<vmem>> -> memref<1x128xi32, #tpu.memory_space<vmem>>
        %dma_wait3A_249 = tpu.memref_squeeze %dma_wait3A_248 : memref<1x128xi32, #tpu.memory_space<vmem>> -> memref<128xi32, #tpu.memory_space<vmem>>
        %dma_wait3A_250 = arith.constant 0 : i32
        %dma_wait3A_251 = arith.constant 0 : i32
        %dma_wait3A_252 = tpu.memref_slice %arg2[%dma_wait3A_250, %dma_wait3A_251] : memref<80000x32xbf16, #tpu.memory_space<hbm>> -> memref<80000x32xbf16, #tpu.memory_space<hbm>>
        tpu.wait_indirect_dma semaphore(%arg14 : memref<!tpu.dma_semaphore, #tpu.memory_space<semaphore_mem>>) src(%dma_wait3A_252 : memref<80000x32xbf16, #tpu.memory_space<hbm>>) dst(%dma_wait3A_246 : memref<128x32xbf16, #tpu.memory_space<vmem>>)
        %scan3A_253 = arith.constant 0 : i32
        %scan3A_254 = arith.constant 0 : i32
        %scan3A_255 = arith.constant 128 : i32
        %scan3A_256 = arith.addi %scan3A_254, %scan3A_255 : i32
        %scan3A_257 = arith.constant 1 : i32
        scf.for %scan3A_333 = %scan3A_254 to %scan3A_256 step %scan3A_257  : i32 {
          %get3A = arith.constant 0 : i32
          %get3A_334 = arith.index_cast %get3A : i32 to index
          %get3A_335 = arith.index_cast %scan3A_333 : i32 to index
          %get3A_336 = arith.constant 0 : index
          %get3A_337 = tpu.vector_load %arg11[%get3A_334, %get3A_335, %get3A_336] {strides = array<i32>} : memref<2x128x32xbf16, #tpu.memory_space<vmem>>, vector<32xbf16>,
          %unpack3A = tpu.unpack_subelements %get3A_337, 0 {pack_format = #tpu.pack_format<interleaved>} : vector<32xbf16> -> vector<16xf32>
          %unpack3A_338 = tpu.unpack_subelements %get3A_337, 1 {pack_format = #tpu.pack_format<interleaved>} : vector<32xbf16> -> vector<16xf32>
          %swap3A = arith.constant 0 : i32
          %swap3A_339 = arith.index_cast %swap3A : i32 to index
          %swap3A_340 = arith.index_cast %scan3A_333 : i32 to index
          %swap3A_341 = arith.constant 0 : index
          %swap3A_342 = tpu.vector_load %arg12[%swap3A_339, %swap3A_340, %swap3A_341] {strides = array<i32>} : memref<2x128x32xf32, #tpu.memory_space<vmem>>, vector<16xf32>,
          tpu.vector_store %arg12[%swap3A_339, %swap3A_340, %swap3A_341], %unpack3A {strides = array<i32>} : memref<2x128x32xf32, #tpu.memory_space<vmem>>, vector<16xf32>,
          %swap3A_343 = arith.constant 0 : i32
          %swap3A_344 = arith.index_cast %swap3A_343 : i32 to index
          %swap3A_345 = arith.index_cast %scan3A_333 : i32 to index
          %swap3A_346 = arith.constant 16 : index
          %swap3A_347 = tpu.vector_load %arg12[%swap3A_344, %swap3A_345, %swap3A_346] {strides = array<i32>} : memref<2x128x32xf32, #tpu.memory_space<vmem>>, vector<16xf32>,
          tpu.vector_store %arg12[%swap3A_344, %swap3A_345, %swap3A_346], %unpack3A_338 {strides = array<i32>} : memref<2x128x32xf32, #tpu.memory_space<vmem>>, vector<16xf32>,
        }
        %scan3A_258 = arith.constant 128 : i32
        %dma_start3A_259 = arith.constant 0 : i32
        %dma_start3A_260 = arith.constant 0 : i32
        %dma_start3A_261 = arith.constant 0 : i32
        %dma_start3A_262 = tpu.memref_slice %arg12[%dma_start3A_259, %dma_start3A_260, %dma_start3A_261] : memref<2x128x32xf32, #tpu.memory_space<vmem>> -> memref<1x128x32xf32, #tpu.memory_space<vmem>>
        %dma_start3A_263 = tpu.memref_squeeze %dma_start3A_262 : memref<1x128x32xf32, #tpu.memory_space<vmem>> -> memref<128x32xf32, #tpu.memory_space<vmem>>
        %dma_start3A_264 = arith.constant 0 : i32
        %dma_start3A_265 = tpu.memref_slice %arg10[%add3A_210, %dma_start3A_264] : memref<28x128xi32, #tpu.memory_space<vmem>> -> memref<1x128xi32, #tpu.memory_space<vmem>>
        %dma_start3A_266 = tpu.memref_squeeze %dma_start3A_265 : memref<1x128xi32, #tpu.memory_space<vmem>> -> memref<128xi32, #tpu.memory_space<vmem>>
        %dma_start3A_267 = arith.constant 0 : i32
        %dma_start3A_268 = arith.constant 0 : i32
        %dma_start3A_269 = tpu.memref_slice %arg13[%dma_start3A_267, %dma_start3A_268] : memref<10240x32xf32, #tpu.memory_space<vmem_shared>> -> memref<10240x32xf32, #tpu.memory_space<vmem_shared>>
        tpu.enqueue_indirect_dma source(%dma_start3A_263 : memref<128x32xf32, #tpu.memory_space<vmem>>) target(%dma_start3A_269 : memref<10240x32xf32, #tpu.memory_space<vmem_shared>>) offsets(%dma_start3A_266 : memref<128xi32, #tpu.memory_space<vmem>>) semaphore(%arg16 : memref<!tpu.dma_semaphore, #tpu.memory_space<semaphore_mem>>) {add = true}
        %mul3A_270 = arith.constant 2 : i32
        %mul3A_271 = arith.muli %mul3A_270, %scan3A_207 : i32
        %add3A_272 = arith.constant 3 : i32
        %add3A_273 = arith.addi %mul3A_271, %add3A_272 : i32
        %add3A_274 = arith.constant 1 : i32
        %add3A_275 = arith.addi %add3A_273, %add3A_274 : i32
        %min3A_276 = arith.constant 27 : i32
        %min3A_277 = arith.minsi %add3A_275, %min3A_276 : i32
        %dma_start3A_278 = arith.constant 0 : i32
        %dma_start3A_279 = arith.constant 0 : i32
        %dma_start3A_280 = arith.constant 0 : i32
        %dma_start3A_281 = tpu.memref_slice %arg11[%dma_start3A_278, %dma_start3A_279, %dma_start3A_280] : memref<2x128x32xbf16, #tpu.memory_space<vmem>> -> memref<1x128x32xbf16, #tpu.memory_space<vmem>>
        %dma_start3A_282 = tpu.memref_squeeze %dma_start3A_281 : memref<1x128x32xbf16, #tpu.memory_space<vmem>> -> memref<128x32xbf16, #tpu.memory_space<vmem>>
        %dma_start3A_283 = arith.constant 0 : i32
        %dma_start3A_284 = tpu.memref_slice %arg9[%min3A_277, %dma_start3A_283] : memref<28x128xi32, #tpu.memory_space<vmem>> -> memref<1x128xi32, #tpu.memory_space<vmem>>
        %dma_start3A_285 = tpu.memref_squeeze %dma_start3A_284 : memref<1x128xi32, #tpu.memory_space<vmem>> -> memref<128xi32, #tpu.memory_space<vmem>>
        %dma_start3A_286 = arith.constant 0 : i32
        %dma_start3A_287 = arith.constant 0 : i32
        %dma_start3A_288 = tpu.memref_slice %arg2[%dma_start3A_286, %dma_start3A_287] : memref<80000x32xbf16, #tpu.memory_space<hbm>> -> memref<80000x32xbf16, #tpu.memory_space<hbm>>
        tpu.enqueue_indirect_dma source(%dma_start3A_288 : memref<80000x32xbf16, #tpu.memory_space<hbm>>) target(%dma_start3A_282 : memref<128x32xbf16, #tpu.memory_space<vmem>>) offsets(%dma_start3A_285 : memref<128xi32, #tpu.memory_space<vmem>>) semaphore(%arg14 : memref<!tpu.dma_semaphore, #tpu.memory_space<semaphore_mem>>)
        %dma_wait3A_289 = arith.constant 1 : i32
        %dma_wait3A_290 = arith.constant 0 : i32
        %dma_wait3A_291 = arith.constant 0 : i32
        %dma_wait3A_292 = tpu.memref_slice %arg12[%dma_wait3A_289, %dma_wait3A_290, %dma_wait3A_291] : memref<2x128x32xf32, #tpu.memory_space<vmem>> -> memref<1x128x32xf32, #tpu.memory_space<vmem>>
        %dma_wait3A_293 = tpu.memref_squeeze %dma_wait3A_292 : memref<1x128x32xf32, #tpu.memory_space<vmem>> -> memref<128x32xf32, #tpu.memory_space<vmem>>
        %dma_wait3A_294 = arith.constant 0 : i32
        %dma_wait3A_295 = arith.constant 0 : i32
        %dma_wait3A_296 = tpu.memref_slice %arg13[%dma_wait3A_294, %dma_wait3A_295] : memref<10240x32xf32, #tpu.memory_space<vmem_shared>> -> memref<128x32xf32, #tpu.memory_space<vmem_shared>>
        %dma_wait3A_297 = arith.constant 0 : i32
        %dma_wait3A_298 = arith.constant 0 : i32
        %dma_wait3A_299 = tpu.memref_slice %arg13[%dma_wait3A_297, %dma_wait3A_298] : memref<10240x32xf32, #tpu.memory_space<vmem_shared>> -> memref<128x32xf32, #tpu.memory_space<vmem_shared>>
        %dma_wait3A_300 = arith.constant 0 : i32
        %dma_wait3A_301 = arith.constant 0 : i32
        %dma_wait3A_302 = tpu.memref_slice %arg12[%dma_wait3A_289, %dma_wait3A_300, %dma_wait3A_301] : memref<2x128x32xf32, #tpu.memory_space<vmem>> -> memref<1x128x32xf32, #tpu.memory_space<vmem>>
        %dma_wait3A_303 = tpu.memref_squeeze %dma_wait3A_302 : memref<1x128x32xf32, #tpu.memory_space<vmem>> -> memref<128x32xf32, #tpu.memory_space<vmem>>
        tpu.wait_dma2 semaphore(%arg17 : memref<!tpu.dma_semaphore, #tpu.memory_space<semaphore_mem>>) src(%dma_wait3A_303 : memref<128x32xf32, #tpu.memory_space<vmem>>) dst(%dma_wait3A_299 : memref<128x32xf32, #tpu.memory_space<vmem_shared>>)
        %dma_wait3A_304 = arith.constant 0 : i32
        %dma_wait3A_305 = arith.constant 0 : i32
        %dma_wait3A_306 = arith.constant 0 : i32
        %dma_wait3A_307 = arith.constant 0 : i32
        %dma_wait3A_308 = tpu.memref_slice %arg11[%dma_wait3A_305, %dma_wait3A_306, %dma_wait3A_307] : memref<2x128x32xbf16, #tpu.memory_space<vmem>> -> memref<1x128x32xbf16, #tpu.memory_space<vmem>>
        %dma_wait3A_309 = tpu.memref_squeeze %dma_wait3A_308 : memref<1x128x32xbf16, #tpu.memory_space<vmem>> -> memref<128x32xbf16, #tpu.memory_space<vmem>>
        %dma_wait3A_310 = arith.constant 0 : i32
        %dma_wait3A_311 = tpu.memref_slice %arg9[%dma_wait3A_304, %dma_wait3A_310] : memref<28x128xi32, #tpu.memory_space<vmem>> -> memref<1x128xi32, #tpu.memory_space<vmem>>
        %dma_wait3A_312 = tpu.memref_squeeze %dma_wait3A_311 : memref<1x128xi32, #tpu.memory_space<vmem>> -> memref<128xi32, #tpu.memory_space<vmem>>
        %dma_wait3A_313 = arith.constant 0 : i32
        %dma_wait3A_314 = arith.constant 0 : i32
        %dma_wait3A_315 = tpu.memref_slice %arg2[%dma_wait3A_313, %dma_wait3A_314] : memref<80000x32xbf16, #tpu.memory_space<hbm>> -> memref<80000x32xbf16, #tpu.memory_space<hbm>>
        tpu.wait_indirect_dma semaphore(%arg15 : memref<!tpu.dma_semaphore, #tpu.memory_space<semaphore_mem>>) src(%dma_wait3A_315 : memref<80000x32xbf16, #tpu.memory_space<hbm>>) dst(%dma_wait3A_309 : memref<128x32xbf16, #tpu.memory_space<vmem>>)
        %scan3A_316 = arith.constant 0 : i32
        %scan3A_317 = arith.constant 0 : i32
        %scan3A_318 = arith.constant 128 : i32
        %scan3A_319 = arith.addi %scan3A_317, %scan3A_318 : i32
        %scan3A_320 = arith.constant 1 : i32
        scf.for %scan3A_333 = %scan3A_317 to %scan3A_319 step %scan3A_320  : i32 {
          %get3A = arith.constant 1 : i32
          %get3A_334 = arith.index_cast %get3A : i32 to index
          %get3A_335 = arith.index_cast %scan3A_333 : i32 to index
          %get3A_336 = arith.constant 0 : index
          %get3A_337 = tpu.vector_load %arg11[%get3A_334, %get3A_335, %get3A_336] {strides = array<i32>} : memref<2x128x32xbf16, #tpu.memory_space<vmem>>, vector<32xbf16>,
          %unpack3A = tpu.unpack_subelements %get3A_337, 0 {pack_format = #tpu.pack_format<interleaved>} : vector<32xbf16> -> vector<16xf32>
          %unpack3A_338 = tpu.unpack_subelements %get3A_337, 1 {pack_format = #tpu.pack_format<interleaved>} : vector<32xbf16> -> vector<16xf32>
          %swap3A = arith.constant 1 : i32
          %swap3A_339 = arith.index_cast %swap3A : i32 to index
          %swap3A_340 = arith.index_cast %scan3A_333 : i32 to index
          %swap3A_341 = arith.constant 0 : index
          %swap3A_342 = tpu.vector_load %arg12[%swap3A_339, %swap3A_340, %swap3A_341] {strides = array<i32>} : memref<2x128x32xf32, #tpu.memory_space<vmem>>, vector<16xf32>,
          tpu.vector_store %arg12[%swap3A_339, %swap3A_340, %swap3A_341], %unpack3A {strides = array<i32>} : memref<2x128x32xf32, #tpu.memory_space<vmem>>, vector<16xf32>,
          %swap3A_343 = arith.constant 1 : i32
          %swap3A_344 = arith.index_cast %swap3A_343 : i32 to index
          %swap3A_345 = arith.index_cast %scan3A_333 : i32 to index
          %swap3A_346 = arith.constant 16 : index
          %swap3A_347 = tpu.vector_load %arg12[%swap3A_344, %swap3A_345, %swap3A_346] {strides = array<i32>} : memref<2x128x32xf32, #tpu.memory_space<vmem>>, vector<16xf32>,
          tpu.vector_store %arg12[%swap3A_344, %swap3A_345, %swap3A_346], %unpack3A_338 {strides = array<i32>} : memref<2x128x32xf32, #tpu.memory_space<vmem>>, vector<16xf32>,
        }
        %scan3A_321 = arith.constant 128 : i32
        %dma_start3A_322 = arith.constant 1 : i32
        %dma_start3A_323 = arith.constant 0 : i32
        %dma_start3A_324 = arith.constant 0 : i32
        %dma_start3A_325 = tpu.memref_slice %arg12[%dma_start3A_322, %dma_start3A_323, %dma_start3A_324] : memref<2x128x32xf32, #tpu.memory_space<vmem>> -> memref<1x128x32xf32, #tpu.memory_space<vmem>>
        %dma_start3A_326 = tpu.memref_squeeze %dma_start3A_325 : memref<1x128x32xf32, #tpu.memory_space<vmem>> -> memref<128x32xf32, #tpu.memory_space<vmem>>
        %dma_start3A_327 = arith.constant 0 : i32
        %dma_start3A_328 = tpu.memref_slice %arg10[%add3A_273, %dma_start3A_327] : memref<28x128xi32, #tpu.memory_space<vmem>> -> memref<1x128xi32, #tpu.memory_space<vmem>>
        %dma_start3A_329 = tpu.memref_squeeze %dma_start3A_328 : memref<1x128xi32, #tpu.memory_space<vmem>> -> memref<128xi32, #tpu.memory_space<vmem>>
        %dma_start3A_330 = arith.constant 0 : i32
        %dma_start3A_331 = arith.constant 0 : i32
        %dma_start3A_332 = tpu.memref_slice %arg13[%dma_start3A_330, %dma_start3A_331] : memref<10240x32xf32, #tpu.memory_space<vmem_shared>> -> memref<10240x32xf32, #tpu.memory_space<vmem_shared>>
        tpu.enqueue_indirect_dma source(%dma_start3A_326 : memref<128x32xf32, #tpu.memory_space<vmem>>) target(%dma_start3A_332 : memref<10240x32xf32, #tpu.memory_space<vmem_shared>>) offsets(%dma_start3A_329 : memref<128xi32, #tpu.memory_space<vmem>>) semaphore(%arg17 : memref<!tpu.dma_semaphore, #tpu.memory_space<semaphore_mem>>) {add = true}
      }
      %scan3A_164 = arith.constant 13 : i32
      %dma_wait3A_165 = arith.constant 0 : i32
      %dma_wait3A_166 = arith.constant 0 : i32
      %dma_wait3A_167 = arith.constant 0 : i32
      %dma_wait3A_168 = tpu.memref_slice %arg12[%dma_wait3A_165, %dma_wait3A_166, %dma_wait3A_167] : memref<2x128x32xf32, #tpu.memory_space<vmem>> -> memref<1x128x32xf32, #tpu.memory_space<vmem>>
      %dma_wait3A_169 = tpu.memref_squeeze %dma_wait3A_168 : memref<1x128x32xf32, #tpu.memory_space<vmem>> -> memref<128x32xf32, #tpu.memory_space<vmem>>
      %dma_wait3A_170 = arith.constant 0 : i32
      %dma_wait3A_171 = arith.constant 0 : i32
      %dma_wait3A_172 = tpu.memref_slice %arg13[%dma_wait3A_170, %dma_wait3A_171] : memref<10240x32xf32, #tpu.memory_space<vmem_shared>> -> memref<128x32xf32, #tpu.memory_space<vmem_shared>>
      %dma_wait3A_173 = arith.constant 0 : i32
      %dma_wait3A_174 = arith.constant 0 : i32
      %dma_wait3A_175 = tpu.memref_slice %arg13[%dma_wait3A_173, %dma_wait3A_174] : memref<10240x32xf32, #tpu.memory_space<vmem_shared>> -> memref<128x32xf32, #tpu.memory_space<vmem_shared>>
      %dma_wait3A_176 = arith.constant 0 : i32
      %dma_wait3A_177 = arith.constant 0 : i32
      %dma_wait3A_178 = tpu.memref_slice %arg12[%dma_wait3A_165, %dma_wait3A_176, %dma_wait3A_177] : memref<2x128x32xf32, #tpu.memory_space<vmem>> -> memref<1x128x32xf32, #tpu.memory_space<vmem>>
      %dma_wait3A_179 = tpu.memref_squeeze %dma_wait3A_178 : memref<1x128x32xf32, #tpu.memory_space<vmem>> -> memref<128x32xf32, #tpu.memory_space<vmem>>
      tpu.wait_dma2 semaphore(%arg16 : memref<!tpu.dma_semaphore, #tpu.memory_space<semaphore_mem>>) src(%dma_wait3A_179 : memref<128x32xf32, #tpu.memory_space<vmem>>) dst(%dma_wait3A_175 : memref<128x32xf32, #tpu.memory_space<vmem_shared>>)
      %dma_wait3A_180 = arith.constant 1 : i32
      %dma_wait3A_181 = arith.constant 0 : i32
      %dma_wait3A_182 = arith.constant 0 : i32
      %dma_wait3A_183 = tpu.memref_slice %arg12[%dma_wait3A_180, %dma_wait3A_181, %dma_wait3A_182] : memref<2x128x32xf32, #tpu.memory_space<vmem>> -> memref<1x128x32xf32, #tpu.memory_space<vmem>>
      %dma_wait3A_184 = tpu.memref_squeeze %dma_wait3A_183 : memref<1x128x32xf32, #tpu.memory_space<vmem>> -> memref<128x32xf32, #tpu.memory_space<vmem>>
      %dma_wait3A_185 = arith.constant 0 : i32
      %dma_wait3A_186 = arith.constant 0 : i32
      %dma_wait3A_187 = tpu.memref_slice %arg13[%dma_wait3A_185, %dma_wait3A_186] : memref<10240x32xf32, #tpu.memory_space<vmem_shared>> -> memref<128x32xf32, #tpu.memory_space<vmem_shared>>
      %dma_wait3A_188 = arith.constant 0 : i32
      %dma_wait3A_189 = arith.constant 0 : i32
      %dma_wait3A_190 = tpu.memref_slice %arg13[%dma_wait3A_188, %dma_wait3A_189] : memref<10240x32xf32, #tpu.memory_space<vmem_shared>> -> memref<128x32xf32, #tpu.memory_space<vmem_shared>>
      %dma_wait3A_191 = arith.constant 0 : i32
      %dma_wait3A_192 = arith.constant 0 : i32
      %dma_wait3A_193 = tpu.memref_slice %arg12[%dma_wait3A_180, %dma_wait3A_191, %dma_wait3A_192] : memref<2x128x32xf32, #tpu.memory_space<vmem>> -> memref<1x128x32xf32, #tpu.memory_space<vmem>>
      %dma_wait3A_194 = tpu.memref_squeeze %dma_wait3A_193 : memref<1x128x32xf32, #tpu.memory_space<vmem>> -> memref<128x32xf32, #tpu.memory_space<vmem>>
      tpu.wait_dma2 semaphore(%arg17 : memref<!tpu.dma_semaphore, #tpu.memory_space<semaphore_mem>>) src(%dma_wait3A_194 : memref<128x32xf32, #tpu.memory_space<vmem>>) dst(%dma_wait3A_190 : memref<128x32xf32, #tpu.memory_space<vmem_shared>>)
      %dma_wait3A_195 = arith.constant 0 : i32
      %dma_wait3A_196 = arith.constant 0 : i32
      %dma_wait3A_197 = arith.constant 0 : i32
      %dma_wait3A_198 = arith.constant 0 : i32
      %dma_wait3A_199 = tpu.memref_slice %arg11[%dma_wait3A_196, %dma_wait3A_197, %dma_wait3A_198] : memref<2x128x32xbf16, #tpu.memory_space<vmem>> -> memref<1x128x32xbf16, #tpu.memory_space<vmem>>
      %dma_wait3A_200 = tpu.memref_squeeze %dma_wait3A_199 : memref<1x128x32xbf16, #tpu.memory_space<vmem>> -> memref<128x32xbf16, #tpu.memory_space<vmem>>
      %dma_wait3A_201 = arith.constant 0 : i32
      %dma_wait3A_202 = tpu.memref_slice %arg9[%dma_wait3A_195, %dma_wait3A_201] : memref<28x128xi32, #tpu.memory_space<vmem>> -> memref<1x128xi32, #tpu.memory_space<vmem>>
      %dma_wait3A_203 = tpu.memref_squeeze %dma_wait3A_202 : memref<1x128xi32, #tpu.memory_space<vmem>> -> memref<128xi32, #tpu.memory_space<vmem>>
      %dma_wait3A_204 = arith.constant 0 : i32
      %dma_wait3A_205 = arith.constant 0 : i32
      %dma_wait3A_206 = tpu.memref_slice %arg2[%dma_wait3A_204, %dma_wait3A_205] : memref<80000x32xbf16, #tpu.memory_space<hbm>> -> memref<80000x32xbf16, #tpu.memory_space<hbm>>
      tpu.wait_indirect_dma semaphore(%arg14 : memref<!tpu.dma_semaphore, #tpu.memory_space<semaphore_mem>>) src(%dma_wait3A_206 : memref<80000x32xbf16, #tpu.memory_space<hbm>>) dst(%dma_wait3A_200 : memref<128x32xbf16, #tpu.memory_space<vmem>>)
    } else {
    }
    %eq3A_3 = arith.constant 1 : i32
    %eq3A_4 = arith.cmpi eq, %arg0, %eq3A_3 : i32
    %convert_element_type3A_5 = arith.extui %eq3A_4 : i1 to i32
    %cond3A_6 = arith.constant 0 : i32
    %cond3A_7 = arith.cmpi ne, %convert_element_type3A_5, %cond3A_6 : i32
    scf.if %cond3A_7 {
      %dma_start3A = arith.constant 0 : i32
      %dma_start3A_9 = arith.constant 0 : i32
      %dma_start3A_10 = tpu.memref_slice %arg9[%dma_start3A, %dma_start3A_9] : memref<28x128xi32, #tpu.memory_space<vmem>> -> memref<22x128xi32, #tpu.memory_space<vmem>>
      %dma_start3A_11 = arith.constant 0 : i32
      %dma_start3A_12 = arith.constant 0 : i32
      %dma_start3A_13 = tpu.memref_slice %arg5[%arg1, %dma_start3A_11, %dma_start3A_12] : memref<16x22x128xi32, #tpu.memory_space<hbm>> -> memref<1x22x128xi32, #tpu.memory_space<hbm>>
      %dma_start3A_14 = tpu.memref_squeeze %dma_start3A_13 : memref<1x22x128xi32, #tpu.memory_space<hbm>> -> memref<22x128xi32, #tpu.memory_space<hbm>>
      %dma_start3A_15 = arith.constant 0 : i32
      %dma_start3A_16 = arith.constant 0 : i32
      %dma_start3A_17 = tpu.memref_slice %arg9[%dma_start3A_15, %dma_start3A_16] : memref<28x128xi32, #tpu.memory_space<vmem>> -> memref<22x128xi32, #tpu.memory_space<vmem>>
      %dma_start3A_18 = arith.constant 0 : i32
      %dma_start3A_19 = arith.constant 0 : i32
      %dma_start3A_20 = tpu.memref_slice %arg5[%arg1, %dma_start3A_18, %dma_start3A_19] : memref<16x22x128xi32, #tpu.memory_space<hbm>> -> memref<1x22x128xi32, #tpu.memory_space<hbm>>
      %dma_start3A_21 = tpu.memref_squeeze %dma_start3A_20 : memref<1x22x128xi32, #tpu.memory_space<hbm>> -> memref<22x128xi32, #tpu.memory_space<hbm>>
      tpu.enqueue_dma source(%dma_start3A_21 : memref<22x128xi32, #tpu.memory_space<hbm>>) target(%dma_start3A_17 : memref<22x128xi32, #tpu.memory_space<vmem>>) target_semaphore(%arg14 : memref<!tpu.dma_semaphore, #tpu.memory_space<semaphore_mem>>)
      %dma_start3A_22 = arith.constant 0 : i32
      %dma_start3A_23 = arith.constant 0 : i32
      %dma_start3A_24 = tpu.memref_slice %arg10[%dma_start3A_22, %dma_start3A_23] : memref<28x128xi32, #tpu.memory_space<vmem>> -> memref<22x128xi32, #tpu.memory_space<vmem>>
      %dma_start3A_25 = arith.constant 0 : i32
      %dma_start3A_26 = arith.constant 0 : i32
      %dma_start3A_27 = tpu.memref_slice %arg6[%arg1, %dma_start3A_25, %dma_start3A_26] : memref<16x22x128xi32, #tpu.memory_space<hbm>> -> memref<1x22x128xi32, #tpu.memory_space<hbm>>
      %dma_start3A_28 = tpu.memref_squeeze %dma_start3A_27 : memref<1x22x128xi32, #tpu.memory_space<hbm>> -> memref<22x128xi32, #tpu.memory_space<hbm>>
      %dma_start3A_29 = arith.constant 0 : i32
      %dma_start3A_30 = arith.constant 0 : i32
      %dma_start3A_31 = tpu.memref_slice %arg10[%dma_start3A_29, %dma_start3A_30] : memref<28x128xi32, #tpu.memory_space<vmem>> -> memref<22x128xi32, #tpu.memory_space<vmem>>
      %dma_start3A_32 = arith.constant 0 : i32
      %dma_start3A_33 = arith.constant 0 : i32
      %dma_start3A_34 = tpu.memref_slice %arg6[%arg1, %dma_start3A_32, %dma_start3A_33] : memref<16x22x128xi32, #tpu.memory_space<hbm>> -> memref<1x22x128xi32, #tpu.memory_space<hbm>>
      %dma_start3A_35 = tpu.memref_squeeze %dma_start3A_34 : memref<1x22x128xi32, #tpu.memory_space<hbm>> -> memref<22x128xi32, #tpu.memory_space<hbm>>
      tpu.enqueue_dma source(%dma_start3A_35 : memref<22x128xi32, #tpu.memory_space<hbm>>) target(%dma_start3A_31 : memref<22x128xi32, #tpu.memory_space<vmem>>) target_semaphore(%arg15 : memref<!tpu.dma_semaphore, #tpu.memory_space<semaphore_mem>>)
      %dma_wait3A = arith.constant 0 : i32
      %dma_wait3A_36 = arith.constant 0 : i32
      %dma_wait3A_37 = tpu.memref_slice %arg9[%dma_wait3A, %dma_wait3A_36] : memref<28x128xi32, #tpu.memory_space<vmem>> -> memref<22x128xi32, #tpu.memory_space<vmem>>
      %dma_wait3A_38 = arith.constant 0 : i32
      %dma_wait3A_39 = arith.constant 0 : i32
      %dma_wait3A_40 = tpu.memref_slice %arg5[%arg1, %dma_wait3A_38, %dma_wait3A_39] : memref<16x22x128xi32, #tpu.memory_space<hbm>> -> memref<1x22x128xi32, #tpu.memory_space<hbm>>
      %dma_wait3A_41 = tpu.memref_squeeze %dma_wait3A_40 : memref<1x22x128xi32, #tpu.memory_space<hbm>> -> memref<22x128xi32, #tpu.memory_space<hbm>>
      %dma_wait3A_42 = arith.constant 0 : i32
      %dma_wait3A_43 = arith.constant 0 : i32
      %dma_wait3A_44 = tpu.memref_slice %arg9[%dma_wait3A_42, %dma_wait3A_43] : memref<28x128xi32, #tpu.memory_space<vmem>> -> memref<22x128xi32, #tpu.memory_space<vmem>>
      %dma_wait3A_45 = arith.constant 0 : i32
      %dma_wait3A_46 = arith.constant 0 : i32
      %dma_wait3A_47 = tpu.memref_slice %arg5[%arg1, %dma_wait3A_45, %dma_wait3A_46] : memref<16x22x128xi32, #tpu.memory_space<hbm>> -> memref<1x22x128xi32, #tpu.memory_space<hbm>>
      %dma_wait3A_48 = tpu.memref_squeeze %dma_wait3A_47 : memref<1x22x128xi32, #tpu.memory_space<hbm>> -> memref<22x128xi32, #tpu.memory_space<hbm>>
      tpu.wait_dma2 semaphore(%arg14 : memref<!tpu.dma_semaphore, #tpu.memory_space<semaphore_mem>>) src(%dma_wait3A_48 : memref<22x128xi32, #tpu.memory_space<hbm>>) dst(%dma_wait3A_44 : memref<22x128xi32, #tpu.memory_space<vmem>>)
      %dma_wait3A_49 = arith.constant 0 : i32
      %dma_wait3A_50 = arith.constant 0 : i32
      %dma_wait3A_51 = tpu.memref_slice %arg10[%dma_wait3A_49, %dma_wait3A_50] : memref<28x128xi32, #tpu.memory_space<vmem>> -> memref<22x128xi32, #tpu.memory_space<vmem>>
      %dma_wait3A_52 = arith.constant 0 : i32
      %dma_wait3A_53 = arith.constant 0 : i32
      %dma_wait3A_54 = tpu.memref_slice %arg6[%arg1, %dma_wait3A_52, %dma_wait3A_53] : memref<16x22x128xi32, #tpu.memory_space<hbm>> -> memref<1x22x128xi32, #tpu.memory_space<hbm>>
      %dma_wait3A_55 = tpu.memref_squeeze %dma_wait3A_54 : memref<1x22x128xi32, #tpu.memory_space<hbm>> -> memref<22x128xi32, #tpu.memory_space<hbm>>
      %dma_wait3A_56 = arith.constant 0 : i32
      %dma_wait3A_57 = arith.constant 0 : i32
      %dma_wait3A_58 = tpu.memref_slice %arg10[%dma_wait3A_56, %dma_wait3A_57] : memref<28x128xi32, #tpu.memory_space<vmem>> -> memref<22x128xi32, #tpu.memory_space<vmem>>
      %dma_wait3A_59 = arith.constant 0 : i32
      %dma_wait3A_60 = arith.constant 0 : i32
      %dma_wait3A_61 = tpu.memref_slice %arg6[%arg1, %dma_wait3A_59, %dma_wait3A_60] : memref<16x22x128xi32, #tpu.memory_space<hbm>> -> memref<1x22x128xi32, #tpu.memory_space<hbm>>
      %dma_wait3A_62 = tpu.memref_squeeze %dma_wait3A_61 : memref<1x22x128xi32, #tpu.memory_space<hbm>> -> memref<22x128xi32, #tpu.memory_space<hbm>>
      tpu.wait_dma2 semaphore(%arg15 : memref<!tpu.dma_semaphore, #tpu.memory_space<semaphore_mem>>) src(%dma_wait3A_62 : memref<22x128xi32, #tpu.memory_space<hbm>>) dst(%dma_wait3A_58 : memref<22x128xi32, #tpu.memory_space<vmem>>)
      %dma_start3A_63 = arith.constant 0 : i32
      %dma_start3A_64 = arith.constant 0 : i32
      %dma_start3A_65 = arith.constant 0 : i32
      %dma_start3A_66 = arith.constant 0 : i32
      %dma_start3A_67 = tpu.memref_slice %arg11[%dma_start3A_64, %dma_start3A_65, %dma_start3A_66] : memref<2x128x32xbf16, #tpu.memory_space<vmem>> -> memref<1x128x32xbf16, #tpu.memory_space<vmem>>
      %dma_start3A_68 = tpu.memref_squeeze %dma_start3A_67 : memref<1x128x32xbf16, #tpu.memory_space<vmem>> -> memref<128x32xbf16, #tpu.memory_space<vmem>>
      %dma_start3A_69 = arith.constant 0 : i32
      %dma_start3A_70 = tpu.memref_slice %arg9[%dma_start3A_63, %dma_start3A_69] : memref<28x128xi32, #tpu.memory_space<vmem>> -> memref<1x128xi32, #tpu.memory_space<vmem>>
      %dma_start3A_71 = tpu.memref_squeeze %dma_start3A_70 : memref<1x128xi32, #tpu.memory_space<vmem>> -> memref<128xi32, #tpu.memory_space<vmem>>
      %dma_start3A_72 = arith.constant 0 : i32
      %dma_start3A_73 = arith.constant 0 : i32
      %dma_start3A_74 = tpu.memref_slice %arg2[%dma_start3A_72, %dma_start3A_73] : memref<80000x32xbf16, #tpu.memory_space<hbm>> -> memref<80000x32xbf16, #tpu.memory_space<hbm>>
      tpu.enqueue_indirect_dma source(%dma_start3A_74 : memref<80000x32xbf16, #tpu.memory_space<hbm>>) target(%dma_start3A_68 : memref<128x32xbf16, #tpu.memory_space<vmem>>) offsets(%dma_start3A_71 : memref<128xi32, #tpu.memory_space<vmem>>) semaphore(%arg14 : memref<!tpu.dma_semaphore, #tpu.memory_space<semaphore_mem>>)
      %dma_start3A_75 = arith.constant 1 : i32
      %dma_start3A_76 = arith.constant 1 : i32
      %dma_start3A_77 = arith.constant 0 : i32
      %dma_start3A_78 = arith.constant 0 : i32
      %dma_start3A_79 = tpu.memref_slice %arg11[%dma_start3A_76, %dma_start3A_77, %dma_start3A_78] : memref<2x128x32xbf16, #tpu.memory_space<vmem>> -> memref<1x128x32xbf16, #tpu.memory_space<vmem>>
      %dma_start3A_80 = tpu.memref_squeeze %dma_start3A_79 : memref<1x128x32xbf16, #tpu.memory_space<vmem>> -> memref<128x32xbf16, #tpu.memory_space<vmem>>
      %dma_start3A_81 = arith.constant 0 : i32
      %dma_start3A_82 = tpu.memref_slice %arg9[%dma_start3A_75, %dma_start3A_81] : memref<28x128xi32, #tpu.memory_space<vmem>> -> memref<1x128xi32, #tpu.memory_space<vmem>>
      %dma_start3A_83 = tpu.memref_squeeze %dma_start3A_82 : memref<1x128xi32, #tpu.memory_space<vmem>> -> memref<128xi32, #tpu.memory_space<vmem>>
      %dma_start3A_84 = arith.constant 0 : i32
      %dma_start3A_85 = arith.constant 0 : i32
      %dma_start3A_86 = tpu.memref_slice %arg2[%dma_start3A_84, %dma_start3A_85] : memref<80000x32xbf16, #tpu.memory_space<hbm>> -> memref<80000x32xbf16, #tpu.memory_space<hbm>>
      tpu.enqueue_indirect_dma source(%dma_start3A_86 : memref<80000x32xbf16, #tpu.memory_space<hbm>>) target(%dma_start3A_80 : memref<128x32xbf16, #tpu.memory_space<vmem>>) offsets(%dma_start3A_83 : memref<128xi32, #tpu.memory_space<vmem>>) semaphore(%arg15 : memref<!tpu.dma_semaphore, #tpu.memory_space<semaphore_mem>>)
      %dma_wait3A_87 = arith.constant 0 : i32
      %dma_wait3A_88 = arith.constant 0 : i32
      %dma_wait3A_89 = arith.constant 0 : i32
      %dma_wait3A_90 = arith.constant 0 : i32
      %dma_wait3A_91 = tpu.memref_slice %arg11[%dma_wait3A_88, %dma_wait3A_89, %dma_wait3A_90] : memref<2x128x32xbf16, #tpu.memory_space<vmem>> -> memref<1x128x32xbf16, #tpu.memory_space<vmem>>
      %dma_wait3A_92 = tpu.memref_squeeze %dma_wait3A_91 : memref<1x128x32xbf16, #tpu.memory_space<vmem>> -> memref<128x32xbf16, #tpu.memory_space<vmem>>
      %dma_wait3A_93 = arith.constant 0 : i32
      %dma_wait3A_94 = tpu.memref_slice %arg9[%dma_wait3A_87, %dma_wait3A_93] : memref<28x128xi32, #tpu.memory_space<vmem>> -> memref<1x128xi32, #tpu.memory_space<vmem>>
      %dma_wait3A_95 = tpu.memref_squeeze %dma_wait3A_94 : memref<1x128xi32, #tpu.memory_space<vmem>> -> memref<128xi32, #tpu.memory_space<vmem>>
      %dma_wait3A_96 = arith.constant 0 : i32
      %dma_wait3A_97 = arith.constant 0 : i32
      %dma_wait3A_98 = tpu.memref_slice %arg2[%dma_wait3A_96, %dma_wait3A_97] : memref<80000x32xbf16, #tpu.memory_space<hbm>> -> memref<80000x32xbf16, #tpu.memory_space<hbm>>
      tpu.wait_indirect_dma semaphore(%arg14 : memref<!tpu.dma_semaphore, #tpu.memory_space<semaphore_mem>>) src(%dma_wait3A_98 : memref<80000x32xbf16, #tpu.memory_space<hbm>>) dst(%dma_wait3A_92 : memref<128x32xbf16, #tpu.memory_space<vmem>>)
      %scan3A = arith.constant 0 : i32
      %scan3A_99 = arith.constant 0 : i32
      %scan3A_100 = arith.constant 128 : i32
      %scan3A_101 = arith.addi %scan3A_99, %scan3A_100 : i32
      %scan3A_102 = arith.constant 1 : i32
      scf.for %scan3A_207 = %scan3A_99 to %scan3A_101 step %scan3A_102  : i32 {
        %get3A = arith.constant 0 : i32
        %get3A_208 = arith.index_cast %get3A : i32 to index
        %get3A_209 = arith.index_cast %scan3A_207 : i32 to index
        %get3A_210 = arith.constant 0 : index
        %get3A_211 = tpu.vector_load %arg11[%get3A_208, %get3A_209, %get3A_210] {strides = array<i32>} : memref<2x128x32xbf16, #tpu.memory_space<vmem>>, vector<32xbf16>,
        %unpack3A = tpu.unpack_subelements %get3A_211, 0 {pack_format = #tpu.pack_format<interleaved>} : vector<32xbf16> -> vector<16xf32>
        %unpack3A_212 = tpu.unpack_subelements %get3A_211, 1 {pack_format = #tpu.pack_format<interleaved>} : vector<32xbf16> -> vector<16xf32>
        %swap3A = arith.constant 0 : i32
        %swap3A_213 = arith.index_cast %swap3A : i32 to index
        %swap3A_214 = arith.index_cast %scan3A_207 : i32 to index
        %swap3A_215 = arith.constant 0 : index
        %swap3A_216 = tpu.vector_load %arg12[%swap3A_213, %swap3A_214, %swap3A_215] {strides = array<i32>} : memref<2x128x32xf32, #tpu.memory_space<vmem>>, vector<16xf32>,
        tpu.vector_store %arg12[%swap3A_213, %swap3A_214, %swap3A_215], %unpack3A {strides = array<i32>} : memref<2x128x32xf32, #tpu.memory_space<vmem>>, vector<16xf32>,
        %swap3A_217 = arith.constant 0 : i32
        %swap3A_218 = arith.index_cast %swap3A_217 : i32 to index
        %swap3A_219 = arith.index_cast %scan3A_207 : i32 to index
        %swap3A_220 = arith.constant 16 : index
        %swap3A_221 = tpu.vector_load %arg12[%swap3A_218, %swap3A_219, %swap3A_220] {strides = array<i32>} : memref<2x128x32xf32, #tpu.memory_space<vmem>>, vector<16xf32>,
        tpu.vector_store %arg12[%swap3A_218, %swap3A_219, %swap3A_220], %unpack3A_212 {strides = array<i32>} : memref<2x128x32xf32, #tpu.memory_space<vmem>>, vector<16xf32>,
      }
      %scan3A_103 = arith.constant 128 : i32
      %dma_start3A_104 = arith.constant 0 : i32
      %dma_start3A_105 = arith.constant 0 : i32
      %dma_start3A_106 = arith.constant 0 : i32
      %dma_start3A_107 = arith.constant 0 : i32
      %dma_start3A_108 = tpu.memref_slice %arg12[%dma_start3A_104, %dma_start3A_106, %dma_start3A_107] : memref<2x128x32xf32, #tpu.memory_space<vmem>> -> memref<1x128x32xf32, #tpu.memory_space<vmem>>
      %dma_start3A_109 = tpu.memref_squeeze %dma_start3A_108 : memref<1x128x32xf32, #tpu.memory_space<vmem>> -> memref<128x32xf32, #tpu.memory_space<vmem>>
      %dma_start3A_110 = arith.constant 0 : i32
      %dma_start3A_111 = tpu.memref_slice %arg10[%dma_start3A_105, %dma_start3A_110] : memref<28x128xi32, #tpu.memory_space<vmem>> -> memref<1x128xi32, #tpu.memory_space<vmem>>
      %dma_start3A_112 = tpu.memref_squeeze %dma_start3A_111 : memref<1x128xi32, #tpu.memory_space<vmem>> -> memref<128xi32, #tpu.memory_space<vmem>>
      %dma_start3A_113 = arith.constant 0 : i32
      %dma_start3A_114 = arith.constant 0 : i32
      %dma_start3A_115 = tpu.memref_slice %arg13[%dma_start3A_113, %dma_start3A_114] : memref<10240x32xf32, #tpu.memory_space<vmem_shared>> -> memref<10240x32xf32, #tpu.memory_space<vmem_shared>>
      tpu.enqueue_indirect_dma source(%dma_start3A_109 : memref<128x32xf32, #tpu.memory_space<vmem>>) target(%dma_start3A_115 : memref<10240x32xf32, #tpu.memory_space<vmem_shared>>) offsets(%dma_start3A_112 : memref<128xi32, #tpu.memory_space<vmem>>) semaphore(%arg16 : memref<!tpu.dma_semaphore, #tpu.memory_space<semaphore_mem>>) {add = true}
      %min3A = arith.constant 2 : i32
      %min3A_116 = arith.constant 21 : i32
      %min3A_117 = arith.minsi %min3A, %min3A_116 : i32
      %dma_start3A_118 = arith.constant 0 : i32
      %dma_start3A_119 = arith.constant 0 : i32
      %dma_start3A_120 = arith.constant 0 : i32
      %dma_start3A_121 = tpu.memref_slice %arg11[%dma_start3A_118, %dma_start3A_119, %dma_start3A_120] : memref<2x128x32xbf16, #tpu.memory_space<vmem>> -> memref<1x128x32xbf16, #tpu.memory_space<vmem>>
      %dma_start3A_122 = tpu.memref_squeeze %dma_start3A_121 : memref<1x128x32xbf16, #tpu.memory_space<vmem>> -> memref<128x32xbf16, #tpu.memory_space<vmem>>
      %dma_start3A_123 = arith.constant 0 : i32
      %dma_start3A_124 = tpu.memref_slice %arg9[%min3A_117, %dma_start3A_123] : memref<28x128xi32, #tpu.memory_space<vmem>> -> memref<1x128xi32, #tpu.memory_space<vmem>>
      %dma_start3A_125 = tpu.memref_squeeze %dma_start3A_124 : memref<1x128xi32, #tpu.memory_space<vmem>> -> memref<128xi32, #tpu.memory_space<vmem>>
      %dma_start3A_126 = arith.constant 0 : i32
      %dma_start3A_127 = arith.constant 0 : i32
      %dma_start3A_128 = tpu.memref_slice %arg2[%dma_start3A_126, %dma_start3A_127] : memref<80000x32xbf16, #tpu.memory_space<hbm>> -> memref<80000x32xbf16, #tpu.memory_space<hbm>>
      tpu.enqueue_indirect_dma source(%dma_start3A_128 : memref<80000x32xbf16, #tpu.memory_space<hbm>>) target(%dma_start3A_122 : memref<128x32xbf16, #tpu.memory_space<vmem>>) offsets(%dma_start3A_125 : memref<128xi32, #tpu.memory_space<vmem>>) semaphore(%arg14 : memref<!tpu.dma_semaphore, #tpu.memory_space<semaphore_mem>>)
      %dma_wait3A_129 = arith.constant 0 : i32
      %dma_wait3A_130 = arith.constant 0 : i32
      %dma_wait3A_131 = arith.constant 0 : i32
      %dma_wait3A_132 = arith.constant 0 : i32
      %dma_wait3A_133 = tpu.memref_slice %arg11[%dma_wait3A_130, %dma_wait3A_131, %dma_wait3A_132] : memref<2x128x32xbf16, #tpu.memory_space<vmem>> -> memref<1x128x32xbf16, #tpu.memory_space<vmem>>
      %dma_wait3A_134 = tpu.memref_squeeze %dma_wait3A_133 : memref<1x128x32xbf16, #tpu.memory_space<vmem>> -> memref<128x32xbf16, #tpu.memory_space<vmem>>
      %dma_wait3A_135 = arith.constant 0 : i32
      %dma_wait3A_136 = tpu.memref_slice %arg9[%dma_wait3A_129, %dma_wait3A_135] : memref<28x128xi32, #tpu.memory_space<vmem>> -> memref<1x128xi32, #tpu.memory_space<vmem>>
      %dma_wait3A_137 = tpu.memref_squeeze %dma_wait3A_136 : memref<1x128xi32, #tpu.memory_space<vmem>> -> memref<128xi32, #tpu.memory_space<vmem>>
      %dma_wait3A_138 = arith.constant 0 : i32
      %dma_wait3A_139 = arith.constant 0 : i32
      %dma_wait3A_140 = tpu.memref_slice %arg2[%dma_wait3A_138, %dma_wait3A_139] : memref<80000x32xbf16, #tpu.memory_space<hbm>> -> memref<80000x32xbf16, #tpu.memory_space<hbm>>
      tpu.wait_indirect_dma semaphore(%arg15 : memref<!tpu.dma_semaphore, #tpu.memory_space<semaphore_mem>>) src(%dma_wait3A_140 : memref<80000x32xbf16, #tpu.memory_space<hbm>>) dst(%dma_wait3A_134 : memref<128x32xbf16, #tpu.memory_space<vmem>>)
      %scan3A_141 = arith.constant 0 : i32
      %scan3A_142 = arith.constant 0 : i32
      %scan3A_143 = arith.constant 128 : i32
      %scan3A_144 = arith.addi %scan3A_142, %scan3A_143 : i32
      %scan3A_145 = arith.constant 1 : i32
      scf.for %scan3A_207 = %scan3A_142 to %scan3A_144 step %scan3A_145  : i32 {
        %get3A = arith.constant 1 : i32
        %get3A_208 = arith.index_cast %get3A : i32 to index
        %get3A_209 = arith.index_cast %scan3A_207 : i32 to index
        %get3A_210 = arith.constant 0 : index
        %get3A_211 = tpu.vector_load %arg11[%get3A_208, %get3A_209, %get3A_210] {strides = array<i32>} : memref<2x128x32xbf16, #tpu.memory_space<vmem>>, vector<32xbf16>,
        %unpack3A = tpu.unpack_subelements %get3A_211, 0 {pack_format = #tpu.pack_format<interleaved>} : vector<32xbf16> -> vector<16xf32>
        %unpack3A_212 = tpu.unpack_subelements %get3A_211, 1 {pack_format = #tpu.pack_format<interleaved>} : vector<32xbf16> -> vector<16xf32>
        %swap3A = arith.constant 1 : i32
        %swap3A_213 = arith.index_cast %swap3A : i32 to index
        %swap3A_214 = arith.index_cast %scan3A_207 : i32 to index
        %swap3A_215 = arith.constant 0 : index
        %swap3A_216 = tpu.vector_load %arg12[%swap3A_213, %swap3A_214, %swap3A_215] {strides = array<i32>} : memref<2x128x32xf32, #tpu.memory_space<vmem>>, vector<16xf32>,
        tpu.vector_store %arg12[%swap3A_213, %swap3A_214, %swap3A_215], %unpack3A {strides = array<i32>} : memref<2x128x32xf32, #tpu.memory_space<vmem>>, vector<16xf32>,
        %swap3A_217 = arith.constant 1 : i32
        %swap3A_218 = arith.index_cast %swap3A_217 : i32 to index
        %swap3A_219 = arith.index_cast %scan3A_207 : i32 to index
        %swap3A_220 = arith.constant 16 : index
        %swap3A_221 = tpu.vector_load %arg12[%swap3A_218, %swap3A_219, %swap3A_220] {strides = array<i32>} : memref<2x128x32xf32, #tpu.memory_space<vmem>>, vector<16xf32>,
        tpu.vector_store %arg12[%swap3A_218, %swap3A_219, %swap3A_220], %unpack3A_212 {strides = array<i32>} : memref<2x128x32xf32, #tpu.memory_space<vmem>>, vector<16xf32>,
      }
      %scan3A_146 = arith.constant 128 : i32
      %dma_start3A_147 = arith.constant 1 : i32
      %dma_start3A_148 = arith.constant 1 : i32
      %dma_start3A_149 = arith.constant 0 : i32
      %dma_start3A_150 = arith.constant 0 : i32
      %dma_start3A_151 = tpu.memref_slice %arg12[%dma_start3A_147, %dma_start3A_149, %dma_start3A_150] : memref<2x128x32xf32, #tpu.memory_space<vmem>> -> memref<1x128x32xf32, #tpu.memory_space<vmem>>
      %dma_start3A_152 = tpu.memref_squeeze %dma_start3A_151 : memref<1x128x32xf32, #tpu.memory_space<vmem>> -> memref<128x32xf32, #tpu.memory_space<vmem>>
      %dma_start3A_153 = arith.constant 0 : i32
      %dma_start3A_154 = tpu.memref_slice %arg10[%dma_start3A_148, %dma_start3A_153] : memref<28x128xi32, #tpu.memory_space<vmem>> -> memref<1x128xi32, #tpu.memory_space<vmem>>
      %dma_start3A_155 = tpu.memref_squeeze %dma_start3A_154 : memref<1x128xi32, #tpu.memory_space<vmem>> -> memref<128xi32, #tpu.memory_space<vmem>>
      %dma_start3A_156 = arith.constant 0 : i32
      %dma_start3A_157 = arith.constant 0 : i32
      %dma_start3A_158 = tpu.memref_slice %arg13[%dma_start3A_156, %dma_start3A_157] : memref<10240x32xf32, #tpu.memory_space<vmem_shared>> -> memref<10240x32xf32, #tpu.memory_space<vmem_shared>>
      tpu.enqueue_indirect_dma source(%dma_start3A_152 : memref<128x32xf32, #tpu.memory_space<vmem>>) target(%dma_start3A_158 : memref<10240x32xf32, #tpu.memory_space<vmem_shared>>) offsets(%dma_start3A_155 : memref<128xi32, #tpu.memory_space<vmem>>) semaphore(%arg17 : memref<!tpu.dma_semaphore, #tpu.memory_space<semaphore_mem>>) {add = true}
      %scan3A_159 = arith.constant 0 : i32
      %scan3A_160 = arith.constant 0 : i32
      %scan3A_161 = arith.constant 10 : i32
      %scan3A_162 = arith.addi %scan3A_160, %scan3A_161 : i32
      %scan3A_163 = arith.constant 1 : i32
      scf.for %scan3A_207 = %scan3A_160 to %scan3A_162 step %scan3A_163  : i32 {
        %mul3A_208 = arith.constant 2 : i32
        %mul3A_209 = arith.muli %mul3A_208, %scan3A_207 : i32
        %add3A = arith.constant 2 : i32
        %add3A_210 = arith.addi %mul3A_209, %add3A : i32
        %add3A_211 = arith.constant 1 : i32
        %add3A_212 = arith.addi %add3A_210, %add3A_211 : i32
        %min3A_213 = arith.constant 21 : i32
        %min3A_214 = arith.minsi %add3A_212, %min3A_213 : i32
        %dma_start3A_215 = arith.constant 1 : i32
        %dma_start3A_216 = arith.constant 0 : i32
        %dma_start3A_217 = arith.constant 0 : i32
        %dma_start3A_218 = tpu.memref_slice %arg11[%dma_start3A_215, %dma_start3A_216, %dma_start3A_217] : memref<2x128x32xbf16, #tpu.memory_space<vmem>> -> memref<1x128x32xbf16, #tpu.memory_space<vmem>>
        %dma_start3A_219 = tpu.memref_squeeze %dma_start3A_218 : memref<1x128x32xbf16, #tpu.memory_space<vmem>> -> memref<128x32xbf16, #tpu.memory_space<vmem>>
        %dma_start3A_220 = arith.constant 0 : i32
        %dma_start3A_221 = tpu.memref_slice %arg9[%min3A_214, %dma_start3A_220] : memref<28x128xi32, #tpu.memory_space<vmem>> -> memref<1x128xi32, #tpu.memory_space<vmem>>
        %dma_start3A_222 = tpu.memref_squeeze %dma_start3A_221 : memref<1x128xi32, #tpu.memory_space<vmem>> -> memref<128xi32, #tpu.memory_space<vmem>>
        %dma_start3A_223 = arith.constant 0 : i32
        %dma_start3A_224 = arith.constant 0 : i32
        %dma_start3A_225 = tpu.memref_slice %arg2[%dma_start3A_223, %dma_start3A_224] : memref<80000x32xbf16, #tpu.memory_space<hbm>> -> memref<80000x32xbf16, #tpu.memory_space<hbm>>
        tpu.enqueue_indirect_dma source(%dma_start3A_225 : memref<80000x32xbf16, #tpu.memory_space<hbm>>) target(%dma_start3A_219 : memref<128x32xbf16, #tpu.memory_space<vmem>>) offsets(%dma_start3A_222 : memref<128xi32, #tpu.memory_space<vmem>>) semaphore(%arg15 : memref<!tpu.dma_semaphore, #tpu.memory_space<semaphore_mem>>)
        %dma_wait3A_226 = arith.constant 0 : i32
        %dma_wait3A_227 = arith.constant 0 : i32
        %dma_wait3A_228 = arith.constant 0 : i32
        %dma_wait3A_229 = tpu.memref_slice %arg12[%dma_wait3A_226, %dma_wait3A_227, %dma_wait3A_228] : memref<2x128x32xf32, #tpu.memory_space<vmem>> -> memref<1x128x32xf32, #tpu.memory_space<vmem>>
        %dma_wait3A_230 = tpu.memref_squeeze %dma_wait3A_229 : memref<1x128x32xf32, #tpu.memory_space<vmem>> -> memref<128x32xf32, #tpu.memory_space<vmem>>
        %dma_wait3A_231 = arith.constant 0 : i32
        %dma_wait3A_232 = arith.constant 0 : i32
        %dma_wait3A_233 = tpu.memref_slice %arg13[%dma_wait3A_231, %dma_wait3A_232] : memref<10240x32xf32, #tpu.memory_space<vmem_shared>> -> memref<128x32xf32, #tpu.memory_space<vmem_shared>>
        %dma_wait3A_234 = arith.constant 0 : i32
        %dma_wait3A_235 = arith.constant 0 : i32
        %dma_wait3A_236 = tpu.memref_slice %arg13[%dma_wait3A_234, %dma_wait3A_235] : memref<10240x32xf32, #tpu.memory_space<vmem_shared>> -> memref<128x32xf32, #tpu.memory_space<vmem_shared>>
        %dma_wait3A_237 = arith.constant 0 : i32
        %dma_wait3A_238 = arith.constant 0 : i32
        %dma_wait3A_239 = tpu.memref_slice %arg12[%dma_wait3A_226, %dma_wait3A_237, %dma_wait3A_238] : memref<2x128x32xf32, #tpu.memory_space<vmem>> -> memref<1x128x32xf32, #tpu.memory_space<vmem>>
        %dma_wait3A_240 = tpu.memref_squeeze %dma_wait3A_239 : memref<1x128x32xf32, #tpu.memory_space<vmem>> -> memref<128x32xf32, #tpu.memory_space<vmem>>
        tpu.wait_dma2 semaphore(%arg16 : memref<!tpu.dma_semaphore, #tpu.memory_space<semaphore_mem>>) src(%dma_wait3A_240 : memref<128x32xf32, #tpu.memory_space<vmem>>) dst(%dma_wait3A_236 : memref<128x32xf32, #tpu.memory_space<vmem_shared>>)
        %dma_wait3A_241 = arith.constant 0 : i32
        %dma_wait3A_242 = arith.constant 0 : i32
        %dma_wait3A_243 = arith.constant 0 : i32
        %dma_wait3A_244 = arith.constant 0 : i32
        %dma_wait3A_245 = tpu.memref_slice %arg11[%dma_wait3A_242, %dma_wait3A_243, %dma_wait3A_244] : memref<2x128x32xbf16, #tpu.memory_space<vmem>> -> memref<1x128x32xbf16, #tpu.memory_space<vmem>>
        %dma_wait3A_246 = tpu.memref_squeeze %dma_wait3A_245 : memref<1x128x32xbf16, #tpu.memory_space<vmem>> -> memref<128x32xbf16, #tpu.memory_space<vmem>>
        %dma_wait3A_247 = arith.constant 0 : i32
        %dma_wait3A_248 = tpu.memref_slice %arg9[%dma_wait3A_241, %dma_wait3A_247] : memref<28x128xi32, #tpu.memory_space<vmem>> -> memref<1x128xi32, #tpu.memory_space<vmem>>
        %dma_wait3A_249 = tpu.memref_squeeze %dma_wait3A_248 : memref<1x128xi32, #tpu.memory_space<vmem>> -> memref<128xi32, #tpu.memory_space<vmem>>
        %dma_wait3A_250 = arith.constant 0 : i32
        %dma_wait3A_251 = arith.constant 0 : i32
        %dma_wait3A_252 = tpu.memref_slice %arg2[%dma_wait3A_250, %dma_wait3A_251] : memref<80000x32xbf16, #tpu.memory_space<hbm>> -> memref<80000x32xbf16, #tpu.memory_space<hbm>>
        tpu.wait_indirect_dma semaphore(%arg14 : memref<!tpu.dma_semaphore, #tpu.memory_space<semaphore_mem>>) src(%dma_wait3A_252 : memref<80000x32xbf16, #tpu.memory_space<hbm>>) dst(%dma_wait3A_246 : memref<128x32xbf16, #tpu.memory_space<vmem>>)
        %scan3A_253 = arith.constant 0 : i32
        %scan3A_254 = arith.constant 0 : i32
        %scan3A_255 = arith.constant 128 : i32
        %scan3A_256 = arith.addi %scan3A_254, %scan3A_255 : i32
        %scan3A_257 = arith.constant 1 : i32
        scf.for %scan3A_333 = %scan3A_254 to %scan3A_256 step %scan3A_257  : i32 {
          %get3A = arith.constant 0 : i32
          %get3A_334 = arith.index_cast %get3A : i32 to index
          %get3A_335 = arith.index_cast %scan3A_333 : i32 to index
          %get3A_336 = arith.constant 0 : index
          %get3A_337 = tpu.vector_load %arg11[%get3A_334, %get3A_335, %get3A_336] {strides = array<i32>} : memref<2x128x32xbf16, #tpu.memory_space<vmem>>, vector<32xbf16>,
          %unpack3A = tpu.unpack_subelements %get3A_337, 0 {pack_format = #tpu.pack_format<interleaved>} : vector<32xbf16> -> vector<16xf32>
          %unpack3A_338 = tpu.unpack_subelements %get3A_337, 1 {pack_format = #tpu.pack_format<interleaved>} : vector<32xbf16> -> vector<16xf32>
          %swap3A = arith.constant 0 : i32
          %swap3A_339 = arith.index_cast %swap3A : i32 to index
          %swap3A_340 = arith.index_cast %scan3A_333 : i32 to index
          %swap3A_341 = arith.constant 0 : index
          %swap3A_342 = tpu.vector_load %arg12[%swap3A_339, %swap3A_340, %swap3A_341] {strides = array<i32>} : memref<2x128x32xf32, #tpu.memory_space<vmem>>, vector<16xf32>,
          tpu.vector_store %arg12[%swap3A_339, %swap3A_340, %swap3A_341], %unpack3A {strides = array<i32>} : memref<2x128x32xf32, #tpu.memory_space<vmem>>, vector<16xf32>,
          %swap3A_343 = arith.constant 0 : i32
          %swap3A_344 = arith.index_cast %swap3A_343 : i32 to index
          %swap3A_345 = arith.index_cast %scan3A_333 : i32 to index
          %swap3A_346 = arith.constant 16 : index
          %swap3A_347 = tpu.vector_load %arg12[%swap3A_344, %swap3A_345, %swap3A_346] {strides = array<i32>} : memref<2x128x32xf32, #tpu.memory_space<vmem>>, vector<16xf32>,
          tpu.vector_store %arg12[%swap3A_344, %swap3A_345, %swap3A_346], %unpack3A_338 {strides = array<i32>} : memref<2x128x32xf32, #tpu.memory_space<vmem>>, vector<16xf32>,
        }
        %scan3A_258 = arith.constant 128 : i32
        %dma_start3A_259 = arith.constant 0 : i32
        %dma_start3A_260 = arith.constant 0 : i32
        %dma_start3A_261 = arith.constant 0 : i32
        %dma_start3A_262 = tpu.memref_slice %arg12[%dma_start3A_259, %dma_start3A_260, %dma_start3A_261] : memref<2x128x32xf32, #tpu.memory_space<vmem>> -> memref<1x128x32xf32, #tpu.memory_space<vmem>>
        %dma_start3A_263 = tpu.memref_squeeze %dma_start3A_262 : memref<1x128x32xf32, #tpu.memory_space<vmem>> -> memref<128x32xf32, #tpu.memory_space<vmem>>
        %dma_start3A_264 = arith.constant 0 : i32
        %dma_start3A_265 = tpu.memref_slice %arg10[%add3A_210, %dma_start3A_264] : memref<28x128xi32, #tpu.memory_space<vmem>> -> memref<1x128xi32, #tpu.memory_space<vmem>>
        %dma_start3A_266 = tpu.memref_squeeze %dma_start3A_265 : memref<1x128xi32, #tpu.memory_space<vmem>> -> memref<128xi32, #tpu.memory_space<vmem>>
        %dma_start3A_267 = arith.constant 0 : i32
        %dma_start3A_268 = arith.constant 0 : i32
        %dma_start3A_269 = tpu.memref_slice %arg13[%dma_start3A_267, %dma_start3A_268] : memref<10240x32xf32, #tpu.memory_space<vmem_shared>> -> memref<10240x32xf32, #tpu.memory_space<vmem_shared>>
        tpu.enqueue_indirect_dma source(%dma_start3A_263 : memref<128x32xf32, #tpu.memory_space<vmem>>) target(%dma_start3A_269 : memref<10240x32xf32, #tpu.memory_space<vmem_shared>>) offsets(%dma_start3A_266 : memref<128xi32, #tpu.memory_space<vmem>>) semaphore(%arg16 : memref<!tpu.dma_semaphore, #tpu.memory_space<semaphore_mem>>) {add = true}
        %mul3A_270 = arith.constant 2 : i32
        %mul3A_271 = arith.muli %mul3A_270, %scan3A_207 : i32
        %add3A_272 = arith.constant 3 : i32
        %add3A_273 = arith.addi %mul3A_271, %add3A_272 : i32
        %add3A_274 = arith.constant 1 : i32
        %add3A_275 = arith.addi %add3A_273, %add3A_274 : i32
        %min3A_276 = arith.constant 21 : i32
        %min3A_277 = arith.minsi %add3A_275, %min3A_276 : i32
        %dma_start3A_278 = arith.constant 0 : i32
        %dma_start3A_279 = arith.constant 0 : i32
        %dma_start3A_280 = arith.constant 0 : i32
        %dma_start3A_281 = tpu.memref_slice %arg11[%dma_start3A_278, %dma_start3A_279, %dma_start3A_280] : memref<2x128x32xbf16, #tpu.memory_space<vmem>> -> memref<1x128x32xbf16, #tpu.memory_space<vmem>>
        %dma_start3A_282 = tpu.memref_squeeze %dma_start3A_281 : memref<1x128x32xbf16, #tpu.memory_space<vmem>> -> memref<128x32xbf16, #tpu.memory_space<vmem>>
        %dma_start3A_283 = arith.constant 0 : i32
        %dma_start3A_284 = tpu.memref_slice %arg9[%min3A_277, %dma_start3A_283] : memref<28x128xi32, #tpu.memory_space<vmem>> -> memref<1x128xi32, #tpu.memory_space<vmem>>
        %dma_start3A_285 = tpu.memref_squeeze %dma_start3A_284 : memref<1x128xi32, #tpu.memory_space<vmem>> -> memref<128xi32, #tpu.memory_space<vmem>>
        %dma_start3A_286 = arith.constant 0 : i32
        %dma_start3A_287 = arith.constant 0 : i32
        %dma_start3A_288 = tpu.memref_slice %arg2[%dma_start3A_286, %dma_start3A_287] : memref<80000x32xbf16, #tpu.memory_space<hbm>> -> memref<80000x32xbf16, #tpu.memory_space<hbm>>
        tpu.enqueue_indirect_dma source(%dma_start3A_288 : memref<80000x32xbf16, #tpu.memory_space<hbm>>) target(%dma_start3A_282 : memref<128x32xbf16, #tpu.memory_space<vmem>>) offsets(%dma_start3A_285 : memref<128xi32, #tpu.memory_space<vmem>>) semaphore(%arg14 : memref<!tpu.dma_semaphore, #tpu.memory_space<semaphore_mem>>)
        %dma_wait3A_289 = arith.constant 1 : i32
        %dma_wait3A_290 = arith.constant 0 : i32
        %dma_wait3A_291 = arith.constant 0 : i32
        %dma_wait3A_292 = tpu.memref_slice %arg12[%dma_wait3A_289, %dma_wait3A_290, %dma_wait3A_291] : memref<2x128x32xf32, #tpu.memory_space<vmem>> -> memref<1x128x32xf32, #tpu.memory_space<vmem>>
        %dma_wait3A_293 = tpu.memref_squeeze %dma_wait3A_292 : memref<1x128x32xf32, #tpu.memory_space<vmem>> -> memref<128x32xf32, #tpu.memory_space<vmem>>
        %dma_wait3A_294 = arith.constant 0 : i32
        %dma_wait3A_295 = arith.constant 0 : i32
        %dma_wait3A_296 = tpu.memref_slice %arg13[%dma_wait3A_294, %dma_wait3A_295] : memref<10240x32xf32, #tpu.memory_space<vmem_shared>> -> memref<128x32xf32, #tpu.memory_space<vmem_shared>>
        %dma_wait3A_297 = arith.constant 0 : i32
        %dma_wait3A_298 = arith.constant 0 : i32
        %dma_wait3A_299 = tpu.memref_slice %arg13[%dma_wait3A_297, %dma_wait3A_298] : memref<10240x32xf32, #tpu.memory_space<vmem_shared>> -> memref<128x32xf32, #tpu.memory_space<vmem_shared>>
        %dma_wait3A_300 = arith.constant 0 : i32
        %dma_wait3A_301 = arith.constant 0 : i32
        %dma_wait3A_302 = tpu.memref_slice %arg12[%dma_wait3A_289, %dma_wait3A_300, %dma_wait3A_301] : memref<2x128x32xf32, #tpu.memory_space<vmem>> -> memref<1x128x32xf32, #tpu.memory_space<vmem>>
        %dma_wait3A_303 = tpu.memref_squeeze %dma_wait3A_302 : memref<1x128x32xf32, #tpu.memory_space<vmem>> -> memref<128x32xf32, #tpu.memory_space<vmem>>
        tpu.wait_dma2 semaphore(%arg17 : memref<!tpu.dma_semaphore, #tpu.memory_space<semaphore_mem>>) src(%dma_wait3A_303 : memref<128x32xf32, #tpu.memory_space<vmem>>) dst(%dma_wait3A_299 : memref<128x32xf32, #tpu.memory_space<vmem_shared>>)
        %dma_wait3A_304 = arith.constant 0 : i32
        %dma_wait3A_305 = arith.constant 0 : i32
        %dma_wait3A_306 = arith.constant 0 : i32
        %dma_wait3A_307 = arith.constant 0 : i32
        %dma_wait3A_308 = tpu.memref_slice %arg11[%dma_wait3A_305, %dma_wait3A_306, %dma_wait3A_307] : memref<2x128x32xbf16, #tpu.memory_space<vmem>> -> memref<1x128x32xbf16, #tpu.memory_space<vmem>>
        %dma_wait3A_309 = tpu.memref_squeeze %dma_wait3A_308 : memref<1x128x32xbf16, #tpu.memory_space<vmem>> -> memref<128x32xbf16, #tpu.memory_space<vmem>>
        %dma_wait3A_310 = arith.constant 0 : i32
        %dma_wait3A_311 = tpu.memref_slice %arg9[%dma_wait3A_304, %dma_wait3A_310] : memref<28x128xi32, #tpu.memory_space<vmem>> -> memref<1x128xi32, #tpu.memory_space<vmem>>
        %dma_wait3A_312 = tpu.memref_squeeze %dma_wait3A_311 : memref<1x128xi32, #tpu.memory_space<vmem>> -> memref<128xi32, #tpu.memory_space<vmem>>
        %dma_wait3A_313 = arith.constant 0 : i32
        %dma_wait3A_314 = arith.constant 0 : i32
        %dma_wait3A_315 = tpu.memref_slice %arg2[%dma_wait3A_313, %dma_wait3A_314] : memref<80000x32xbf16, #tpu.memory_space<hbm>> -> memref<80000x32xbf16, #tpu.memory_space<hbm>>
        tpu.wait_indirect_dma semaphore(%arg15 : memref<!tpu.dma_semaphore, #tpu.memory_space<semaphore_mem>>) src(%dma_wait3A_315 : memref<80000x32xbf16, #tpu.memory_space<hbm>>) dst(%dma_wait3A_309 : memref<128x32xbf16, #tpu.memory_space<vmem>>)
        %scan3A_316 = arith.constant 0 : i32
        %scan3A_317 = arith.constant 0 : i32
        %scan3A_318 = arith.constant 128 : i32
        %scan3A_319 = arith.addi %scan3A_317, %scan3A_318 : i32
        %scan3A_320 = arith.constant 1 : i32
        scf.for %scan3A_333 = %scan3A_317 to %scan3A_319 step %scan3A_320  : i32 {
          %get3A = arith.constant 1 : i32
          %get3A_334 = arith.index_cast %get3A : i32 to index
          %get3A_335 = arith.index_cast %scan3A_333 : i32 to index
          %get3A_336 = arith.constant 0 : index
          %get3A_337 = tpu.vector_load %arg11[%get3A_334, %get3A_335, %get3A_336] {strides = array<i32>} : memref<2x128x32xbf16, #tpu.memory_space<vmem>>, vector<32xbf16>,
          %unpack3A = tpu.unpack_subelements %get3A_337, 0 {pack_format = #tpu.pack_format<interleaved>} : vector<32xbf16> -> vector<16xf32>
          %unpack3A_338 = tpu.unpack_subelements %get3A_337, 1 {pack_format = #tpu.pack_format<interleaved>} : vector<32xbf16> -> vector<16xf32>
          %swap3A = arith.constant 1 : i32
          %swap3A_339 = arith.index_cast %swap3A : i32 to index
          %swap3A_340 = arith.index_cast %scan3A_333 : i32 to index
          %swap3A_341 = arith.constant 0 : index
          %swap3A_342 = tpu.vector_load %arg12[%swap3A_339, %swap3A_340, %swap3A_341] {strides = array<i32>} : memref<2x128x32xf32, #tpu.memory_space<vmem>>, vector<16xf32>,
          tpu.vector_store %arg12[%swap3A_339, %swap3A_340, %swap3A_341], %unpack3A {strides = array<i32>} : memref<2x128x32xf32, #tpu.memory_space<vmem>>, vector<16xf32>,
          %swap3A_343 = arith.constant 1 : i32
          %swap3A_344 = arith.index_cast %swap3A_343 : i32 to index
          %swap3A_345 = arith.index_cast %scan3A_333 : i32 to index
          %swap3A_346 = arith.constant 16 : index
          %swap3A_347 = tpu.vector_load %arg12[%swap3A_344, %swap3A_345, %swap3A_346] {strides = array<i32>} : memref<2x128x32xf32, #tpu.memory_space<vmem>>, vector<16xf32>,
          tpu.vector_store %arg12[%swap3A_344, %swap3A_345, %swap3A_346], %unpack3A_338 {strides = array<i32>} : memref<2x128x32xf32, #tpu.memory_space<vmem>>, vector<16xf32>,
        }
        %scan3A_321 = arith.constant 128 : i32
        %dma_start3A_322 = arith.constant 1 : i32
        %dma_start3A_323 = arith.constant 0 : i32
        %dma_start3A_324 = arith.constant 0 : i32
        %dma_start3A_325 = tpu.memref_slice %arg12[%dma_start3A_322, %dma_start3A_323, %dma_start3A_324] : memref<2x128x32xf32, #tpu.memory_space<vmem>> -> memref<1x128x32xf32, #tpu.memory_space<vmem>>
        %dma_start3A_326 = tpu.memref_squeeze %dma_start3A_325 : memref<1x128x32xf32, #tpu.memory_space<vmem>> -> memref<128x32xf32, #tpu.memory_space<vmem>>
        %dma_start3A_327 = arith.constant 0 : i32
        %dma_start3A_328 = tpu.memref_slice %arg10[%add3A_273, %dma_start3A_327] : memref<28x128xi32, #tpu.memory_space<vmem>> -> memref<1x128xi32, #tpu.memory_space<vmem>>
        %dma_start3A_329 = tpu.memref_squeeze %dma_start3A_328 : memref<1x128xi32, #tpu.memory_space<vmem>> -> memref<128xi32, #tpu.memory_space<vmem>>
        %dma_start3A_330 = arith.constant 0 : i32
        %dma_start3A_331 = arith.constant 0 : i32
        %dma_start3A_332 = tpu.memref_slice %arg13[%dma_start3A_330, %dma_start3A_331] : memref<10240x32xf32, #tpu.memory_space<vmem_shared>> -> memref<10240x32xf32, #tpu.memory_space<vmem_shared>>
        tpu.enqueue_indirect_dma source(%dma_start3A_326 : memref<128x32xf32, #tpu.memory_space<vmem>>) target(%dma_start3A_332 : memref<10240x32xf32, #tpu.memory_space<vmem_shared>>) offsets(%dma_start3A_329 : memref<128xi32, #tpu.memory_space<vmem>>) semaphore(%arg17 : memref<!tpu.dma_semaphore, #tpu.memory_space<semaphore_mem>>) {add = true}
      }
      %scan3A_164 = arith.constant 10 : i32
      %dma_wait3A_165 = arith.constant 0 : i32
      %dma_wait3A_166 = arith.constant 0 : i32
      %dma_wait3A_167 = arith.constant 0 : i32
      %dma_wait3A_168 = tpu.memref_slice %arg12[%dma_wait3A_165, %dma_wait3A_166, %dma_wait3A_167] : memref<2x128x32xf32, #tpu.memory_space<vmem>> -> memref<1x128x32xf32, #tpu.memory_space<vmem>>
      %dma_wait3A_169 = tpu.memref_squeeze %dma_wait3A_168 : memref<1x128x32xf32, #tpu.memory_space<vmem>> -> memref<128x32xf32, #tpu.memory_space<vmem>>
      %dma_wait3A_170 = arith.constant 0 : i32
      %dma_wait3A_171 = arith.constant 0 : i32
      %dma_wait3A_172 = tpu.memref_slice %arg13[%dma_wait3A_170, %dma_wait3A_171] : memref<10240x32xf32, #tpu.memory_space<vmem_shared>> -> memref<128x32xf32, #tpu.memory_space<vmem_shared>>
      %dma_wait3A_173 = arith.constant 0 : i32
      %dma_wait3A_174 = arith.constant 0 : i32
      %dma_wait3A_175 = tpu.memref_slice %arg13[%dma_wait3A_173, %dma_wait3A_174] : memref<10240x32xf32, #tpu.memory_space<vmem_shared>> -> memref<128x32xf32, #tpu.memory_space<vmem_shared>>
      %dma_wait3A_176 = arith.constant 0 : i32
      %dma_wait3A_177 = arith.constant 0 : i32
      %dma_wait3A_178 = tpu.memref_slice %arg12[%dma_wait3A_165, %dma_wait3A_176, %dma_wait3A_177] : memref<2x128x32xf32, #tpu.memory_space<vmem>> -> memref<1x128x32xf32, #tpu.memory_space<vmem>>
      %dma_wait3A_179 = tpu.memref_squeeze %dma_wait3A_178 : memref<1x128x32xf32, #tpu.memory_space<vmem>> -> memref<128x32xf32, #tpu.memory_space<vmem>>
      tpu.wait_dma2 semaphore(%arg16 : memref<!tpu.dma_semaphore, #tpu.memory_space<semaphore_mem>>) src(%dma_wait3A_179 : memref<128x32xf32, #tpu.memory_space<vmem>>) dst(%dma_wait3A_175 : memref<128x32xf32, #tpu.memory_space<vmem_shared>>)
      %dma_wait3A_180 = arith.constant 1 : i32
      %dma_wait3A_181 = arith.constant 0 : i32
      %dma_wait3A_182 = arith.constant 0 : i32
      %dma_wait3A_183 = tpu.memref_slice %arg12[%dma_wait3A_180, %dma_wait3A_181, %dma_wait3A_182] : memref<2x128x32xf32, #tpu.memory_space<vmem>> -> memref<1x128x32xf32, #tpu.memory_space<vmem>>
      %dma_wait3A_184 = tpu.memref_squeeze %dma_wait3A_183 : memref<1x128x32xf32, #tpu.memory_space<vmem>> -> memref<128x32xf32, #tpu.memory_space<vmem>>
      %dma_wait3A_185 = arith.constant 0 : i32
      %dma_wait3A_186 = arith.constant 0 : i32
      %dma_wait3A_187 = tpu.memref_slice %arg13[%dma_wait3A_185, %dma_wait3A_186] : memref<10240x32xf32, #tpu.memory_space<vmem_shared>> -> memref<128x32xf32, #tpu.memory_space<vmem_shared>>
      %dma_wait3A_188 = arith.constant 0 : i32
      %dma_wait3A_189 = arith.constant 0 : i32
      %dma_wait3A_190 = tpu.memref_slice %arg13[%dma_wait3A_188, %dma_wait3A_189] : memref<10240x32xf32, #tpu.memory_space<vmem_shared>> -> memref<128x32xf32, #tpu.memory_space<vmem_shared>>
      %dma_wait3A_191 = arith.constant 0 : i32
      %dma_wait3A_192 = arith.constant 0 : i32
      %dma_wait3A_193 = tpu.memref_slice %arg12[%dma_wait3A_180, %dma_wait3A_191, %dma_wait3A_192] : memref<2x128x32xf32, #tpu.memory_space<vmem>> -> memref<1x128x32xf32, #tpu.memory_space<vmem>>
      %dma_wait3A_194 = tpu.memref_squeeze %dma_wait3A_193 : memref<1x128x32xf32, #tpu.memory_space<vmem>> -> memref<128x32xf32, #tpu.memory_space<vmem>>
      tpu.wait_dma2 semaphore(%arg17 : memref<!tpu.dma_semaphore, #tpu.memory_space<semaphore_mem>>) src(%dma_wait3A_194 : memref<128x32xf32, #tpu.memory_space<vmem>>) dst(%dma_wait3A_190 : memref<128x32xf32, #tpu.memory_space<vmem_shared>>)
      %dma_wait3A_195 = arith.constant 0 : i32
      %dma_wait3A_196 = arith.constant 0 : i32
      %dma_wait3A_197 = arith.constant 0 : i32
      %dma_wait3A_198 = arith.constant 0 : i32
      %dma_wait3A_199 = tpu.memref_slice %arg11[%dma_wait3A_196, %dma_wait3A_197, %dma_wait3A_198] : memref<2x128x32xbf16, #tpu.memory_space<vmem>> -> memref<1x128x32xbf16, #tpu.memory_space<vmem>>
      %dma_wait3A_200 = tpu.memref_squeeze %dma_wait3A_199 : memref<1x128x32xbf16, #tpu.memory_space<vmem>> -> memref<128x32xbf16, #tpu.memory_space<vmem>>
      %dma_wait3A_201 = arith.constant 0 : i32
      %dma_wait3A_202 = tpu.memref_slice %arg9[%dma_wait3A_195, %dma_wait3A_201] : memref<28x128xi32, #tpu.memory_space<vmem>> -> memref<1x128xi32, #tpu.memory_space<vmem>>
      %dma_wait3A_203 = tpu.memref_squeeze %dma_wait3A_202 : memref<1x128xi32, #tpu.memory_space<vmem>> -> memref<128xi32, #tpu.memory_space<vmem>>
      %dma_wait3A_204 = arith.constant 0 : i32
      %dma_wait3A_205 = arith.constant 0 : i32
      %dma_wait3A_206 = tpu.memref_slice %arg2[%dma_wait3A_204, %dma_wait3A_205] : memref<80000x32xbf16, #tpu.memory_space<hbm>> -> memref<80000x32xbf16, #tpu.memory_space<hbm>>
      tpu.wait_indirect_dma semaphore(%arg14 : memref<!tpu.dma_semaphore, #tpu.memory_space<semaphore_mem>>) src(%dma_wait3A_206 : memref<80000x32xbf16, #tpu.memory_space<hbm>>) dst(%dma_wait3A_200 : memref<128x32xbf16, #tpu.memory_space<vmem>>)
    } else {
    }
    %barrier3A_8 = arith.constant 0 : index
    tpu.barrier barrier_id(%barrier3A_8)
    "tpu.region"() ({
      %run_scoped3A = tpu.sem_alloc : memref<!tpu.dma_semaphore, #tpu.memory_space<semaphore_mem>>
      %dma_start3A = arith.constant 0 : i32
      %dma_start3A_9 = tpu.memref_slice %arg8[%arg0, %mul3A_0, %dma_start3A] : memref<2x10240x32xf32, #tpu.memory_space<hbm>> -> memref<1x640x32xf32, #tpu.memory_space<hbm>>
      %dma_start3A_10 = tpu.memref_squeeze %dma_start3A_9 : memref<1x640x32xf32, #tpu.memory_space<hbm>> -> memref<640x32xf32, #tpu.memory_space<hbm>>
      %dma_start3A_11 = arith.constant 0 : i32
      %dma_start3A_12 = tpu.memref_slice %arg13[%mul3A_0, %dma_start3A_11] : memref<10240x32xf32, #tpu.memory_space<vmem_shared>> -> memref<640x32xf32, #tpu.memory_space<vmem_shared>>
      tpu.enqueue_dma source(%dma_start3A_12 : memref<640x32xf32, #tpu.memory_space<vmem_shared>>) target(%dma_start3A_10 : memref<640x32xf32, #tpu.memory_space<hbm>>) target_semaphore(%run_scoped3A : memref<!tpu.dma_semaphore, #tpu.memory_space<semaphore_mem>>)
      %dma_wait3A = arith.constant 0 : i32
      %dma_wait3A_13 = tpu.memref_slice %arg8[%arg0, %mul3A_0, %dma_wait3A] : memref<2x10240x32xf32, #tpu.memory_space<hbm>> -> memref<1x640x32xf32, #tpu.memory_space<hbm>>
      %dma_wait3A_14 = tpu.memref_squeeze %dma_wait3A_13 : memref<1x640x32xf32, #tpu.memory_space<hbm>> -> memref<640x32xf32, #tpu.memory_space<hbm>>
      %dma_wait3A_15 = arith.constant 0 : i32
      %dma_wait3A_16 = tpu.memref_slice %arg13[%mul3A_0, %dma_wait3A_15] : memref<10240x32xf32, #tpu.memory_space<vmem_shared>> -> memref<640x32xf32, #tpu.memory_space<vmem_shared>>
      tpu.wait_dma2 semaphore(%run_scoped3A : memref<!tpu.dma_semaphore, #tpu.memory_space<semaphore_mem>>) src(%dma_wait3A_16 : memref<640x32xf32, #tpu.memory_space<vmem_shared>>) dst(%dma_wait3A_14 : memref<640x32xf32, #tpu.memory_space<hbm>>)
      tpu.yield
    }) : () -> ()
    return
  }
}

#map = affine_map<(d0, d1) -> (0, 0)>
#map1 = affine_map<(d0, d1) -> (0, 0, 0)>
module attributes {stable_mosaic.version = 14 : i64} {
  func.func @sc_agg(%arg0: i32, %arg1: i32, %arg2: memref<80000x32xbf16, #tpu.memory_space<hbm>>, %arg3: memref<16x28x128xi32, #tpu.memory_space<hbm>>, %arg4: memref<16x28x128xi32, #tpu.memory_space<hbm>>, %arg5: memref<16x22x128xi32, #tpu.memory_space<hbm>>, %arg6: memref<16x22x128xi32, #tpu.memory_space<hbm>>, %arg7: memref<640x32xf32, #tpu.memory_space<hbm>>, %arg8: memref<2x10240x32xf32, #tpu.memory_space<hbm>>, %arg9: memref<28x128xi32, #tpu.memory_space<vmem>>, %arg10: memref<28x128xi32, #tpu.memory_space<vmem>>, %arg11: memref<2x128x32xbf16, #tpu.memory_space<vmem>>, %arg12: memref<2x128x32xf32, #tpu.memory_space<vmem>>, %arg13: memref<10240x32xf32, #tpu.memory_space<vmem_shared>>, %arg14: memref<!tpu.dma_semaphore, #tpu.memory_space<semaphore_mem>>, %arg15: memref<!tpu.dma_semaphore, #tpu.memory_space<semaphore_mem>>, %arg16: memref<!tpu.dma_semaphore, #tpu.memory_space<semaphore_mem>>, %arg17: memref<!tpu.dma_semaphore, #tpu.memory_space<semaphore_mem>>) attributes {dimension_semantics = [#tpu.dimension_semantics<core_parallel>, #tpu.dimension_semantics<subcore_parallel>], iteration_bounds = array<i64: 2, 16>, scalar_prefetch = 0 : i64, scratch_operands = 9 : i64, tpu.core_type = #tpu.core_type<sc_vector_subcore>, window_params = [{transform_indices = #map}, {transform_indices = #map1}, {transform_indices = #map1}, {transform_indices = #map1}, {transform_indices = #map1}, {transform_indices = #map}, {transform_indices = #map1}]} {
    %mul3A = arith.constant 640 : i32
    %mul3A_0 = arith.muli %arg1, %mul3A : i32
    "tpu.region"() ({
      %run_scoped3A = tpu.sem_alloc : memref<!tpu.dma_semaphore, #tpu.memory_space<semaphore_mem>>
      %dma_start3A = arith.constant 0 : i32
      %dma_start3A_9 = tpu.memref_slice %arg13[%mul3A_0, %dma_start3A] : memref<10240x32xf32, #tpu.memory_space<vmem_shared>> -> memref<640x32xf32, #tpu.memory_space<vmem_shared>>
      tpu.enqueue_dma source(%arg7 : memref<640x32xf32, #tpu.memory_space<hbm>>) target(%dma_start3A_9 : memref<640x32xf32, #tpu.memory_space<vmem_shared>>) target_semaphore(%run_scoped3A : memref<!tpu.dma_semaphore, #tpu.memory_space<semaphore_mem>>)
      %dma_wait3A = arith.constant 0 : i32
      %dma_wait3A_10 = tpu.memref_slice %arg13[%mul3A_0, %dma_wait3A] : memref<10240x32xf32, #tpu.memory_space<vmem_shared>> -> memref<640x32xf32, #tpu.memory_space<vmem_shared>>
      tpu.wait_dma2 semaphore(%run_scoped3A : memref<!tpu.dma_semaphore, #tpu.memory_space<semaphore_mem>>) src(%arg7 : memref<640x32xf32, #tpu.memory_space<hbm>>) dst(%dma_wait3A_10 : memref<640x32xf32, #tpu.memory_space<vmem_shared>>)
      tpu.yield
    }) : () -> ()
    %barrier3A = arith.constant 0 : index
    tpu.barrier barrier_id(%barrier3A)
    %eq3A = arith.constant 0 : i32
    %eq3A_1 = arith.cmpi eq, %arg0, %eq3A : i32
    %convert_element_type3A = arith.extui %eq3A_1 : i1 to i32
    %cond3A = arith.constant 0 : i32
    %cond3A_2 = arith.cmpi ne, %convert_element_type3A, %cond3A : i32
    scf.if %cond3A_2 {
      %dma_start3A = arith.constant 0 : i32
      %dma_start3A_9 = arith.constant 0 : i32
      %dma_start3A_10 = tpu.memref_slice %arg9[%dma_start3A, %dma_start3A_9] : memref<28x128xi32, #tpu.memory_space<vmem>> -> memref<28x128xi32, #tpu.memory_space<vmem>>
      %dma_start3A_11 = arith.constant 0 : i32
      %dma_start3A_12 = arith.constant 0 : i32
      %dma_start3A_13 = tpu.memref_slice %arg3[%arg1, %dma_start3A_11, %dma_start3A_12] : memref<16x28x128xi32, #tpu.memory_space<hbm>> -> memref<1x28x128xi32, #tpu.memory_space<hbm>>
      %dma_start3A_14 = tpu.memref_squeeze %dma_start3A_13 : memref<1x28x128xi32, #tpu.memory_space<hbm>> -> memref<28x128xi32, #tpu.memory_space<hbm>>
      %dma_start3A_15 = arith.constant 0 : i32
      %dma_start3A_16 = arith.constant 0 : i32
      %dma_start3A_17 = tpu.memref_slice %arg9[%dma_start3A_15, %dma_start3A_16] : memref<28x128xi32, #tpu.memory_space<vmem>> -> memref<28x128xi32, #tpu.memory_space<vmem>>
      %dma_start3A_18 = arith.constant 0 : i32
      %dma_start3A_19 = arith.constant 0 : i32
      %dma_start3A_20 = tpu.memref_slice %arg3[%arg1, %dma_start3A_18, %dma_start3A_19] : memref<16x28x128xi32, #tpu.memory_space<hbm>> -> memref<1x28x128xi32, #tpu.memory_space<hbm>>
      %dma_start3A_21 = tpu.memref_squeeze %dma_start3A_20 : memref<1x28x128xi32, #tpu.memory_space<hbm>> -> memref<28x128xi32, #tpu.memory_space<hbm>>
      tpu.enqueue_dma source(%dma_start3A_21 : memref<28x128xi32, #tpu.memory_space<hbm>>) target(%dma_start3A_17 : memref<28x128xi32, #tpu.memory_space<vmem>>) target_semaphore(%arg14 : memref<!tpu.dma_semaphore, #tpu.memory_space<semaphore_mem>>)
      %dma_start3A_22 = arith.constant 0 : i32
      %dma_start3A_23 = arith.constant 0 : i32
      %dma_start3A_24 = tpu.memref_slice %arg10[%dma_start3A_22, %dma_start3A_23] : memref<28x128xi32, #tpu.memory_space<vmem>> -> memref<28x128xi32, #tpu.memory_space<vmem>>
      %dma_start3A_25 = arith.constant 0 : i32
      %dma_start3A_26 = arith.constant 0 : i32
      %dma_start3A_27 = tpu.memref_slice %arg4[%arg1, %dma_start3A_25, %dma_start3A_26] : memref<16x28x128xi32, #tpu.memory_space<hbm>> -> memref<1x28x128xi32, #tpu.memory_space<hbm>>
      %dma_start3A_28 = tpu.memref_squeeze %dma_start3A_27 : memref<1x28x128xi32, #tpu.memory_space<hbm>> -> memref<28x128xi32, #tpu.memory_space<hbm>>
      %dma_start3A_29 = arith.constant 0 : i32
      %dma_start3A_30 = arith.constant 0 : i32
      %dma_start3A_31 = tpu.memref_slice %arg10[%dma_start3A_29, %dma_start3A_30] : memref<28x128xi32, #tpu.memory_space<vmem>> -> memref<28x128xi32, #tpu.memory_space<vmem>>
      %dma_start3A_32 = arith.constant 0 : i32
      %dma_start3A_33 = arith.constant 0 : i32
      %dma_start3A_34 = tpu.memref_slice %arg4[%arg1, %dma_start3A_32, %dma_start3A_33] : memref<16x28x128xi32, #tpu.memory_space<hbm>> -> memref<1x28x128xi32, #tpu.memory_space<hbm>>
      %dma_start3A_35 = tpu.memref_squeeze %dma_start3A_34 : memref<1x28x128xi32, #tpu.memory_space<hbm>> -> memref<28x128xi32, #tpu.memory_space<hbm>>
      tpu.enqueue_dma source(%dma_start3A_35 : memref<28x128xi32, #tpu.memory_space<hbm>>) target(%dma_start3A_31 : memref<28x128xi32, #tpu.memory_space<vmem>>) target_semaphore(%arg15 : memref<!tpu.dma_semaphore, #tpu.memory_space<semaphore_mem>>)
      %dma_wait3A = arith.constant 0 : i32
      %dma_wait3A_36 = arith.constant 0 : i32
      %dma_wait3A_37 = tpu.memref_slice %arg9[%dma_wait3A, %dma_wait3A_36] : memref<28x128xi32, #tpu.memory_space<vmem>> -> memref<28x128xi32, #tpu.memory_space<vmem>>
      %dma_wait3A_38 = arith.constant 0 : i32
      %dma_wait3A_39 = arith.constant 0 : i32
      %dma_wait3A_40 = tpu.memref_slice %arg3[%arg1, %dma_wait3A_38, %dma_wait3A_39] : memref<16x28x128xi32, #tpu.memory_space<hbm>> -> memref<1x28x128xi32, #tpu.memory_space<hbm>>
      %dma_wait3A_41 = tpu.memref_squeeze %dma_wait3A_40 : memref<1x28x128xi32, #tpu.memory_space<hbm>> -> memref<28x128xi32, #tpu.memory_space<hbm>>
      %dma_wait3A_42 = arith.constant 0 : i32
      %dma_wait3A_43 = arith.constant 0 : i32
      %dma_wait3A_44 = tpu.memref_slice %arg9[%dma_wait3A_42, %dma_wait3A_43] : memref<28x128xi32, #tpu.memory_space<vmem>> -> memref<28x128xi32, #tpu.memory_space<vmem>>
      %dma_wait3A_45 = arith.constant 0 : i32
      %dma_wait3A_46 = arith.constant 0 : i32
      %dma_wait3A_47 = tpu.memref_slice %arg3[%arg1, %dma_wait3A_45, %dma_wait3A_46] : memref<16x28x128xi32, #tpu.memory_space<hbm>> -> memref<1x28x128xi32, #tpu.memory_space<hbm>>
      %dma_wait3A_48 = tpu.memref_squeeze %dma_wait3A_47 : memref<1x28x128xi32, #tpu.memory_space<hbm>> -> memref<28x128xi32, #tpu.memory_space<hbm>>
      tpu.wait_dma2 semaphore(%arg14 : memref<!tpu.dma_semaphore, #tpu.memory_space<semaphore_mem>>) src(%dma_wait3A_48 : memref<28x128xi32, #tpu.memory_space<hbm>>) dst(%dma_wait3A_44 : memref<28x128xi32, #tpu.memory_space<vmem>>)
      %dma_wait3A_49 = arith.constant 0 : i32
      %dma_wait3A_50 = arith.constant 0 : i32
      %dma_wait3A_51 = tpu.memref_slice %arg10[%dma_wait3A_49, %dma_wait3A_50] : memref<28x128xi32, #tpu.memory_space<vmem>> -> memref<28x128xi32, #tpu.memory_space<vmem>>
      %dma_wait3A_52 = arith.constant 0 : i32
      %dma_wait3A_53 = arith.constant 0 : i32
      %dma_wait3A_54 = tpu.memref_slice %arg4[%arg1, %dma_wait3A_52, %dma_wait3A_53] : memref<16x28x128xi32, #tpu.memory_space<hbm>> -> memref<1x28x128xi32, #tpu.memory_space<hbm>>
      %dma_wait3A_55 = tpu.memref_squeeze %dma_wait3A_54 : memref<1x28x128xi32, #tpu.memory_space<hbm>> -> memref<28x128xi32, #tpu.memory_space<hbm>>
      %dma_wait3A_56 = arith.constant 0 : i32
      %dma_wait3A_57 = arith.constant 0 : i32
      %dma_wait3A_58 = tpu.memref_slice %arg10[%dma_wait3A_56, %dma_wait3A_57] : memref<28x128xi32, #tpu.memory_space<vmem>> -> memref<28x128xi32, #tpu.memory_space<vmem>>
      %dma_wait3A_59 = arith.constant 0 : i32
      %dma_wait3A_60 = arith.constant 0 : i32
      %dma_wait3A_61 = tpu.memref_slice %arg4[%arg1, %dma_wait3A_59, %dma_wait3A_60] : memref<16x28x128xi32, #tpu.memory_space<hbm>> -> memref<1x28x128xi32, #tpu.memory_space<hbm>>
      %dma_wait3A_62 = tpu.memref_squeeze %dma_wait3A_61 : memref<1x28x128xi32, #tpu.memory_space<hbm>> -> memref<28x128xi32, #tpu.memory_space<hbm>>
      tpu.wait_dma2 semaphore(%arg15 : memref<!tpu.dma_semaphore, #tpu.memory_space<semaphore_mem>>) src(%dma_wait3A_62 : memref<28x128xi32, #tpu.memory_space<hbm>>) dst(%dma_wait3A_58 : memref<28x128xi32, #tpu.memory_space<vmem>>)
      %dma_start3A_63 = arith.constant 0 : i32
      %dma_start3A_64 = arith.constant 0 : i32
      %dma_start3A_65 = arith.constant 0 : i32
      %dma_start3A_66 = arith.constant 0 : i32
      %dma_start3A_67 = tpu.memref_slice %arg11[%dma_start3A_64, %dma_start3A_65, %dma_start3A_66] : memref<2x128x32xbf16, #tpu.memory_space<vmem>> -> memref<1x128x32xbf16, #tpu.memory_space<vmem>>
      %dma_start3A_68 = tpu.memref_squeeze %dma_start3A_67 : memref<1x128x32xbf16, #tpu.memory_space<vmem>> -> memref<128x32xbf16, #tpu.memory_space<vmem>>
      %dma_start3A_69 = arith.constant 0 : i32
      %dma_start3A_70 = tpu.memref_slice %arg9[%dma_start3A_63, %dma_start3A_69] : memref<28x128xi32, #tpu.memory_space<vmem>> -> memref<1x128xi32, #tpu.memory_space<vmem>>
      %dma_start3A_71 = tpu.memref_squeeze %dma_start3A_70 : memref<1x128xi32, #tpu.memory_space<vmem>> -> memref<128xi32, #tpu.memory_space<vmem>>
      %dma_start3A_72 = arith.constant 0 : i32
      %dma_start3A_73 = arith.constant 0 : i32
      %dma_start3A_74 = tpu.memref_slice %arg2[%dma_start3A_72, %dma_start3A_73] : memref<80000x32xbf16, #tpu.memory_space<hbm>> -> memref<80000x32xbf16, #tpu.memory_space<hbm>>
      tpu.enqueue_indirect_dma source(%dma_start3A_74 : memref<80000x32xbf16, #tpu.memory_space<hbm>>) target(%dma_start3A_68 : memref<128x32xbf16, #tpu.memory_space<vmem>>) offsets(%dma_start3A_71 : memref<128xi32, #tpu.memory_space<vmem>>) semaphore(%arg14 : memref<!tpu.dma_semaphore, #tpu.memory_space<semaphore_mem>>)
      %dma_start3A_75 = arith.constant 1 : i32
      %dma_start3A_76 = arith.constant 1 : i32
      %dma_start3A_77 = arith.constant 0 : i32
      %dma_start3A_78 = arith.constant 0 : i32
      %dma_start3A_79 = tpu.memref_slice %arg11[%dma_start3A_76, %dma_start3A_77, %dma_start3A_78] : memref<2x128x32xbf16, #tpu.memory_space<vmem>> -> memref<1x128x32xbf16, #tpu.memory_space<vmem>>
      %dma_start3A_80 = tpu.memref_squeeze %dma_start3A_79 : memref<1x128x32xbf16, #tpu.memory_space<vmem>> -> memref<128x32xbf16, #tpu.memory_space<vmem>>
      %dma_start3A_81 = arith.constant 0 : i32
      %dma_start3A_82 = tpu.memref_slice %arg9[%dma_start3A_75, %dma_start3A_81] : memref<28x128xi32, #tpu.memory_space<vmem>> -> memref<1x128xi32, #tpu.memory_space<vmem>>
      %dma_start3A_83 = tpu.memref_squeeze %dma_start3A_82 : memref<1x128xi32, #tpu.memory_space<vmem>> -> memref<128xi32, #tpu.memory_space<vmem>>
      %dma_start3A_84 = arith.constant 0 : i32
      %dma_start3A_85 = arith.constant 0 : i32
      %dma_start3A_86 = tpu.memref_slice %arg2[%dma_start3A_84, %dma_start3A_85] : memref<80000x32xbf16, #tpu.memory_space<hbm>> -> memref<80000x32xbf16, #tpu.memory_space<hbm>>
      tpu.enqueue_indirect_dma source(%dma_start3A_86 : memref<80000x32xbf16, #tpu.memory_space<hbm>>) target(%dma_start3A_80 : memref<128x32xbf16, #tpu.memory_space<vmem>>) offsets(%dma_start3A_83 : memref<128xi32, #tpu.memory_space<vmem>>) semaphore(%arg15 : memref<!tpu.dma_semaphore, #tpu.memory_space<semaphore_mem>>)
      %dma_wait3A_87 = arith.constant 0 : i32
      %dma_wait3A_88 = arith.constant 0 : i32
      %dma_wait3A_89 = arith.constant 0 : i32
      %dma_wait3A_90 = arith.constant 0 : i32
      %dma_wait3A_91 = tpu.memref_slice %arg11[%dma_wait3A_88, %dma_wait3A_89, %dma_wait3A_90] : memref<2x128x32xbf16, #tpu.memory_space<vmem>> -> memref<1x128x32xbf16, #tpu.memory_space<vmem>>
      %dma_wait3A_92 = tpu.memref_squeeze %dma_wait3A_91 : memref<1x128x32xbf16, #tpu.memory_space<vmem>> -> memref<128x32xbf16, #tpu.memory_space<vmem>>
      %dma_wait3A_93 = arith.constant 0 : i32
      %dma_wait3A_94 = tpu.memref_slice %arg9[%dma_wait3A_87, %dma_wait3A_93] : memref<28x128xi32, #tpu.memory_space<vmem>> -> memref<1x128xi32, #tpu.memory_space<vmem>>
      %dma_wait3A_95 = tpu.memref_squeeze %dma_wait3A_94 : memref<1x128xi32, #tpu.memory_space<vmem>> -> memref<128xi32, #tpu.memory_space<vmem>>
      %dma_wait3A_96 = arith.constant 0 : i32
      %dma_wait3A_97 = arith.constant 0 : i32
      %dma_wait3A_98 = tpu.memref_slice %arg2[%dma_wait3A_96, %dma_wait3A_97] : memref<80000x32xbf16, #tpu.memory_space<hbm>> -> memref<80000x32xbf16, #tpu.memory_space<hbm>>
      tpu.wait_indirect_dma semaphore(%arg14 : memref<!tpu.dma_semaphore, #tpu.memory_space<semaphore_mem>>) src(%dma_wait3A_98 : memref<80000x32xbf16, #tpu.memory_space<hbm>>) dst(%dma_wait3A_92 : memref<128x32xbf16, #tpu.memory_space<vmem>>)
      %scan3A = arith.constant 0 : i32
      %scan3A_99 = arith.constant 0 : i32
      %scan3A_100 = arith.constant 128 : i32
      %scan3A_101 = arith.addi %scan3A_99, %scan3A_100 : i32
      %scan3A_102 = arith.constant 1 : i32
      scf.for %scan3A_207 = %scan3A_99 to %scan3A_101 step %scan3A_102  : i32 {
        %get3A = arith.constant 0 : i32
        %get3A_208 = arith.index_cast %get3A : i32 to index
        %get3A_209 = arith.index_cast %scan3A_207 : i32 to index
        %get3A_210 = arith.constant 0 : index
        %get3A_211 = tpu.vector_load %arg11[%get3A_208, %get3A_209, %get3A_210] {strides = array<i32>} : memref<2x128x32xbf16, #tpu.memory_space<vmem>>, vector<32xbf16>,
        %unpack3A = tpu.unpack_subelements %get3A_211, 0 {pack_format = #tpu.pack_format<interleaved>} : vector<32xbf16> -> vector<16xf32>
        %unpack3A_212 = tpu.unpack_subelements %get3A_211, 1 {pack_format = #tpu.pack_format<interleaved>} : vector<32xbf16> -> vector<16xf32>
        %swap3A = arith.constant 0 : i32
        %swap3A_213 = arith.index_cast %swap3A : i32 to index
        %swap3A_214 = arith.index_cast %scan3A_207 : i32 to index
        %swap3A_215 = arith.constant 0 : index
        %swap3A_216 = tpu.vector_load %arg12[%swap3A_213, %swap3A_214, %swap3A_215] {strides = array<i32>} : memref<2x128x32xf32, #tpu.memory_space<vmem>>, vector<16xf32>,
        tpu.vector_store %arg12[%swap3A_213, %swap3A_214, %swap3A_215], %unpack3A {strides = array<i32>} : memref<2x128x32xf32, #tpu.memory_space<vmem>>, vector<16xf32>,
        %swap3A_217 = arith.constant 0 : i32
        %swap3A_218 = arith.index_cast %swap3A_217 : i32 to index
        %swap3A_219 = arith.index_cast %scan3A_207 : i32 to index
        %swap3A_220 = arith.constant 16 : index
        %swap3A_221 = tpu.vector_load %arg12[%swap3A_218, %swap3A_219, %swap3A_220] {strides = array<i32>} : memref<2x128x32xf32, #tpu.memory_space<vmem>>, vector<16xf32>,
        tpu.vector_store %arg12[%swap3A_218, %swap3A_219, %swap3A_220], %unpack3A_212 {strides = array<i32>} : memref<2x128x32xf32, #tpu.memory_space<vmem>>, vector<16xf32>,
      }
      %scan3A_103 = arith.constant 128 : i32
      %dma_start3A_104 = arith.constant 0 : i32
      %dma_start3A_105 = arith.constant 0 : i32
      %dma_start3A_106 = arith.constant 0 : i32
      %dma_start3A_107 = arith.constant 0 : i32
      %dma_start3A_108 = tpu.memref_slice %arg12[%dma_start3A_104, %dma_start3A_106, %dma_start3A_107] : memref<2x128x32xf32, #tpu.memory_space<vmem>> -> memref<1x128x32xf32, #tpu.memory_space<vmem>>
      %dma_start3A_109 = tpu.memref_squeeze %dma_start3A_108 : memref<1x128x32xf32, #tpu.memory_space<vmem>> -> memref<128x32xf32, #tpu.memory_space<vmem>>
      %dma_start3A_110 = arith.constant 0 : i32
      %dma_start3A_111 = tpu.memref_slice %arg10[%dma_start3A_105, %dma_start3A_110] : memref<28x128xi32, #tpu.memory_space<vmem>> -> memref<1x128xi32, #tpu.memory_space<vmem>>
      %dma_start3A_112 = tpu.memref_squeeze %dma_start3A_111 : memref<1x128xi32, #tpu.memory_space<vmem>> -> memref<128xi32, #tpu.memory_space<vmem>>
      %dma_start3A_113 = arith.constant 0 : i32
      %dma_start3A_114 = arith.constant 0 : i32
      %dma_start3A_115 = tpu.memref_slice %arg13[%dma_start3A_113, %dma_start3A_114] : memref<10240x32xf32, #tpu.memory_space<vmem_shared>> -> memref<10240x32xf32, #tpu.memory_space<vmem_shared>>
      tpu.enqueue_indirect_dma source(%dma_start3A_109 : memref<128x32xf32, #tpu.memory_space<vmem>>) target(%dma_start3A_115 : memref<10240x32xf32, #tpu.memory_space<vmem_shared>>) offsets(%dma_start3A_112 : memref<128xi32, #tpu.memory_space<vmem>>) semaphore(%arg16 : memref<!tpu.dma_semaphore, #tpu.memory_space<semaphore_mem>>) {add = true}
      %min3A = arith.constant 2 : i32
      %min3A_116 = arith.constant 27 : i32
      %min3A_117 = arith.minsi %min3A, %min3A_116 : i32
      %dma_start3A_118 = arith.constant 0 : i32
      %dma_start3A_119 = arith.constant 0 : i32
      %dma_start3A_120 = arith.constant 0 : i32
      %dma_start3A_121 = tpu.memref_slice %arg11[%dma_start3A_118, %dma_start3A_119, %dma_start3A_120] : memref<2x128x32xbf16, #tpu.memory_space<vmem>> -> memref<1x128x32xbf16, #tpu.memory_space<vmem>>
      %dma_start3A_122 = tpu.memref_squeeze %dma_start3A_121 : memref<1x128x32xbf16, #tpu.memory_space<vmem>> -> memref<128x32xbf16, #tpu.memory_space<vmem>>
      %dma_start3A_123 = arith.constant 0 : i32
      %dma_start3A_124 = tpu.memref_slice %arg9[%min3A_117, %dma_start3A_123] : memref<28x128xi32, #tpu.memory_space<vmem>> -> memref<1x128xi32, #tpu.memory_space<vmem>>
      %dma_start3A_125 = tpu.memref_squeeze %dma_start3A_124 : memref<1x128xi32, #tpu.memory_space<vmem>> -> memref<128xi32, #tpu.memory_space<vmem>>
      %dma_start3A_126 = arith.constant 0 : i32
      %dma_start3A_127 = arith.constant 0 : i32
      %dma_start3A_128 = tpu.memref_slice %arg2[%dma_start3A_126, %dma_start3A_127] : memref<80000x32xbf16, #tpu.memory_space<hbm>> -> memref<80000x32xbf16, #tpu.memory_space<hbm>>
      tpu.enqueue_indirect_dma source(%dma_start3A_128 : memref<80000x32xbf16, #tpu.memory_space<hbm>>) target(%dma_start3A_122 : memref<128x32xbf16, #tpu.memory_space<vmem>>) offsets(%dma_start3A_125 : memref<128xi32, #tpu.memory_space<vmem>>) semaphore(%arg14 : memref<!tpu.dma_semaphore, #tpu.memory_space<semaphore_mem>>)
      %dma_wait3A_129 = arith.constant 0 : i32
      %dma_wait3A_130 = arith.constant 0 : i32
      %dma_wait3A_131 = arith.constant 0 : i32
      %dma_wait3A_132 = arith.constant 0 : i32
      %dma_wait3A_133 = tpu.memref_slice %arg11[%dma_wait3A_130, %dma_wait3A_131, %dma_wait3A_132] : memref<2x128x32xbf16, #tpu.memory_space<vmem>> -> memref<1x128x32xbf16, #tpu.memory_space<vmem>>
      %dma_wait3A_134 = tpu.memref_squeeze %dma_wait3A_133 : memref<1x128x32xbf16, #tpu.memory_space<vmem>> -> memref<128x32xbf16, #tpu.memory_space<vmem>>
      %dma_wait3A_135 = arith.constant 0 : i32
      %dma_wait3A_136 = tpu.memref_slice %arg9[%dma_wait3A_129, %dma_wait3A_135] : memref<28x128xi32, #tpu.memory_space<vmem>> -> memref<1x128xi32, #tpu.memory_space<vmem>>
      %dma_wait3A_137 = tpu.memref_squeeze %dma_wait3A_136 : memref<1x128xi32, #tpu.memory_space<vmem>> -> memref<128xi32, #tpu.memory_space<vmem>>
      %dma_wait3A_138 = arith.constant 0 : i32
      %dma_wait3A_139 = arith.constant 0 : i32
      %dma_wait3A_140 = tpu.memref_slice %arg2[%dma_wait3A_138, %dma_wait3A_139] : memref<80000x32xbf16, #tpu.memory_space<hbm>> -> memref<80000x32xbf16, #tpu.memory_space<hbm>>
      tpu.wait_indirect_dma semaphore(%arg15 : memref<!tpu.dma_semaphore, #tpu.memory_space<semaphore_mem>>) src(%dma_wait3A_140 : memref<80000x32xbf16, #tpu.memory_space<hbm>>) dst(%dma_wait3A_134 : memref<128x32xbf16, #tpu.memory_space<vmem>>)
      %scan3A_141 = arith.constant 0 : i32
      %scan3A_142 = arith.constant 0 : i32
      %scan3A_143 = arith.constant 128 : i32
      %scan3A_144 = arith.addi %scan3A_142, %scan3A_143 : i32
      %scan3A_145 = arith.constant 1 : i32
      scf.for %scan3A_207 = %scan3A_142 to %scan3A_144 step %scan3A_145  : i32 {
        %get3A = arith.constant 1 : i32
        %get3A_208 = arith.index_cast %get3A : i32 to index
        %get3A_209 = arith.index_cast %scan3A_207 : i32 to index
        %get3A_210 = arith.constant 0 : index
        %get3A_211 = tpu.vector_load %arg11[%get3A_208, %get3A_209, %get3A_210] {strides = array<i32>} : memref<2x128x32xbf16, #tpu.memory_space<vmem>>, vector<32xbf16>,
        %unpack3A = tpu.unpack_subelements %get3A_211, 0 {pack_format = #tpu.pack_format<interleaved>} : vector<32xbf16> -> vector<16xf32>
        %unpack3A_212 = tpu.unpack_subelements %get3A_211, 1 {pack_format = #tpu.pack_format<interleaved>} : vector<32xbf16> -> vector<16xf32>
        %swap3A = arith.constant 1 : i32
        %swap3A_213 = arith.index_cast %swap3A : i32 to index
        %swap3A_214 = arith.index_cast %scan3A_207 : i32 to index
        %swap3A_215 = arith.constant 0 : index
        %swap3A_216 = tpu.vector_load %arg12[%swap3A_213, %swap3A_214, %swap3A_215] {strides = array<i32>} : memref<2x128x32xf32, #tpu.memory_space<vmem>>, vector<16xf32>,
        tpu.vector_store %arg12[%swap3A_213, %swap3A_214, %swap3A_215], %unpack3A {strides = array<i32>} : memref<2x128x32xf32, #tpu.memory_space<vmem>>, vector<16xf32>,
        %swap3A_217 = arith.constant 1 : i32
        %swap3A_218 = arith.index_cast %swap3A_217 : i32 to index
        %swap3A_219 = arith.index_cast %scan3A_207 : i32 to index
        %swap3A_220 = arith.constant 16 : index
        %swap3A_221 = tpu.vector_load %arg12[%swap3A_218, %swap3A_219, %swap3A_220] {strides = array<i32>} : memref<2x128x32xf32, #tpu.memory_space<vmem>>, vector<16xf32>,
        tpu.vector_store %arg12[%swap3A_218, %swap3A_219, %swap3A_220], %unpack3A_212 {strides = array<i32>} : memref<2x128x32xf32, #tpu.memory_space<vmem>>, vector<16xf32>,
      }
      %scan3A_146 = arith.constant 128 : i32
      %dma_start3A_147 = arith.constant 1 : i32
      %dma_start3A_148 = arith.constant 1 : i32
      %dma_start3A_149 = arith.constant 0 : i32
      %dma_start3A_150 = arith.constant 0 : i32
      %dma_start3A_151 = tpu.memref_slice %arg12[%dma_start3A_147, %dma_start3A_149, %dma_start3A_150] : memref<2x128x32xf32, #tpu.memory_space<vmem>> -> memref<1x128x32xf32, #tpu.memory_space<vmem>>
      %dma_start3A_152 = tpu.memref_squeeze %dma_start3A_151 : memref<1x128x32xf32, #tpu.memory_space<vmem>> -> memref<128x32xf32, #tpu.memory_space<vmem>>
      %dma_start3A_153 = arith.constant 0 : i32
      %dma_start3A_154 = tpu.memref_slice %arg10[%dma_start3A_148, %dma_start3A_153] : memref<28x128xi32, #tpu.memory_space<vmem>> -> memref<1x128xi32, #tpu.memory_space<vmem>>
      %dma_start3A_155 = tpu.memref_squeeze %dma_start3A_154 : memref<1x128xi32, #tpu.memory_space<vmem>> -> memref<128xi32, #tpu.memory_space<vmem>>
      %dma_start3A_156 = arith.constant 0 : i32
      %dma_start3A_157 = arith.constant 0 : i32
      %dma_start3A_158 = tpu.memref_slice %arg13[%dma_start3A_156, %dma_start3A_157] : memref<10240x32xf32, #tpu.memory_space<vmem_shared>> -> memref<10240x32xf32, #tpu.memory_space<vmem_shared>>
      tpu.enqueue_indirect_dma source(%dma_start3A_152 : memref<128x32xf32, #tpu.memory_space<vmem>>) target(%dma_start3A_158 : memref<10240x32xf32, #tpu.memory_space<vmem_shared>>) offsets(%dma_start3A_155 : memref<128xi32, #tpu.memory_space<vmem>>) semaphore(%arg17 : memref<!tpu.dma_semaphore, #tpu.memory_space<semaphore_mem>>) {add = true}
      %scan3A_159 = arith.constant 0 : i32
      %scan3A_160 = arith.constant 0 : i32
      %scan3A_161 = arith.constant 13 : i32
      %scan3A_162 = arith.addi %scan3A_160, %scan3A_161 : i32
      %scan3A_163 = arith.constant 1 : i32
      scf.for %scan3A_207 = %scan3A_160 to %scan3A_162 step %scan3A_163  : i32 {
        %mul3A_208 = arith.constant 2 : i32
        %mul3A_209 = arith.muli %mul3A_208, %scan3A_207 : i32
        %add3A = arith.constant 2 : i32
        %add3A_210 = arith.addi %mul3A_209, %add3A : i32
        %add3A_211 = arith.constant 1 : i32
        %add3A_212 = arith.addi %add3A_210, %add3A_211 : i32
        %min3A_213 = arith.constant 27 : i32
        %min3A_214 = arith.minsi %add3A_212, %min3A_213 : i32
        %dma_start3A_215 = arith.constant 1 : i32
        %dma_start3A_216 = arith.constant 0 : i32
        %dma_start3A_217 = arith.constant 0 : i32
        %dma_start3A_218 = tpu.memref_slice %arg11[%dma_start3A_215, %dma_start3A_216, %dma_start3A_217] : memref<2x128x32xbf16, #tpu.memory_space<vmem>> -> memref<1x128x32xbf16, #tpu.memory_space<vmem>>
        %dma_start3A_219 = tpu.memref_squeeze %dma_start3A_218 : memref<1x128x32xbf16, #tpu.memory_space<vmem>> -> memref<128x32xbf16, #tpu.memory_space<vmem>>
        %dma_start3A_220 = arith.constant 0 : i32
        %dma_start3A_221 = tpu.memref_slice %arg9[%min3A_214, %dma_start3A_220] : memref<28x128xi32, #tpu.memory_space<vmem>> -> memref<1x128xi32, #tpu.memory_space<vmem>>
        %dma_start3A_222 = tpu.memref_squeeze %dma_start3A_221 : memref<1x128xi32, #tpu.memory_space<vmem>> -> memref<128xi32, #tpu.memory_space<vmem>>
        %dma_start3A_223 = arith.constant 0 : i32
        %dma_start3A_224 = arith.constant 0 : i32
        %dma_start3A_225 = tpu.memref_slice %arg2[%dma_start3A_223, %dma_start3A_224] : memref<80000x32xbf16, #tpu.memory_space<hbm>> -> memref<80000x32xbf16, #tpu.memory_space<hbm>>
        tpu.enqueue_indirect_dma source(%dma_start3A_225 : memref<80000x32xbf16, #tpu.memory_space<hbm>>) target(%dma_start3A_219 : memref<128x32xbf16, #tpu.memory_space<vmem>>) offsets(%dma_start3A_222 : memref<128xi32, #tpu.memory_space<vmem>>) semaphore(%arg15 : memref<!tpu.dma_semaphore, #tpu.memory_space<semaphore_mem>>)
        %dma_wait3A_226 = arith.constant 0 : i32
        %dma_wait3A_227 = arith.constant 0 : i32
        %dma_wait3A_228 = arith.constant 0 : i32
        %dma_wait3A_229 = tpu.memref_slice %arg12[%dma_wait3A_226, %dma_wait3A_227, %dma_wait3A_228] : memref<2x128x32xf32, #tpu.memory_space<vmem>> -> memref<1x128x32xf32, #tpu.memory_space<vmem>>
        %dma_wait3A_230 = tpu.memref_squeeze %dma_wait3A_229 : memref<1x128x32xf32, #tpu.memory_space<vmem>> -> memref<128x32xf32, #tpu.memory_space<vmem>>
        %dma_wait3A_231 = arith.constant 0 : i32
        %dma_wait3A_232 = arith.constant 0 : i32
        %dma_wait3A_233 = tpu.memref_slice %arg13[%dma_wait3A_231, %dma_wait3A_232] : memref<10240x32xf32, #tpu.memory_space<vmem_shared>> -> memref<128x32xf32, #tpu.memory_space<vmem_shared>>
        %dma_wait3A_234 = arith.constant 0 : i32
        %dma_wait3A_235 = arith.constant 0 : i32
        %dma_wait3A_236 = tpu.memref_slice %arg13[%dma_wait3A_234, %dma_wait3A_235] : memref<10240x32xf32, #tpu.memory_space<vmem_shared>> -> memref<128x32xf32, #tpu.memory_space<vmem_shared>>
        %dma_wait3A_237 = arith.constant 0 : i32
        %dma_wait3A_238 = arith.constant 0 : i32
        %dma_wait3A_239 = tpu.memref_slice %arg12[%dma_wait3A_226, %dma_wait3A_237, %dma_wait3A_238] : memref<2x128x32xf32, #tpu.memory_space<vmem>> -> memref<1x128x32xf32, #tpu.memory_space<vmem>>
        %dma_wait3A_240 = tpu.memref_squeeze %dma_wait3A_239 : memref<1x128x32xf32, #tpu.memory_space<vmem>> -> memref<128x32xf32, #tpu.memory_space<vmem>>
        tpu.wait_dma2 semaphore(%arg16 : memref<!tpu.dma_semaphore, #tpu.memory_space<semaphore_mem>>) src(%dma_wait3A_240 : memref<128x32xf32, #tpu.memory_space<vmem>>) dst(%dma_wait3A_236 : memref<128x32xf32, #tpu.memory_space<vmem_shared>>)
        %dma_wait3A_241 = arith.constant 0 : i32
        %dma_wait3A_242 = arith.constant 0 : i32
        %dma_wait3A_243 = arith.constant 0 : i32
        %dma_wait3A_244 = arith.constant 0 : i32
        %dma_wait3A_245 = tpu.memref_slice %arg11[%dma_wait3A_242, %dma_wait3A_243, %dma_wait3A_244] : memref<2x128x32xbf16, #tpu.memory_space<vmem>> -> memref<1x128x32xbf16, #tpu.memory_space<vmem>>
        %dma_wait3A_246 = tpu.memref_squeeze %dma_wait3A_245 : memref<1x128x32xbf16, #tpu.memory_space<vmem>> -> memref<128x32xbf16, #tpu.memory_space<vmem>>
        %dma_wait3A_247 = arith.constant 0 : i32
        %dma_wait3A_248 = tpu.memref_slice %arg9[%dma_wait3A_241, %dma_wait3A_247] : memref<28x128xi32, #tpu.memory_space<vmem>> -> memref<1x128xi32, #tpu.memory_space<vmem>>
        %dma_wait3A_249 = tpu.memref_squeeze %dma_wait3A_248 : memref<1x128xi32, #tpu.memory_space<vmem>> -> memref<128xi32, #tpu.memory_space<vmem>>
        %dma_wait3A_250 = arith.constant 0 : i32
        %dma_wait3A_251 = arith.constant 0 : i32
        %dma_wait3A_252 = tpu.memref_slice %arg2[%dma_wait3A_250, %dma_wait3A_251] : memref<80000x32xbf16, #tpu.memory_space<hbm>> -> memref<80000x32xbf16, #tpu.memory_space<hbm>>
        tpu.wait_indirect_dma semaphore(%arg14 : memref<!tpu.dma_semaphore, #tpu.memory_space<semaphore_mem>>) src(%dma_wait3A_252 : memref<80000x32xbf16, #tpu.memory_space<hbm>>) dst(%dma_wait3A_246 : memref<128x32xbf16, #tpu.memory_space<vmem>>)
        %scan3A_253 = arith.constant 0 : i32
        %scan3A_254 = arith.constant 0 : i32
        %scan3A_255 = arith.constant 128 : i32
        %scan3A_256 = arith.addi %scan3A_254, %scan3A_255 : i32
        %scan3A_257 = arith.constant 1 : i32
        scf.for %scan3A_333 = %scan3A_254 to %scan3A_256 step %scan3A_257  : i32 {
          %get3A = arith.constant 0 : i32
          %get3A_334 = arith.index_cast %get3A : i32 to index
          %get3A_335 = arith.index_cast %scan3A_333 : i32 to index
          %get3A_336 = arith.constant 0 : index
          %get3A_337 = tpu.vector_load %arg11[%get3A_334, %get3A_335, %get3A_336] {strides = array<i32>} : memref<2x128x32xbf16, #tpu.memory_space<vmem>>, vector<32xbf16>,
          %unpack3A = tpu.unpack_subelements %get3A_337, 0 {pack_format = #tpu.pack_format<interleaved>} : vector<32xbf16> -> vector<16xf32>
          %unpack3A_338 = tpu.unpack_subelements %get3A_337, 1 {pack_format = #tpu.pack_format<interleaved>} : vector<32xbf16> -> vector<16xf32>
          %swap3A = arith.constant 0 : i32
          %swap3A_339 = arith.index_cast %swap3A : i32 to index
          %swap3A_340 = arith.index_cast %scan3A_333 : i32 to index
          %swap3A_341 = arith.constant 0 : index
          %swap3A_342 = tpu.vector_load %arg12[%swap3A_339, %swap3A_340, %swap3A_341] {strides = array<i32>} : memref<2x128x32xf32, #tpu.memory_space<vmem>>, vector<16xf32>,
          tpu.vector_store %arg12[%swap3A_339, %swap3A_340, %swap3A_341], %unpack3A {strides = array<i32>} : memref<2x128x32xf32, #tpu.memory_space<vmem>>, vector<16xf32>,
          %swap3A_343 = arith.constant 0 : i32
          %swap3A_344 = arith.index_cast %swap3A_343 : i32 to index
          %swap3A_345 = arith.index_cast %scan3A_333 : i32 to index
          %swap3A_346 = arith.constant 16 : index
          %swap3A_347 = tpu.vector_load %arg12[%swap3A_344, %swap3A_345, %swap3A_346] {strides = array<i32>} : memref<2x128x32xf32, #tpu.memory_space<vmem>>, vector<16xf32>,
          tpu.vector_store %arg12[%swap3A_344, %swap3A_345, %swap3A_346], %unpack3A_338 {strides = array<i32>} : memref<2x128x32xf32, #tpu.memory_space<vmem>>, vector<16xf32>,
        }
        %scan3A_258 = arith.constant 128 : i32
        %dma_start3A_259 = arith.constant 0 : i32
        %dma_start3A_260 = arith.constant 0 : i32
        %dma_start3A_261 = arith.constant 0 : i32
        %dma_start3A_262 = tpu.memref_slice %arg12[%dma_start3A_259, %dma_start3A_260, %dma_start3A_261] : memref<2x128x32xf32, #tpu.memory_space<vmem>> -> memref<1x128x32xf32, #tpu.memory_space<vmem>>
        %dma_start3A_263 = tpu.memref_squeeze %dma_start3A_262 : memref<1x128x32xf32, #tpu.memory_space<vmem>> -> memref<128x32xf32, #tpu.memory_space<vmem>>
        %dma_start3A_264 = arith.constant 0 : i32
        %dma_start3A_265 = tpu.memref_slice %arg10[%add3A_210, %dma_start3A_264] : memref<28x128xi32, #tpu.memory_space<vmem>> -> memref<1x128xi32, #tpu.memory_space<vmem>>
        %dma_start3A_266 = tpu.memref_squeeze %dma_start3A_265 : memref<1x128xi32, #tpu.memory_space<vmem>> -> memref<128xi32, #tpu.memory_space<vmem>>
        %dma_start3A_267 = arith.constant 0 : i32
        %dma_start3A_268 = arith.constant 0 : i32
        %dma_start3A_269 = tpu.memref_slice %arg13[%dma_start3A_267, %dma_start3A_268] : memref<10240x32xf32, #tpu.memory_space<vmem_shared>> -> memref<10240x32xf32, #tpu.memory_space<vmem_shared>>
        tpu.enqueue_indirect_dma source(%dma_start3A_263 : memref<128x32xf32, #tpu.memory_space<vmem>>) target(%dma_start3A_269 : memref<10240x32xf32, #tpu.memory_space<vmem_shared>>) offsets(%dma_start3A_266 : memref<128xi32, #tpu.memory_space<vmem>>) semaphore(%arg16 : memref<!tpu.dma_semaphore, #tpu.memory_space<semaphore_mem>>) {add = true}
        %mul3A_270 = arith.constant 2 : i32
        %mul3A_271 = arith.muli %mul3A_270, %scan3A_207 : i32
        %add3A_272 = arith.constant 3 : i32
        %add3A_273 = arith.addi %mul3A_271, %add3A_272 : i32
        %add3A_274 = arith.constant 1 : i32
        %add3A_275 = arith.addi %add3A_273, %add3A_274 : i32
        %min3A_276 = arith.constant 27 : i32
        %min3A_277 = arith.minsi %add3A_275, %min3A_276 : i32
        %dma_start3A_278 = arith.constant 0 : i32
        %dma_start3A_279 = arith.constant 0 : i32
        %dma_start3A_280 = arith.constant 0 : i32
        %dma_start3A_281 = tpu.memref_slice %arg11[%dma_start3A_278, %dma_start3A_279, %dma_start3A_280] : memref<2x128x32xbf16, #tpu.memory_space<vmem>> -> memref<1x128x32xbf16, #tpu.memory_space<vmem>>
        %dma_start3A_282 = tpu.memref_squeeze %dma_start3A_281 : memref<1x128x32xbf16, #tpu.memory_space<vmem>> -> memref<128x32xbf16, #tpu.memory_space<vmem>>
        %dma_start3A_283 = arith.constant 0 : i32
        %dma_start3A_284 = tpu.memref_slice %arg9[%min3A_277, %dma_start3A_283] : memref<28x128xi32, #tpu.memory_space<vmem>> -> memref<1x128xi32, #tpu.memory_space<vmem>>
        %dma_start3A_285 = tpu.memref_squeeze %dma_start3A_284 : memref<1x128xi32, #tpu.memory_space<vmem>> -> memref<128xi32, #tpu.memory_space<vmem>>
        %dma_start3A_286 = arith.constant 0 : i32
        %dma_start3A_287 = arith.constant 0 : i32
        %dma_start3A_288 = tpu.memref_slice %arg2[%dma_start3A_286, %dma_start3A_287] : memref<80000x32xbf16, #tpu.memory_space<hbm>> -> memref<80000x32xbf16, #tpu.memory_space<hbm>>
        tpu.enqueue_indirect_dma source(%dma_start3A_288 : memref<80000x32xbf16, #tpu.memory_space<hbm>>) target(%dma_start3A_282 : memref<128x32xbf16, #tpu.memory_space<vmem>>) offsets(%dma_start3A_285 : memref<128xi32, #tpu.memory_space<vmem>>) semaphore(%arg14 : memref<!tpu.dma_semaphore, #tpu.memory_space<semaphore_mem>>)
        %dma_wait3A_289 = arith.constant 1 : i32
        %dma_wait3A_290 = arith.constant 0 : i32
        %dma_wait3A_291 = arith.constant 0 : i32
        %dma_wait3A_292 = tpu.memref_slice %arg12[%dma_wait3A_289, %dma_wait3A_290, %dma_wait3A_291] : memref<2x128x32xf32, #tpu.memory_space<vmem>> -> memref<1x128x32xf32, #tpu.memory_space<vmem>>
        %dma_wait3A_293 = tpu.memref_squeeze %dma_wait3A_292 : memref<1x128x32xf32, #tpu.memory_space<vmem>> -> memref<128x32xf32, #tpu.memory_space<vmem>>
        %dma_wait3A_294 = arith.constant 0 : i32
        %dma_wait3A_295 = arith.constant 0 : i32
        %dma_wait3A_296 = tpu.memref_slice %arg13[%dma_wait3A_294, %dma_wait3A_295] : memref<10240x32xf32, #tpu.memory_space<vmem_shared>> -> memref<128x32xf32, #tpu.memory_space<vmem_shared>>
        %dma_wait3A_297 = arith.constant 0 : i32
        %dma_wait3A_298 = arith.constant 0 : i32
        %dma_wait3A_299 = tpu.memref_slice %arg13[%dma_wait3A_297, %dma_wait3A_298] : memref<10240x32xf32, #tpu.memory_space<vmem_shared>> -> memref<128x32xf32, #tpu.memory_space<vmem_shared>>
        %dma_wait3A_300 = arith.constant 0 : i32
        %dma_wait3A_301 = arith.constant 0 : i32
        %dma_wait3A_302 = tpu.memref_slice %arg12[%dma_wait3A_289, %dma_wait3A_300, %dma_wait3A_301] : memref<2x128x32xf32, #tpu.memory_space<vmem>> -> memref<1x128x32xf32, #tpu.memory_space<vmem>>
        %dma_wait3A_303 = tpu.memref_squeeze %dma_wait3A_302 : memref<1x128x32xf32, #tpu.memory_space<vmem>> -> memref<128x32xf32, #tpu.memory_space<vmem>>
        tpu.wait_dma2 semaphore(%arg17 : memref<!tpu.dma_semaphore, #tpu.memory_space<semaphore_mem>>) src(%dma_wait3A_303 : memref<128x32xf32, #tpu.memory_space<vmem>>) dst(%dma_wait3A_299 : memref<128x32xf32, #tpu.memory_space<vmem_shared>>)
        %dma_wait3A_304 = arith.constant 0 : i32
        %dma_wait3A_305 = arith.constant 0 : i32
        %dma_wait3A_306 = arith.constant 0 : i32
        %dma_wait3A_307 = arith.constant 0 : i32
        %dma_wait3A_308 = tpu.memref_slice %arg11[%dma_wait3A_305, %dma_wait3A_306, %dma_wait3A_307] : memref<2x128x32xbf16, #tpu.memory_space<vmem>> -> memref<1x128x32xbf16, #tpu.memory_space<vmem>>
        %dma_wait3A_309 = tpu.memref_squeeze %dma_wait3A_308 : memref<1x128x32xbf16, #tpu.memory_space<vmem>> -> memref<128x32xbf16, #tpu.memory_space<vmem>>
        %dma_wait3A_310 = arith.constant 0 : i32
        %dma_wait3A_311 = tpu.memref_slice %arg9[%dma_wait3A_304, %dma_wait3A_310] : memref<28x128xi32, #tpu.memory_space<vmem>> -> memref<1x128xi32, #tpu.memory_space<vmem>>
        %dma_wait3A_312 = tpu.memref_squeeze %dma_wait3A_311 : memref<1x128xi32, #tpu.memory_space<vmem>> -> memref<128xi32, #tpu.memory_space<vmem>>
        %dma_wait3A_313 = arith.constant 0 : i32
        %dma_wait3A_314 = arith.constant 0 : i32
        %dma_wait3A_315 = tpu.memref_slice %arg2[%dma_wait3A_313, %dma_wait3A_314] : memref<80000x32xbf16, #tpu.memory_space<hbm>> -> memref<80000x32xbf16, #tpu.memory_space<hbm>>
        tpu.wait_indirect_dma semaphore(%arg15 : memref<!tpu.dma_semaphore, #tpu.memory_space<semaphore_mem>>) src(%dma_wait3A_315 : memref<80000x32xbf16, #tpu.memory_space<hbm>>) dst(%dma_wait3A_309 : memref<128x32xbf16, #tpu.memory_space<vmem>>)
        %scan3A_316 = arith.constant 0 : i32
        %scan3A_317 = arith.constant 0 : i32
        %scan3A_318 = arith.constant 128 : i32
        %scan3A_319 = arith.addi %scan3A_317, %scan3A_318 : i32
        %scan3A_320 = arith.constant 1 : i32
        scf.for %scan3A_333 = %scan3A_317 to %scan3A_319 step %scan3A_320  : i32 {
          %get3A = arith.constant 1 : i32
          %get3A_334 = arith.index_cast %get3A : i32 to index
          %get3A_335 = arith.index_cast %scan3A_333 : i32 to index
          %get3A_336 = arith.constant 0 : index
          %get3A_337 = tpu.vector_load %arg11[%get3A_334, %get3A_335, %get3A_336] {strides = array<i32>} : memref<2x128x32xbf16, #tpu.memory_space<vmem>>, vector<32xbf16>,
          %unpack3A = tpu.unpack_subelements %get3A_337, 0 {pack_format = #tpu.pack_format<interleaved>} : vector<32xbf16> -> vector<16xf32>
          %unpack3A_338 = tpu.unpack_subelements %get3A_337, 1 {pack_format = #tpu.pack_format<interleaved>} : vector<32xbf16> -> vector<16xf32>
          %swap3A = arith.constant 1 : i32
          %swap3A_339 = arith.index_cast %swap3A : i32 to index
          %swap3A_340 = arith.index_cast %scan3A_333 : i32 to index
          %swap3A_341 = arith.constant 0 : index
          %swap3A_342 = tpu.vector_load %arg12[%swap3A_339, %swap3A_340, %swap3A_341] {strides = array<i32>} : memref<2x128x32xf32, #tpu.memory_space<vmem>>, vector<16xf32>,
          tpu.vector_store %arg12[%swap3A_339, %swap3A_340, %swap3A_341], %unpack3A {strides = array<i32>} : memref<2x128x32xf32, #tpu.memory_space<vmem>>, vector<16xf32>,
          %swap3A_343 = arith.constant 1 : i32
          %swap3A_344 = arith.index_cast %swap3A_343 : i32 to index
          %swap3A_345 = arith.index_cast %scan3A_333 : i32 to index
          %swap3A_346 = arith.constant 16 : index
          %swap3A_347 = tpu.vector_load %arg12[%swap3A_344, %swap3A_345, %swap3A_346] {strides = array<i32>} : memref<2x128x32xf32, #tpu.memory_space<vmem>>, vector<16xf32>,
          tpu.vector_store %arg12[%swap3A_344, %swap3A_345, %swap3A_346], %unpack3A_338 {strides = array<i32>} : memref<2x128x32xf32, #tpu.memory_space<vmem>>, vector<16xf32>,
        }
        %scan3A_321 = arith.constant 128 : i32
        %dma_start3A_322 = arith.constant 1 : i32
        %dma_start3A_323 = arith.constant 0 : i32
        %dma_start3A_324 = arith.constant 0 : i32
        %dma_start3A_325 = tpu.memref_slice %arg12[%dma_start3A_322, %dma_start3A_323, %dma_start3A_324] : memref<2x128x32xf32, #tpu.memory_space<vmem>> -> memref<1x128x32xf32, #tpu.memory_space<vmem>>
        %dma_start3A_326 = tpu.memref_squeeze %dma_start3A_325 : memref<1x128x32xf32, #tpu.memory_space<vmem>> -> memref<128x32xf32, #tpu.memory_space<vmem>>
        %dma_start3A_327 = arith.constant 0 : i32
        %dma_start3A_328 = tpu.memref_slice %arg10[%add3A_273, %dma_start3A_327] : memref<28x128xi32, #tpu.memory_space<vmem>> -> memref<1x128xi32, #tpu.memory_space<vmem>>
        %dma_start3A_329 = tpu.memref_squeeze %dma_start3A_328 : memref<1x128xi32, #tpu.memory_space<vmem>> -> memref<128xi32, #tpu.memory_space<vmem>>
        %dma_start3A_330 = arith.constant 0 : i32
        %dma_start3A_331 = arith.constant 0 : i32
        %dma_start3A_332 = tpu.memref_slice %arg13[%dma_start3A_330, %dma_start3A_331] : memref<10240x32xf32, #tpu.memory_space<vmem_shared>> -> memref<10240x32xf32, #tpu.memory_space<vmem_shared>>
        tpu.enqueue_indirect_dma source(%dma_start3A_326 : memref<128x32xf32, #tpu.memory_space<vmem>>) target(%dma_start3A_332 : memref<10240x32xf32, #tpu.memory_space<vmem_shared>>) offsets(%dma_start3A_329 : memref<128xi32, #tpu.memory_space<vmem>>) semaphore(%arg17 : memref<!tpu.dma_semaphore, #tpu.memory_space<semaphore_mem>>) {add = true}
      }
      %scan3A_164 = arith.constant 13 : i32
      %dma_wait3A_165 = arith.constant 0 : i32
      %dma_wait3A_166 = arith.constant 0 : i32
      %dma_wait3A_167 = arith.constant 0 : i32
      %dma_wait3A_168 = tpu.memref_slice %arg12[%dma_wait3A_165, %dma_wait3A_166, %dma_wait3A_167] : memref<2x128x32xf32, #tpu.memory_space<vmem>> -> memref<1x128x32xf32, #tpu.memory_space<vmem>>
      %dma_wait3A_169 = tpu.memref_squeeze %dma_wait3A_168 : memref<1x128x32xf32, #tpu.memory_space<vmem>> -> memref<128x32xf32, #tpu.memory_space<vmem>>
      %dma_wait3A_170 = arith.constant 0 : i32
      %dma_wait3A_171 = arith.constant 0 : i32
      %dma_wait3A_172 = tpu.memref_slice %arg13[%dma_wait3A_170, %dma_wait3A_171] : memref<10240x32xf32, #tpu.memory_space<vmem_shared>> -> memref<128x32xf32, #tpu.memory_space<vmem_shared>>
      %dma_wait3A_173 = arith.constant 0 : i32
      %dma_wait3A_174 = arith.constant 0 : i32
      %dma_wait3A_175 = tpu.memref_slice %arg13[%dma_wait3A_173, %dma_wait3A_174] : memref<10240x32xf32, #tpu.memory_space<vmem_shared>> -> memref<128x32xf32, #tpu.memory_space<vmem_shared>>
      %dma_wait3A_176 = arith.constant 0 : i32
      %dma_wait3A_177 = arith.constant 0 : i32
      %dma_wait3A_178 = tpu.memref_slice %arg12[%dma_wait3A_165, %dma_wait3A_176, %dma_wait3A_177] : memref<2x128x32xf32, #tpu.memory_space<vmem>> -> memref<1x128x32xf32, #tpu.memory_space<vmem>>
      %dma_wait3A_179 = tpu.memref_squeeze %dma_wait3A_178 : memref<1x128x32xf32, #tpu.memory_space<vmem>> -> memref<128x32xf32, #tpu.memory_space<vmem>>
      tpu.wait_dma2 semaphore(%arg16 : memref<!tpu.dma_semaphore, #tpu.memory_space<semaphore_mem>>) src(%dma_wait3A_179 : memref<128x32xf32, #tpu.memory_space<vmem>>) dst(%dma_wait3A_175 : memref<128x32xf32, #tpu.memory_space<vmem_shared>>)
      %dma_wait3A_180 = arith.constant 1 : i32
      %dma_wait3A_181 = arith.constant 0 : i32
      %dma_wait3A_182 = arith.constant 0 : i32
      %dma_wait3A_183 = tpu.memref_slice %arg12[%dma_wait3A_180, %dma_wait3A_181, %dma_wait3A_182] : memref<2x128x32xf32, #tpu.memory_space<vmem>> -> memref<1x128x32xf32, #tpu.memory_space<vmem>>
      %dma_wait3A_184 = tpu.memref_squeeze %dma_wait3A_183 : memref<1x128x32xf32, #tpu.memory_space<vmem>> -> memref<128x32xf32, #tpu.memory_space<vmem>>
      %dma_wait3A_185 = arith.constant 0 : i32
      %dma_wait3A_186 = arith.constant 0 : i32
      %dma_wait3A_187 = tpu.memref_slice %arg13[%dma_wait3A_185, %dma_wait3A_186] : memref<10240x32xf32, #tpu.memory_space<vmem_shared>> -> memref<128x32xf32, #tpu.memory_space<vmem_shared>>
      %dma_wait3A_188 = arith.constant 0 : i32
      %dma_wait3A_189 = arith.constant 0 : i32
      %dma_wait3A_190 = tpu.memref_slice %arg13[%dma_wait3A_188, %dma_wait3A_189] : memref<10240x32xf32, #tpu.memory_space<vmem_shared>> -> memref<128x32xf32, #tpu.memory_space<vmem_shared>>
      %dma_wait3A_191 = arith.constant 0 : i32
      %dma_wait3A_192 = arith.constant 0 : i32
      %dma_wait3A_193 = tpu.memref_slice %arg12[%dma_wait3A_180, %dma_wait3A_191, %dma_wait3A_192] : memref<2x128x32xf32, #tpu.memory_space<vmem>> -> memref<1x128x32xf32, #tpu.memory_space<vmem>>
      %dma_wait3A_194 = tpu.memref_squeeze %dma_wait3A_193 : memref<1x128x32xf32, #tpu.memory_space<vmem>> -> memref<128x32xf32, #tpu.memory_space<vmem>>
      tpu.wait_dma2 semaphore(%arg17 : memref<!tpu.dma_semaphore, #tpu.memory_space<semaphore_mem>>) src(%dma_wait3A_194 : memref<128x32xf32, #tpu.memory_space<vmem>>) dst(%dma_wait3A_190 : memref<128x32xf32, #tpu.memory_space<vmem_shared>>)
      %dma_wait3A_195 = arith.constant 0 : i32
      %dma_wait3A_196 = arith.constant 0 : i32
      %dma_wait3A_197 = arith.constant 0 : i32
      %dma_wait3A_198 = arith.constant 0 : i32
      %dma_wait3A_199 = tpu.memref_slice %arg11[%dma_wait3A_196, %dma_wait3A_197, %dma_wait3A_198] : memref<2x128x32xbf16, #tpu.memory_space<vmem>> -> memref<1x128x32xbf16, #tpu.memory_space<vmem>>
      %dma_wait3A_200 = tpu.memref_squeeze %dma_wait3A_199 : memref<1x128x32xbf16, #tpu.memory_space<vmem>> -> memref<128x32xbf16, #tpu.memory_space<vmem>>
      %dma_wait3A_201 = arith.constant 0 : i32
      %dma_wait3A_202 = tpu.memref_slice %arg9[%dma_wait3A_195, %dma_wait3A_201] : memref<28x128xi32, #tpu.memory_space<vmem>> -> memref<1x128xi32, #tpu.memory_space<vmem>>
      %dma_wait3A_203 = tpu.memref_squeeze %dma_wait3A_202 : memref<1x128xi32, #tpu.memory_space<vmem>> -> memref<128xi32, #tpu.memory_space<vmem>>
      %dma_wait3A_204 = arith.constant 0 : i32
      %dma_wait3A_205 = arith.constant 0 : i32
      %dma_wait3A_206 = tpu.memref_slice %arg2[%dma_wait3A_204, %dma_wait3A_205] : memref<80000x32xbf16, #tpu.memory_space<hbm>> -> memref<80000x32xbf16, #tpu.memory_space<hbm>>
      tpu.wait_indirect_dma semaphore(%arg14 : memref<!tpu.dma_semaphore, #tpu.memory_space<semaphore_mem>>) src(%dma_wait3A_206 : memref<80000x32xbf16, #tpu.memory_space<hbm>>) dst(%dma_wait3A_200 : memref<128x32xbf16, #tpu.memory_space<vmem>>)
    } else {
    }
    %eq3A_3 = arith.constant 1 : i32
    %eq3A_4 = arith.cmpi eq, %arg0, %eq3A_3 : i32
    %convert_element_type3A_5 = arith.extui %eq3A_4 : i1 to i32
    %cond3A_6 = arith.constant 0 : i32
    %cond3A_7 = arith.cmpi ne, %convert_element_type3A_5, %cond3A_6 : i32
    scf.if %cond3A_7 {
      %dma_start3A = arith.constant 0 : i32
      %dma_start3A_9 = arith.constant 0 : i32
      %dma_start3A_10 = tpu.memref_slice %arg9[%dma_start3A, %dma_start3A_9] : memref<28x128xi32, #tpu.memory_space<vmem>> -> memref<22x128xi32, #tpu.memory_space<vmem>>
      %dma_start3A_11 = arith.constant 0 : i32
      %dma_start3A_12 = arith.constant 0 : i32
      %dma_start3A_13 = tpu.memref_slice %arg5[%arg1, %dma_start3A_11, %dma_start3A_12] : memref<16x22x128xi32, #tpu.memory_space<hbm>> -> memref<1x22x128xi32, #tpu.memory_space<hbm>>
      %dma_start3A_14 = tpu.memref_squeeze %dma_start3A_13 : memref<1x22x128xi32, #tpu.memory_space<hbm>> -> memref<22x128xi32, #tpu.memory_space<hbm>>
      %dma_start3A_15 = arith.constant 0 : i32
      %dma_start3A_16 = arith.constant 0 : i32
      %dma_start3A_17 = tpu.memref_slice %arg9[%dma_start3A_15, %dma_start3A_16] : memref<28x128xi32, #tpu.memory_space<vmem>> -> memref<22x128xi32, #tpu.memory_space<vmem>>
      %dma_start3A_18 = arith.constant 0 : i32
      %dma_start3A_19 = arith.constant 0 : i32
      %dma_start3A_20 = tpu.memref_slice %arg5[%arg1, %dma_start3A_18, %dma_start3A_19] : memref<16x22x128xi32, #tpu.memory_space<hbm>> -> memref<1x22x128xi32, #tpu.memory_space<hbm>>
      %dma_start3A_21 = tpu.memref_squeeze %dma_start3A_20 : memref<1x22x128xi32, #tpu.memory_space<hbm>> -> memref<22x128xi32, #tpu.memory_space<hbm>>
      tpu.enqueue_dma source(%dma_start3A_21 : memref<22x128xi32, #tpu.memory_space<hbm>>) target(%dma_start3A_17 : memref<22x128xi32, #tpu.memory_space<vmem>>) target_semaphore(%arg14 : memref<!tpu.dma_semaphore, #tpu.memory_space<semaphore_mem>>)
      %dma_start3A_22 = arith.constant 0 : i32
      %dma_start3A_23 = arith.constant 0 : i32
      %dma_start3A_24 = tpu.memref_slice %arg10[%dma_start3A_22, %dma_start3A_23] : memref<28x128xi32, #tpu.memory_space<vmem>> -> memref<22x128xi32, #tpu.memory_space<vmem>>
      %dma_start3A_25 = arith.constant 0 : i32
      %dma_start3A_26 = arith.constant 0 : i32
      %dma_start3A_27 = tpu.memref_slice %arg6[%arg1, %dma_start3A_25, %dma_start3A_26] : memref<16x22x128xi32, #tpu.memory_space<hbm>> -> memref<1x22x128xi32, #tpu.memory_space<hbm>>
      %dma_start3A_28 = tpu.memref_squeeze %dma_start3A_27 : memref<1x22x128xi32, #tpu.memory_space<hbm>> -> memref<22x128xi32, #tpu.memory_space<hbm>>
      %dma_start3A_29 = arith.constant 0 : i32
      %dma_start3A_30 = arith.constant 0 : i32
      %dma_start3A_31 = tpu.memref_slice %arg10[%dma_start3A_29, %dma_start3A_30] : memref<28x128xi32, #tpu.memory_space<vmem>> -> memref<22x128xi32, #tpu.memory_space<vmem>>
      %dma_start3A_32 = arith.constant 0 : i32
      %dma_start3A_33 = arith.constant 0 : i32
      %dma_start3A_34 = tpu.memref_slice %arg6[%arg1, %dma_start3A_32, %dma_start3A_33] : memref<16x22x128xi32, #tpu.memory_space<hbm>> -> memref<1x22x128xi32, #tpu.memory_space<hbm>>
      %dma_start3A_35 = tpu.memref_squeeze %dma_start3A_34 : memref<1x22x128xi32, #tpu.memory_space<hbm>> -> memref<22x128xi32, #tpu.memory_space<hbm>>
      tpu.enqueue_dma source(%dma_start3A_35 : memref<22x128xi32, #tpu.memory_space<hbm>>) target(%dma_start3A_31 : memref<22x128xi32, #tpu.memory_space<vmem>>) target_semaphore(%arg15 : memref<!tpu.dma_semaphore, #tpu.memory_space<semaphore_mem>>)
      %dma_wait3A = arith.constant 0 : i32
      %dma_wait3A_36 = arith.constant 0 : i32
      %dma_wait3A_37 = tpu.memref_slice %arg9[%dma_wait3A, %dma_wait3A_36] : memref<28x128xi32, #tpu.memory_space<vmem>> -> memref<22x128xi32, #tpu.memory_space<vmem>>
      %dma_wait3A_38 = arith.constant 0 : i32
      %dma_wait3A_39 = arith.constant 0 : i32
      %dma_wait3A_40 = tpu.memref_slice %arg5[%arg1, %dma_wait3A_38, %dma_wait3A_39] : memref<16x22x128xi32, #tpu.memory_space<hbm>> -> memref<1x22x128xi32, #tpu.memory_space<hbm>>
      %dma_wait3A_41 = tpu.memref_squeeze %dma_wait3A_40 : memref<1x22x128xi32, #tpu.memory_space<hbm>> -> memref<22x128xi32, #tpu.memory_space<hbm>>
      %dma_wait3A_42 = arith.constant 0 : i32
      %dma_wait3A_43 = arith.constant 0 : i32
      %dma_wait3A_44 = tpu.memref_slice %arg9[%dma_wait3A_42, %dma_wait3A_43] : memref<28x128xi32, #tpu.memory_space<vmem>> -> memref<22x128xi32, #tpu.memory_space<vmem>>
      %dma_wait3A_45 = arith.constant 0 : i32
      %dma_wait3A_46 = arith.constant 0 : i32
      %dma_wait3A_47 = tpu.memref_slice %arg5[%arg1, %dma_wait3A_45, %dma_wait3A_46] : memref<16x22x128xi32, #tpu.memory_space<hbm>> -> memref<1x22x128xi32, #tpu.memory_space<hbm>>
      %dma_wait3A_48 = tpu.memref_squeeze %dma_wait3A_47 : memref<1x22x128xi32, #tpu.memory_space<hbm>> -> memref<22x128xi32, #tpu.memory_space<hbm>>
      tpu.wait_dma2 semaphore(%arg14 : memref<!tpu.dma_semaphore, #tpu.memory_space<semaphore_mem>>) src(%dma_wait3A_48 : memref<22x128xi32, #tpu.memory_space<hbm>>) dst(%dma_wait3A_44 : memref<22x128xi32, #tpu.memory_space<vmem>>)
      %dma_wait3A_49 = arith.constant 0 : i32
      %dma_wait3A_50 = arith.constant 0 : i32
      %dma_wait3A_51 = tpu.memref_slice %arg10[%dma_wait3A_49, %dma_wait3A_50] : memref<28x128xi32, #tpu.memory_space<vmem>> -> memref<22x128xi32, #tpu.memory_space<vmem>>
      %dma_wait3A_52 = arith.constant 0 : i32
      %dma_wait3A_53 = arith.constant 0 : i32
      %dma_wait3A_54 = tpu.memref_slice %arg6[%arg1, %dma_wait3A_52, %dma_wait3A_53] : memref<16x22x128xi32, #tpu.memory_space<hbm>> -> memref<1x22x128xi32, #tpu.memory_space<hbm>>
      %dma_wait3A_55 = tpu.memref_squeeze %dma_wait3A_54 : memref<1x22x128xi32, #tpu.memory_space<hbm>> -> memref<22x128xi32, #tpu.memory_space<hbm>>
      %dma_wait3A_56 = arith.constant 0 : i32
      %dma_wait3A_57 = arith.constant 0 : i32
      %dma_wait3A_58 = tpu.memref_slice %arg10[%dma_wait3A_56, %dma_wait3A_57] : memref<28x128xi32, #tpu.memory_space<vmem>> -> memref<22x128xi32, #tpu.memory_space<vmem>>
      %dma_wait3A_59 = arith.constant 0 : i32
      %dma_wait3A_60 = arith.constant 0 : i32
      %dma_wait3A_61 = tpu.memref_slice %arg6[%arg1, %dma_wait3A_59, %dma_wait3A_60] : memref<16x22x128xi32, #tpu.memory_space<hbm>> -> memref<1x22x128xi32, #tpu.memory_space<hbm>>
      %dma_wait3A_62 = tpu.memref_squeeze %dma_wait3A_61 : memref<1x22x128xi32, #tpu.memory_space<hbm>> -> memref<22x128xi32, #tpu.memory_space<hbm>>
      tpu.wait_dma2 semaphore(%arg15 : memref<!tpu.dma_semaphore, #tpu.memory_space<semaphore_mem>>) src(%dma_wait3A_62 : memref<22x128xi32, #tpu.memory_space<hbm>>) dst(%dma_wait3A_58 : memref<22x128xi32, #tpu.memory_space<vmem>>)
      %dma_start3A_63 = arith.constant 0 : i32
      %dma_start3A_64 = arith.constant 0 : i32
      %dma_start3A_65 = arith.constant 0 : i32
      %dma_start3A_66 = arith.constant 0 : i32
      %dma_start3A_67 = tpu.memref_slice %arg11[%dma_start3A_64, %dma_start3A_65, %dma_start3A_66] : memref<2x128x32xbf16, #tpu.memory_space<vmem>> -> memref<1x128x32xbf16, #tpu.memory_space<vmem>>
      %dma_start3A_68 = tpu.memref_squeeze %dma_start3A_67 : memref<1x128x32xbf16, #tpu.memory_space<vmem>> -> memref<128x32xbf16, #tpu.memory_space<vmem>>
      %dma_start3A_69 = arith.constant 0 : i32
      %dma_start3A_70 = tpu.memref_slice %arg9[%dma_start3A_63, %dma_start3A_69] : memref<28x128xi32, #tpu.memory_space<vmem>> -> memref<1x128xi32, #tpu.memory_space<vmem>>
      %dma_start3A_71 = tpu.memref_squeeze %dma_start3A_70 : memref<1x128xi32, #tpu.memory_space<vmem>> -> memref<128xi32, #tpu.memory_space<vmem>>
      %dma_start3A_72 = arith.constant 0 : i32
      %dma_start3A_73 = arith.constant 0 : i32
      %dma_start3A_74 = tpu.memref_slice %arg2[%dma_start3A_72, %dma_start3A_73] : memref<80000x32xbf16, #tpu.memory_space<hbm>> -> memref<80000x32xbf16, #tpu.memory_space<hbm>>
      tpu.enqueue_indirect_dma source(%dma_start3A_74 : memref<80000x32xbf16, #tpu.memory_space<hbm>>) target(%dma_start3A_68 : memref<128x32xbf16, #tpu.memory_space<vmem>>) offsets(%dma_start3A_71 : memref<128xi32, #tpu.memory_space<vmem>>) semaphore(%arg14 : memref<!tpu.dma_semaphore, #tpu.memory_space<semaphore_mem>>)
      %dma_start3A_75 = arith.constant 1 : i32
      %dma_start3A_76 = arith.constant 1 : i32
      %dma_start3A_77 = arith.constant 0 : i32
      %dma_start3A_78 = arith.constant 0 : i32
      %dma_start3A_79 = tpu.memref_slice %arg11[%dma_start3A_76, %dma_start3A_77, %dma_start3A_78] : memref<2x128x32xbf16, #tpu.memory_space<vmem>> -> memref<1x128x32xbf16, #tpu.memory_space<vmem>>
      %dma_start3A_80 = tpu.memref_squeeze %dma_start3A_79 : memref<1x128x32xbf16, #tpu.memory_space<vmem>> -> memref<128x32xbf16, #tpu.memory_space<vmem>>
      %dma_start3A_81 = arith.constant 0 : i32
      %dma_start3A_82 = tpu.memref_slice %arg9[%dma_start3A_75, %dma_start3A_81] : memref<28x128xi32, #tpu.memory_space<vmem>> -> memref<1x128xi32, #tpu.memory_space<vmem>>
      %dma_start3A_83 = tpu.memref_squeeze %dma_start3A_82 : memref<1x128xi32, #tpu.memory_space<vmem>> -> memref<128xi32, #tpu.memory_space<vmem>>
      %dma_start3A_84 = arith.constant 0 : i32
      %dma_start3A_85 = arith.constant 0 : i32
      %dma_start3A_86 = tpu.memref_slice %arg2[%dma_start3A_84, %dma_start3A_85] : memref<80000x32xbf16, #tpu.memory_space<hbm>> -> memref<80000x32xbf16, #tpu.memory_space<hbm>>
      tpu.enqueue_indirect_dma source(%dma_start3A_86 : memref<80000x32xbf16, #tpu.memory_space<hbm>>) target(%dma_start3A_80 : memref<128x32xbf16, #tpu.memory_space<vmem>>) offsets(%dma_start3A_83 : memref<128xi32, #tpu.memory_space<vmem>>) semaphore(%arg15 : memref<!tpu.dma_semaphore, #tpu.memory_space<semaphore_mem>>)
      %dma_wait3A_87 = arith.constant 0 : i32
      %dma_wait3A_88 = arith.constant 0 : i32
      %dma_wait3A_89 = arith.constant 0 : i32
      %dma_wait3A_90 = arith.constant 0 : i32
      %dma_wait3A_91 = tpu.memref_slice %arg11[%dma_wait3A_88, %dma_wait3A_89, %dma_wait3A_90] : memref<2x128x32xbf16, #tpu.memory_space<vmem>> -> memref<1x128x32xbf16, #tpu.memory_space<vmem>>
      %dma_wait3A_92 = tpu.memref_squeeze %dma_wait3A_91 : memref<1x128x32xbf16, #tpu.memory_space<vmem>> -> memref<128x32xbf16, #tpu.memory_space<vmem>>
      %dma_wait3A_93 = arith.constant 0 : i32
      %dma_wait3A_94 = tpu.memref_slice %arg9[%dma_wait3A_87, %dma_wait3A_93] : memref<28x128xi32, #tpu.memory_space<vmem>> -> memref<1x128xi32, #tpu.memory_space<vmem>>
      %dma_wait3A_95 = tpu.memref_squeeze %dma_wait3A_94 : memref<1x128xi32, #tpu.memory_space<vmem>> -> memref<128xi32, #tpu.memory_space<vmem>>
      %dma_wait3A_96 = arith.constant 0 : i32
      %dma_wait3A_97 = arith.constant 0 : i32
      %dma_wait3A_98 = tpu.memref_slice %arg2[%dma_wait3A_96, %dma_wait3A_97] : memref<80000x32xbf16, #tpu.memory_space<hbm>> -> memref<80000x32xbf16, #tpu.memory_space<hbm>>
      tpu.wait_indirect_dma semaphore(%arg14 : memref<!tpu.dma_semaphore, #tpu.memory_space<semaphore_mem>>) src(%dma_wait3A_98 : memref<80000x32xbf16, #tpu.memory_space<hbm>>) dst(%dma_wait3A_92 : memref<128x32xbf16, #tpu.memory_space<vmem>>)
      %scan3A = arith.constant 0 : i32
      %scan3A_99 = arith.constant 0 : i32
      %scan3A_100 = arith.constant 128 : i32
      %scan3A_101 = arith.addi %scan3A_99, %scan3A_100 : i32
      %scan3A_102 = arith.constant 1 : i32
      scf.for %scan3A_207 = %scan3A_99 to %scan3A_101 step %scan3A_102  : i32 {
        %get3A = arith.constant 0 : i32
        %get3A_208 = arith.index_cast %get3A : i32 to index
        %get3A_209 = arith.index_cast %scan3A_207 : i32 to index
        %get3A_210 = arith.constant 0 : index
        %get3A_211 = tpu.vector_load %arg11[%get3A_208, %get3A_209, %get3A_210] {strides = array<i32>} : memref<2x128x32xbf16, #tpu.memory_space<vmem>>, vector<32xbf16>,
        %unpack3A = tpu.unpack_subelements %get3A_211, 0 {pack_format = #tpu.pack_format<interleaved>} : vector<32xbf16> -> vector<16xf32>
        %unpack3A_212 = tpu.unpack_subelements %get3A_211, 1 {pack_format = #tpu.pack_format<interleaved>} : vector<32xbf16> -> vector<16xf32>
        %swap3A = arith.constant 0 : i32
        %swap3A_213 = arith.index_cast %swap3A : i32 to index
        %swap3A_214 = arith.index_cast %scan3A_207 : i32 to index
        %swap3A_215 = arith.constant 0 : index
        %swap3A_216 = tpu.vector_load %arg12[%swap3A_213, %swap3A_214, %swap3A_215] {strides = array<i32>} : memref<2x128x32xf32, #tpu.memory_space<vmem>>, vector<16xf32>,
        tpu.vector_store %arg12[%swap3A_213, %swap3A_214, %swap3A_215], %unpack3A {strides = array<i32>} : memref<2x128x32xf32, #tpu.memory_space<vmem>>, vector<16xf32>,
        %swap3A_217 = arith.constant 0 : i32
        %swap3A_218 = arith.index_cast %swap3A_217 : i32 to index
        %swap3A_219 = arith.index_cast %scan3A_207 : i32 to index
        %swap3A_220 = arith.constant 16 : index
        %swap3A_221 = tpu.vector_load %arg12[%swap3A_218, %swap3A_219, %swap3A_220] {strides = array<i32>} : memref<2x128x32xf32, #tpu.memory_space<vmem>>, vector<16xf32>,
        tpu.vector_store %arg12[%swap3A_218, %swap3A_219, %swap3A_220], %unpack3A_212 {strides = array<i32>} : memref<2x128x32xf32, #tpu.memory_space<vmem>>, vector<16xf32>,
      }
      %scan3A_103 = arith.constant 128 : i32
      %dma_start3A_104 = arith.constant 0 : i32
      %dma_start3A_105 = arith.constant 0 : i32
      %dma_start3A_106 = arith.constant 0 : i32
      %dma_start3A_107 = arith.constant 0 : i32
      %dma_start3A_108 = tpu.memref_slice %arg12[%dma_start3A_104, %dma_start3A_106, %dma_start3A_107] : memref<2x128x32xf32, #tpu.memory_space<vmem>> -> memref<1x128x32xf32, #tpu.memory_space<vmem>>
      %dma_start3A_109 = tpu.memref_squeeze %dma_start3A_108 : memref<1x128x32xf32, #tpu.memory_space<vmem>> -> memref<128x32xf32, #tpu.memory_space<vmem>>
      %dma_start3A_110 = arith.constant 0 : i32
      %dma_start3A_111 = tpu.memref_slice %arg10[%dma_start3A_105, %dma_start3A_110] : memref<28x128xi32, #tpu.memory_space<vmem>> -> memref<1x128xi32, #tpu.memory_space<vmem>>
      %dma_start3A_112 = tpu.memref_squeeze %dma_start3A_111 : memref<1x128xi32, #tpu.memory_space<vmem>> -> memref<128xi32, #tpu.memory_space<vmem>>
      %dma_start3A_113 = arith.constant 0 : i32
      %dma_start3A_114 = arith.constant 0 : i32
      %dma_start3A_115 = tpu.memref_slice %arg13[%dma_start3A_113, %dma_start3A_114] : memref<10240x32xf32, #tpu.memory_space<vmem_shared>> -> memref<10240x32xf32, #tpu.memory_space<vmem_shared>>
      tpu.enqueue_indirect_dma source(%dma_start3A_109 : memref<128x32xf32, #tpu.memory_space<vmem>>) target(%dma_start3A_115 : memref<10240x32xf32, #tpu.memory_space<vmem_shared>>) offsets(%dma_start3A_112 : memref<128xi32, #tpu.memory_space<vmem>>) semaphore(%arg16 : memref<!tpu.dma_semaphore, #tpu.memory_space<semaphore_mem>>) {add = true}
      %min3A = arith.constant 2 : i32
      %min3A_116 = arith.constant 21 : i32
      %min3A_117 = arith.minsi %min3A, %min3A_116 : i32
      %dma_start3A_118 = arith.constant 0 : i32
      %dma_start3A_119 = arith.constant 0 : i32
      %dma_start3A_120 = arith.constant 0 : i32
      %dma_start3A_121 = tpu.memref_slice %arg11[%dma_start3A_118, %dma_start3A_119, %dma_start3A_120] : memref<2x128x32xbf16, #tpu.memory_space<vmem>> -> memref<1x128x32xbf16, #tpu.memory_space<vmem>>
      %dma_start3A_122 = tpu.memref_squeeze %dma_start3A_121 : memref<1x128x32xbf16, #tpu.memory_space<vmem>> -> memref<128x32xbf16, #tpu.memory_space<vmem>>
      %dma_start3A_123 = arith.constant 0 : i32
      %dma_start3A_124 = tpu.memref_slice %arg9[%min3A_117, %dma_start3A_123] : memref<28x128xi32, #tpu.memory_space<vmem>> -> memref<1x128xi32, #tpu.memory_space<vmem>>
      %dma_start3A_125 = tpu.memref_squeeze %dma_start3A_124 : memref<1x128xi32, #tpu.memory_space<vmem>> -> memref<128xi32, #tpu.memory_space<vmem>>
      %dma_start3A_126 = arith.constant 0 : i32
      %dma_start3A_127 = arith.constant 0 : i32
      %dma_start3A_128 = tpu.memref_slice %arg2[%dma_start3A_126, %dma_start3A_127] : memref<80000x32xbf16, #tpu.memory_space<hbm>> -> memref<80000x32xbf16, #tpu.memory_space<hbm>>
      tpu.enqueue_indirect_dma source(%dma_start3A_128 : memref<80000x32xbf16, #tpu.memory_space<hbm>>) target(%dma_start3A_122 : memref<128x32xbf16, #tpu.memory_space<vmem>>) offsets(%dma_start3A_125 : memref<128xi32, #tpu.memory_space<vmem>>) semaphore(%arg14 : memref<!tpu.dma_semaphore, #tpu.memory_space<semaphore_mem>>)
      %dma_wait3A_129 = arith.constant 0 : i32
      %dma_wait3A_130 = arith.constant 0 : i32
      %dma_wait3A_131 = arith.constant 0 : i32
      %dma_wait3A_132 = arith.constant 0 : i32
      %dma_wait3A_133 = tpu.memref_slice %arg11[%dma_wait3A_130, %dma_wait3A_131, %dma_wait3A_132] : memref<2x128x32xbf16, #tpu.memory_space<vmem>> -> memref<1x128x32xbf16, #tpu.memory_space<vmem>>
      %dma_wait3A_134 = tpu.memref_squeeze %dma_wait3A_133 : memref<1x128x32xbf16, #tpu.memory_space<vmem>> -> memref<128x32xbf16, #tpu.memory_space<vmem>>
      %dma_wait3A_135 = arith.constant 0 : i32
      %dma_wait3A_136 = tpu.memref_slice %arg9[%dma_wait3A_129, %dma_wait3A_135] : memref<28x128xi32, #tpu.memory_space<vmem>> -> memref<1x128xi32, #tpu.memory_space<vmem>>
      %dma_wait3A_137 = tpu.memref_squeeze %dma_wait3A_136 : memref<1x128xi32, #tpu.memory_space<vmem>> -> memref<128xi32, #tpu.memory_space<vmem>>
      %dma_wait3A_138 = arith.constant 0 : i32
      %dma_wait3A_139 = arith.constant 0 : i32
      %dma_wait3A_140 = tpu.memref_slice %arg2[%dma_wait3A_138, %dma_wait3A_139] : memref<80000x32xbf16, #tpu.memory_space<hbm>> -> memref<80000x32xbf16, #tpu.memory_space<hbm>>
      tpu.wait_indirect_dma semaphore(%arg15 : memref<!tpu.dma_semaphore, #tpu.memory_space<semaphore_mem>>) src(%dma_wait3A_140 : memref<80000x32xbf16, #tpu.memory_space<hbm>>) dst(%dma_wait3A_134 : memref<128x32xbf16, #tpu.memory_space<vmem>>)
      %scan3A_141 = arith.constant 0 : i32
      %scan3A_142 = arith.constant 0 : i32
      %scan3A_143 = arith.constant 128 : i32
      %scan3A_144 = arith.addi %scan3A_142, %scan3A_143 : i32
      %scan3A_145 = arith.constant 1 : i32
      scf.for %scan3A_207 = %scan3A_142 to %scan3A_144 step %scan3A_145  : i32 {
        %get3A = arith.constant 1 : i32
        %get3A_208 = arith.index_cast %get3A : i32 to index
        %get3A_209 = arith.index_cast %scan3A_207 : i32 to index
        %get3A_210 = arith.constant 0 : index
        %get3A_211 = tpu.vector_load %arg11[%get3A_208, %get3A_209, %get3A_210] {strides = array<i32>} : memref<2x128x32xbf16, #tpu.memory_space<vmem>>, vector<32xbf16>,
        %unpack3A = tpu.unpack_subelements %get3A_211, 0 {pack_format = #tpu.pack_format<interleaved>} : vector<32xbf16> -> vector<16xf32>
        %unpack3A_212 = tpu.unpack_subelements %get3A_211, 1 {pack_format = #tpu.pack_format<interleaved>} : vector<32xbf16> -> vector<16xf32>
        %swap3A = arith.constant 1 : i32
        %swap3A_213 = arith.index_cast %swap3A : i32 to index
        %swap3A_214 = arith.index_cast %scan3A_207 : i32 to index
        %swap3A_215 = arith.constant 0 : index
        %swap3A_216 = tpu.vector_load %arg12[%swap3A_213, %swap3A_214, %swap3A_215] {strides = array<i32>} : memref<2x128x32xf32, #tpu.memory_space<vmem>>, vector<16xf32>,
        tpu.vector_store %arg12[%swap3A_213, %swap3A_214, %swap3A_215], %unpack3A {strides = array<i32>} : memref<2x128x32xf32, #tpu.memory_space<vmem>>, vector<16xf32>,
        %swap3A_217 = arith.constant 1 : i32
        %swap3A_218 = arith.index_cast %swap3A_217 : i32 to index
        %swap3A_219 = arith.index_cast %scan3A_207 : i32 to index
        %swap3A_220 = arith.constant 16 : index
        %swap3A_221 = tpu.vector_load %arg12[%swap3A_218, %swap3A_219, %swap3A_220] {strides = array<i32>} : memref<2x128x32xf32, #tpu.memory_space<vmem>>, vector<16xf32>,
        tpu.vector_store %arg12[%swap3A_218, %swap3A_219, %swap3A_220], %unpack3A_212 {strides = array<i32>} : memref<2x128x32xf32, #tpu.memory_space<vmem>>, vector<16xf32>,
      }
      %scan3A_146 = arith.constant 128 : i32
      %dma_start3A_147 = arith.constant 1 : i32
      %dma_start3A_148 = arith.constant 1 : i32
      %dma_start3A_149 = arith.constant 0 : i32
      %dma_start3A_150 = arith.constant 0 : i32
      %dma_start3A_151 = tpu.memref_slice %arg12[%dma_start3A_147, %dma_start3A_149, %dma_start3A_150] : memref<2x128x32xf32, #tpu.memory_space<vmem>> -> memref<1x128x32xf32, #tpu.memory_space<vmem>>
      %dma_start3A_152 = tpu.memref_squeeze %dma_start3A_151 : memref<1x128x32xf32, #tpu.memory_space<vmem>> -> memref<128x32xf32, #tpu.memory_space<vmem>>
      %dma_start3A_153 = arith.constant 0 : i32
      %dma_start3A_154 = tpu.memref_slice %arg10[%dma_start3A_148, %dma_start3A_153] : memref<28x128xi32, #tpu.memory_space<vmem>> -> memref<1x128xi32, #tpu.memory_space<vmem>>
      %dma_start3A_155 = tpu.memref_squeeze %dma_start3A_154 : memref<1x128xi32, #tpu.memory_space<vmem>> -> memref<128xi32, #tpu.memory_space<vmem>>
      %dma_start3A_156 = arith.constant 0 : i32
      %dma_start3A_157 = arith.constant 0 : i32
      %dma_start3A_158 = tpu.memref_slice %arg13[%dma_start3A_156, %dma_start3A_157] : memref<10240x32xf32, #tpu.memory_space<vmem_shared>> -> memref<10240x32xf32, #tpu.memory_space<vmem_shared>>
      tpu.enqueue_indirect_dma source(%dma_start3A_152 : memref<128x32xf32, #tpu.memory_space<vmem>>) target(%dma_start3A_158 : memref<10240x32xf32, #tpu.memory_space<vmem_shared>>) offsets(%dma_start3A_155 : memref<128xi32, #tpu.memory_space<vmem>>) semaphore(%arg17 : memref<!tpu.dma_semaphore, #tpu.memory_space<semaphore_mem>>) {add = true}
      %scan3A_159 = arith.constant 0 : i32
      %scan3A_160 = arith.constant 0 : i32
      %scan3A_161 = arith.constant 10 : i32
      %scan3A_162 = arith.addi %scan3A_160, %scan3A_161 : i32
      %scan3A_163 = arith.constant 1 : i32
      scf.for %scan3A_207 = %scan3A_160 to %scan3A_162 step %scan3A_163  : i32 {
        %mul3A_208 = arith.constant 2 : i32
        %mul3A_209 = arith.muli %mul3A_208, %scan3A_207 : i32
        %add3A = arith.constant 2 : i32
        %add3A_210 = arith.addi %mul3A_209, %add3A : i32
        %add3A_211 = arith.constant 1 : i32
        %add3A_212 = arith.addi %add3A_210, %add3A_211 : i32
        %min3A_213 = arith.constant 21 : i32
        %min3A_214 = arith.minsi %add3A_212, %min3A_213 : i32
        %dma_start3A_215 = arith.constant 1 : i32
        %dma_start3A_216 = arith.constant 0 : i32
        %dma_start3A_217 = arith.constant 0 : i32
        %dma_start3A_218 = tpu.memref_slice %arg11[%dma_start3A_215, %dma_start3A_216, %dma_start3A_217] : memref<2x128x32xbf16, #tpu.memory_space<vmem>> -> memref<1x128x32xbf16, #tpu.memory_space<vmem>>
        %dma_start3A_219 = tpu.memref_squeeze %dma_start3A_218 : memref<1x128x32xbf16, #tpu.memory_space<vmem>> -> memref<128x32xbf16, #tpu.memory_space<vmem>>
        %dma_start3A_220 = arith.constant 0 : i32
        %dma_start3A_221 = tpu.memref_slice %arg9[%min3A_214, %dma_start3A_220] : memref<28x128xi32, #tpu.memory_space<vmem>> -> memref<1x128xi32, #tpu.memory_space<vmem>>
        %dma_start3A_222 = tpu.memref_squeeze %dma_start3A_221 : memref<1x128xi32, #tpu.memory_space<vmem>> -> memref<128xi32, #tpu.memory_space<vmem>>
        %dma_start3A_223 = arith.constant 0 : i32
        %dma_start3A_224 = arith.constant 0 : i32
        %dma_start3A_225 = tpu.memref_slice %arg2[%dma_start3A_223, %dma_start3A_224] : memref<80000x32xbf16, #tpu.memory_space<hbm>> -> memref<80000x32xbf16, #tpu.memory_space<hbm>>
        tpu.enqueue_indirect_dma source(%dma_start3A_225 : memref<80000x32xbf16, #tpu.memory_space<hbm>>) target(%dma_start3A_219 : memref<128x32xbf16, #tpu.memory_space<vmem>>) offsets(%dma_start3A_222 : memref<128xi32, #tpu.memory_space<vmem>>) semaphore(%arg15 : memref<!tpu.dma_semaphore, #tpu.memory_space<semaphore_mem>>)
        %dma_wait3A_226 = arith.constant 0 : i32
        %dma_wait3A_227 = arith.constant 0 : i32
        %dma_wait3A_228 = arith.constant 0 : i32
        %dma_wait3A_229 = tpu.memref_slice %arg12[%dma_wait3A_226, %dma_wait3A_227, %dma_wait3A_228] : memref<2x128x32xf32, #tpu.memory_space<vmem>> -> memref<1x128x32xf32, #tpu.memory_space<vmem>>
        %dma_wait3A_230 = tpu.memref_squeeze %dma_wait3A_229 : memref<1x128x32xf32, #tpu.memory_space<vmem>> -> memref<128x32xf32, #tpu.memory_space<vmem>>
        %dma_wait3A_231 = arith.constant 0 : i32
        %dma_wait3A_232 = arith.constant 0 : i32
        %dma_wait3A_233 = tpu.memref_slice %arg13[%dma_wait3A_231, %dma_wait3A_232] : memref<10240x32xf32, #tpu.memory_space<vmem_shared>> -> memref<128x32xf32, #tpu.memory_space<vmem_shared>>
        %dma_wait3A_234 = arith.constant 0 : i32
        %dma_wait3A_235 = arith.constant 0 : i32
        %dma_wait3A_236 = tpu.memref_slice %arg13[%dma_wait3A_234, %dma_wait3A_235] : memref<10240x32xf32, #tpu.memory_space<vmem_shared>> -> memref<128x32xf32, #tpu.memory_space<vmem_shared>>
        %dma_wait3A_237 = arith.constant 0 : i32
        %dma_wait3A_238 = arith.constant 0 : i32
        %dma_wait3A_239 = tpu.memref_slice %arg12[%dma_wait3A_226, %dma_wait3A_237, %dma_wait3A_238] : memref<2x128x32xf32, #tpu.memory_space<vmem>> -> memref<1x128x32xf32, #tpu.memory_space<vmem>>
        %dma_wait3A_240 = tpu.memref_squeeze %dma_wait3A_239 : memref<1x128x32xf32, #tpu.memory_space<vmem>> -> memref<128x32xf32, #tpu.memory_space<vmem>>
        tpu.wait_dma2 semaphore(%arg16 : memref<!tpu.dma_semaphore, #tpu.memory_space<semaphore_mem>>) src(%dma_wait3A_240 : memref<128x32xf32, #tpu.memory_space<vmem>>) dst(%dma_wait3A_236 : memref<128x32xf32, #tpu.memory_space<vmem_shared>>)
        %dma_wait3A_241 = arith.constant 0 : i32
        %dma_wait3A_242 = arith.constant 0 : i32
        %dma_wait3A_243 = arith.constant 0 : i32
        %dma_wait3A_244 = arith.constant 0 : i32
        %dma_wait3A_245 = tpu.memref_slice %arg11[%dma_wait3A_242, %dma_wait3A_243, %dma_wait3A_244] : memref<2x128x32xbf16, #tpu.memory_space<vmem>> -> memref<1x128x32xbf16, #tpu.memory_space<vmem>>
        %dma_wait3A_246 = tpu.memref_squeeze %dma_wait3A_245 : memref<1x128x32xbf16, #tpu.memory_space<vmem>> -> memref<128x32xbf16, #tpu.memory_space<vmem>>
        %dma_wait3A_247 = arith.constant 0 : i32
        %dma_wait3A_248 = tpu.memref_slice %arg9[%dma_wait3A_241, %dma_wait3A_247] : memref<28x128xi32, #tpu.memory_space<vmem>> -> memref<1x128xi32, #tpu.memory_space<vmem>>
        %dma_wait3A_249 = tpu.memref_squeeze %dma_wait3A_248 : memref<1x128xi32, #tpu.memory_space<vmem>> -> memref<128xi32, #tpu.memory_space<vmem>>
        %dma_wait3A_250 = arith.constant 0 : i32
        %dma_wait3A_251 = arith.constant 0 : i32
        %dma_wait3A_252 = tpu.memref_slice %arg2[%dma_wait3A_250, %dma_wait3A_251] : memref<80000x32xbf16, #tpu.memory_space<hbm>> -> memref<80000x32xbf16, #tpu.memory_space<hbm>>
        tpu.wait_indirect_dma semaphore(%arg14 : memref<!tpu.dma_semaphore, #tpu.memory_space<semaphore_mem>>) src(%dma_wait3A_252 : memref<80000x32xbf16, #tpu.memory_space<hbm>>) dst(%dma_wait3A_246 : memref<128x32xbf16, #tpu.memory_space<vmem>>)
        %scan3A_253 = arith.constant 0 : i32
        %scan3A_254 = arith.constant 0 : i32
        %scan3A_255 = arith.constant 128 : i32
        %scan3A_256 = arith.addi %scan3A_254, %scan3A_255 : i32
        %scan3A_257 = arith.constant 1 : i32
        scf.for %scan3A_333 = %scan3A_254 to %scan3A_256 step %scan3A_257  : i32 {
          %get3A = arith.constant 0 : i32
          %get3A_334 = arith.index_cast %get3A : i32 to index
          %get3A_335 = arith.index_cast %scan3A_333 : i32 to index
          %get3A_336 = arith.constant 0 : index
          %get3A_337 = tpu.vector_load %arg11[%get3A_334, %get3A_335, %get3A_336] {strides = array<i32>} : memref<2x128x32xbf16, #tpu.memory_space<vmem>>, vector<32xbf16>,
          %unpack3A = tpu.unpack_subelements %get3A_337, 0 {pack_format = #tpu.pack_format<interleaved>} : vector<32xbf16> -> vector<16xf32>
          %unpack3A_338 = tpu.unpack_subelements %get3A_337, 1 {pack_format = #tpu.pack_format<interleaved>} : vector<32xbf16> -> vector<16xf32>
          %swap3A = arith.constant 0 : i32
          %swap3A_339 = arith.index_cast %swap3A : i32 to index
          %swap3A_340 = arith.index_cast %scan3A_333 : i32 to index
          %swap3A_341 = arith.constant 0 : index
          %swap3A_342 = tpu.vector_load %arg12[%swap3A_339, %swap3A_340, %swap3A_341] {strides = array<i32>} : memref<2x128x32xf32, #tpu.memory_space<vmem>>, vector<16xf32>,
          tpu.vector_store %arg12[%swap3A_339, %swap3A_340, %swap3A_341], %unpack3A {strides = array<i32>} : memref<2x128x32xf32, #tpu.memory_space<vmem>>, vector<16xf32>,
          %swap3A_343 = arith.constant 0 : i32
          %swap3A_344 = arith.index_cast %swap3A_343 : i32 to index
          %swap3A_345 = arith.index_cast %scan3A_333 : i32 to index
          %swap3A_346 = arith.constant 16 : index
          %swap3A_347 = tpu.vector_load %arg12[%swap3A_344, %swap3A_345, %swap3A_346] {strides = array<i32>} : memref<2x128x32xf32, #tpu.memory_space<vmem>>, vector<16xf32>,
          tpu.vector_store %arg12[%swap3A_344, %swap3A_345, %swap3A_346], %unpack3A_338 {strides = array<i32>} : memref<2x128x32xf32, #tpu.memory_space<vmem>>, vector<16xf32>,
        }
        %scan3A_258 = arith.constant 128 : i32
        %dma_start3A_259 = arith.constant 0 : i32
        %dma_start3A_260 = arith.constant 0 : i32
        %dma_start3A_261 = arith.constant 0 : i32
        %dma_start3A_262 = tpu.memref_slice %arg12[%dma_start3A_259, %dma_start3A_260, %dma_start3A_261] : memref<2x128x32xf32, #tpu.memory_space<vmem>> -> memref<1x128x32xf32, #tpu.memory_space<vmem>>
        %dma_start3A_263 = tpu.memref_squeeze %dma_start3A_262 : memref<1x128x32xf32, #tpu.memory_space<vmem>> -> memref<128x32xf32, #tpu.memory_space<vmem>>
        %dma_start3A_264 = arith.constant 0 : i32
        %dma_start3A_265 = tpu.memref_slice %arg10[%add3A_210, %dma_start3A_264] : memref<28x128xi32, #tpu.memory_space<vmem>> -> memref<1x128xi32, #tpu.memory_space<vmem>>
        %dma_start3A_266 = tpu.memref_squeeze %dma_start3A_265 : memref<1x128xi32, #tpu.memory_space<vmem>> -> memref<128xi32, #tpu.memory_space<vmem>>
        %dma_start3A_267 = arith.constant 0 : i32
        %dma_start3A_268 = arith.constant 0 : i32
        %dma_start3A_269 = tpu.memref_slice %arg13[%dma_start3A_267, %dma_start3A_268] : memref<10240x32xf32, #tpu.memory_space<vmem_shared>> -> memref<10240x32xf32, #tpu.memory_space<vmem_shared>>
        tpu.enqueue_indirect_dma source(%dma_start3A_263 : memref<128x32xf32, #tpu.memory_space<vmem>>) target(%dma_start3A_269 : memref<10240x32xf32, #tpu.memory_space<vmem_shared>>) offsets(%dma_start3A_266 : memref<128xi32, #tpu.memory_space<vmem>>) semaphore(%arg16 : memref<!tpu.dma_semaphore, #tpu.memory_space<semaphore_mem>>) {add = true}
        %mul3A_270 = arith.constant 2 : i32
        %mul3A_271 = arith.muli %mul3A_270, %scan3A_207 : i32
        %add3A_272 = arith.constant 3 : i32
        %add3A_273 = arith.addi %mul3A_271, %add3A_272 : i32
        %add3A_274 = arith.constant 1 : i32
        %add3A_275 = arith.addi %add3A_273, %add3A_274 : i32
        %min3A_276 = arith.constant 21 : i32
        %min3A_277 = arith.minsi %add3A_275, %min3A_276 : i32
        %dma_start3A_278 = arith.constant 0 : i32
        %dma_start3A_279 = arith.constant 0 : i32
        %dma_start3A_280 = arith.constant 0 : i32
        %dma_start3A_281 = tpu.memref_slice %arg11[%dma_start3A_278, %dma_start3A_279, %dma_start3A_280] : memref<2x128x32xbf16, #tpu.memory_space<vmem>> -> memref<1x128x32xbf16, #tpu.memory_space<vmem>>
        %dma_start3A_282 = tpu.memref_squeeze %dma_start3A_281 : memref<1x128x32xbf16, #tpu.memory_space<vmem>> -> memref<128x32xbf16, #tpu.memory_space<vmem>>
        %dma_start3A_283 = arith.constant 0 : i32
        %dma_start3A_284 = tpu.memref_slice %arg9[%min3A_277, %dma_start3A_283] : memref<28x128xi32, #tpu.memory_space<vmem>> -> memref<1x128xi32, #tpu.memory_space<vmem>>
        %dma_start3A_285 = tpu.memref_squeeze %dma_start3A_284 : memref<1x128xi32, #tpu.memory_space<vmem>> -> memref<128xi32, #tpu.memory_space<vmem>>
        %dma_start3A_286 = arith.constant 0 : i32
        %dma_start3A_287 = arith.constant 0 : i32
        %dma_start3A_288 = tpu.memref_slice %arg2[%dma_start3A_286, %dma_start3A_287] : memref<80000x32xbf16, #tpu.memory_space<hbm>> -> memref<80000x32xbf16, #tpu.memory_space<hbm>>
        tpu.enqueue_indirect_dma source(%dma_start3A_288 : memref<80000x32xbf16, #tpu.memory_space<hbm>>) target(%dma_start3A_282 : memref<128x32xbf16, #tpu.memory_space<vmem>>) offsets(%dma_start3A_285 : memref<128xi32, #tpu.memory_space<vmem>>) semaphore(%arg14 : memref<!tpu.dma_semaphore, #tpu.memory_space<semaphore_mem>>)
        %dma_wait3A_289 = arith.constant 1 : i32
        %dma_wait3A_290 = arith.constant 0 : i32
        %dma_wait3A_291 = arith.constant 0 : i32
        %dma_wait3A_292 = tpu.memref_slice %arg12[%dma_wait3A_289, %dma_wait3A_290, %dma_wait3A_291] : memref<2x128x32xf32, #tpu.memory_space<vmem>> -> memref<1x128x32xf32, #tpu.memory_space<vmem>>
        %dma_wait3A_293 = tpu.memref_squeeze %dma_wait3A_292 : memref<1x128x32xf32, #tpu.memory_space<vmem>> -> memref<128x32xf32, #tpu.memory_space<vmem>>
        %dma_wait3A_294 = arith.constant 0 : i32
        %dma_wait3A_295 = arith.constant 0 : i32
        %dma_wait3A_296 = tpu.memref_slice %arg13[%dma_wait3A_294, %dma_wait3A_295] : memref<10240x32xf32, #tpu.memory_space<vmem_shared>> -> memref<128x32xf32, #tpu.memory_space<vmem_shared>>
        %dma_wait3A_297 = arith.constant 0 : i32
        %dma_wait3A_298 = arith.constant 0 : i32
        %dma_wait3A_299 = tpu.memref_slice %arg13[%dma_wait3A_297, %dma_wait3A_298] : memref<10240x32xf32, #tpu.memory_space<vmem_shared>> -> memref<128x32xf32, #tpu.memory_space<vmem_shared>>
        %dma_wait3A_300 = arith.constant 0 : i32
        %dma_wait3A_301 = arith.constant 0 : i32
        %dma_wait3A_302 = tpu.memref_slice %arg12[%dma_wait3A_289, %dma_wait3A_300, %dma_wait3A_301] : memref<2x128x32xf32, #tpu.memory_space<vmem>> -> memref<1x128x32xf32, #tpu.memory_space<vmem>>
        %dma_wait3A_303 = tpu.memref_squeeze %dma_wait3A_302 : memref<1x128x32xf32, #tpu.memory_space<vmem>> -> memref<128x32xf32, #tpu.memory_space<vmem>>
        tpu.wait_dma2 semaphore(%arg17 : memref<!tpu.dma_semaphore, #tpu.memory_space<semaphore_mem>>) src(%dma_wait3A_303 : memref<128x32xf32, #tpu.memory_space<vmem>>) dst(%dma_wait3A_299 : memref<128x32xf32, #tpu.memory_space<vmem_shared>>)
        %dma_wait3A_304 = arith.constant 0 : i32
        %dma_wait3A_305 = arith.constant 0 : i32
        %dma_wait3A_306 = arith.constant 0 : i32
        %dma_wait3A_307 = arith.constant 0 : i32
        %dma_wait3A_308 = tpu.memref_slice %arg11[%dma_wait3A_305, %dma_wait3A_306, %dma_wait3A_307] : memref<2x128x32xbf16, #tpu.memory_space<vmem>> -> memref<1x128x32xbf16, #tpu.memory_space<vmem>>
        %dma_wait3A_309 = tpu.memref_squeeze %dma_wait3A_308 : memref<1x128x32xbf16, #tpu.memory_space<vmem>> -> memref<128x32xbf16, #tpu.memory_space<vmem>>
        %dma_wait3A_310 = arith.constant 0 : i32
        %dma_wait3A_311 = tpu.memref_slice %arg9[%dma_wait3A_304, %dma_wait3A_310] : memref<28x128xi32, #tpu.memory_space<vmem>> -> memref<1x128xi32, #tpu.memory_space<vmem>>
        %dma_wait3A_312 = tpu.memref_squeeze %dma_wait3A_311 : memref<1x128xi32, #tpu.memory_space<vmem>> -> memref<128xi32, #tpu.memory_space<vmem>>
        %dma_wait3A_313 = arith.constant 0 : i32
        %dma_wait3A_314 = arith.constant 0 : i32
        %dma_wait3A_315 = tpu.memref_slice %arg2[%dma_wait3A_313, %dma_wait3A_314] : memref<80000x32xbf16, #tpu.memory_space<hbm>> -> memref<80000x32xbf16, #tpu.memory_space<hbm>>
        tpu.wait_indirect_dma semaphore(%arg15 : memref<!tpu.dma_semaphore, #tpu.memory_space<semaphore_mem>>) src(%dma_wait3A_315 : memref<80000x32xbf16, #tpu.memory_space<hbm>>) dst(%dma_wait3A_309 : memref<128x32xbf16, #tpu.memory_space<vmem>>)
        %scan3A_316 = arith.constant 0 : i32
        %scan3A_317 = arith.constant 0 : i32
        %scan3A_318 = arith.constant 128 : i32
        %scan3A_319 = arith.addi %scan3A_317, %scan3A_318 : i32
        %scan3A_320 = arith.constant 1 : i32
        scf.for %scan3A_333 = %scan3A_317 to %scan3A_319 step %scan3A_320  : i32 {
          %get3A = arith.constant 1 : i32
          %get3A_334 = arith.index_cast %get3A : i32 to index
          %get3A_335 = arith.index_cast %scan3A_333 : i32 to index
          %get3A_336 = arith.constant 0 : index
          %get3A_337 = tpu.vector_load %arg11[%get3A_334, %get3A_335, %get3A_336] {strides = array<i32>} : memref<2x128x32xbf16, #tpu.memory_space<vmem>>, vector<32xbf16>,
          %unpack3A = tpu.unpack_subelements %get3A_337, 0 {pack_format = #tpu.pack_format<interleaved>} : vector<32xbf16> -> vector<16xf32>
          %unpack3A_338 = tpu.unpack_subelements %get3A_337, 1 {pack_format = #tpu.pack_format<interleaved>} : vector<32xbf16> -> vector<16xf32>
          %swap3A = arith.constant 1 : i32
          %swap3A_339 = arith.index_cast %swap3A : i32 to index
          %swap3A_340 = arith.index_cast %scan3A_333 : i32 to index
          %swap3A_341 = arith.constant 0 : index
          %swap3A_342 = tpu.vector_load %arg12[%swap3A_339, %swap3A_340, %swap3A_341] {strides = array<i32>} : memref<2x128x32xf32, #tpu.memory_space<vmem>>, vector<16xf32>,
          tpu.vector_store %arg12[%swap3A_339, %swap3A_340, %swap3A_341], %unpack3A {strides = array<i32>} : memref<2x128x32xf32, #tpu.memory_space<vmem>>, vector<16xf32>,
          %swap3A_343 = arith.constant 1 : i32
          %swap3A_344 = arith.index_cast %swap3A_343 : i32 to index
          %swap3A_345 = arith.index_cast %scan3A_333 : i32 to index
          %swap3A_346 = arith.constant 16 : index
          %swap3A_347 = tpu.vector_load %arg12[%swap3A_344, %swap3A_345, %swap3A_346] {strides = array<i32>} : memref<2x128x32xf32, #tpu.memory_space<vmem>>, vector<16xf32>,
          tpu.vector_store %arg12[%swap3A_344, %swap3A_345, %swap3A_346], %unpack3A_338 {strides = array<i32>} : memref<2x128x32xf32, #tpu.memory_space<vmem>>, vector<16xf32>,
        }
        %scan3A_321 = arith.constant 128 : i32
        %dma_start3A_322 = arith.constant 1 : i32
        %dma_start3A_323 = arith.constant 0 : i32
        %dma_start3A_324 = arith.constant 0 : i32
        %dma_start3A_325 = tpu.memref_slice %arg12[%dma_start3A_322, %dma_start3A_323, %dma_start3A_324] : memref<2x128x32xf32, #tpu.memory_space<vmem>> -> memref<1x128x32xf32, #tpu.memory_space<vmem>>
        %dma_start3A_326 = tpu.memref_squeeze %dma_start3A_325 : memref<1x128x32xf32, #tpu.memory_space<vmem>> -> memref<128x32xf32, #tpu.memory_space<vmem>>
        %dma_start3A_327 = arith.constant 0 : i32
        %dma_start3A_328 = tpu.memref_slice %arg10[%add3A_273, %dma_start3A_327] : memref<28x128xi32, #tpu.memory_space<vmem>> -> memref<1x128xi32, #tpu.memory_space<vmem>>
        %dma_start3A_329 = tpu.memref_squeeze %dma_start3A_328 : memref<1x128xi32, #tpu.memory_space<vmem>> -> memref<128xi32, #tpu.memory_space<vmem>>
        %dma_start3A_330 = arith.constant 0 : i32
        %dma_start3A_331 = arith.constant 0 : i32
        %dma_start3A_332 = tpu.memref_slice %arg13[%dma_start3A_330, %dma_start3A_331] : memref<10240x32xf32, #tpu.memory_space<vmem_shared>> -> memref<10240x32xf32, #tpu.memory_space<vmem_shared>>
        tpu.enqueue_indirect_dma source(%dma_start3A_326 : memref<128x32xf32, #tpu.memory_space<vmem>>) target(%dma_start3A_332 : memref<10240x32xf32, #tpu.memory_space<vmem_shared>>) offsets(%dma_start3A_329 : memref<128xi32, #tpu.memory_space<vmem>>) semaphore(%arg17 : memref<!tpu.dma_semaphore, #tpu.memory_space<semaphore_mem>>) {add = true}
      }
      %scan3A_164 = arith.constant 10 : i32
      %dma_wait3A_165 = arith.constant 0 : i32
      %dma_wait3A_166 = arith.constant 0 : i32
      %dma_wait3A_167 = arith.constant 0 : i32
      %dma_wait3A_168 = tpu.memref_slice %arg12[%dma_wait3A_165, %dma_wait3A_166, %dma_wait3A_167] : memref<2x128x32xf32, #tpu.memory_space<vmem>> -> memref<1x128x32xf32, #tpu.memory_space<vmem>>
      %dma_wait3A_169 = tpu.memref_squeeze %dma_wait3A_168 : memref<1x128x32xf32, #tpu.memory_space<vmem>> -> memref<128x32xf32, #tpu.memory_space<vmem>>
      %dma_wait3A_170 = arith.constant 0 : i32
      %dma_wait3A_171 = arith.constant 0 : i32
      %dma_wait3A_172 = tpu.memref_slice %arg13[%dma_wait3A_170, %dma_wait3A_171] : memref<10240x32xf32, #tpu.memory_space<vmem_shared>> -> memref<128x32xf32, #tpu.memory_space<vmem_shared>>
      %dma_wait3A_173 = arith.constant 0 : i32
      %dma_wait3A_174 = arith.constant 0 : i32
      %dma_wait3A_175 = tpu.memref_slice %arg13[%dma_wait3A_173, %dma_wait3A_174] : memref<10240x32xf32, #tpu.memory_space<vmem_shared>> -> memref<128x32xf32, #tpu.memory_space<vmem_shared>>
      %dma_wait3A_176 = arith.constant 0 : i32
      %dma_wait3A_177 = arith.constant 0 : i32
      %dma_wait3A_178 = tpu.memref_slice %arg12[%dma_wait3A_165, %dma_wait3A_176, %dma_wait3A_177] : memref<2x128x32xf32, #tpu.memory_space<vmem>> -> memref<1x128x32xf32, #tpu.memory_space<vmem>>
      %dma_wait3A_179 = tpu.memref_squeeze %dma_wait3A_178 : memref<1x128x32xf32, #tpu.memory_space<vmem>> -> memref<128x32xf32, #tpu.memory_space<vmem>>
      tpu.wait_dma2 semaphore(%arg16 : memref<!tpu.dma_semaphore, #tpu.memory_space<semaphore_mem>>) src(%dma_wait3A_179 : memref<128x32xf32, #tpu.memory_space<vmem>>) dst(%dma_wait3A_175 : memref<128x32xf32, #tpu.memory_space<vmem_shared>>)
      %dma_wait3A_180 = arith.constant 1 : i32
      %dma_wait3A_181 = arith.constant 0 : i32
      %dma_wait3A_182 = arith.constant 0 : i32
      %dma_wait3A_183 = tpu.memref_slice %arg12[%dma_wait3A_180, %dma_wait3A_181, %dma_wait3A_182] : memref<2x128x32xf32, #tpu.memory_space<vmem>> -> memref<1x128x32xf32, #tpu.memory_space<vmem>>
      %dma_wait3A_184 = tpu.memref_squeeze %dma_wait3A_183 : memref<1x128x32xf32, #tpu.memory_space<vmem>> -> memref<128x32xf32, #tpu.memory_space<vmem>>
      %dma_wait3A_185 = arith.constant 0 : i32
      %dma_wait3A_186 = arith.constant 0 : i32
      %dma_wait3A_187 = tpu.memref_slice %arg13[%dma_wait3A_185, %dma_wait3A_186] : memref<10240x32xf32, #tpu.memory_space<vmem_shared>> -> memref<128x32xf32, #tpu.memory_space<vmem_shared>>
      %dma_wait3A_188 = arith.constant 0 : i32
      %dma_wait3A_189 = arith.constant 0 : i32
      %dma_wait3A_190 = tpu.memref_slice %arg13[%dma_wait3A_188, %dma_wait3A_189] : memref<10240x32xf32, #tpu.memory_space<vmem_shared>> -> memref<128x32xf32, #tpu.memory_space<vmem_shared>>
      %dma_wait3A_191 = arith.constant 0 : i32
      %dma_wait3A_192 = arith.constant 0 : i32
      %dma_wait3A_193 = tpu.memref_slice %arg12[%dma_wait3A_180, %dma_wait3A_191, %dma_wait3A_192] : memref<2x128x32xf32, #tpu.memory_space<vmem>> -> memref<1x128x32xf32, #tpu.memory_space<vmem>>
      %dma_wait3A_194 = tpu.memref_squeeze %dma_wait3A_193 : memref<1x128x32xf32, #tpu.memory_space<vmem>> -> memref<128x32xf32, #tpu.memory_space<vmem>>
      tpu.wait_dma2 semaphore(%arg17 : memref<!tpu.dma_semaphore, #tpu.memory_space<semaphore_mem>>) src(%dma_wait3A_194 : memref<128x32xf32, #tpu.memory_space<vmem>>) dst(%dma_wait3A_190 : memref<128x32xf32, #tpu.memory_space<vmem_shared>>)
      %dma_wait3A_195 = arith.constant 0 : i32
      %dma_wait3A_196 = arith.constant 0 : i32
      %dma_wait3A_197 = arith.constant 0 : i32
      %dma_wait3A_198 = arith.constant 0 : i32
      %dma_wait3A_199 = tpu.memref_slice %arg11[%dma_wait3A_196, %dma_wait3A_197, %dma_wait3A_198] : memref<2x128x32xbf16, #tpu.memory_space<vmem>> -> memref<1x128x32xbf16, #tpu.memory_space<vmem>>
      %dma_wait3A_200 = tpu.memref_squeeze %dma_wait3A_199 : memref<1x128x32xbf16, #tpu.memory_space<vmem>> -> memref<128x32xbf16, #tpu.memory_space<vmem>>
      %dma_wait3A_201 = arith.constant 0 : i32
      %dma_wait3A_202 = tpu.memref_slice %arg9[%dma_wait3A_195, %dma_wait3A_201] : memref<28x128xi32, #tpu.memory_space<vmem>> -> memref<1x128xi32, #tpu.memory_space<vmem>>
      %dma_wait3A_203 = tpu.memref_squeeze %dma_wait3A_202 : memref<1x128xi32, #tpu.memory_space<vmem>> -> memref<128xi32, #tpu.memory_space<vmem>>
      %dma_wait3A_204 = arith.constant 0 : i32
      %dma_wait3A_205 = arith.constant 0 : i32
      %dma_wait3A_206 = tpu.memref_slice %arg2[%dma_wait3A_204, %dma_wait3A_205] : memref<80000x32xbf16, #tpu.memory_space<hbm>> -> memref<80000x32xbf16, #tpu.memory_space<hbm>>
      tpu.wait_indirect_dma semaphore(%arg14 : memref<!tpu.dma_semaphore, #tpu.memory_space<semaphore_mem>>) src(%dma_wait3A_206 : memref<80000x32xbf16, #tpu.memory_space<hbm>>) dst(%dma_wait3A_200 : memref<128x32xbf16, #tpu.memory_space<vmem>>)
    } else {
    }
    %barrier3A_8 = arith.constant 0 : index
    tpu.barrier barrier_id(%barrier3A_8)
    "tpu.region"() ({
      %run_scoped3A = tpu.sem_alloc : memref<!tpu.dma_semaphore, #tpu.memory_space<semaphore_mem>>
      %dma_start3A = arith.constant 0 : i32
      %dma_start3A_9 = tpu.memref_slice %arg8[%arg0, %mul3A_0, %dma_start3A] : memref<2x10240x32xf32, #tpu.memory_space<hbm>> -> memref<1x640x32xf32, #tpu.memory_space<hbm>>
      %dma_start3A_10 = tpu.memref_squeeze %dma_start3A_9 : memref<1x640x32xf32, #tpu.memory_space<hbm>> -> memref<640x32xf32, #tpu.memory_space<hbm>>
      %dma_start3A_11 = arith.constant 0 : i32
      %dma_start3A_12 = tpu.memref_slice %arg13[%mul3A_0, %dma_start3A_11] : memref<10240x32xf32, #tpu.memory_space<vmem_shared>> -> memref<640x32xf32, #tpu.memory_space<vmem_shared>>
      tpu.enqueue_dma source(%dma_start3A_12 : memref<640x32xf32, #tpu.memory_space<vmem_shared>>) target(%dma_start3A_10 : memref<640x32xf32, #tpu.memory_space<hbm>>) target_semaphore(%run_scoped3A : memref<!tpu.dma_semaphore, #tpu.memory_space<semaphore_mem>>)
      %dma_wait3A = arith.constant 0 : i32
      %dma_wait3A_13 = tpu.memref_slice %arg8[%arg0, %mul3A_0, %dma_wait3A] : memref<2x10240x32xf32, #tpu.memory_space<hbm>> -> memref<1x640x32xf32, #tpu.memory_space<hbm>>
      %dma_wait3A_14 = tpu.memref_squeeze %dma_wait3A_13 : memref<1x640x32xf32, #tpu.memory_space<hbm>> -> memref<640x32xf32, #tpu.memory_space<hbm>>
      %dma_wait3A_15 = arith.constant 0 : i32
      %dma_wait3A_16 = tpu.memref_slice %arg13[%mul3A_0, %dma_wait3A_15] : memref<10240x32xf32, #tpu.memory_space<vmem_shared>> -> memref<640x32xf32, #tpu.memory_space<vmem_shared>>
      tpu.wait_dma2 semaphore(%run_scoped3A : memref<!tpu.dma_semaphore, #tpu.memory_space<semaphore_mem>>) src(%dma_wait3A_16 : memref<640x32xf32, #tpu.memory_space<vmem_shared>>) dst(%dma_wait3A_14 : memref<640x32xf32, #tpu.memory_space<hbm>>)
      tpu.yield
    }) : () -> ()
    return
  }
}

#map = affine_map<(d0, d1) -> (0, 0)>
#map1 = affine_map<(d0, d1) -> (0, 0, 0)>
module attributes {stable_mosaic.version = 14 : i64} {
  func.func @sc_agg(%arg0: i32, %arg1: i32, %arg2: memref<80000x32xbf16, #tpu.memory_space<hbm>>, %arg3: memref<16x28x128xi32, #tpu.memory_space<hbm>>, %arg4: memref<16x28x128xi32, #tpu.memory_space<hbm>>, %arg5: memref<16x22x128xi32, #tpu.memory_space<hbm>>, %arg6: memref<16x22x128xi32, #tpu.memory_space<hbm>>, %arg7: memref<640x32xf32, #tpu.memory_space<hbm>>, %arg8: memref<2x10240x32xf32, #tpu.memory_space<hbm>>, %arg9: memref<28x128xi32, #tpu.memory_space<vmem>>, %arg10: memref<28x128xi32, #tpu.memory_space<vmem>>, %arg11: memref<2x128x32xbf16, #tpu.memory_space<vmem>>, %arg12: memref<2x128x32xf32, #tpu.memory_space<vmem>>, %arg13: memref<10240x32xf32, #tpu.memory_space<vmem_shared>>, %arg14: memref<!tpu.dma_semaphore, #tpu.memory_space<semaphore_mem>>, %arg15: memref<!tpu.dma_semaphore, #tpu.memory_space<semaphore_mem>>, %arg16: memref<!tpu.dma_semaphore, #tpu.memory_space<semaphore_mem>>, %arg17: memref<!tpu.dma_semaphore, #tpu.memory_space<semaphore_mem>>) attributes {dimension_semantics = [#tpu.dimension_semantics<core_parallel>, #tpu.dimension_semantics<subcore_parallel>], iteration_bounds = array<i64: 2, 16>, scalar_prefetch = 0 : i64, scratch_operands = 9 : i64, tpu.core_type = #tpu.core_type<sc_vector_subcore>, window_params = [{transform_indices = #map}, {transform_indices = #map1}, {transform_indices = #map1}, {transform_indices = #map1}, {transform_indices = #map1}, {transform_indices = #map}, {transform_indices = #map1}]} {
    %mul3A = arith.constant 640 : i32
    %mul3A_0 = arith.muli %arg1, %mul3A : i32
    "tpu.region"() ({
      %run_scoped3A = tpu.sem_alloc : memref<!tpu.dma_semaphore, #tpu.memory_space<semaphore_mem>>
      %dma_start3A = arith.constant 0 : i32
      %dma_start3A_9 = tpu.memref_slice %arg13[%mul3A_0, %dma_start3A] : memref<10240x32xf32, #tpu.memory_space<vmem_shared>> -> memref<640x32xf32, #tpu.memory_space<vmem_shared>>
      tpu.enqueue_dma source(%arg7 : memref<640x32xf32, #tpu.memory_space<hbm>>) target(%dma_start3A_9 : memref<640x32xf32, #tpu.memory_space<vmem_shared>>) target_semaphore(%run_scoped3A : memref<!tpu.dma_semaphore, #tpu.memory_space<semaphore_mem>>)
      %dma_wait3A = arith.constant 0 : i32
      %dma_wait3A_10 = tpu.memref_slice %arg13[%mul3A_0, %dma_wait3A] : memref<10240x32xf32, #tpu.memory_space<vmem_shared>> -> memref<640x32xf32, #tpu.memory_space<vmem_shared>>
      tpu.wait_dma2 semaphore(%run_scoped3A : memref<!tpu.dma_semaphore, #tpu.memory_space<semaphore_mem>>) src(%arg7 : memref<640x32xf32, #tpu.memory_space<hbm>>) dst(%dma_wait3A_10 : memref<640x32xf32, #tpu.memory_space<vmem_shared>>)
      tpu.yield
    }) : () -> ()
    %barrier3A = arith.constant 0 : index
    tpu.barrier barrier_id(%barrier3A)
    %eq3A = arith.constant 0 : i32
    %eq3A_1 = arith.cmpi eq, %arg0, %eq3A : i32
    %convert_element_type3A = arith.extui %eq3A_1 : i1 to i32
    %cond3A = arith.constant 0 : i32
    %cond3A_2 = arith.cmpi ne, %convert_element_type3A, %cond3A : i32
    scf.if %cond3A_2 {
      %dma_start3A = arith.constant 0 : i32
      %dma_start3A_9 = arith.constant 0 : i32
      %dma_start3A_10 = tpu.memref_slice %arg9[%dma_start3A, %dma_start3A_9] : memref<28x128xi32, #tpu.memory_space<vmem>> -> memref<28x128xi32, #tpu.memory_space<vmem>>
      %dma_start3A_11 = arith.constant 0 : i32
      %dma_start3A_12 = arith.constant 0 : i32
      %dma_start3A_13 = tpu.memref_slice %arg3[%arg1, %dma_start3A_11, %dma_start3A_12] : memref<16x28x128xi32, #tpu.memory_space<hbm>> -> memref<1x28x128xi32, #tpu.memory_space<hbm>>
      %dma_start3A_14 = tpu.memref_squeeze %dma_start3A_13 : memref<1x28x128xi32, #tpu.memory_space<hbm>> -> memref<28x128xi32, #tpu.memory_space<hbm>>
      %dma_start3A_15 = arith.constant 0 : i32
      %dma_start3A_16 = arith.constant 0 : i32
      %dma_start3A_17 = tpu.memref_slice %arg9[%dma_start3A_15, %dma_start3A_16] : memref<28x128xi32, #tpu.memory_space<vmem>> -> memref<28x128xi32, #tpu.memory_space<vmem>>
      %dma_start3A_18 = arith.constant 0 : i32
      %dma_start3A_19 = arith.constant 0 : i32
      %dma_start3A_20 = tpu.memref_slice %arg3[%arg1, %dma_start3A_18, %dma_start3A_19] : memref<16x28x128xi32, #tpu.memory_space<hbm>> -> memref<1x28x128xi32, #tpu.memory_space<hbm>>
      %dma_start3A_21 = tpu.memref_squeeze %dma_start3A_20 : memref<1x28x128xi32, #tpu.memory_space<hbm>> -> memref<28x128xi32, #tpu.memory_space<hbm>>
      tpu.enqueue_dma source(%dma_start3A_21 : memref<28x128xi32, #tpu.memory_space<hbm>>) target(%dma_start3A_17 : memref<28x128xi32, #tpu.memory_space<vmem>>) target_semaphore(%arg14 : memref<!tpu.dma_semaphore, #tpu.memory_space<semaphore_mem>>)
      %dma_start3A_22 = arith.constant 0 : i32
      %dma_start3A_23 = arith.constant 0 : i32
      %dma_start3A_24 = tpu.memref_slice %arg10[%dma_start3A_22, %dma_start3A_23] : memref<28x128xi32, #tpu.memory_space<vmem>> -> memref<28x128xi32, #tpu.memory_space<vmem>>
      %dma_start3A_25 = arith.constant 0 : i32
      %dma_start3A_26 = arith.constant 0 : i32
      %dma_start3A_27 = tpu.memref_slice %arg4[%arg1, %dma_start3A_25, %dma_start3A_26] : memref<16x28x128xi32, #tpu.memory_space<hbm>> -> memref<1x28x128xi32, #tpu.memory_space<hbm>>
      %dma_start3A_28 = tpu.memref_squeeze %dma_start3A_27 : memref<1x28x128xi32, #tpu.memory_space<hbm>> -> memref<28x128xi32, #tpu.memory_space<hbm>>
      %dma_start3A_29 = arith.constant 0 : i32
      %dma_start3A_30 = arith.constant 0 : i32
      %dma_start3A_31 = tpu.memref_slice %arg10[%dma_start3A_29, %dma_start3A_30] : memref<28x128xi32, #tpu.memory_space<vmem>> -> memref<28x128xi32, #tpu.memory_space<vmem>>
      %dma_start3A_32 = arith.constant 0 : i32
      %dma_start3A_33 = arith.constant 0 : i32
      %dma_start3A_34 = tpu.memref_slice %arg4[%arg1, %dma_start3A_32, %dma_start3A_33] : memref<16x28x128xi32, #tpu.memory_space<hbm>> -> memref<1x28x128xi32, #tpu.memory_space<hbm>>
      %dma_start3A_35 = tpu.memref_squeeze %dma_start3A_34 : memref<1x28x128xi32, #tpu.memory_space<hbm>> -> memref<28x128xi32, #tpu.memory_space<hbm>>
      tpu.enqueue_dma source(%dma_start3A_35 : memref<28x128xi32, #tpu.memory_space<hbm>>) target(%dma_start3A_31 : memref<28x128xi32, #tpu.memory_space<vmem>>) target_semaphore(%arg15 : memref<!tpu.dma_semaphore, #tpu.memory_space<semaphore_mem>>)
      %dma_wait3A = arith.constant 0 : i32
      %dma_wait3A_36 = arith.constant 0 : i32
      %dma_wait3A_37 = tpu.memref_slice %arg9[%dma_wait3A, %dma_wait3A_36] : memref<28x128xi32, #tpu.memory_space<vmem>> -> memref<28x128xi32, #tpu.memory_space<vmem>>
      %dma_wait3A_38 = arith.constant 0 : i32
      %dma_wait3A_39 = arith.constant 0 : i32
      %dma_wait3A_40 = tpu.memref_slice %arg3[%arg1, %dma_wait3A_38, %dma_wait3A_39] : memref<16x28x128xi32, #tpu.memory_space<hbm>> -> memref<1x28x128xi32, #tpu.memory_space<hbm>>
      %dma_wait3A_41 = tpu.memref_squeeze %dma_wait3A_40 : memref<1x28x128xi32, #tpu.memory_space<hbm>> -> memref<28x128xi32, #tpu.memory_space<hbm>>
      %dma_wait3A_42 = arith.constant 0 : i32
      %dma_wait3A_43 = arith.constant 0 : i32
      %dma_wait3A_44 = tpu.memref_slice %arg9[%dma_wait3A_42, %dma_wait3A_43] : memref<28x128xi32, #tpu.memory_space<vmem>> -> memref<28x128xi32, #tpu.memory_space<vmem>>
      %dma_wait3A_45 = arith.constant 0 : i32
      %dma_wait3A_46 = arith.constant 0 : i32
      %dma_wait3A_47 = tpu.memref_slice %arg3[%arg1, %dma_wait3A_45, %dma_wait3A_46] : memref<16x28x128xi32, #tpu.memory_space<hbm>> -> memref<1x28x128xi32, #tpu.memory_space<hbm>>
      %dma_wait3A_48 = tpu.memref_squeeze %dma_wait3A_47 : memref<1x28x128xi32, #tpu.memory_space<hbm>> -> memref<28x128xi32, #tpu.memory_space<hbm>>
      tpu.wait_dma2 semaphore(%arg14 : memref<!tpu.dma_semaphore, #tpu.memory_space<semaphore_mem>>) src(%dma_wait3A_48 : memref<28x128xi32, #tpu.memory_space<hbm>>) dst(%dma_wait3A_44 : memref<28x128xi32, #tpu.memory_space<vmem>>)
      %dma_wait3A_49 = arith.constant 0 : i32
      %dma_wait3A_50 = arith.constant 0 : i32
      %dma_wait3A_51 = tpu.memref_slice %arg10[%dma_wait3A_49, %dma_wait3A_50] : memref<28x128xi32, #tpu.memory_space<vmem>> -> memref<28x128xi32, #tpu.memory_space<vmem>>
      %dma_wait3A_52 = arith.constant 0 : i32
      %dma_wait3A_53 = arith.constant 0 : i32
      %dma_wait3A_54 = tpu.memref_slice %arg4[%arg1, %dma_wait3A_52, %dma_wait3A_53] : memref<16x28x128xi32, #tpu.memory_space<hbm>> -> memref<1x28x128xi32, #tpu.memory_space<hbm>>
      %dma_wait3A_55 = tpu.memref_squeeze %dma_wait3A_54 : memref<1x28x128xi32, #tpu.memory_space<hbm>> -> memref<28x128xi32, #tpu.memory_space<hbm>>
      %dma_wait3A_56 = arith.constant 0 : i32
      %dma_wait3A_57 = arith.constant 0 : i32
      %dma_wait3A_58 = tpu.memref_slice %arg10[%dma_wait3A_56, %dma_wait3A_57] : memref<28x128xi32, #tpu.memory_space<vmem>> -> memref<28x128xi32, #tpu.memory_space<vmem>>
      %dma_wait3A_59 = arith.constant 0 : i32
      %dma_wait3A_60 = arith.constant 0 : i32
      %dma_wait3A_61 = tpu.memref_slice %arg4[%arg1, %dma_wait3A_59, %dma_wait3A_60] : memref<16x28x128xi32, #tpu.memory_space<hbm>> -> memref<1x28x128xi32, #tpu.memory_space<hbm>>
      %dma_wait3A_62 = tpu.memref_squeeze %dma_wait3A_61 : memref<1x28x128xi32, #tpu.memory_space<hbm>> -> memref<28x128xi32, #tpu.memory_space<hbm>>
      tpu.wait_dma2 semaphore(%arg15 : memref<!tpu.dma_semaphore, #tpu.memory_space<semaphore_mem>>) src(%dma_wait3A_62 : memref<28x128xi32, #tpu.memory_space<hbm>>) dst(%dma_wait3A_58 : memref<28x128xi32, #tpu.memory_space<vmem>>)
      %dma_start3A_63 = arith.constant 0 : i32
      %dma_start3A_64 = arith.constant 0 : i32
      %dma_start3A_65 = arith.constant 0 : i32
      %dma_start3A_66 = arith.constant 0 : i32
      %dma_start3A_67 = tpu.memref_slice %arg11[%dma_start3A_64, %dma_start3A_65, %dma_start3A_66] : memref<2x128x32xbf16, #tpu.memory_space<vmem>> -> memref<1x128x32xbf16, #tpu.memory_space<vmem>>
      %dma_start3A_68 = tpu.memref_squeeze %dma_start3A_67 : memref<1x128x32xbf16, #tpu.memory_space<vmem>> -> memref<128x32xbf16, #tpu.memory_space<vmem>>
      %dma_start3A_69 = arith.constant 0 : i32
      %dma_start3A_70 = tpu.memref_slice %arg9[%dma_start3A_63, %dma_start3A_69] : memref<28x128xi32, #tpu.memory_space<vmem>> -> memref<1x128xi32, #tpu.memory_space<vmem>>
      %dma_start3A_71 = tpu.memref_squeeze %dma_start3A_70 : memref<1x128xi32, #tpu.memory_space<vmem>> -> memref<128xi32, #tpu.memory_space<vmem>>
      %dma_start3A_72 = arith.constant 0 : i32
      %dma_start3A_73 = arith.constant 0 : i32
      %dma_start3A_74 = tpu.memref_slice %arg2[%dma_start3A_72, %dma_start3A_73] : memref<80000x32xbf16, #tpu.memory_space<hbm>> -> memref<80000x32xbf16, #tpu.memory_space<hbm>>
      tpu.enqueue_indirect_dma source(%dma_start3A_74 : memref<80000x32xbf16, #tpu.memory_space<hbm>>) target(%dma_start3A_68 : memref<128x32xbf16, #tpu.memory_space<vmem>>) offsets(%dma_start3A_71 : memref<128xi32, #tpu.memory_space<vmem>>) semaphore(%arg14 : memref<!tpu.dma_semaphore, #tpu.memory_space<semaphore_mem>>)
      %dma_start3A_75 = arith.constant 1 : i32
      %dma_start3A_76 = arith.constant 1 : i32
      %dma_start3A_77 = arith.constant 0 : i32
      %dma_start3A_78 = arith.constant 0 : i32
      %dma_start3A_79 = tpu.memref_slice %arg11[%dma_start3A_76, %dma_start3A_77, %dma_start3A_78] : memref<2x128x32xbf16, #tpu.memory_space<vmem>> -> memref<1x128x32xbf16, #tpu.memory_space<vmem>>
      %dma_start3A_80 = tpu.memref_squeeze %dma_start3A_79 : memref<1x128x32xbf16, #tpu.memory_space<vmem>> -> memref<128x32xbf16, #tpu.memory_space<vmem>>
      %dma_start3A_81 = arith.constant 0 : i32
      %dma_start3A_82 = tpu.memref_slice %arg9[%dma_start3A_75, %dma_start3A_81] : memref<28x128xi32, #tpu.memory_space<vmem>> -> memref<1x128xi32, #tpu.memory_space<vmem>>
      %dma_start3A_83 = tpu.memref_squeeze %dma_start3A_82 : memref<1x128xi32, #tpu.memory_space<vmem>> -> memref<128xi32, #tpu.memory_space<vmem>>
      %dma_start3A_84 = arith.constant 0 : i32
      %dma_start3A_85 = arith.constant 0 : i32
      %dma_start3A_86 = tpu.memref_slice %arg2[%dma_start3A_84, %dma_start3A_85] : memref<80000x32xbf16, #tpu.memory_space<hbm>> -> memref<80000x32xbf16, #tpu.memory_space<hbm>>
      tpu.enqueue_indirect_dma source(%dma_start3A_86 : memref<80000x32xbf16, #tpu.memory_space<hbm>>) target(%dma_start3A_80 : memref<128x32xbf16, #tpu.memory_space<vmem>>) offsets(%dma_start3A_83 : memref<128xi32, #tpu.memory_space<vmem>>) semaphore(%arg15 : memref<!tpu.dma_semaphore, #tpu.memory_space<semaphore_mem>>)
      %dma_wait3A_87 = arith.constant 0 : i32
      %dma_wait3A_88 = arith.constant 0 : i32
      %dma_wait3A_89 = arith.constant 0 : i32
      %dma_wait3A_90 = arith.constant 0 : i32
      %dma_wait3A_91 = tpu.memref_slice %arg11[%dma_wait3A_88, %dma_wait3A_89, %dma_wait3A_90] : memref<2x128x32xbf16, #tpu.memory_space<vmem>> -> memref<1x128x32xbf16, #tpu.memory_space<vmem>>
      %dma_wait3A_92 = tpu.memref_squeeze %dma_wait3A_91 : memref<1x128x32xbf16, #tpu.memory_space<vmem>> -> memref<128x32xbf16, #tpu.memory_space<vmem>>
      %dma_wait3A_93 = arith.constant 0 : i32
      %dma_wait3A_94 = tpu.memref_slice %arg9[%dma_wait3A_87, %dma_wait3A_93] : memref<28x128xi32, #tpu.memory_space<vmem>> -> memref<1x128xi32, #tpu.memory_space<vmem>>
      %dma_wait3A_95 = tpu.memref_squeeze %dma_wait3A_94 : memref<1x128xi32, #tpu.memory_space<vmem>> -> memref<128xi32, #tpu.memory_space<vmem>>
      %dma_wait3A_96 = arith.constant 0 : i32
      %dma_wait3A_97 = arith.constant 0 : i32
      %dma_wait3A_98 = tpu.memref_slice %arg2[%dma_wait3A_96, %dma_wait3A_97] : memref<80000x32xbf16, #tpu.memory_space<hbm>> -> memref<80000x32xbf16, #tpu.memory_space<hbm>>
      tpu.wait_indirect_dma semaphore(%arg14 : memref<!tpu.dma_semaphore, #tpu.memory_space<semaphore_mem>>) src(%dma_wait3A_98 : memref<80000x32xbf16, #tpu.memory_space<hbm>>) dst(%dma_wait3A_92 : memref<128x32xbf16, #tpu.memory_space<vmem>>)
      %scan3A = arith.constant 0 : i32
      %scan3A_99 = arith.constant 0 : i32
      %scan3A_100 = arith.constant 128 : i32
      %scan3A_101 = arith.addi %scan3A_99, %scan3A_100 : i32
      %scan3A_102 = arith.constant 1 : i32
      scf.for %scan3A_207 = %scan3A_99 to %scan3A_101 step %scan3A_102  : i32 {
        %get3A = arith.constant 0 : i32
        %get3A_208 = arith.index_cast %get3A : i32 to index
        %get3A_209 = arith.index_cast %scan3A_207 : i32 to index
        %get3A_210 = arith.constant 0 : index
        %get3A_211 = tpu.vector_load %arg11[%get3A_208, %get3A_209, %get3A_210] {strides = array<i32>} : memref<2x128x32xbf16, #tpu.memory_space<vmem>>, vector<32xbf16>,
        %unpack3A = tpu.unpack_subelements %get3A_211, 0 {pack_format = #tpu.pack_format<interleaved>} : vector<32xbf16> -> vector<16xf32>
        %unpack3A_212 = tpu.unpack_subelements %get3A_211, 1 {pack_format = #tpu.pack_format<interleaved>} : vector<32xbf16> -> vector<16xf32>
        %swap3A = arith.constant 0 : i32
        %swap3A_213 = arith.index_cast %swap3A : i32 to index
        %swap3A_214 = arith.index_cast %scan3A_207 : i32 to index
        %swap3A_215 = arith.constant 0 : index
        %swap3A_216 = tpu.vector_load %arg12[%swap3A_213, %swap3A_214, %swap3A_215] {strides = array<i32>} : memref<2x128x32xf32, #tpu.memory_space<vmem>>, vector<16xf32>,
        tpu.vector_store %arg12[%swap3A_213, %swap3A_214, %swap3A_215], %unpack3A {strides = array<i32>} : memref<2x128x32xf32, #tpu.memory_space<vmem>>, vector<16xf32>,
        %swap3A_217 = arith.constant 0 : i32
        %swap3A_218 = arith.index_cast %swap3A_217 : i32 to index
        %swap3A_219 = arith.index_cast %scan3A_207 : i32 to index
        %swap3A_220 = arith.constant 16 : index
        %swap3A_221 = tpu.vector_load %arg12[%swap3A_218, %swap3A_219, %swap3A_220] {strides = array<i32>} : memref<2x128x32xf32, #tpu.memory_space<vmem>>, vector<16xf32>,
        tpu.vector_store %arg12[%swap3A_218, %swap3A_219, %swap3A_220], %unpack3A_212 {strides = array<i32>} : memref<2x128x32xf32, #tpu.memory_space<vmem>>, vector<16xf32>,
      }
      %scan3A_103 = arith.constant 128 : i32
      %dma_start3A_104 = arith.constant 0 : i32
      %dma_start3A_105 = arith.constant 0 : i32
      %dma_start3A_106 = arith.constant 0 : i32
      %dma_start3A_107 = arith.constant 0 : i32
      %dma_start3A_108 = tpu.memref_slice %arg12[%dma_start3A_104, %dma_start3A_106, %dma_start3A_107] : memref<2x128x32xf32, #tpu.memory_space<vmem>> -> memref<1x128x32xf32, #tpu.memory_space<vmem>>
      %dma_start3A_109 = tpu.memref_squeeze %dma_start3A_108 : memref<1x128x32xf32, #tpu.memory_space<vmem>> -> memref<128x32xf32, #tpu.memory_space<vmem>>
      %dma_start3A_110 = arith.constant 0 : i32
      %dma_start3A_111 = tpu.memref_slice %arg10[%dma_start3A_105, %dma_start3A_110] : memref<28x128xi32, #tpu.memory_space<vmem>> -> memref<1x128xi32, #tpu.memory_space<vmem>>
      %dma_start3A_112 = tpu.memref_squeeze %dma_start3A_111 : memref<1x128xi32, #tpu.memory_space<vmem>> -> memref<128xi32, #tpu.memory_space<vmem>>
      %dma_start3A_113 = arith.constant 0 : i32
      %dma_start3A_114 = arith.constant 0 : i32
      %dma_start3A_115 = tpu.memref_slice %arg13[%dma_start3A_113, %dma_start3A_114] : memref<10240x32xf32, #tpu.memory_space<vmem_shared>> -> memref<10240x32xf32, #tpu.memory_space<vmem_shared>>
      tpu.enqueue_indirect_dma source(%dma_start3A_109 : memref<128x32xf32, #tpu.memory_space<vmem>>) target(%dma_start3A_115 : memref<10240x32xf32, #tpu.memory_space<vmem_shared>>) offsets(%dma_start3A_112 : memref<128xi32, #tpu.memory_space<vmem>>) semaphore(%arg16 : memref<!tpu.dma_semaphore, #tpu.memory_space<semaphore_mem>>) {add = true}
      %min3A = arith.constant 2 : i32
      %min3A_116 = arith.constant 27 : i32
      %min3A_117 = arith.minsi %min3A, %min3A_116 : i32
      %dma_start3A_118 = arith.constant 0 : i32
      %dma_start3A_119 = arith.constant 0 : i32
      %dma_start3A_120 = arith.constant 0 : i32
      %dma_start3A_121 = tpu.memref_slice %arg11[%dma_start3A_118, %dma_start3A_119, %dma_start3A_120] : memref<2x128x32xbf16, #tpu.memory_space<vmem>> -> memref<1x128x32xbf16, #tpu.memory_space<vmem>>
      %dma_start3A_122 = tpu.memref_squeeze %dma_start3A_121 : memref<1x128x32xbf16, #tpu.memory_space<vmem>> -> memref<128x32xbf16, #tpu.memory_space<vmem>>
      %dma_start3A_123 = arith.constant 0 : i32
      %dma_start3A_124 = tpu.memref_slice %arg9[%min3A_117, %dma_start3A_123] : memref<28x128xi32, #tpu.memory_space<vmem>> -> memref<1x128xi32, #tpu.memory_space<vmem>>
      %dma_start3A_125 = tpu.memref_squeeze %dma_start3A_124 : memref<1x128xi32, #tpu.memory_space<vmem>> -> memref<128xi32, #tpu.memory_space<vmem>>
      %dma_start3A_126 = arith.constant 0 : i32
      %dma_start3A_127 = arith.constant 0 : i32
      %dma_start3A_128 = tpu.memref_slice %arg2[%dma_start3A_126, %dma_start3A_127] : memref<80000x32xbf16, #tpu.memory_space<hbm>> -> memref<80000x32xbf16, #tpu.memory_space<hbm>>
      tpu.enqueue_indirect_dma source(%dma_start3A_128 : memref<80000x32xbf16, #tpu.memory_space<hbm>>) target(%dma_start3A_122 : memref<128x32xbf16, #tpu.memory_space<vmem>>) offsets(%dma_start3A_125 : memref<128xi32, #tpu.memory_space<vmem>>) semaphore(%arg14 : memref<!tpu.dma_semaphore, #tpu.memory_space<semaphore_mem>>)
      %dma_wait3A_129 = arith.constant 0 : i32
      %dma_wait3A_130 = arith.constant 0 : i32
      %dma_wait3A_131 = arith.constant 0 : i32
      %dma_wait3A_132 = arith.constant 0 : i32
      %dma_wait3A_133 = tpu.memref_slice %arg11[%dma_wait3A_130, %dma_wait3A_131, %dma_wait3A_132] : memref<2x128x32xbf16, #tpu.memory_space<vmem>> -> memref<1x128x32xbf16, #tpu.memory_space<vmem>>
      %dma_wait3A_134 = tpu.memref_squeeze %dma_wait3A_133 : memref<1x128x32xbf16, #tpu.memory_space<vmem>> -> memref<128x32xbf16, #tpu.memory_space<vmem>>
      %dma_wait3A_135 = arith.constant 0 : i32
      %dma_wait3A_136 = tpu.memref_slice %arg9[%dma_wait3A_129, %dma_wait3A_135] : memref<28x128xi32, #tpu.memory_space<vmem>> -> memref<1x128xi32, #tpu.memory_space<vmem>>
      %dma_wait3A_137 = tpu.memref_squeeze %dma_wait3A_136 : memref<1x128xi32, #tpu.memory_space<vmem>> -> memref<128xi32, #tpu.memory_space<vmem>>
      %dma_wait3A_138 = arith.constant 0 : i32
      %dma_wait3A_139 = arith.constant 0 : i32
      %dma_wait3A_140 = tpu.memref_slice %arg2[%dma_wait3A_138, %dma_wait3A_139] : memref<80000x32xbf16, #tpu.memory_space<hbm>> -> memref<80000x32xbf16, #tpu.memory_space<hbm>>
      tpu.wait_indirect_dma semaphore(%arg15 : memref<!tpu.dma_semaphore, #tpu.memory_space<semaphore_mem>>) src(%dma_wait3A_140 : memref<80000x32xbf16, #tpu.memory_space<hbm>>) dst(%dma_wait3A_134 : memref<128x32xbf16, #tpu.memory_space<vmem>>)
      %scan3A_141 = arith.constant 0 : i32
      %scan3A_142 = arith.constant 0 : i32
      %scan3A_143 = arith.constant 128 : i32
      %scan3A_144 = arith.addi %scan3A_142, %scan3A_143 : i32
      %scan3A_145 = arith.constant 1 : i32
      scf.for %scan3A_207 = %scan3A_142 to %scan3A_144 step %scan3A_145  : i32 {
        %get3A = arith.constant 1 : i32
        %get3A_208 = arith.index_cast %get3A : i32 to index
        %get3A_209 = arith.index_cast %scan3A_207 : i32 to index
        %get3A_210 = arith.constant 0 : index
        %get3A_211 = tpu.vector_load %arg11[%get3A_208, %get3A_209, %get3A_210] {strides = array<i32>} : memref<2x128x32xbf16, #tpu.memory_space<vmem>>, vector<32xbf16>,
        %unpack3A = tpu.unpack_subelements %get3A_211, 0 {pack_format = #tpu.pack_format<interleaved>} : vector<32xbf16> -> vector<16xf32>
        %unpack3A_212 = tpu.unpack_subelements %get3A_211, 1 {pack_format = #tpu.pack_format<interleaved>} : vector<32xbf16> -> vector<16xf32>
        %swap3A = arith.constant 1 : i32
        %swap3A_213 = arith.index_cast %swap3A : i32 to index
        %swap3A_214 = arith.index_cast %scan3A_207 : i32 to index
        %swap3A_215 = arith.constant 0 : index
        %swap3A_216 = tpu.vector_load %arg12[%swap3A_213, %swap3A_214, %swap3A_215] {strides = array<i32>} : memref<2x128x32xf32, #tpu.memory_space<vmem>>, vector<16xf32>,
        tpu.vector_store %arg12[%swap3A_213, %swap3A_214, %swap3A_215], %unpack3A {strides = array<i32>} : memref<2x128x32xf32, #tpu.memory_space<vmem>>, vector<16xf32>,
        %swap3A_217 = arith.constant 1 : i32
        %swap3A_218 = arith.index_cast %swap3A_217 : i32 to index
        %swap3A_219 = arith.index_cast %scan3A_207 : i32 to index
        %swap3A_220 = arith.constant 16 : index
        %swap3A_221 = tpu.vector_load %arg12[%swap3A_218, %swap3A_219, %swap3A_220] {strides = array<i32>} : memref<2x128x32xf32, #tpu.memory_space<vmem>>, vector<16xf32>,
        tpu.vector_store %arg12[%swap3A_218, %swap3A_219, %swap3A_220], %unpack3A_212 {strides = array<i32>} : memref<2x128x32xf32, #tpu.memory_space<vmem>>, vector<16xf32>,
      }
      %scan3A_146 = arith.constant 128 : i32
      %dma_start3A_147 = arith.constant 1 : i32
      %dma_start3A_148 = arith.constant 1 : i32
      %dma_start3A_149 = arith.constant 0 : i32
      %dma_start3A_150 = arith.constant 0 : i32
      %dma_start3A_151 = tpu.memref_slice %arg12[%dma_start3A_147, %dma_start3A_149, %dma_start3A_150] : memref<2x128x32xf32, #tpu.memory_space<vmem>> -> memref<1x128x32xf32, #tpu.memory_space<vmem>>
      %dma_start3A_152 = tpu.memref_squeeze %dma_start3A_151 : memref<1x128x32xf32, #tpu.memory_space<vmem>> -> memref<128x32xf32, #tpu.memory_space<vmem>>
      %dma_start3A_153 = arith.constant 0 : i32
      %dma_start3A_154 = tpu.memref_slice %arg10[%dma_start3A_148, %dma_start3A_153] : memref<28x128xi32, #tpu.memory_space<vmem>> -> memref<1x128xi32, #tpu.memory_space<vmem>>
      %dma_start3A_155 = tpu.memref_squeeze %dma_start3A_154 : memref<1x128xi32, #tpu.memory_space<vmem>> -> memref<128xi32, #tpu.memory_space<vmem>>
      %dma_start3A_156 = arith.constant 0 : i32
      %dma_start3A_157 = arith.constant 0 : i32
      %dma_start3A_158 = tpu.memref_slice %arg13[%dma_start3A_156, %dma_start3A_157] : memref<10240x32xf32, #tpu.memory_space<vmem_shared>> -> memref<10240x32xf32, #tpu.memory_space<vmem_shared>>
      tpu.enqueue_indirect_dma source(%dma_start3A_152 : memref<128x32xf32, #tpu.memory_space<vmem>>) target(%dma_start3A_158 : memref<10240x32xf32, #tpu.memory_space<vmem_shared>>) offsets(%dma_start3A_155 : memref<128xi32, #tpu.memory_space<vmem>>) semaphore(%arg17 : memref<!tpu.dma_semaphore, #tpu.memory_space<semaphore_mem>>) {add = true}
      %scan3A_159 = arith.constant 0 : i32
      %scan3A_160 = arith.constant 0 : i32
      %scan3A_161 = arith.constant 13 : i32
      %scan3A_162 = arith.addi %scan3A_160, %scan3A_161 : i32
      %scan3A_163 = arith.constant 1 : i32
      scf.for %scan3A_207 = %scan3A_160 to %scan3A_162 step %scan3A_163  : i32 {
        %mul3A_208 = arith.constant 2 : i32
        %mul3A_209 = arith.muli %mul3A_208, %scan3A_207 : i32
        %add3A = arith.constant 2 : i32
        %add3A_210 = arith.addi %mul3A_209, %add3A : i32
        %add3A_211 = arith.constant 1 : i32
        %add3A_212 = arith.addi %add3A_210, %add3A_211 : i32
        %min3A_213 = arith.constant 27 : i32
        %min3A_214 = arith.minsi %add3A_212, %min3A_213 : i32
        %dma_start3A_215 = arith.constant 1 : i32
        %dma_start3A_216 = arith.constant 0 : i32
        %dma_start3A_217 = arith.constant 0 : i32
        %dma_start3A_218 = tpu.memref_slice %arg11[%dma_start3A_215, %dma_start3A_216, %dma_start3A_217] : memref<2x128x32xbf16, #tpu.memory_space<vmem>> -> memref<1x128x32xbf16, #tpu.memory_space<vmem>>
        %dma_start3A_219 = tpu.memref_squeeze %dma_start3A_218 : memref<1x128x32xbf16, #tpu.memory_space<vmem>> -> memref<128x32xbf16, #tpu.memory_space<vmem>>
        %dma_start3A_220 = arith.constant 0 : i32
        %dma_start3A_221 = tpu.memref_slice %arg9[%min3A_214, %dma_start3A_220] : memref<28x128xi32, #tpu.memory_space<vmem>> -> memref<1x128xi32, #tpu.memory_space<vmem>>
        %dma_start3A_222 = tpu.memref_squeeze %dma_start3A_221 : memref<1x128xi32, #tpu.memory_space<vmem>> -> memref<128xi32, #tpu.memory_space<vmem>>
        %dma_start3A_223 = arith.constant 0 : i32
        %dma_start3A_224 = arith.constant 0 : i32
        %dma_start3A_225 = tpu.memref_slice %arg2[%dma_start3A_223, %dma_start3A_224] : memref<80000x32xbf16, #tpu.memory_space<hbm>> -> memref<80000x32xbf16, #tpu.memory_space<hbm>>
        tpu.enqueue_indirect_dma source(%dma_start3A_225 : memref<80000x32xbf16, #tpu.memory_space<hbm>>) target(%dma_start3A_219 : memref<128x32xbf16, #tpu.memory_space<vmem>>) offsets(%dma_start3A_222 : memref<128xi32, #tpu.memory_space<vmem>>) semaphore(%arg15 : memref<!tpu.dma_semaphore, #tpu.memory_space<semaphore_mem>>)
        %dma_wait3A_226 = arith.constant 0 : i32
        %dma_wait3A_227 = arith.constant 0 : i32
        %dma_wait3A_228 = arith.constant 0 : i32
        %dma_wait3A_229 = tpu.memref_slice %arg12[%dma_wait3A_226, %dma_wait3A_227, %dma_wait3A_228] : memref<2x128x32xf32, #tpu.memory_space<vmem>> -> memref<1x128x32xf32, #tpu.memory_space<vmem>>
        %dma_wait3A_230 = tpu.memref_squeeze %dma_wait3A_229 : memref<1x128x32xf32, #tpu.memory_space<vmem>> -> memref<128x32xf32, #tpu.memory_space<vmem>>
        %dma_wait3A_231 = arith.constant 0 : i32
        %dma_wait3A_232 = arith.constant 0 : i32
        %dma_wait3A_233 = tpu.memref_slice %arg13[%dma_wait3A_231, %dma_wait3A_232] : memref<10240x32xf32, #tpu.memory_space<vmem_shared>> -> memref<128x32xf32, #tpu.memory_space<vmem_shared>>
        %dma_wait3A_234 = arith.constant 0 : i32
        %dma_wait3A_235 = arith.constant 0 : i32
        %dma_wait3A_236 = tpu.memref_slice %arg13[%dma_wait3A_234, %dma_wait3A_235] : memref<10240x32xf32, #tpu.memory_space<vmem_shared>> -> memref<128x32xf32, #tpu.memory_space<vmem_shared>>
        %dma_wait3A_237 = arith.constant 0 : i32
        %dma_wait3A_238 = arith.constant 0 : i32
        %dma_wait3A_239 = tpu.memref_slice %arg12[%dma_wait3A_226, %dma_wait3A_237, %dma_wait3A_238] : memref<2x128x32xf32, #tpu.memory_space<vmem>> -> memref<1x128x32xf32, #tpu.memory_space<vmem>>
        %dma_wait3A_240 = tpu.memref_squeeze %dma_wait3A_239 : memref<1x128x32xf32, #tpu.memory_space<vmem>> -> memref<128x32xf32, #tpu.memory_space<vmem>>
        tpu.wait_dma2 semaphore(%arg16 : memref<!tpu.dma_semaphore, #tpu.memory_space<semaphore_mem>>) src(%dma_wait3A_240 : memref<128x32xf32, #tpu.memory_space<vmem>>) dst(%dma_wait3A_236 : memref<128x32xf32, #tpu.memory_space<vmem_shared>>)
        %dma_wait3A_241 = arith.constant 0 : i32
        %dma_wait3A_242 = arith.constant 0 : i32
        %dma_wait3A_243 = arith.constant 0 : i32
        %dma_wait3A_244 = arith.constant 0 : i32
        %dma_wait3A_245 = tpu.memref_slice %arg11[%dma_wait3A_242, %dma_wait3A_243, %dma_wait3A_244] : memref<2x128x32xbf16, #tpu.memory_space<vmem>> -> memref<1x128x32xbf16, #tpu.memory_space<vmem>>
        %dma_wait3A_246 = tpu.memref_squeeze %dma_wait3A_245 : memref<1x128x32xbf16, #tpu.memory_space<vmem>> -> memref<128x32xbf16, #tpu.memory_space<vmem>>
        %dma_wait3A_247 = arith.constant 0 : i32
        %dma_wait3A_248 = tpu.memref_slice %arg9[%dma_wait3A_241, %dma_wait3A_247] : memref<28x128xi32, #tpu.memory_space<vmem>> -> memref<1x128xi32, #tpu.memory_space<vmem>>
        %dma_wait3A_249 = tpu.memref_squeeze %dma_wait3A_248 : memref<1x128xi32, #tpu.memory_space<vmem>> -> memref<128xi32, #tpu.memory_space<vmem>>
        %dma_wait3A_250 = arith.constant 0 : i32
        %dma_wait3A_251 = arith.constant 0 : i32
        %dma_wait3A_252 = tpu.memref_slice %arg2[%dma_wait3A_250, %dma_wait3A_251] : memref<80000x32xbf16, #tpu.memory_space<hbm>> -> memref<80000x32xbf16, #tpu.memory_space<hbm>>
        tpu.wait_indirect_dma semaphore(%arg14 : memref<!tpu.dma_semaphore, #tpu.memory_space<semaphore_mem>>) src(%dma_wait3A_252 : memref<80000x32xbf16, #tpu.memory_space<hbm>>) dst(%dma_wait3A_246 : memref<128x32xbf16, #tpu.memory_space<vmem>>)
        %scan3A_253 = arith.constant 0 : i32
        %scan3A_254 = arith.constant 0 : i32
        %scan3A_255 = arith.constant 128 : i32
        %scan3A_256 = arith.addi %scan3A_254, %scan3A_255 : i32
        %scan3A_257 = arith.constant 1 : i32
        scf.for %scan3A_333 = %scan3A_254 to %scan3A_256 step %scan3A_257  : i32 {
          %get3A = arith.constant 0 : i32
          %get3A_334 = arith.index_cast %get3A : i32 to index
          %get3A_335 = arith.index_cast %scan3A_333 : i32 to index
          %get3A_336 = arith.constant 0 : index
          %get3A_337 = tpu.vector_load %arg11[%get3A_334, %get3A_335, %get3A_336] {strides = array<i32>} : memref<2x128x32xbf16, #tpu.memory_space<vmem>>, vector<32xbf16>,
          %unpack3A = tpu.unpack_subelements %get3A_337, 0 {pack_format = #tpu.pack_format<interleaved>} : vector<32xbf16> -> vector<16xf32>
          %unpack3A_338 = tpu.unpack_subelements %get3A_337, 1 {pack_format = #tpu.pack_format<interleaved>} : vector<32xbf16> -> vector<16xf32>
          %swap3A = arith.constant 0 : i32
          %swap3A_339 = arith.index_cast %swap3A : i32 to index
          %swap3A_340 = arith.index_cast %scan3A_333 : i32 to index
          %swap3A_341 = arith.constant 0 : index
          %swap3A_342 = tpu.vector_load %arg12[%swap3A_339, %swap3A_340, %swap3A_341] {strides = array<i32>} : memref<2x128x32xf32, #tpu.memory_space<vmem>>, vector<16xf32>,
          tpu.vector_store %arg12[%swap3A_339, %swap3A_340, %swap3A_341], %unpack3A {strides = array<i32>} : memref<2x128x32xf32, #tpu.memory_space<vmem>>, vector<16xf32>,
          %swap3A_343 = arith.constant 0 : i32
          %swap3A_344 = arith.index_cast %swap3A_343 : i32 to index
          %swap3A_345 = arith.index_cast %scan3A_333 : i32 to index
          %swap3A_346 = arith.constant 16 : index
          %swap3A_347 = tpu.vector_load %arg12[%swap3A_344, %swap3A_345, %swap3A_346] {strides = array<i32>} : memref<2x128x32xf32, #tpu.memory_space<vmem>>, vector<16xf32>,
          tpu.vector_store %arg12[%swap3A_344, %swap3A_345, %swap3A_346], %unpack3A_338 {strides = array<i32>} : memref<2x128x32xf32, #tpu.memory_space<vmem>>, vector<16xf32>,
        }
        %scan3A_258 = arith.constant 128 : i32
        %dma_start3A_259 = arith.constant 0 : i32
        %dma_start3A_260 = arith.constant 0 : i32
        %dma_start3A_261 = arith.constant 0 : i32
        %dma_start3A_262 = tpu.memref_slice %arg12[%dma_start3A_259, %dma_start3A_260, %dma_start3A_261] : memref<2x128x32xf32, #tpu.memory_space<vmem>> -> memref<1x128x32xf32, #tpu.memory_space<vmem>>
        %dma_start3A_263 = tpu.memref_squeeze %dma_start3A_262 : memref<1x128x32xf32, #tpu.memory_space<vmem>> -> memref<128x32xf32, #tpu.memory_space<vmem>>
        %dma_start3A_264 = arith.constant 0 : i32
        %dma_start3A_265 = tpu.memref_slice %arg10[%add3A_210, %dma_start3A_264] : memref<28x128xi32, #tpu.memory_space<vmem>> -> memref<1x128xi32, #tpu.memory_space<vmem>>
        %dma_start3A_266 = tpu.memref_squeeze %dma_start3A_265 : memref<1x128xi32, #tpu.memory_space<vmem>> -> memref<128xi32, #tpu.memory_space<vmem>>
        %dma_start3A_267 = arith.constant 0 : i32
        %dma_start3A_268 = arith.constant 0 : i32
        %dma_start3A_269 = tpu.memref_slice %arg13[%dma_start3A_267, %dma_start3A_268] : memref<10240x32xf32, #tpu.memory_space<vmem_shared>> -> memref<10240x32xf32, #tpu.memory_space<vmem_shared>>
        tpu.enqueue_indirect_dma source(%dma_start3A_263 : memref<128x32xf32, #tpu.memory_space<vmem>>) target(%dma_start3A_269 : memref<10240x32xf32, #tpu.memory_space<vmem_shared>>) offsets(%dma_start3A_266 : memref<128xi32, #tpu.memory_space<vmem>>) semaphore(%arg16 : memref<!tpu.dma_semaphore, #tpu.memory_space<semaphore_mem>>) {add = true}
        %mul3A_270 = arith.constant 2 : i32
        %mul3A_271 = arith.muli %mul3A_270, %scan3A_207 : i32
        %add3A_272 = arith.constant 3 : i32
        %add3A_273 = arith.addi %mul3A_271, %add3A_272 : i32
        %add3A_274 = arith.constant 1 : i32
        %add3A_275 = arith.addi %add3A_273, %add3A_274 : i32
        %min3A_276 = arith.constant 27 : i32
        %min3A_277 = arith.minsi %add3A_275, %min3A_276 : i32
        %dma_start3A_278 = arith.constant 0 : i32
        %dma_start3A_279 = arith.constant 0 : i32
        %dma_start3A_280 = arith.constant 0 : i32
        %dma_start3A_281 = tpu.memref_slice %arg11[%dma_start3A_278, %dma_start3A_279, %dma_start3A_280] : memref<2x128x32xbf16, #tpu.memory_space<vmem>> -> memref<1x128x32xbf16, #tpu.memory_space<vmem>>
        %dma_start3A_282 = tpu.memref_squeeze %dma_start3A_281 : memref<1x128x32xbf16, #tpu.memory_space<vmem>> -> memref<128x32xbf16, #tpu.memory_space<vmem>>
        %dma_start3A_283 = arith.constant 0 : i32
        %dma_start3A_284 = tpu.memref_slice %arg9[%min3A_277, %dma_start3A_283] : memref<28x128xi32, #tpu.memory_space<vmem>> -> memref<1x128xi32, #tpu.memory_space<vmem>>
        %dma_start3A_285 = tpu.memref_squeeze %dma_start3A_284 : memref<1x128xi32, #tpu.memory_space<vmem>> -> memref<128xi32, #tpu.memory_space<vmem>>
        %dma_start3A_286 = arith.constant 0 : i32
        %dma_start3A_287 = arith.constant 0 : i32
        %dma_start3A_288 = tpu.memref_slice %arg2[%dma_start3A_286, %dma_start3A_287] : memref<80000x32xbf16, #tpu.memory_space<hbm>> -> memref<80000x32xbf16, #tpu.memory_space<hbm>>
        tpu.enqueue_indirect_dma source(%dma_start3A_288 : memref<80000x32xbf16, #tpu.memory_space<hbm>>) target(%dma_start3A_282 : memref<128x32xbf16, #tpu.memory_space<vmem>>) offsets(%dma_start3A_285 : memref<128xi32, #tpu.memory_space<vmem>>) semaphore(%arg14 : memref<!tpu.dma_semaphore, #tpu.memory_space<semaphore_mem>>)
        %dma_wait3A_289 = arith.constant 1 : i32
        %dma_wait3A_290 = arith.constant 0 : i32
        %dma_wait3A_291 = arith.constant 0 : i32
        %dma_wait3A_292 = tpu.memref_slice %arg12[%dma_wait3A_289, %dma_wait3A_290, %dma_wait3A_291] : memref<2x128x32xf32, #tpu.memory_space<vmem>> -> memref<1x128x32xf32, #tpu.memory_space<vmem>>
        %dma_wait3A_293 = tpu.memref_squeeze %dma_wait3A_292 : memref<1x128x32xf32, #tpu.memory_space<vmem>> -> memref<128x32xf32, #tpu.memory_space<vmem>>
        %dma_wait3A_294 = arith.constant 0 : i32
        %dma_wait3A_295 = arith.constant 0 : i32
        %dma_wait3A_296 = tpu.memref_slice %arg13[%dma_wait3A_294, %dma_wait3A_295] : memref<10240x32xf32, #tpu.memory_space<vmem_shared>> -> memref<128x32xf32, #tpu.memory_space<vmem_shared>>
        %dma_wait3A_297 = arith.constant 0 : i32
        %dma_wait3A_298 = arith.constant 0 : i32
        %dma_wait3A_299 = tpu.memref_slice %arg13[%dma_wait3A_297, %dma_wait3A_298] : memref<10240x32xf32, #tpu.memory_space<vmem_shared>> -> memref<128x32xf32, #tpu.memory_space<vmem_shared>>
        %dma_wait3A_300 = arith.constant 0 : i32
        %dma_wait3A_301 = arith.constant 0 : i32
        %dma_wait3A_302 = tpu.memref_slice %arg12[%dma_wait3A_289, %dma_wait3A_300, %dma_wait3A_301] : memref<2x128x32xf32, #tpu.memory_space<vmem>> -> memref<1x128x32xf32, #tpu.memory_space<vmem>>
        %dma_wait3A_303 = tpu.memref_squeeze %dma_wait3A_302 : memref<1x128x32xf32, #tpu.memory_space<vmem>> -> memref<128x32xf32, #tpu.memory_space<vmem>>
        tpu.wait_dma2 semaphore(%arg17 : memref<!tpu.dma_semaphore, #tpu.memory_space<semaphore_mem>>) src(%dma_wait3A_303 : memref<128x32xf32, #tpu.memory_space<vmem>>) dst(%dma_wait3A_299 : memref<128x32xf32, #tpu.memory_space<vmem_shared>>)
        %dma_wait3A_304 = arith.constant 0 : i32
        %dma_wait3A_305 = arith.constant 0 : i32
        %dma_wait3A_306 = arith.constant 0 : i32
        %dma_wait3A_307 = arith.constant 0 : i32
        %dma_wait3A_308 = tpu.memref_slice %arg11[%dma_wait3A_305, %dma_wait3A_306, %dma_wait3A_307] : memref<2x128x32xbf16, #tpu.memory_space<vmem>> -> memref<1x128x32xbf16, #tpu.memory_space<vmem>>
        %dma_wait3A_309 = tpu.memref_squeeze %dma_wait3A_308 : memref<1x128x32xbf16, #tpu.memory_space<vmem>> -> memref<128x32xbf16, #tpu.memory_space<vmem>>
        %dma_wait3A_310 = arith.constant 0 : i32
        %dma_wait3A_311 = tpu.memref_slice %arg9[%dma_wait3A_304, %dma_wait3A_310] : memref<28x128xi32, #tpu.memory_space<vmem>> -> memref<1x128xi32, #tpu.memory_space<vmem>>
        %dma_wait3A_312 = tpu.memref_squeeze %dma_wait3A_311 : memref<1x128xi32, #tpu.memory_space<vmem>> -> memref<128xi32, #tpu.memory_space<vmem>>
        %dma_wait3A_313 = arith.constant 0 : i32
        %dma_wait3A_314 = arith.constant 0 : i32
        %dma_wait3A_315 = tpu.memref_slice %arg2[%dma_wait3A_313, %dma_wait3A_314] : memref<80000x32xbf16, #tpu.memory_space<hbm>> -> memref<80000x32xbf16, #tpu.memory_space<hbm>>
        tpu.wait_indirect_dma semaphore(%arg15 : memref<!tpu.dma_semaphore, #tpu.memory_space<semaphore_mem>>) src(%dma_wait3A_315 : memref<80000x32xbf16, #tpu.memory_space<hbm>>) dst(%dma_wait3A_309 : memref<128x32xbf16, #tpu.memory_space<vmem>>)
        %scan3A_316 = arith.constant 0 : i32
        %scan3A_317 = arith.constant 0 : i32
        %scan3A_318 = arith.constant 128 : i32
        %scan3A_319 = arith.addi %scan3A_317, %scan3A_318 : i32
        %scan3A_320 = arith.constant 1 : i32
        scf.for %scan3A_333 = %scan3A_317 to %scan3A_319 step %scan3A_320  : i32 {
          %get3A = arith.constant 1 : i32
          %get3A_334 = arith.index_cast %get3A : i32 to index
          %get3A_335 = arith.index_cast %scan3A_333 : i32 to index
          %get3A_336 = arith.constant 0 : index
          %get3A_337 = tpu.vector_load %arg11[%get3A_334, %get3A_335, %get3A_336] {strides = array<i32>} : memref<2x128x32xbf16, #tpu.memory_space<vmem>>, vector<32xbf16>,
          %unpack3A = tpu.unpack_subelements %get3A_337, 0 {pack_format = #tpu.pack_format<interleaved>} : vector<32xbf16> -> vector<16xf32>
          %unpack3A_338 = tpu.unpack_subelements %get3A_337, 1 {pack_format = #tpu.pack_format<interleaved>} : vector<32xbf16> -> vector<16xf32>
          %swap3A = arith.constant 1 : i32
          %swap3A_339 = arith.index_cast %swap3A : i32 to index
          %swap3A_340 = arith.index_cast %scan3A_333 : i32 to index
          %swap3A_341 = arith.constant 0 : index
          %swap3A_342 = tpu.vector_load %arg12[%swap3A_339, %swap3A_340, %swap3A_341] {strides = array<i32>} : memref<2x128x32xf32, #tpu.memory_space<vmem>>, vector<16xf32>,
          tpu.vector_store %arg12[%swap3A_339, %swap3A_340, %swap3A_341], %unpack3A {strides = array<i32>} : memref<2x128x32xf32, #tpu.memory_space<vmem>>, vector<16xf32>,
          %swap3A_343 = arith.constant 1 : i32
          %swap3A_344 = arith.index_cast %swap3A_343 : i32 to index
          %swap3A_345 = arith.index_cast %scan3A_333 : i32 to index
          %swap3A_346 = arith.constant 16 : index
          %swap3A_347 = tpu.vector_load %arg12[%swap3A_344, %swap3A_345, %swap3A_346] {strides = array<i32>} : memref<2x128x32xf32, #tpu.memory_space<vmem>>, vector<16xf32>,
          tpu.vector_store %arg12[%swap3A_344, %swap3A_345, %swap3A_346], %unpack3A_338 {strides = array<i32>} : memref<2x128x32xf32, #tpu.memory_space<vmem>>, vector<16xf32>,
        }
        %scan3A_321 = arith.constant 128 : i32
        %dma_start3A_322 = arith.constant 1 : i32
        %dma_start3A_323 = arith.constant 0 : i32
        %dma_start3A_324 = arith.constant 0 : i32
        %dma_start3A_325 = tpu.memref_slice %arg12[%dma_start3A_322, %dma_start3A_323, %dma_start3A_324] : memref<2x128x32xf32, #tpu.memory_space<vmem>> -> memref<1x128x32xf32, #tpu.memory_space<vmem>>
        %dma_start3A_326 = tpu.memref_squeeze %dma_start3A_325 : memref<1x128x32xf32, #tpu.memory_space<vmem>> -> memref<128x32xf32, #tpu.memory_space<vmem>>
        %dma_start3A_327 = arith.constant 0 : i32
        %dma_start3A_328 = tpu.memref_slice %arg10[%add3A_273, %dma_start3A_327] : memref<28x128xi32, #tpu.memory_space<vmem>> -> memref<1x128xi32, #tpu.memory_space<vmem>>
        %dma_start3A_329 = tpu.memref_squeeze %dma_start3A_328 : memref<1x128xi32, #tpu.memory_space<vmem>> -> memref<128xi32, #tpu.memory_space<vmem>>
        %dma_start3A_330 = arith.constant 0 : i32
        %dma_start3A_331 = arith.constant 0 : i32
        %dma_start3A_332 = tpu.memref_slice %arg13[%dma_start3A_330, %dma_start3A_331] : memref<10240x32xf32, #tpu.memory_space<vmem_shared>> -> memref<10240x32xf32, #tpu.memory_space<vmem_shared>>
        tpu.enqueue_indirect_dma source(%dma_start3A_326 : memref<128x32xf32, #tpu.memory_space<vmem>>) target(%dma_start3A_332 : memref<10240x32xf32, #tpu.memory_space<vmem_shared>>) offsets(%dma_start3A_329 : memref<128xi32, #tpu.memory_space<vmem>>) semaphore(%arg17 : memref<!tpu.dma_semaphore, #tpu.memory_space<semaphore_mem>>) {add = true}
      }
      %scan3A_164 = arith.constant 13 : i32
      %dma_wait3A_165 = arith.constant 0 : i32
      %dma_wait3A_166 = arith.constant 0 : i32
      %dma_wait3A_167 = arith.constant 0 : i32
      %dma_wait3A_168 = tpu.memref_slice %arg12[%dma_wait3A_165, %dma_wait3A_166, %dma_wait3A_167] : memref<2x128x32xf32, #tpu.memory_space<vmem>> -> memref<1x128x32xf32, #tpu.memory_space<vmem>>
      %dma_wait3A_169 = tpu.memref_squeeze %dma_wait3A_168 : memref<1x128x32xf32, #tpu.memory_space<vmem>> -> memref<128x32xf32, #tpu.memory_space<vmem>>
      %dma_wait3A_170 = arith.constant 0 : i32
      %dma_wait3A_171 = arith.constant 0 : i32
      %dma_wait3A_172 = tpu.memref_slice %arg13[%dma_wait3A_170, %dma_wait3A_171] : memref<10240x32xf32, #tpu.memory_space<vmem_shared>> -> memref<128x32xf32, #tpu.memory_space<vmem_shared>>
      %dma_wait3A_173 = arith.constant 0 : i32
      %dma_wait3A_174 = arith.constant 0 : i32
      %dma_wait3A_175 = tpu.memref_slice %arg13[%dma_wait3A_173, %dma_wait3A_174] : memref<10240x32xf32, #tpu.memory_space<vmem_shared>> -> memref<128x32xf32, #tpu.memory_space<vmem_shared>>
      %dma_wait3A_176 = arith.constant 0 : i32
      %dma_wait3A_177 = arith.constant 0 : i32
      %dma_wait3A_178 = tpu.memref_slice %arg12[%dma_wait3A_165, %dma_wait3A_176, %dma_wait3A_177] : memref<2x128x32xf32, #tpu.memory_space<vmem>> -> memref<1x128x32xf32, #tpu.memory_space<vmem>>
      %dma_wait3A_179 = tpu.memref_squeeze %dma_wait3A_178 : memref<1x128x32xf32, #tpu.memory_space<vmem>> -> memref<128x32xf32, #tpu.memory_space<vmem>>
      tpu.wait_dma2 semaphore(%arg16 : memref<!tpu.dma_semaphore, #tpu.memory_space<semaphore_mem>>) src(%dma_wait3A_179 : memref<128x32xf32, #tpu.memory_space<vmem>>) dst(%dma_wait3A_175 : memref<128x32xf32, #tpu.memory_space<vmem_shared>>)
      %dma_wait3A_180 = arith.constant 1 : i32
      %dma_wait3A_181 = arith.constant 0 : i32
      %dma_wait3A_182 = arith.constant 0 : i32
      %dma_wait3A_183 = tpu.memref_slice %arg12[%dma_wait3A_180, %dma_wait3A_181, %dma_wait3A_182] : memref<2x128x32xf32, #tpu.memory_space<vmem>> -> memref<1x128x32xf32, #tpu.memory_space<vmem>>
      %dma_wait3A_184 = tpu.memref_squeeze %dma_wait3A_183 : memref<1x128x32xf32, #tpu.memory_space<vmem>> -> memref<128x32xf32, #tpu.memory_space<vmem>>
      %dma_wait3A_185 = arith.constant 0 : i32
      %dma_wait3A_186 = arith.constant 0 : i32
      %dma_wait3A_187 = tpu.memref_slice %arg13[%dma_wait3A_185, %dma_wait3A_186] : memref<10240x32xf32, #tpu.memory_space<vmem_shared>> -> memref<128x32xf32, #tpu.memory_space<vmem_shared>>
      %dma_wait3A_188 = arith.constant 0 : i32
      %dma_wait3A_189 = arith.constant 0 : i32
      %dma_wait3A_190 = tpu.memref_slice %arg13[%dma_wait3A_188, %dma_wait3A_189] : memref<10240x32xf32, #tpu.memory_space<vmem_shared>> -> memref<128x32xf32, #tpu.memory_space<vmem_shared>>
      %dma_wait3A_191 = arith.constant 0 : i32
      %dma_wait3A_192 = arith.constant 0 : i32
      %dma_wait3A_193 = tpu.memref_slice %arg12[%dma_wait3A_180, %dma_wait3A_191, %dma_wait3A_192] : memref<2x128x32xf32, #tpu.memory_space<vmem>> -> memref<1x128x32xf32, #tpu.memory_space<vmem>>
      %dma_wait3A_194 = tpu.memref_squeeze %dma_wait3A_193 : memref<1x128x32xf32, #tpu.memory_space<vmem>> -> memref<128x32xf32, #tpu.memory_space<vmem>>
      tpu.wait_dma2 semaphore(%arg17 : memref<!tpu.dma_semaphore, #tpu.memory_space<semaphore_mem>>) src(%dma_wait3A_194 : memref<128x32xf32, #tpu.memory_space<vmem>>) dst(%dma_wait3A_190 : memref<128x32xf32, #tpu.memory_space<vmem_shared>>)
      %dma_wait3A_195 = arith.constant 0 : i32
      %dma_wait3A_196 = arith.constant 0 : i32
      %dma_wait3A_197 = arith.constant 0 : i32
      %dma_wait3A_198 = arith.constant 0 : i32
      %dma_wait3A_199 = tpu.memref_slice %arg11[%dma_wait3A_196, %dma_wait3A_197, %dma_wait3A_198] : memref<2x128x32xbf16, #tpu.memory_space<vmem>> -> memref<1x128x32xbf16, #tpu.memory_space<vmem>>
      %dma_wait3A_200 = tpu.memref_squeeze %dma_wait3A_199 : memref<1x128x32xbf16, #tpu.memory_space<vmem>> -> memref<128x32xbf16, #tpu.memory_space<vmem>>
      %dma_wait3A_201 = arith.constant 0 : i32
      %dma_wait3A_202 = tpu.memref_slice %arg9[%dma_wait3A_195, %dma_wait3A_201] : memref<28x128xi32, #tpu.memory_space<vmem>> -> memref<1x128xi32, #tpu.memory_space<vmem>>
      %dma_wait3A_203 = tpu.memref_squeeze %dma_wait3A_202 : memref<1x128xi32, #tpu.memory_space<vmem>> -> memref<128xi32, #tpu.memory_space<vmem>>
      %dma_wait3A_204 = arith.constant 0 : i32
      %dma_wait3A_205 = arith.constant 0 : i32
      %dma_wait3A_206 = tpu.memref_slice %arg2[%dma_wait3A_204, %dma_wait3A_205] : memref<80000x32xbf16, #tpu.memory_space<hbm>> -> memref<80000x32xbf16, #tpu.memory_space<hbm>>
      tpu.wait_indirect_dma semaphore(%arg14 : memref<!tpu.dma_semaphore, #tpu.memory_space<semaphore_mem>>) src(%dma_wait3A_206 : memref<80000x32xbf16, #tpu.memory_space<hbm>>) dst(%dma_wait3A_200 : memref<128x32xbf16, #tpu.memory_space<vmem>>)
    } else {
    }
    %eq3A_3 = arith.constant 1 : i32
    %eq3A_4 = arith.cmpi eq, %arg0, %eq3A_3 : i32
    %convert_element_type3A_5 = arith.extui %eq3A_4 : i1 to i32
    %cond3A_6 = arith.constant 0 : i32
    %cond3A_7 = arith.cmpi ne, %convert_element_type3A_5, %cond3A_6 : i32
    scf.if %cond3A_7 {
      %dma_start3A = arith.constant 0 : i32
      %dma_start3A_9 = arith.constant 0 : i32
      %dma_start3A_10 = tpu.memref_slice %arg9[%dma_start3A, %dma_start3A_9] : memref<28x128xi32, #tpu.memory_space<vmem>> -> memref<22x128xi32, #tpu.memory_space<vmem>>
      %dma_start3A_11 = arith.constant 0 : i32
      %dma_start3A_12 = arith.constant 0 : i32
      %dma_start3A_13 = tpu.memref_slice %arg5[%arg1, %dma_start3A_11, %dma_start3A_12] : memref<16x22x128xi32, #tpu.memory_space<hbm>> -> memref<1x22x128xi32, #tpu.memory_space<hbm>>
      %dma_start3A_14 = tpu.memref_squeeze %dma_start3A_13 : memref<1x22x128xi32, #tpu.memory_space<hbm>> -> memref<22x128xi32, #tpu.memory_space<hbm>>
      %dma_start3A_15 = arith.constant 0 : i32
      %dma_start3A_16 = arith.constant 0 : i32
      %dma_start3A_17 = tpu.memref_slice %arg9[%dma_start3A_15, %dma_start3A_16] : memref<28x128xi32, #tpu.memory_space<vmem>> -> memref<22x128xi32, #tpu.memory_space<vmem>>
      %dma_start3A_18 = arith.constant 0 : i32
      %dma_start3A_19 = arith.constant 0 : i32
      %dma_start3A_20 = tpu.memref_slice %arg5[%arg1, %dma_start3A_18, %dma_start3A_19] : memref<16x22x128xi32, #tpu.memory_space<hbm>> -> memref<1x22x128xi32, #tpu.memory_space<hbm>>
      %dma_start3A_21 = tpu.memref_squeeze %dma_start3A_20 : memref<1x22x128xi32, #tpu.memory_space<hbm>> -> memref<22x128xi32, #tpu.memory_space<hbm>>
      tpu.enqueue_dma source(%dma_start3A_21 : memref<22x128xi32, #tpu.memory_space<hbm>>) target(%dma_start3A_17 : memref<22x128xi32, #tpu.memory_space<vmem>>) target_semaphore(%arg14 : memref<!tpu.dma_semaphore, #tpu.memory_space<semaphore_mem>>)
      %dma_start3A_22 = arith.constant 0 : i32
      %dma_start3A_23 = arith.constant 0 : i32
      %dma_start3A_24 = tpu.memref_slice %arg10[%dma_start3A_22, %dma_start3A_23] : memref<28x128xi32, #tpu.memory_space<vmem>> -> memref<22x128xi32, #tpu.memory_space<vmem>>
      %dma_start3A_25 = arith.constant 0 : i32
      %dma_start3A_26 = arith.constant 0 : i32
      %dma_start3A_27 = tpu.memref_slice %arg6[%arg1, %dma_start3A_25, %dma_start3A_26] : memref<16x22x128xi32, #tpu.memory_space<hbm>> -> memref<1x22x128xi32, #tpu.memory_space<hbm>>
      %dma_start3A_28 = tpu.memref_squeeze %dma_start3A_27 : memref<1x22x128xi32, #tpu.memory_space<hbm>> -> memref<22x128xi32, #tpu.memory_space<hbm>>
      %dma_start3A_29 = arith.constant 0 : i32
      %dma_start3A_30 = arith.constant 0 : i32
      %dma_start3A_31 = tpu.memref_slice %arg10[%dma_start3A_29, %dma_start3A_30] : memref<28x128xi32, #tpu.memory_space<vmem>> -> memref<22x128xi32, #tpu.memory_space<vmem>>
      %dma_start3A_32 = arith.constant 0 : i32
      %dma_start3A_33 = arith.constant 0 : i32
      %dma_start3A_34 = tpu.memref_slice %arg6[%arg1, %dma_start3A_32, %dma_start3A_33] : memref<16x22x128xi32, #tpu.memory_space<hbm>> -> memref<1x22x128xi32, #tpu.memory_space<hbm>>
      %dma_start3A_35 = tpu.memref_squeeze %dma_start3A_34 : memref<1x22x128xi32, #tpu.memory_space<hbm>> -> memref<22x128xi32, #tpu.memory_space<hbm>>
      tpu.enqueue_dma source(%dma_start3A_35 : memref<22x128xi32, #tpu.memory_space<hbm>>) target(%dma_start3A_31 : memref<22x128xi32, #tpu.memory_space<vmem>>) target_semaphore(%arg15 : memref<!tpu.dma_semaphore, #tpu.memory_space<semaphore_mem>>)
      %dma_wait3A = arith.constant 0 : i32
      %dma_wait3A_36 = arith.constant 0 : i32
      %dma_wait3A_37 = tpu.memref_slice %arg9[%dma_wait3A, %dma_wait3A_36] : memref<28x128xi32, #tpu.memory_space<vmem>> -> memref<22x128xi32, #tpu.memory_space<vmem>>
      %dma_wait3A_38 = arith.constant 0 : i32
      %dma_wait3A_39 = arith.constant 0 : i32
      %dma_wait3A_40 = tpu.memref_slice %arg5[%arg1, %dma_wait3A_38, %dma_wait3A_39] : memref<16x22x128xi32, #tpu.memory_space<hbm>> -> memref<1x22x128xi32, #tpu.memory_space<hbm>>
      %dma_wait3A_41 = tpu.memref_squeeze %dma_wait3A_40 : memref<1x22x128xi32, #tpu.memory_space<hbm>> -> memref<22x128xi32, #tpu.memory_space<hbm>>
      %dma_wait3A_42 = arith.constant 0 : i32
      %dma_wait3A_43 = arith.constant 0 : i32
      %dma_wait3A_44 = tpu.memref_slice %arg9[%dma_wait3A_42, %dma_wait3A_43] : memref<28x128xi32, #tpu.memory_space<vmem>> -> memref<22x128xi32, #tpu.memory_space<vmem>>
      %dma_wait3A_45 = arith.constant 0 : i32
      %dma_wait3A_46 = arith.constant 0 : i32
      %dma_wait3A_47 = tpu.memref_slice %arg5[%arg1, %dma_wait3A_45, %dma_wait3A_46] : memref<16x22x128xi32, #tpu.memory_space<hbm>> -> memref<1x22x128xi32, #tpu.memory_space<hbm>>
      %dma_wait3A_48 = tpu.memref_squeeze %dma_wait3A_47 : memref<1x22x128xi32, #tpu.memory_space<hbm>> -> memref<22x128xi32, #tpu.memory_space<hbm>>
      tpu.wait_dma2 semaphore(%arg14 : memref<!tpu.dma_semaphore, #tpu.memory_space<semaphore_mem>>) src(%dma_wait3A_48 : memref<22x128xi32, #tpu.memory_space<hbm>>) dst(%dma_wait3A_44 : memref<22x128xi32, #tpu.memory_space<vmem>>)
      %dma_wait3A_49 = arith.constant 0 : i32
      %dma_wait3A_50 = arith.constant 0 : i32
      %dma_wait3A_51 = tpu.memref_slice %arg10[%dma_wait3A_49, %dma_wait3A_50] : memref<28x128xi32, #tpu.memory_space<vmem>> -> memref<22x128xi32, #tpu.memory_space<vmem>>
      %dma_wait3A_52 = arith.constant 0 : i32
      %dma_wait3A_53 = arith.constant 0 : i32
      %dma_wait3A_54 = tpu.memref_slice %arg6[%arg1, %dma_wait3A_52, %dma_wait3A_53] : memref<16x22x128xi32, #tpu.memory_space<hbm>> -> memref<1x22x128xi32, #tpu.memory_space<hbm>>
      %dma_wait3A_55 = tpu.memref_squeeze %dma_wait3A_54 : memref<1x22x128xi32, #tpu.memory_space<hbm>> -> memref<22x128xi32, #tpu.memory_space<hbm>>
      %dma_wait3A_56 = arith.constant 0 : i32
      %dma_wait3A_57 = arith.constant 0 : i32
      %dma_wait3A_58 = tpu.memref_slice %arg10[%dma_wait3A_56, %dma_wait3A_57] : memref<28x128xi32, #tpu.memory_space<vmem>> -> memref<22x128xi32, #tpu.memory_space<vmem>>
      %dma_wait3A_59 = arith.constant 0 : i32
      %dma_wait3A_60 = arith.constant 0 : i32
      %dma_wait3A_61 = tpu.memref_slice %arg6[%arg1, %dma_wait3A_59, %dma_wait3A_60] : memref<16x22x128xi32, #tpu.memory_space<hbm>> -> memref<1x22x128xi32, #tpu.memory_space<hbm>>
      %dma_wait3A_62 = tpu.memref_squeeze %dma_wait3A_61 : memref<1x22x128xi32, #tpu.memory_space<hbm>> -> memref<22x128xi32, #tpu.memory_space<hbm>>
      tpu.wait_dma2 semaphore(%arg15 : memref<!tpu.dma_semaphore, #tpu.memory_space<semaphore_mem>>) src(%dma_wait3A_62 : memref<22x128xi32, #tpu.memory_space<hbm>>) dst(%dma_wait3A_58 : memref<22x128xi32, #tpu.memory_space<vmem>>)
      %dma_start3A_63 = arith.constant 0 : i32
      %dma_start3A_64 = arith.constant 0 : i32
      %dma_start3A_65 = arith.constant 0 : i32
      %dma_start3A_66 = arith.constant 0 : i32
      %dma_start3A_67 = tpu.memref_slice %arg11[%dma_start3A_64, %dma_start3A_65, %dma_start3A_66] : memref<2x128x32xbf16, #tpu.memory_space<vmem>> -> memref<1x128x32xbf16, #tpu.memory_space<vmem>>
      %dma_start3A_68 = tpu.memref_squeeze %dma_start3A_67 : memref<1x128x32xbf16, #tpu.memory_space<vmem>> -> memref<128x32xbf16, #tpu.memory_space<vmem>>
      %dma_start3A_69 = arith.constant 0 : i32
      %dma_start3A_70 = tpu.memref_slice %arg9[%dma_start3A_63, %dma_start3A_69] : memref<28x128xi32, #tpu.memory_space<vmem>> -> memref<1x128xi32, #tpu.memory_space<vmem>>
      %dma_start3A_71 = tpu.memref_squeeze %dma_start3A_70 : memref<1x128xi32, #tpu.memory_space<vmem>> -> memref<128xi32, #tpu.memory_space<vmem>>
      %dma_start3A_72 = arith.constant 0 : i32
      %dma_start3A_73 = arith.constant 0 : i32
      %dma_start3A_74 = tpu.memref_slice %arg2[%dma_start3A_72, %dma_start3A_73] : memref<80000x32xbf16, #tpu.memory_space<hbm>> -> memref<80000x32xbf16, #tpu.memory_space<hbm>>
      tpu.enqueue_indirect_dma source(%dma_start3A_74 : memref<80000x32xbf16, #tpu.memory_space<hbm>>) target(%dma_start3A_68 : memref<128x32xbf16, #tpu.memory_space<vmem>>) offsets(%dma_start3A_71 : memref<128xi32, #tpu.memory_space<vmem>>) semaphore(%arg14 : memref<!tpu.dma_semaphore, #tpu.memory_space<semaphore_mem>>)
      %dma_start3A_75 = arith.constant 1 : i32
      %dma_start3A_76 = arith.constant 1 : i32
      %dma_start3A_77 = arith.constant 0 : i32
      %dma_start3A_78 = arith.constant 0 : i32
      %dma_start3A_79 = tpu.memref_slice %arg11[%dma_start3A_76, %dma_start3A_77, %dma_start3A_78] : memref<2x128x32xbf16, #tpu.memory_space<vmem>> -> memref<1x128x32xbf16, #tpu.memory_space<vmem>>
      %dma_start3A_80 = tpu.memref_squeeze %dma_start3A_79 : memref<1x128x32xbf16, #tpu.memory_space<vmem>> -> memref<128x32xbf16, #tpu.memory_space<vmem>>
      %dma_start3A_81 = arith.constant 0 : i32
      %dma_start3A_82 = tpu.memref_slice %arg9[%dma_start3A_75, %dma_start3A_81] : memref<28x128xi32, #tpu.memory_space<vmem>> -> memref<1x128xi32, #tpu.memory_space<vmem>>
      %dma_start3A_83 = tpu.memref_squeeze %dma_start3A_82 : memref<1x128xi32, #tpu.memory_space<vmem>> -> memref<128xi32, #tpu.memory_space<vmem>>
      %dma_start3A_84 = arith.constant 0 : i32
      %dma_start3A_85 = arith.constant 0 : i32
      %dma_start3A_86 = tpu.memref_slice %arg2[%dma_start3A_84, %dma_start3A_85] : memref<80000x32xbf16, #tpu.memory_space<hbm>> -> memref<80000x32xbf16, #tpu.memory_space<hbm>>
      tpu.enqueue_indirect_dma source(%dma_start3A_86 : memref<80000x32xbf16, #tpu.memory_space<hbm>>) target(%dma_start3A_80 : memref<128x32xbf16, #tpu.memory_space<vmem>>) offsets(%dma_start3A_83 : memref<128xi32, #tpu.memory_space<vmem>>) semaphore(%arg15 : memref<!tpu.dma_semaphore, #tpu.memory_space<semaphore_mem>>)
      %dma_wait3A_87 = arith.constant 0 : i32
      %dma_wait3A_88 = arith.constant 0 : i32
      %dma_wait3A_89 = arith.constant 0 : i32
      %dma_wait3A_90 = arith.constant 0 : i32
      %dma_wait3A_91 = tpu.memref_slice %arg11[%dma_wait3A_88, %dma_wait3A_89, %dma_wait3A_90] : memref<2x128x32xbf16, #tpu.memory_space<vmem>> -> memref<1x128x32xbf16, #tpu.memory_space<vmem>>
      %dma_wait3A_92 = tpu.memref_squeeze %dma_wait3A_91 : memref<1x128x32xbf16, #tpu.memory_space<vmem>> -> memref<128x32xbf16, #tpu.memory_space<vmem>>
      %dma_wait3A_93 = arith.constant 0 : i32
      %dma_wait3A_94 = tpu.memref_slice %arg9[%dma_wait3A_87, %dma_wait3A_93] : memref<28x128xi32, #tpu.memory_space<vmem>> -> memref<1x128xi32, #tpu.memory_space<vmem>>
      %dma_wait3A_95 = tpu.memref_squeeze %dma_wait3A_94 : memref<1x128xi32, #tpu.memory_space<vmem>> -> memref<128xi32, #tpu.memory_space<vmem>>
      %dma_wait3A_96 = arith.constant 0 : i32
      %dma_wait3A_97 = arith.constant 0 : i32
      %dma_wait3A_98 = tpu.memref_slice %arg2[%dma_wait3A_96, %dma_wait3A_97] : memref<80000x32xbf16, #tpu.memory_space<hbm>> -> memref<80000x32xbf16, #tpu.memory_space<hbm>>
      tpu.wait_indirect_dma semaphore(%arg14 : memref<!tpu.dma_semaphore, #tpu.memory_space<semaphore_mem>>) src(%dma_wait3A_98 : memref<80000x32xbf16, #tpu.memory_space<hbm>>) dst(%dma_wait3A_92 : memref<128x32xbf16, #tpu.memory_space<vmem>>)
      %scan3A = arith.constant 0 : i32
      %scan3A_99 = arith.constant 0 : i32
      %scan3A_100 = arith.constant 128 : i32
      %scan3A_101 = arith.addi %scan3A_99, %scan3A_100 : i32
      %scan3A_102 = arith.constant 1 : i32
      scf.for %scan3A_207 = %scan3A_99 to %scan3A_101 step %scan3A_102  : i32 {
        %get3A = arith.constant 0 : i32
        %get3A_208 = arith.index_cast %get3A : i32 to index
        %get3A_209 = arith.index_cast %scan3A_207 : i32 to index
        %get3A_210 = arith.constant 0 : index
        %get3A_211 = tpu.vector_load %arg11[%get3A_208, %get3A_209, %get3A_210] {strides = array<i32>} : memref<2x128x32xbf16, #tpu.memory_space<vmem>>, vector<32xbf16>,
        %unpack3A = tpu.unpack_subelements %get3A_211, 0 {pack_format = #tpu.pack_format<interleaved>} : vector<32xbf16> -> vector<16xf32>
        %unpack3A_212 = tpu.unpack_subelements %get3A_211, 1 {pack_format = #tpu.pack_format<interleaved>} : vector<32xbf16> -> vector<16xf32>
        %swap3A = arith.constant 0 : i32
        %swap3A_213 = arith.index_cast %swap3A : i32 to index
        %swap3A_214 = arith.index_cast %scan3A_207 : i32 to index
        %swap3A_215 = arith.constant 0 : index
        %swap3A_216 = tpu.vector_load %arg12[%swap3A_213, %swap3A_214, %swap3A_215] {strides = array<i32>} : memref<2x128x32xf32, #tpu.memory_space<vmem>>, vector<16xf32>,
        tpu.vector_store %arg12[%swap3A_213, %swap3A_214, %swap3A_215], %unpack3A {strides = array<i32>} : memref<2x128x32xf32, #tpu.memory_space<vmem>>, vector<16xf32>,
        %swap3A_217 = arith.constant 0 : i32
        %swap3A_218 = arith.index_cast %swap3A_217 : i32 to index
        %swap3A_219 = arith.index_cast %scan3A_207 : i32 to index
        %swap3A_220 = arith.constant 16 : index
        %swap3A_221 = tpu.vector_load %arg12[%swap3A_218, %swap3A_219, %swap3A_220] {strides = array<i32>} : memref<2x128x32xf32, #tpu.memory_space<vmem>>, vector<16xf32>,
        tpu.vector_store %arg12[%swap3A_218, %swap3A_219, %swap3A_220], %unpack3A_212 {strides = array<i32>} : memref<2x128x32xf32, #tpu.memory_space<vmem>>, vector<16xf32>,
      }
      %scan3A_103 = arith.constant 128 : i32
      %dma_start3A_104 = arith.constant 0 : i32
      %dma_start3A_105 = arith.constant 0 : i32
      %dma_start3A_106 = arith.constant 0 : i32
      %dma_start3A_107 = arith.constant 0 : i32
      %dma_start3A_108 = tpu.memref_slice %arg12[%dma_start3A_104, %dma_start3A_106, %dma_start3A_107] : memref<2x128x32xf32, #tpu.memory_space<vmem>> -> memref<1x128x32xf32, #tpu.memory_space<vmem>>
      %dma_start3A_109 = tpu.memref_squeeze %dma_start3A_108 : memref<1x128x32xf32, #tpu.memory_space<vmem>> -> memref<128x32xf32, #tpu.memory_space<vmem>>
      %dma_start3A_110 = arith.constant 0 : i32
      %dma_start3A_111 = tpu.memref_slice %arg10[%dma_start3A_105, %dma_start3A_110] : memref<28x128xi32, #tpu.memory_space<vmem>> -> memref<1x128xi32, #tpu.memory_space<vmem>>
      %dma_start3A_112 = tpu.memref_squeeze %dma_start3A_111 : memref<1x128xi32, #tpu.memory_space<vmem>> -> memref<128xi32, #tpu.memory_space<vmem>>
      %dma_start3A_113 = arith.constant 0 : i32
      %dma_start3A_114 = arith.constant 0 : i32
      %dma_start3A_115 = tpu.memref_slice %arg13[%dma_start3A_113, %dma_start3A_114] : memref<10240x32xf32, #tpu.memory_space<vmem_shared>> -> memref<10240x32xf32, #tpu.memory_space<vmem_shared>>
      tpu.enqueue_indirect_dma source(%dma_start3A_109 : memref<128x32xf32, #tpu.memory_space<vmem>>) target(%dma_start3A_115 : memref<10240x32xf32, #tpu.memory_space<vmem_shared>>) offsets(%dma_start3A_112 : memref<128xi32, #tpu.memory_space<vmem>>) semaphore(%arg16 : memref<!tpu.dma_semaphore, #tpu.memory_space<semaphore_mem>>) {add = true}
      %min3A = arith.constant 2 : i32
      %min3A_116 = arith.constant 21 : i32
      %min3A_117 = arith.minsi %min3A, %min3A_116 : i32
      %dma_start3A_118 = arith.constant 0 : i32
      %dma_start3A_119 = arith.constant 0 : i32
      %dma_start3A_120 = arith.constant 0 : i32
      %dma_start3A_121 = tpu.memref_slice %arg11[%dma_start3A_118, %dma_start3A_119, %dma_start3A_120] : memref<2x128x32xbf16, #tpu.memory_space<vmem>> -> memref<1x128x32xbf16, #tpu.memory_space<vmem>>
      %dma_start3A_122 = tpu.memref_squeeze %dma_start3A_121 : memref<1x128x32xbf16, #tpu.memory_space<vmem>> -> memref<128x32xbf16, #tpu.memory_space<vmem>>
      %dma_start3A_123 = arith.constant 0 : i32
      %dma_start3A_124 = tpu.memref_slice %arg9[%min3A_117, %dma_start3A_123] : memref<28x128xi32, #tpu.memory_space<vmem>> -> memref<1x128xi32, #tpu.memory_space<vmem>>
      %dma_start3A_125 = tpu.memref_squeeze %dma_start3A_124 : memref<1x128xi32, #tpu.memory_space<vmem>> -> memref<128xi32, #tpu.memory_space<vmem>>
      %dma_start3A_126 = arith.constant 0 : i32
      %dma_start3A_127 = arith.constant 0 : i32
      %dma_start3A_128 = tpu.memref_slice %arg2[%dma_start3A_126, %dma_start3A_127] : memref<80000x32xbf16, #tpu.memory_space<hbm>> -> memref<80000x32xbf16, #tpu.memory_space<hbm>>
      tpu.enqueue_indirect_dma source(%dma_start3A_128 : memref<80000x32xbf16, #tpu.memory_space<hbm>>) target(%dma_start3A_122 : memref<128x32xbf16, #tpu.memory_space<vmem>>) offsets(%dma_start3A_125 : memref<128xi32, #tpu.memory_space<vmem>>) semaphore(%arg14 : memref<!tpu.dma_semaphore, #tpu.memory_space<semaphore_mem>>)
      %dma_wait3A_129 = arith.constant 0 : i32
      %dma_wait3A_130 = arith.constant 0 : i32
      %dma_wait3A_131 = arith.constant 0 : i32
      %dma_wait3A_132 = arith.constant 0 : i32
      %dma_wait3A_133 = tpu.memref_slice %arg11[%dma_wait3A_130, %dma_wait3A_131, %dma_wait3A_132] : memref<2x128x32xbf16, #tpu.memory_space<vmem>> -> memref<1x128x32xbf16, #tpu.memory_space<vmem>>
      %dma_wait3A_134 = tpu.memref_squeeze %dma_wait3A_133 : memref<1x128x32xbf16, #tpu.memory_space<vmem>> -> memref<128x32xbf16, #tpu.memory_space<vmem>>
      %dma_wait3A_135 = arith.constant 0 : i32
      %dma_wait3A_136 = tpu.memref_slice %arg9[%dma_wait3A_129, %dma_wait3A_135] : memref<28x128xi32, #tpu.memory_space<vmem>> -> memref<1x128xi32, #tpu.memory_space<vmem>>
      %dma_wait3A_137 = tpu.memref_squeeze %dma_wait3A_136 : memref<1x128xi32, #tpu.memory_space<vmem>> -> memref<128xi32, #tpu.memory_space<vmem>>
      %dma_wait3A_138 = arith.constant 0 : i32
      %dma_wait3A_139 = arith.constant 0 : i32
      %dma_wait3A_140 = tpu.memref_slice %arg2[%dma_wait3A_138, %dma_wait3A_139] : memref<80000x32xbf16, #tpu.memory_space<hbm>> -> memref<80000x32xbf16, #tpu.memory_space<hbm>>
      tpu.wait_indirect_dma semaphore(%arg15 : memref<!tpu.dma_semaphore, #tpu.memory_space<semaphore_mem>>) src(%dma_wait3A_140 : memref<80000x32xbf16, #tpu.memory_space<hbm>>) dst(%dma_wait3A_134 : memref<128x32xbf16, #tpu.memory_space<vmem>>)
      %scan3A_141 = arith.constant 0 : i32
      %scan3A_142 = arith.constant 0 : i32
      %scan3A_143 = arith.constant 128 : i32
      %scan3A_144 = arith.addi %scan3A_142, %scan3A_143 : i32
      %scan3A_145 = arith.constant 1 : i32
      scf.for %scan3A_207 = %scan3A_142 to %scan3A_144 step %scan3A_145  : i32 {
        %get3A = arith.constant 1 : i32
        %get3A_208 = arith.index_cast %get3A : i32 to index
        %get3A_209 = arith.index_cast %scan3A_207 : i32 to index
        %get3A_210 = arith.constant 0 : index
        %get3A_211 = tpu.vector_load %arg11[%get3A_208, %get3A_209, %get3A_210] {strides = array<i32>} : memref<2x128x32xbf16, #tpu.memory_space<vmem>>, vector<32xbf16>,
        %unpack3A = tpu.unpack_subelements %get3A_211, 0 {pack_format = #tpu.pack_format<interleaved>} : vector<32xbf16> -> vector<16xf32>
        %unpack3A_212 = tpu.unpack_subelements %get3A_211, 1 {pack_format = #tpu.pack_format<interleaved>} : vector<32xbf16> -> vector<16xf32>
        %swap3A = arith.constant 1 : i32
        %swap3A_213 = arith.index_cast %swap3A : i32 to index
        %swap3A_214 = arith.index_cast %scan3A_207 : i32 to index
        %swap3A_215 = arith.constant 0 : index
        %swap3A_216 = tpu.vector_load %arg12[%swap3A_213, %swap3A_214, %swap3A_215] {strides = array<i32>} : memref<2x128x32xf32, #tpu.memory_space<vmem>>, vector<16xf32>,
        tpu.vector_store %arg12[%swap3A_213, %swap3A_214, %swap3A_215], %unpack3A {strides = array<i32>} : memref<2x128x32xf32, #tpu.memory_space<vmem>>, vector<16xf32>,
        %swap3A_217 = arith.constant 1 : i32
        %swap3A_218 = arith.index_cast %swap3A_217 : i32 to index
        %swap3A_219 = arith.index_cast %scan3A_207 : i32 to index
        %swap3A_220 = arith.constant 16 : index
        %swap3A_221 = tpu.vector_load %arg12[%swap3A_218, %swap3A_219, %swap3A_220] {strides = array<i32>} : memref<2x128x32xf32, #tpu.memory_space<vmem>>, vector<16xf32>,
        tpu.vector_store %arg12[%swap3A_218, %swap3A_219, %swap3A_220], %unpack3A_212 {strides = array<i32>} : memref<2x128x32xf32, #tpu.memory_space<vmem>>, vector<16xf32>,
      }
      %scan3A_146 = arith.constant 128 : i32
      %dma_start3A_147 = arith.constant 1 : i32
      %dma_start3A_148 = arith.constant 1 : i32
      %dma_start3A_149 = arith.constant 0 : i32
      %dma_start3A_150 = arith.constant 0 : i32
      %dma_start3A_151 = tpu.memref_slice %arg12[%dma_start3A_147, %dma_start3A_149, %dma_start3A_150] : memref<2x128x32xf32, #tpu.memory_space<vmem>> -> memref<1x128x32xf32, #tpu.memory_space<vmem>>
      %dma_start3A_152 = tpu.memref_squeeze %dma_start3A_151 : memref<1x128x32xf32, #tpu.memory_space<vmem>> -> memref<128x32xf32, #tpu.memory_space<vmem>>
      %dma_start3A_153 = arith.constant 0 : i32
      %dma_start3A_154 = tpu.memref_slice %arg10[%dma_start3A_148, %dma_start3A_153] : memref<28x128xi32, #tpu.memory_space<vmem>> -> memref<1x128xi32, #tpu.memory_space<vmem>>
      %dma_start3A_155 = tpu.memref_squeeze %dma_start3A_154 : memref<1x128xi32, #tpu.memory_space<vmem>> -> memref<128xi32, #tpu.memory_space<vmem>>
      %dma_start3A_156 = arith.constant 0 : i32
      %dma_start3A_157 = arith.constant 0 : i32
      %dma_start3A_158 = tpu.memref_slice %arg13[%dma_start3A_156, %dma_start3A_157] : memref<10240x32xf32, #tpu.memory_space<vmem_shared>> -> memref<10240x32xf32, #tpu.memory_space<vmem_shared>>
      tpu.enqueue_indirect_dma source(%dma_start3A_152 : memref<128x32xf32, #tpu.memory_space<vmem>>) target(%dma_start3A_158 : memref<10240x32xf32, #tpu.memory_space<vmem_shared>>) offsets(%dma_start3A_155 : memref<128xi32, #tpu.memory_space<vmem>>) semaphore(%arg17 : memref<!tpu.dma_semaphore, #tpu.memory_space<semaphore_mem>>) {add = true}
      %scan3A_159 = arith.constant 0 : i32
      %scan3A_160 = arith.constant 0 : i32
      %scan3A_161 = arith.constant 10 : i32
      %scan3A_162 = arith.addi %scan3A_160, %scan3A_161 : i32
      %scan3A_163 = arith.constant 1 : i32
      scf.for %scan3A_207 = %scan3A_160 to %scan3A_162 step %scan3A_163  : i32 {
        %mul3A_208 = arith.constant 2 : i32
        %mul3A_209 = arith.muli %mul3A_208, %scan3A_207 : i32
        %add3A = arith.constant 2 : i32
        %add3A_210 = arith.addi %mul3A_209, %add3A : i32
        %add3A_211 = arith.constant 1 : i32
        %add3A_212 = arith.addi %add3A_210, %add3A_211 : i32
        %min3A_213 = arith.constant 21 : i32
        %min3A_214 = arith.minsi %add3A_212, %min3A_213 : i32
        %dma_start3A_215 = arith.constant 1 : i32
        %dma_start3A_216 = arith.constant 0 : i32
        %dma_start3A_217 = arith.constant 0 : i32
        %dma_start3A_218 = tpu.memref_slice %arg11[%dma_start3A_215, %dma_start3A_216, %dma_start3A_217] : memref<2x128x32xbf16, #tpu.memory_space<vmem>> -> memref<1x128x32xbf16, #tpu.memory_space<vmem>>
        %dma_start3A_219 = tpu.memref_squeeze %dma_start3A_218 : memref<1x128x32xbf16, #tpu.memory_space<vmem>> -> memref<128x32xbf16, #tpu.memory_space<vmem>>
        %dma_start3A_220 = arith.constant 0 : i32
        %dma_start3A_221 = tpu.memref_slice %arg9[%min3A_214, %dma_start3A_220] : memref<28x128xi32, #tpu.memory_space<vmem>> -> memref<1x128xi32, #tpu.memory_space<vmem>>
        %dma_start3A_222 = tpu.memref_squeeze %dma_start3A_221 : memref<1x128xi32, #tpu.memory_space<vmem>> -> memref<128xi32, #tpu.memory_space<vmem>>
        %dma_start3A_223 = arith.constant 0 : i32
        %dma_start3A_224 = arith.constant 0 : i32
        %dma_start3A_225 = tpu.memref_slice %arg2[%dma_start3A_223, %dma_start3A_224] : memref<80000x32xbf16, #tpu.memory_space<hbm>> -> memref<80000x32xbf16, #tpu.memory_space<hbm>>
        tpu.enqueue_indirect_dma source(%dma_start3A_225 : memref<80000x32xbf16, #tpu.memory_space<hbm>>) target(%dma_start3A_219 : memref<128x32xbf16, #tpu.memory_space<vmem>>) offsets(%dma_start3A_222 : memref<128xi32, #tpu.memory_space<vmem>>) semaphore(%arg15 : memref<!tpu.dma_semaphore, #tpu.memory_space<semaphore_mem>>)
        %dma_wait3A_226 = arith.constant 0 : i32
        %dma_wait3A_227 = arith.constant 0 : i32
        %dma_wait3A_228 = arith.constant 0 : i32
        %dma_wait3A_229 = tpu.memref_slice %arg12[%dma_wait3A_226, %dma_wait3A_227, %dma_wait3A_228] : memref<2x128x32xf32, #tpu.memory_space<vmem>> -> memref<1x128x32xf32, #tpu.memory_space<vmem>>
        %dma_wait3A_230 = tpu.memref_squeeze %dma_wait3A_229 : memref<1x128x32xf32, #tpu.memory_space<vmem>> -> memref<128x32xf32, #tpu.memory_space<vmem>>
        %dma_wait3A_231 = arith.constant 0 : i32
        %dma_wait3A_232 = arith.constant 0 : i32
        %dma_wait3A_233 = tpu.memref_slice %arg13[%dma_wait3A_231, %dma_wait3A_232] : memref<10240x32xf32, #tpu.memory_space<vmem_shared>> -> memref<128x32xf32, #tpu.memory_space<vmem_shared>>
        %dma_wait3A_234 = arith.constant 0 : i32
        %dma_wait3A_235 = arith.constant 0 : i32
        %dma_wait3A_236 = tpu.memref_slice %arg13[%dma_wait3A_234, %dma_wait3A_235] : memref<10240x32xf32, #tpu.memory_space<vmem_shared>> -> memref<128x32xf32, #tpu.memory_space<vmem_shared>>
        %dma_wait3A_237 = arith.constant 0 : i32
        %dma_wait3A_238 = arith.constant 0 : i32
        %dma_wait3A_239 = tpu.memref_slice %arg12[%dma_wait3A_226, %dma_wait3A_237, %dma_wait3A_238] : memref<2x128x32xf32, #tpu.memory_space<vmem>> -> memref<1x128x32xf32, #tpu.memory_space<vmem>>
        %dma_wait3A_240 = tpu.memref_squeeze %dma_wait3A_239 : memref<1x128x32xf32, #tpu.memory_space<vmem>> -> memref<128x32xf32, #tpu.memory_space<vmem>>
        tpu.wait_dma2 semaphore(%arg16 : memref<!tpu.dma_semaphore, #tpu.memory_space<semaphore_mem>>) src(%dma_wait3A_240 : memref<128x32xf32, #tpu.memory_space<vmem>>) dst(%dma_wait3A_236 : memref<128x32xf32, #tpu.memory_space<vmem_shared>>)
        %dma_wait3A_241 = arith.constant 0 : i32
        %dma_wait3A_242 = arith.constant 0 : i32
        %dma_wait3A_243 = arith.constant 0 : i32
        %dma_wait3A_244 = arith.constant 0 : i32
        %dma_wait3A_245 = tpu.memref_slice %arg11[%dma_wait3A_242, %dma_wait3A_243, %dma_wait3A_244] : memref<2x128x32xbf16, #tpu.memory_space<vmem>> -> memref<1x128x32xbf16, #tpu.memory_space<vmem>>
        %dma_wait3A_246 = tpu.memref_squeeze %dma_wait3A_245 : memref<1x128x32xbf16, #tpu.memory_space<vmem>> -> memref<128x32xbf16, #tpu.memory_space<vmem>>
        %dma_wait3A_247 = arith.constant 0 : i32
        %dma_wait3A_248 = tpu.memref_slice %arg9[%dma_wait3A_241, %dma_wait3A_247] : memref<28x128xi32, #tpu.memory_space<vmem>> -> memref<1x128xi32, #tpu.memory_space<vmem>>
        %dma_wait3A_249 = tpu.memref_squeeze %dma_wait3A_248 : memref<1x128xi32, #tpu.memory_space<vmem>> -> memref<128xi32, #tpu.memory_space<vmem>>
        %dma_wait3A_250 = arith.constant 0 : i32
        %dma_wait3A_251 = arith.constant 0 : i32
        %dma_wait3A_252 = tpu.memref_slice %arg2[%dma_wait3A_250, %dma_wait3A_251] : memref<80000x32xbf16, #tpu.memory_space<hbm>> -> memref<80000x32xbf16, #tpu.memory_space<hbm>>
        tpu.wait_indirect_dma semaphore(%arg14 : memref<!tpu.dma_semaphore, #tpu.memory_space<semaphore_mem>>) src(%dma_wait3A_252 : memref<80000x32xbf16, #tpu.memory_space<hbm>>) dst(%dma_wait3A_246 : memref<128x32xbf16, #tpu.memory_space<vmem>>)
        %scan3A_253 = arith.constant 0 : i32
        %scan3A_254 = arith.constant 0 : i32
        %scan3A_255 = arith.constant 128 : i32
        %scan3A_256 = arith.addi %scan3A_254, %scan3A_255 : i32
        %scan3A_257 = arith.constant 1 : i32
        scf.for %scan3A_333 = %scan3A_254 to %scan3A_256 step %scan3A_257  : i32 {
          %get3A = arith.constant 0 : i32
          %get3A_334 = arith.index_cast %get3A : i32 to index
          %get3A_335 = arith.index_cast %scan3A_333 : i32 to index
          %get3A_336 = arith.constant 0 : index
          %get3A_337 = tpu.vector_load %arg11[%get3A_334, %get3A_335, %get3A_336] {strides = array<i32>} : memref<2x128x32xbf16, #tpu.memory_space<vmem>>, vector<32xbf16>,
          %unpack3A = tpu.unpack_subelements %get3A_337, 0 {pack_format = #tpu.pack_format<interleaved>} : vector<32xbf16> -> vector<16xf32>
          %unpack3A_338 = tpu.unpack_subelements %get3A_337, 1 {pack_format = #tpu.pack_format<interleaved>} : vector<32xbf16> -> vector<16xf32>
          %swap3A = arith.constant 0 : i32
          %swap3A_339 = arith.index_cast %swap3A : i32 to index
          %swap3A_340 = arith.index_cast %scan3A_333 : i32 to index
          %swap3A_341 = arith.constant 0 : index
          %swap3A_342 = tpu.vector_load %arg12[%swap3A_339, %swap3A_340, %swap3A_341] {strides = array<i32>} : memref<2x128x32xf32, #tpu.memory_space<vmem>>, vector<16xf32>,
          tpu.vector_store %arg12[%swap3A_339, %swap3A_340, %swap3A_341], %unpack3A {strides = array<i32>} : memref<2x128x32xf32, #tpu.memory_space<vmem>>, vector<16xf32>,
          %swap3A_343 = arith.constant 0 : i32
          %swap3A_344 = arith.index_cast %swap3A_343 : i32 to index
          %swap3A_345 = arith.index_cast %scan3A_333 : i32 to index
          %swap3A_346 = arith.constant 16 : index
          %swap3A_347 = tpu.vector_load %arg12[%swap3A_344, %swap3A_345, %swap3A_346] {strides = array<i32>} : memref<2x128x32xf32, #tpu.memory_space<vmem>>, vector<16xf32>,
          tpu.vector_store %arg12[%swap3A_344, %swap3A_345, %swap3A_346], %unpack3A_338 {strides = array<i32>} : memref<2x128x32xf32, #tpu.memory_space<vmem>>, vector<16xf32>,
        }
        %scan3A_258 = arith.constant 128 : i32
        %dma_start3A_259 = arith.constant 0 : i32
        %dma_start3A_260 = arith.constant 0 : i32
        %dma_start3A_261 = arith.constant 0 : i32
        %dma_start3A_262 = tpu.memref_slice %arg12[%dma_start3A_259, %dma_start3A_260, %dma_start3A_261] : memref<2x128x32xf32, #tpu.memory_space<vmem>> -> memref<1x128x32xf32, #tpu.memory_space<vmem>>
        %dma_start3A_263 = tpu.memref_squeeze %dma_start3A_262 : memref<1x128x32xf32, #tpu.memory_space<vmem>> -> memref<128x32xf32, #tpu.memory_space<vmem>>
        %dma_start3A_264 = arith.constant 0 : i32
        %dma_start3A_265 = tpu.memref_slice %arg10[%add3A_210, %dma_start3A_264] : memref<28x128xi32, #tpu.memory_space<vmem>> -> memref<1x128xi32, #tpu.memory_space<vmem>>
        %dma_start3A_266 = tpu.memref_squeeze %dma_start3A_265 : memref<1x128xi32, #tpu.memory_space<vmem>> -> memref<128xi32, #tpu.memory_space<vmem>>
        %dma_start3A_267 = arith.constant 0 : i32
        %dma_start3A_268 = arith.constant 0 : i32
        %dma_start3A_269 = tpu.memref_slice %arg13[%dma_start3A_267, %dma_start3A_268] : memref<10240x32xf32, #tpu.memory_space<vmem_shared>> -> memref<10240x32xf32, #tpu.memory_space<vmem_shared>>
        tpu.enqueue_indirect_dma source(%dma_start3A_263 : memref<128x32xf32, #tpu.memory_space<vmem>>) target(%dma_start3A_269 : memref<10240x32xf32, #tpu.memory_space<vmem_shared>>) offsets(%dma_start3A_266 : memref<128xi32, #tpu.memory_space<vmem>>) semaphore(%arg16 : memref<!tpu.dma_semaphore, #tpu.memory_space<semaphore_mem>>) {add = true}
        %mul3A_270 = arith.constant 2 : i32
        %mul3A_271 = arith.muli %mul3A_270, %scan3A_207 : i32
        %add3A_272 = arith.constant 3 : i32
        %add3A_273 = arith.addi %mul3A_271, %add3A_272 : i32
        %add3A_274 = arith.constant 1 : i32
        %add3A_275 = arith.addi %add3A_273, %add3A_274 : i32
        %min3A_276 = arith.constant 21 : i32
        %min3A_277 = arith.minsi %add3A_275, %min3A_276 : i32
        %dma_start3A_278 = arith.constant 0 : i32
        %dma_start3A_279 = arith.constant 0 : i32
        %dma_start3A_280 = arith.constant 0 : i32
        %dma_start3A_281 = tpu.memref_slice %arg11[%dma_start3A_278, %dma_start3A_279, %dma_start3A_280] : memref<2x128x32xbf16, #tpu.memory_space<vmem>> -> memref<1x128x32xbf16, #tpu.memory_space<vmem>>
        %dma_start3A_282 = tpu.memref_squeeze %dma_start3A_281 : memref<1x128x32xbf16, #tpu.memory_space<vmem>> -> memref<128x32xbf16, #tpu.memory_space<vmem>>
        %dma_start3A_283 = arith.constant 0 : i32
        %dma_start3A_284 = tpu.memref_slice %arg9[%min3A_277, %dma_start3A_283] : memref<28x128xi32, #tpu.memory_space<vmem>> -> memref<1x128xi32, #tpu.memory_space<vmem>>
        %dma_start3A_285 = tpu.memref_squeeze %dma_start3A_284 : memref<1x128xi32, #tpu.memory_space<vmem>> -> memref<128xi32, #tpu.memory_space<vmem>>
        %dma_start3A_286 = arith.constant 0 : i32
        %dma_start3A_287 = arith.constant 0 : i32
        %dma_start3A_288 = tpu.memref_slice %arg2[%dma_start3A_286, %dma_start3A_287] : memref<80000x32xbf16, #tpu.memory_space<hbm>> -> memref<80000x32xbf16, #tpu.memory_space<hbm>>
        tpu.enqueue_indirect_dma source(%dma_start3A_288 : memref<80000x32xbf16, #tpu.memory_space<hbm>>) target(%dma_start3A_282 : memref<128x32xbf16, #tpu.memory_space<vmem>>) offsets(%dma_start3A_285 : memref<128xi32, #tpu.memory_space<vmem>>) semaphore(%arg14 : memref<!tpu.dma_semaphore, #tpu.memory_space<semaphore_mem>>)
        %dma_wait3A_289 = arith.constant 1 : i32
        %dma_wait3A_290 = arith.constant 0 : i32
        %dma_wait3A_291 = arith.constant 0 : i32
        %dma_wait3A_292 = tpu.memref_slice %arg12[%dma_wait3A_289, %dma_wait3A_290, %dma_wait3A_291] : memref<2x128x32xf32, #tpu.memory_space<vmem>> -> memref<1x128x32xf32, #tpu.memory_space<vmem>>
        %dma_wait3A_293 = tpu.memref_squeeze %dma_wait3A_292 : memref<1x128x32xf32, #tpu.memory_space<vmem>> -> memref<128x32xf32, #tpu.memory_space<vmem>>
        %dma_wait3A_294 = arith.constant 0 : i32
        %dma_wait3A_295 = arith.constant 0 : i32
        %dma_wait3A_296 = tpu.memref_slice %arg13[%dma_wait3A_294, %dma_wait3A_295] : memref<10240x32xf32, #tpu.memory_space<vmem_shared>> -> memref<128x32xf32, #tpu.memory_space<vmem_shared>>
        %dma_wait3A_297 = arith.constant 0 : i32
        %dma_wait3A_298 = arith.constant 0 : i32
        %dma_wait3A_299 = tpu.memref_slice %arg13[%dma_wait3A_297, %dma_wait3A_298] : memref<10240x32xf32, #tpu.memory_space<vmem_shared>> -> memref<128x32xf32, #tpu.memory_space<vmem_shared>>
        %dma_wait3A_300 = arith.constant 0 : i32
        %dma_wait3A_301 = arith.constant 0 : i32
        %dma_wait3A_302 = tpu.memref_slice %arg12[%dma_wait3A_289, %dma_wait3A_300, %dma_wait3A_301] : memref<2x128x32xf32, #tpu.memory_space<vmem>> -> memref<1x128x32xf32, #tpu.memory_space<vmem>>
        %dma_wait3A_303 = tpu.memref_squeeze %dma_wait3A_302 : memref<1x128x32xf32, #tpu.memory_space<vmem>> -> memref<128x32xf32, #tpu.memory_space<vmem>>
        tpu.wait_dma2 semaphore(%arg17 : memref<!tpu.dma_semaphore, #tpu.memory_space<semaphore_mem>>) src(%dma_wait3A_303 : memref<128x32xf32, #tpu.memory_space<vmem>>) dst(%dma_wait3A_299 : memref<128x32xf32, #tpu.memory_space<vmem_shared>>)
        %dma_wait3A_304 = arith.constant 0 : i32
        %dma_wait3A_305 = arith.constant 0 : i32
        %dma_wait3A_306 = arith.constant 0 : i32
        %dma_wait3A_307 = arith.constant 0 : i32
        %dma_wait3A_308 = tpu.memref_slice %arg11[%dma_wait3A_305, %dma_wait3A_306, %dma_wait3A_307] : memref<2x128x32xbf16, #tpu.memory_space<vmem>> -> memref<1x128x32xbf16, #tpu.memory_space<vmem>>
        %dma_wait3A_309 = tpu.memref_squeeze %dma_wait3A_308 : memref<1x128x32xbf16, #tpu.memory_space<vmem>> -> memref<128x32xbf16, #tpu.memory_space<vmem>>
        %dma_wait3A_310 = arith.constant 0 : i32
        %dma_wait3A_311 = tpu.memref_slice %arg9[%dma_wait3A_304, %dma_wait3A_310] : memref<28x128xi32, #tpu.memory_space<vmem>> -> memref<1x128xi32, #tpu.memory_space<vmem>>
        %dma_wait3A_312 = tpu.memref_squeeze %dma_wait3A_311 : memref<1x128xi32, #tpu.memory_space<vmem>> -> memref<128xi32, #tpu.memory_space<vmem>>
        %dma_wait3A_313 = arith.constant 0 : i32
        %dma_wait3A_314 = arith.constant 0 : i32
        %dma_wait3A_315 = tpu.memref_slice %arg2[%dma_wait3A_313, %dma_wait3A_314] : memref<80000x32xbf16, #tpu.memory_space<hbm>> -> memref<80000x32xbf16, #tpu.memory_space<hbm>>
        tpu.wait_indirect_dma semaphore(%arg15 : memref<!tpu.dma_semaphore, #tpu.memory_space<semaphore_mem>>) src(%dma_wait3A_315 : memref<80000x32xbf16, #tpu.memory_space<hbm>>) dst(%dma_wait3A_309 : memref<128x32xbf16, #tpu.memory_space<vmem>>)
        %scan3A_316 = arith.constant 0 : i32
        %scan3A_317 = arith.constant 0 : i32
        %scan3A_318 = arith.constant 128 : i32
        %scan3A_319 = arith.addi %scan3A_317, %scan3A_318 : i32
        %scan3A_320 = arith.constant 1 : i32
        scf.for %scan3A_333 = %scan3A_317 to %scan3A_319 step %scan3A_320  : i32 {
          %get3A = arith.constant 1 : i32
          %get3A_334 = arith.index_cast %get3A : i32 to index
          %get3A_335 = arith.index_cast %scan3A_333 : i32 to index
          %get3A_336 = arith.constant 0 : index
          %get3A_337 = tpu.vector_load %arg11[%get3A_334, %get3A_335, %get3A_336] {strides = array<i32>} : memref<2x128x32xbf16, #tpu.memory_space<vmem>>, vector<32xbf16>,
          %unpack3A = tpu.unpack_subelements %get3A_337, 0 {pack_format = #tpu.pack_format<interleaved>} : vector<32xbf16> -> vector<16xf32>
          %unpack3A_338 = tpu.unpack_subelements %get3A_337, 1 {pack_format = #tpu.pack_format<interleaved>} : vector<32xbf16> -> vector<16xf32>
          %swap3A = arith.constant 1 : i32
          %swap3A_339 = arith.index_cast %swap3A : i32 to index
          %swap3A_340 = arith.index_cast %scan3A_333 : i32 to index
          %swap3A_341 = arith.constant 0 : index
          %swap3A_342 = tpu.vector_load %arg12[%swap3A_339, %swap3A_340, %swap3A_341] {strides = array<i32>} : memref<2x128x32xf32, #tpu.memory_space<vmem>>, vector<16xf32>,
          tpu.vector_store %arg12[%swap3A_339, %swap3A_340, %swap3A_341], %unpack3A {strides = array<i32>} : memref<2x128x32xf32, #tpu.memory_space<vmem>>, vector<16xf32>,
          %swap3A_343 = arith.constant 1 : i32
          %swap3A_344 = arith.index_cast %swap3A_343 : i32 to index
          %swap3A_345 = arith.index_cast %scan3A_333 : i32 to index
          %swap3A_346 = arith.constant 16 : index
          %swap3A_347 = tpu.vector_load %arg12[%swap3A_344, %swap3A_345, %swap3A_346] {strides = array<i32>} : memref<2x128x32xf32, #tpu.memory_space<vmem>>, vector<16xf32>,
          tpu.vector_store %arg12[%swap3A_344, %swap3A_345, %swap3A_346], %unpack3A_338 {strides = array<i32>} : memref<2x128x32xf32, #tpu.memory_space<vmem>>, vector<16xf32>,
        }
        %scan3A_321 = arith.constant 128 : i32
        %dma_start3A_322 = arith.constant 1 : i32
        %dma_start3A_323 = arith.constant 0 : i32
        %dma_start3A_324 = arith.constant 0 : i32
        %dma_start3A_325 = tpu.memref_slice %arg12[%dma_start3A_322, %dma_start3A_323, %dma_start3A_324] : memref<2x128x32xf32, #tpu.memory_space<vmem>> -> memref<1x128x32xf32, #tpu.memory_space<vmem>>
        %dma_start3A_326 = tpu.memref_squeeze %dma_start3A_325 : memref<1x128x32xf32, #tpu.memory_space<vmem>> -> memref<128x32xf32, #tpu.memory_space<vmem>>
        %dma_start3A_327 = arith.constant 0 : i32
        %dma_start3A_328 = tpu.memref_slice %arg10[%add3A_273, %dma_start3A_327] : memref<28x128xi32, #tpu.memory_space<vmem>> -> memref<1x128xi32, #tpu.memory_space<vmem>>
        %dma_start3A_329 = tpu.memref_squeeze %dma_start3A_328 : memref<1x128xi32, #tpu.memory_space<vmem>> -> memref<128xi32, #tpu.memory_space<vmem>>
        %dma_start3A_330 = arith.constant 0 : i32
        %dma_start3A_331 = arith.constant 0 : i32
        %dma_start3A_332 = tpu.memref_slice %arg13[%dma_start3A_330, %dma_start3A_331] : memref<10240x32xf32, #tpu.memory_space<vmem_shared>> -> memref<10240x32xf32, #tpu.memory_space<vmem_shared>>
        tpu.enqueue_indirect_dma source(%dma_start3A_326 : memref<128x32xf32, #tpu.memory_space<vmem>>) target(%dma_start3A_332 : memref<10240x32xf32, #tpu.memory_space<vmem_shared>>) offsets(%dma_start3A_329 : memref<128xi32, #tpu.memory_space<vmem>>) semaphore(%arg17 : memref<!tpu.dma_semaphore, #tpu.memory_space<semaphore_mem>>) {add = true}
      }
      %scan3A_164 = arith.constant 10 : i32
      %dma_wait3A_165 = arith.constant 0 : i32
      %dma_wait3A_166 = arith.constant 0 : i32
      %dma_wait3A_167 = arith.constant 0 : i32
      %dma_wait3A_168 = tpu.memref_slice %arg12[%dma_wait3A_165, %dma_wait3A_166, %dma_wait3A_167] : memref<2x128x32xf32, #tpu.memory_space<vmem>> -> memref<1x128x32xf32, #tpu.memory_space<vmem>>
      %dma_wait3A_169 = tpu.memref_squeeze %dma_wait3A_168 : memref<1x128x32xf32, #tpu.memory_space<vmem>> -> memref<128x32xf32, #tpu.memory_space<vmem>>
      %dma_wait3A_170 = arith.constant 0 : i32
      %dma_wait3A_171 = arith.constant 0 : i32
      %dma_wait3A_172 = tpu.memref_slice %arg13[%dma_wait3A_170, %dma_wait3A_171] : memref<10240x32xf32, #tpu.memory_space<vmem_shared>> -> memref<128x32xf32, #tpu.memory_space<vmem_shared>>
      %dma_wait3A_173 = arith.constant 0 : i32
      %dma_wait3A_174 = arith.constant 0 : i32
      %dma_wait3A_175 = tpu.memref_slice %arg13[%dma_wait3A_173, %dma_wait3A_174] : memref<10240x32xf32, #tpu.memory_space<vmem_shared>> -> memref<128x32xf32, #tpu.memory_space<vmem_shared>>
      %dma_wait3A_176 = arith.constant 0 : i32
      %dma_wait3A_177 = arith.constant 0 : i32
      %dma_wait3A_178 = tpu.memref_slice %arg12[%dma_wait3A_165, %dma_wait3A_176, %dma_wait3A_177] : memref<2x128x32xf32, #tpu.memory_space<vmem>> -> memref<1x128x32xf32, #tpu.memory_space<vmem>>
      %dma_wait3A_179 = tpu.memref_squeeze %dma_wait3A_178 : memref<1x128x32xf32, #tpu.memory_space<vmem>> -> memref<128x32xf32, #tpu.memory_space<vmem>>
      tpu.wait_dma2 semaphore(%arg16 : memref<!tpu.dma_semaphore, #tpu.memory_space<semaphore_mem>>) src(%dma_wait3A_179 : memref<128x32xf32, #tpu.memory_space<vmem>>) dst(%dma_wait3A_175 : memref<128x32xf32, #tpu.memory_space<vmem_shared>>)
      %dma_wait3A_180 = arith.constant 1 : i32
      %dma_wait3A_181 = arith.constant 0 : i32
      %dma_wait3A_182 = arith.constant 0 : i32
      %dma_wait3A_183 = tpu.memref_slice %arg12[%dma_wait3A_180, %dma_wait3A_181, %dma_wait3A_182] : memref<2x128x32xf32, #tpu.memory_space<vmem>> -> memref<1x128x32xf32, #tpu.memory_space<vmem>>
      %dma_wait3A_184 = tpu.memref_squeeze %dma_wait3A_183 : memref<1x128x32xf32, #tpu.memory_space<vmem>> -> memref<128x32xf32, #tpu.memory_space<vmem>>
      %dma_wait3A_185 = arith.constant 0 : i32
      %dma_wait3A_186 = arith.constant 0 : i32
      %dma_wait3A_187 = tpu.memref_slice %arg13[%dma_wait3A_185, %dma_wait3A_186] : memref<10240x32xf32, #tpu.memory_space<vmem_shared>> -> memref<128x32xf32, #tpu.memory_space<vmem_shared>>
      %dma_wait3A_188 = arith.constant 0 : i32
      %dma_wait3A_189 = arith.constant 0 : i32
      %dma_wait3A_190 = tpu.memref_slice %arg13[%dma_wait3A_188, %dma_wait3A_189] : memref<10240x32xf32, #tpu.memory_space<vmem_shared>> -> memref<128x32xf32, #tpu.memory_space<vmem_shared>>
      %dma_wait3A_191 = arith.constant 0 : i32
      %dma_wait3A_192 = arith.constant 0 : i32
      %dma_wait3A_193 = tpu.memref_slice %arg12[%dma_wait3A_180, %dma_wait3A_191, %dma_wait3A_192] : memref<2x128x32xf32, #tpu.memory_space<vmem>> -> memref<1x128x32xf32, #tpu.memory_space<vmem>>
      %dma_wait3A_194 = tpu.memref_squeeze %dma_wait3A_193 : memref<1x128x32xf32, #tpu.memory_space<vmem>> -> memref<128x32xf32, #tpu.memory_space<vmem>>
      tpu.wait_dma2 semaphore(%arg17 : memref<!tpu.dma_semaphore, #tpu.memory_space<semaphore_mem>>) src(%dma_wait3A_194 : memref<128x32xf32, #tpu.memory_space<vmem>>) dst(%dma_wait3A_190 : memref<128x32xf32, #tpu.memory_space<vmem_shared>>)
      %dma_wait3A_195 = arith.constant 0 : i32
      %dma_wait3A_196 = arith.constant 0 : i32
      %dma_wait3A_197 = arith.constant 0 : i32
      %dma_wait3A_198 = arith.constant 0 : i32
      %dma_wait3A_199 = tpu.memref_slice %arg11[%dma_wait3A_196, %dma_wait3A_197, %dma_wait3A_198] : memref<2x128x32xbf16, #tpu.memory_space<vmem>> -> memref<1x128x32xbf16, #tpu.memory_space<vmem>>
      %dma_wait3A_200 = tpu.memref_squeeze %dma_wait3A_199 : memref<1x128x32xbf16, #tpu.memory_space<vmem>> -> memref<128x32xbf16, #tpu.memory_space<vmem>>
      %dma_wait3A_201 = arith.constant 0 : i32
      %dma_wait3A_202 = tpu.memref_slice %arg9[%dma_wait3A_195, %dma_wait3A_201] : memref<28x128xi32, #tpu.memory_space<vmem>> -> memref<1x128xi32, #tpu.memory_space<vmem>>
      %dma_wait3A_203 = tpu.memref_squeeze %dma_wait3A_202 : memref<1x128xi32, #tpu.memory_space<vmem>> -> memref<128xi32, #tpu.memory_space<vmem>>
      %dma_wait3A_204 = arith.constant 0 : i32
      %dma_wait3A_205 = arith.constant 0 : i32
      %dma_wait3A_206 = tpu.memref_slice %arg2[%dma_wait3A_204, %dma_wait3A_205] : memref<80000x32xbf16, #tpu.memory_space<hbm>> -> memref<80000x32xbf16, #tpu.memory_space<hbm>>
      tpu.wait_indirect_dma semaphore(%arg14 : memref<!tpu.dma_semaphore, #tpu.memory_space<semaphore_mem>>) src(%dma_wait3A_206 : memref<80000x32xbf16, #tpu.memory_space<hbm>>) dst(%dma_wait3A_200 : memref<128x32xbf16, #tpu.memory_space<vmem>>)
    } else {
    }
    %barrier3A_8 = arith.constant 0 : index
    tpu.barrier barrier_id(%barrier3A_8)
    "tpu.region"() ({
      %run_scoped3A = tpu.sem_alloc : memref<!tpu.dma_semaphore, #tpu.memory_space<semaphore_mem>>
      %dma_start3A = arith.constant 0 : i32
      %dma_start3A_9 = tpu.memref_slice %arg8[%arg0, %mul3A_0, %dma_start3A] : memref<2x10240x32xf32, #tpu.memory_space<hbm>> -> memref<1x640x32xf32, #tpu.memory_space<hbm>>
      %dma_start3A_10 = tpu.memref_squeeze %dma_start3A_9 : memref<1x640x32xf32, #tpu.memory_space<hbm>> -> memref<640x32xf32, #tpu.memory_space<hbm>>
      %dma_start3A_11 = arith.constant 0 : i32
      %dma_start3A_12 = tpu.memref_slice %arg13[%mul3A_0, %dma_start3A_11] : memref<10240x32xf32, #tpu.memory_space<vmem_shared>> -> memref<640x32xf32, #tpu.memory_space<vmem_shared>>
      tpu.enqueue_dma source(%dma_start3A_12 : memref<640x32xf32, #tpu.memory_space<vmem_shared>>) target(%dma_start3A_10 : memref<640x32xf32, #tpu.memory_space<hbm>>) target_semaphore(%run_scoped3A : memref<!tpu.dma_semaphore, #tpu.memory_space<semaphore_mem>>)
      %dma_wait3A = arith.constant 0 : i32
      %dma_wait3A_13 = tpu.memref_slice %arg8[%arg0, %mul3A_0, %dma_wait3A] : memref<2x10240x32xf32, #tpu.memory_space<hbm>> -> memref<1x640x32xf32, #tpu.memory_space<hbm>>
      %dma_wait3A_14 = tpu.memref_squeeze %dma_wait3A_13 : memref<1x640x32xf32, #tpu.memory_space<hbm>> -> memref<640x32xf32, #tpu.memory_space<hbm>>
      %dma_wait3A_15 = arith.constant 0 : i32
      %dma_wait3A_16 = tpu.memref_slice %arg13[%mul3A_0, %dma_wait3A_15] : memref<10240x32xf32, #tpu.memory_space<vmem_shared>> -> memref<640x32xf32, #tpu.memory_space<vmem_shared>>
      tpu.wait_dma2 semaphore(%run_scoped3A : memref<!tpu.dma_semaphore, #tpu.memory_space<semaphore_mem>>) src(%dma_wait3A_16 : memref<640x32xf32, #tpu.memory_space<vmem_shared>>) dst(%dma_wait3A_14 : memref<640x32xf32, #tpu.memory_space<hbm>>)
      tpu.yield
    }) : () -> ()
    return
  }
}

module attributes {stable_mosaic.version = 14 : i64} {
  func.func @body(%arg0: i32, %arg1: memref<10000x32xf32, #tpu.memory_space<vmem>>, %arg2: memref<32x256xf32, #tpu.memory_space<vmem>>, %arg3: memref<10000x256xbf16, #tpu.memory_space<vmem>>) attributes {dimension_semantics = [#tpu.dimension_semantics<arbitrary>], iteration_bounds = array<i64: 1>, scalar_prefetch = 0 : i64, scratch_operands = 0 : i64, tpu.core_type = #tpu.core_type<tc>, window_params = [{transform_indices = @transform_0, window_bounds = array<i64: 10000, 32>}, {pipeline_mode = #tpu.pipeline_mode<synchronous>, transform_indices = @transform_1, window_bounds = array<i64: 32, 256>}, {transform_indices = @transform_2, window_bounds = array<i64: 10000, 256>}]} {
    %get3A = arith.constant 0 : index
    %get3A_0 = arith.constant 0 : index
    %get3A_1 = vector.load %arg1[%get3A, %get3A_0] : memref<10000x32xf32, #tpu.memory_space<vmem>>, vector<10000x32xf32>
    %get3A_2 = arith.constant 0 : index
    %get3A_3 = arith.constant 0 : index
    %get3A_4 = vector.load %arg2[%get3A_2, %get3A_3] : memref<32x256xf32, #tpu.memory_space<vmem>>, vector<32x256xf32>
    %dot_general3A = arith.constant dense<0.000000e+00> : vector<10000x256xf32>
    %dot_general3A_5 = tpu.matmul %get3A_1, %get3A_4, %dot_general3A {dimension_numbers = #tpu.dot_dimension_numbers<[1], [0], [0], [1], [0, 0, 1, 1], [], []>, transpose_lhs_hint = false} : vector<10000x32xf32>, vector<32x256xf32>, vector<10000x256xf32> -> vector<10000x256xf32>
    %convert_element_type3A = arith.truncf %dot_general3A_5 : vector<10000x256xf32> to vector<10000x256xbf16>
    %swap3A = arith.constant 0 : index
    %swap3A_6 = arith.constant 0 : index
    %swap3A_7 = vector.load %arg3[%swap3A, %swap3A_6] : memref<10000x256xbf16, #tpu.memory_space<vmem>>, vector<10000x256xbf16>
    tpu.vector_store %arg3[%swap3A, %swap3A_6], %convert_element_type3A {strides = array<i32>} : memref<10000x256xbf16, #tpu.memory_space<vmem>>, vector<10000x256xbf16>,
    return
  }
  func.func @transform_0(%arg0: i32) -> (i32, i32) {
    %c0_i32 = arith.constant 0 : i32
    %c0_i32_0 = arith.constant 0 : i32
    return %arg0, %c0_i32 : i32, i32
  }
  func.func @transform_1(%arg0: i32) -> (i32, i32) {
    %c0_i32 = arith.constant 0 : i32
    %c0_i32_0 = arith.constant 0 : i32
    %c0_i32_1 = arith.constant 0 : i32
    return %c0_i32, %c0_i32_0 : i32, i32
  }
  func.func @transform_2(%arg0: i32) -> (i32, i32) {
    %c0_i32 = arith.constant 0 : i32
    %c0_i32_0 = arith.constant 0 : i32
    return %arg0, %c0_i32 : i32, i32
  }
}

module attributes {stable_mosaic.version = 14 : i64} {
  func.func @body(%arg0: i32, %arg1: memref<10000x32xf32, #tpu.memory_space<vmem>>, %arg2: memref<2x10000x32xf32, #tpu.memory_space<vmem>>, %arg3: memref<32x256xf32, #tpu.memory_space<vmem>>, %arg4: memref<10000x32xf32, #tpu.memory_space<vmem>>, %arg5: memref<10000x256xbf16, #tpu.memory_space<vmem>>) attributes {dimension_semantics = [#tpu.dimension_semantics<arbitrary>], iteration_bounds = array<i64: 1>, scalar_prefetch = 0 : i64, scratch_operands = 0 : i64, tpu.core_type = #tpu.core_type<tc>, window_params = [{transform_indices = @transform_0, window_bounds = array<i64: 10000, 32>}, {transform_indices = @transform_1, window_bounds = array<i64: 2, 10000, 32>}, {pipeline_mode = #tpu.pipeline_mode<synchronous>, transform_indices = @transform_2, window_bounds = array<i64: 32, 256>}, {transform_indices = @transform_3, window_bounds = array<i64: 10000, 32>}, {transform_indices = @transform_4, window_bounds = array<i64: 10000, 256>}]} {
    %get3A = arith.constant 0 : index
    %get3A_0 = arith.constant 0 : index
    %get3A_1 = vector.load %arg1[%get3A, %get3A_0] : memref<10000x32xf32, #tpu.memory_space<vmem>>, vector<10000x32xf32>
    %get3A_2 = arith.constant 0 : index
    %get3A_3 = arith.constant 0 : index
    %get3A_4 = arith.constant 0 : index
    %get3A_5 = vector.load %arg2[%get3A_2, %get3A_3, %get3A_4] : memref<2x10000x32xf32, #tpu.memory_space<vmem>>, vector<1x10000x32xf32>
    %get3A_6 = vector.shape_cast %get3A_5 : vector<1x10000x32xf32> to vector<10000x32xf32>
    %add3A = arith.addf %get3A_1, %get3A_6 : vector<10000x32xf32>
    %get3A_7 = arith.constant 1 : index
    %get3A_8 = arith.constant 0 : index
    %get3A_9 = arith.constant 0 : index
    %get3A_10 = vector.load %arg2[%get3A_7, %get3A_8, %get3A_9] : memref<2x10000x32xf32, #tpu.memory_space<vmem>>, vector<1x10000x32xf32>
    %get3A_11 = vector.shape_cast %get3A_10 : vector<1x10000x32xf32> to vector<10000x32xf32>
    %add3A_12 = arith.addf %add3A, %get3A_11 : vector<10000x32xf32>
    %mul3A = arith.constant 5.000000e-01 : f32
    %mul3A_13 = vector.broadcast %mul3A : f32 to vector<10000x32xf32>
    %mul3A_14 = arith.mulf %add3A_12, %mul3A_13 : vector<10000x32xf32>
    %swap3A = arith.constant 0 : index
    %swap3A_15 = arith.constant 0 : index
    %swap3A_16 = vector.load %arg4[%swap3A, %swap3A_15] : memref<10000x32xf32, #tpu.memory_space<vmem>>, vector<10000x32xf32>
    tpu.vector_store %arg4[%swap3A, %swap3A_15], %mul3A_14 {strides = array<i32>} : memref<10000x32xf32, #tpu.memory_space<vmem>>, vector<10000x32xf32>,
    %get3A_17 = arith.constant 0 : index
    %get3A_18 = arith.constant 0 : index
    %get3A_19 = vector.load %arg3[%get3A_17, %get3A_18] : memref<32x256xf32, #tpu.memory_space<vmem>>, vector<32x256xf32>
    %dot_general3A = arith.constant dense<0.000000e+00> : vector<10000x256xf32>
    %dot_general3A_20 = tpu.matmul %mul3A_14, %get3A_19, %dot_general3A {dimension_numbers = #tpu.dot_dimension_numbers<[1], [0], [0], [1], [0, 0, 1, 1], [], []>, transpose_lhs_hint = false} : vector<10000x32xf32>, vector<32x256xf32>, vector<10000x256xf32> -> vector<10000x256xf32>
    %convert_element_type3A = arith.truncf %dot_general3A_20 : vector<10000x256xf32> to vector<10000x256xbf16>
    %swap3A_21 = arith.constant 0 : index
    %swap3A_22 = arith.constant 0 : index
    %swap3A_23 = vector.load %arg5[%swap3A_21, %swap3A_22] : memref<10000x256xbf16, #tpu.memory_space<vmem>>, vector<10000x256xbf16>
    tpu.vector_store %arg5[%swap3A_21, %swap3A_22], %convert_element_type3A {strides = array<i32>} : memref<10000x256xbf16, #tpu.memory_space<vmem>>, vector<10000x256xbf16>,
    return
  }
  func.func @transform_0(%arg0: i32) -> (i32, i32) {
    %c0_i32 = arith.constant 0 : i32
    %c0_i32_0 = arith.constant 0 : i32
    return %arg0, %c0_i32 : i32, i32
  }
  func.func @transform_1(%arg0: i32) -> (i32, i32, i32) {
    %c0_i32 = arith.constant 0 : i32
    %c0_i32_0 = arith.constant 0 : i32
    %c0_i32_1 = arith.constant 0 : i32
    return %c0_i32, %arg0, %c0_i32_0 : i32, i32, i32
  }
  func.func @transform_2(%arg0: i32) -> (i32, i32) {
    %c0_i32 = arith.constant 0 : i32
    %c0_i32_0 = arith.constant 0 : i32
    %c0_i32_1 = arith.constant 0 : i32
    return %c0_i32, %c0_i32_0 : i32, i32
  }
  func.func @transform_3(%arg0: i32) -> (i32, i32) {
    %c0_i32 = arith.constant 0 : i32
    %c0_i32_0 = arith.constant 0 : i32
    return %arg0, %c0_i32 : i32, i32
  }
  func.func @transform_4(%arg0: i32) -> (i32, i32) {
    %c0_i32 = arith.constant 0 : i32
    %c0_i32_0 = arith.constant 0 : i32
    return %arg0, %c0_i32 : i32, i32
  }
}

module attributes {stable_mosaic.version = 14 : i64} {
  func.func @body(%arg0: i32, %arg1: memref<10000x32xf32, #tpu.memory_space<vmem>>, %arg2: memref<2x10000x32xf32, #tpu.memory_space<vmem>>, %arg3: memref<32x64xf32, #tpu.memory_space<vmem>>, %arg4: memref<1x64xf32, #tpu.memory_space<vmem>>, %arg5: memref<64x64xf32, #tpu.memory_space<vmem>>, %arg6: memref<1x64xf32, #tpu.memory_space<vmem>>, %arg7: memref<64x1xf32, #tpu.memory_space<vmem>>, %arg8: memref<1x1xf32, #tpu.memory_space<vmem>>, %arg9: memref<10000xf32, #tpu.memory_space<vmem>>) attributes {dimension_semantics = [#tpu.dimension_semantics<arbitrary>], iteration_bounds = array<i64: 1>, scalar_prefetch = 0 : i64, scratch_operands = 0 : i64, tpu.core_type = #tpu.core_type<tc>, window_params = [{transform_indices = @transform_0, window_bounds = array<i64: 10000, 32>}, {transform_indices = @transform_1, window_bounds = array<i64: 2, 10000, 32>}, {pipeline_mode = #tpu.pipeline_mode<synchronous>, transform_indices = @transform_2, window_bounds = array<i64: 32, 64>}, {pipeline_mode = #tpu.pipeline_mode<synchronous>, transform_indices = @transform_3, window_bounds = array<i64: 1, 64>}, {pipeline_mode = #tpu.pipeline_mode<synchronous>, transform_indices = @transform_4, window_bounds = array<i64: 64, 64>}, {pipeline_mode = #tpu.pipeline_mode<synchronous>, transform_indices = @transform_5, window_bounds = array<i64: 1, 64>}, {pipeline_mode = #tpu.pipeline_mode<synchronous>, transform_indices = @transform_6, window_bounds = array<i64: 64, 1>}, {pipeline_mode = #tpu.pipeline_mode<synchronous>, transform_indices = @transform_7, window_bounds = array<i64: 1, 1>}, {transform_indices = @transform_8, window_bounds = array<i64: 10000>}]} {
    %get3A = arith.constant 0 : index
    %get3A_0 = arith.constant 0 : index
    %get3A_1 = vector.load %arg1[%get3A, %get3A_0] : memref<10000x32xf32, #tpu.memory_space<vmem>>, vector<10000x32xf32>
    %get3A_2 = arith.constant 0 : index
    %get3A_3 = arith.constant 0 : index
    %get3A_4 = arith.constant 0 : index
    %get3A_5 = vector.load %arg2[%get3A_2, %get3A_3, %get3A_4] : memref<2x10000x32xf32, #tpu.memory_space<vmem>>, vector<1x10000x32xf32>
    %get3A_6 = vector.shape_cast %get3A_5 : vector<1x10000x32xf32> to vector<10000x32xf32>
    %add3A = arith.addf %get3A_1, %get3A_6 : vector<10000x32xf32>
    %get3A_7 = arith.constant 1 : index
    %get3A_8 = arith.constant 0 : index
    %get3A_9 = arith.constant 0 : index
    %get3A_10 = vector.load %arg2[%get3A_7, %get3A_8, %get3A_9] : memref<2x10000x32xf32, #tpu.memory_space<vmem>>, vector<1x10000x32xf32>
    %get3A_11 = vector.shape_cast %get3A_10 : vector<1x10000x32xf32> to vector<10000x32xf32>
    %add3A_12 = arith.addf %add3A, %get3A_11 : vector<10000x32xf32>
    %mul3A = arith.constant 5.000000e-01 : f32
    %mul3A_13 = vector.broadcast %mul3A : f32 to vector<10000x32xf32>
    %mul3A_14 = arith.mulf %add3A_12, %mul3A_13 : vector<10000x32xf32>
    %mul3A_15 = arith.mulf %mul3A_14, %mul3A_14 : vector<10000x32xf32>
    %reduce_sum3A = arith.constant dense<0.000000e+00> : vector<10000xf32>
    %reduce_sum3A_16 = vector.multi_reduction <add>, %mul3A_15, %reduce_sum3A [1] : vector<10000x32xf32> to vector<10000xf32>
    %broadcast_in_dim3A = vector.shape_cast %reduce_sum3A_16 : vector<10000xf32> to vector<10000x1xf32>
    %sqrt3A = math.sqrt %broadcast_in_dim3A : vector<10000x1xf32>
    %max3A = arith.constant 9.99999996E-13 : f32
    %max3A_17 = vector.broadcast %max3A : f32 to vector<10000x1xf32>
    %max3A_18 = arith.maximumf %sqrt3A, %max3A_17 : vector<10000x1xf32>
    %div3A = vector.broadcast %max3A_18 : vector<10000x1xf32> to vector<10000x32xf32>
    %div3A_19 = arith.divf %mul3A_14, %div3A : vector<10000x32xf32>
    %get3A_20 = arith.constant 0 : index
    %get3A_21 = arith.constant 0 : index
    %get3A_22 = vector.load %arg3[%get3A_20, %get3A_21] : memref<32x64xf32, #tpu.memory_space<vmem>>, vector<32x64xf32>
    %dot_general3A = arith.constant dense<0.000000e+00> : vector<10000x64xf32>
    %dot_general3A_23 = tpu.matmul %div3A_19, %get3A_22, %dot_general3A {dimension_numbers = #tpu.dot_dimension_numbers<[1], [0], [0], [1], [0, 0, 1, 1], [], []>, transpose_lhs_hint = false} : vector<10000x32xf32>, vector<32x64xf32>, vector<10000x64xf32> -> vector<10000x64xf32>
    %get3A_24 = arith.constant 0 : index
    %get3A_25 = arith.constant 0 : index
    %get3A_26 = vector.load %arg4[%get3A_24, %get3A_25] : memref<1x64xf32, #tpu.memory_space<vmem>>, vector<1x64xf32>
    %add3A_27 = vector.broadcast %get3A_26 : vector<1x64xf32> to vector<10000x64xf32>
    %add3A_28 = arith.addf %dot_general3A_23, %add3A_27 : vector<10000x64xf32>
    %tanh3A = math.tanh %add3A_28 : vector<10000x64xf32>
    %get3A_29 = arith.constant 0 : index
    %get3A_30 = arith.constant 0 : index
    %get3A_31 = vector.load %arg5[%get3A_29, %get3A_30] : memref<64x64xf32, #tpu.memory_space<vmem>>, vector<64x64xf32>
    %dot_general3A_32 = arith.constant dense<0.000000e+00> : vector<10000x64xf32>
    %dot_general3A_33 = tpu.matmul %tanh3A, %get3A_31, %dot_general3A_32 {dimension_numbers = #tpu.dot_dimension_numbers<[1], [0], [0], [1], [0, 0, 1, 1], [], []>, transpose_lhs_hint = false} : vector<10000x64xf32>, vector<64x64xf32>, vector<10000x64xf32> -> vector<10000x64xf32>
    %get3A_34 = arith.constant 0 : index
    %get3A_35 = arith.constant 0 : index
    %get3A_36 = vector.load %arg6[%get3A_34, %get3A_35] : memref<1x64xf32, #tpu.memory_space<vmem>>, vector<1x64xf32>
    %add3A_37 = vector.broadcast %get3A_36 : vector<1x64xf32> to vector<10000x64xf32>
    %add3A_38 = arith.addf %dot_general3A_33, %add3A_37 : vector<10000x64xf32>
    %tanh3A_39 = math.tanh %add3A_38 : vector<10000x64xf32>
    %get3A_40 = arith.constant 0 : index
    %get3A_41 = arith.constant 0 : index
    %get3A_42 = vector.load %arg7[%get3A_40, %get3A_41] : memref<64x1xf32, #tpu.memory_space<vmem>>, vector<64x1xf32>
    %dot_general3A_43 = arith.constant dense<0.000000e+00> : vector<10000x1xf32>
    %dot_general3A_44 = tpu.matmul %tanh3A_39, %get3A_42, %dot_general3A_43 {dimension_numbers = #tpu.dot_dimension_numbers<[1], [0], [0], [1], [0, 0, 1, 1], [], []>, transpose_lhs_hint = false} : vector<10000x64xf32>, vector<64x1xf32>, vector<10000x1xf32> -> vector<10000x1xf32>
    %get3A_45 = arith.constant 0 : index
    %get3A_46 = arith.constant 0 : index
    %get3A_47 = vector.load %arg8[%get3A_45, %get3A_46] : memref<1x1xf32, #tpu.memory_space<vmem>>, vector<1x1xf32>
    %add3A_48 = vector.broadcast %get3A_47 : vector<1x1xf32> to vector<10000x1xf32>
    %add3A_49 = arith.addf %dot_general3A_44, %add3A_48 : vector<10000x1xf32>
    %squeeze3A = vector.shape_cast %add3A_49 : vector<10000x1xf32> to vector<10000xf32>
    %logistic3A = arith.negf %squeeze3A : vector<10000xf32>
    %logistic3A_50 = math.exp %logistic3A : vector<10000xf32>
    %logistic3A_51 = arith.constant 1.000000e+00 : f32
    %logistic3A_52 = vector.broadcast %logistic3A_51 : f32 to vector<10000xf32>
    %logistic3A_53 = arith.addf %logistic3A_52, %logistic3A_50 : vector<10000xf32>
    %logistic3A_54 = arith.divf %logistic3A_52, %logistic3A_53 : vector<10000xf32>
    %swap3A = arith.constant 0 : index
    %swap3A_55 = vector.load %arg9[%swap3A] : memref<10000xf32, #tpu.memory_space<vmem>>, vector<10000xf32>
    tpu.vector_store %arg9[%swap3A], %logistic3A_54 {strides = array<i32>} : memref<10000xf32, #tpu.memory_space<vmem>>, vector<10000xf32>,
    return
  }
  func.func @transform_0(%arg0: i32) -> (i32, i32) {
    %c0_i32 = arith.constant 0 : i32
    %c0_i32_0 = arith.constant 0 : i32
    return %arg0, %c0_i32 : i32, i32
  }
  func.func @transform_1(%arg0: i32) -> (i32, i32, i32) {
    %c0_i32 = arith.constant 0 : i32
    %c0_i32_0 = arith.constant 0 : i32
    %c0_i32_1 = arith.constant 0 : i32
    return %c0_i32, %arg0, %c0_i32_0 : i32, i32, i32
  }
  func.func @transform_2(%arg0: i32) -> (i32, i32) {
    %c0_i32 = arith.constant 0 : i32
    %c0_i32_0 = arith.constant 0 : i32
    %c0_i32_1 = arith.constant 0 : i32
    return %c0_i32, %c0_i32_0 : i32, i32
  }
  func.func @transform_3(%arg0: i32) -> (i32, i32) {
    %c0_i32 = arith.constant 0 : i32
    %c0_i32_0 = arith.constant 0 : i32
    %c0_i32_1 = arith.constant 0 : i32
    return %c0_i32, %c0_i32_0 : i32, i32
  }
  func.func @transform_4(%arg0: i32) -> (i32, i32) {
    %c0_i32 = arith.constant 0 : i32
    %c0_i32_0 = arith.constant 0 : i32
    %c0_i32_1 = arith.constant 0 : i32
    return %c0_i32, %c0_i32_0 : i32, i32
  }
  func.func @transform_5(%arg0: i32) -> (i32, i32) {
    %c0_i32 = arith.constant 0 : i32
    %c0_i32_0 = arith.constant 0 : i32
    %c0_i32_1 = arith.constant 0 : i32
    return %c0_i32, %c0_i32_0 : i32, i32
  }
  func.func @transform_6(%arg0: i32) -> (i32, i32) {
    %c0_i32 = arith.constant 0 : i32
    %c0_i32_0 = arith.constant 0 : i32
    %c0_i32_1 = arith.constant 0 : i32
    return %c0_i32, %c0_i32_0 : i32, i32
  }
  func.func @transform_7(%arg0: i32) -> (i32, i32) {
    %c0_i32 = arith.constant 0 : i32
    %c0_i32_0 = arith.constant 0 : i32
    %c0_i32_1 = arith.constant 0 : i32
    return %c0_i32, %c0_i32_0 : i32, i32
  }
  func.func @transform_8(%arg0: i32) -> i32 {
    %c0_i32 = arith.constant 0 : i32
    return %arg0 : i32
  }
}

</mosaic_0001>

<sc_bundles>
// kernel: kernel.12.cloned.1.call-start
scs
__scs_entry_jumppad:
0x0: {  	(pc) =	sbr.rel $0x88, $3  }
0x1: {  	(tag) =	ssettag $0x0;
	lr =	simm.s32 $0x1  }
0x2: {  	[smem:$0x3F97] =	sst lr;
	_ =	strace $0xD0000000  }
0x3: {  	_ = 	snop  }
0x4: {  	_ = 	snop  }
0x5: {  	_ = 	snop  }
0x6: {  	_ = 	snop  }
0x7: {  	_ = 	snop  }
__scs_overlays_trampoline_lowered:
0x8: {  	[smem:$0x3FA6] =	sst s0  }
0x9: {  	[smem:$0x3FA7] =	sst s1  }
0xa: {  	[smem:$0x3FA8] =	sst s2  }
0xb: {  	[smem:$0x3FA9] =	sst s3  }
0xc: {  	[smem:$0x3FAA] =	sst s4  }
0xd: {  	[smem:$0x3FAB] =	sst s5  }
0xe: {  	[smem:$0x3FAC] =	sst s6  }
0xf: {  	[smem:$0x3FAD] =	sst s7  }
0x10: {  	[smem:$0x3FAE] =	sst s8  }
0x11: {  	[smem:$0x3FAF] =	sst s9;
	s0 =	simm.s32 @!p0 $0x0  }
0x12: {  	s1 =	sld [smem:$0x3F95];
	s0 =	simm.s32 @p0 $0x1  }
0x13: {  	[smem:$0x3FB0] =	sst s0;
	s0 =	simm.s32 @!p1 $0x0  }
0x14: {  	s2 =	sld [smem:$0x3F94];
	s0 =	simm.s32 @p1 $0x1  }
0x15: {  	[smem:$0x3FB1] =	sst s0;
	s0 =	simm.s32 @!p2 $0x0  }
0x16: {  	s3 =	sld [smem:$0x3FDB];
	s0 =	simm.s32 @p2 $0x1  }
0x17: {  	s4 =	simm.s32 $0x1BF5;
	[smem:$0x3FB3] =	sst s0  }
0x18: {  	s0 =	sld [smem:$0x3F96];
	_ =	swait.ge [sflag:s4], $0x0  }
0x19: {  	s7 =	sld [smem:$0x3F97]  }
0x1a: {  	s8 =	sadd.s32 $0xFFFFE003, lr  }
0x1b: {  	s9 =	sadd.s32 $0xFFFFFEF7, lr;
	s5 =	simm.s32 $0xFFFFFFFF;
	p2 =	slt.u32 s8, $0xFFFFF086  }
0x1c: {  	p1 =	slt.u32 s9, $0xF7A;
	s5 =	simm.s32 @!p2 $0x0  }
0x1d: {  	s5 =	simm.s32 @p1 $0x1;
	p0 =	seq.s32 s7, s2  }
0x1e: {  	s7 =	smul.u32 @!p0 $0xF7A, s2;
	p2 =	seq.s32 @!p0 s5, $0x0  }
0x1f: {  	s9 =	smul.u32 $0xF7A, s1;
	s8 =	simm.s32 @!p0 $0x1BF5;
	p2 =	por !p2, p0  }
0x20: {  	[sflag:s8] =	ssyncset.s32 @!p0 $0xFFFFF086;
	s6 =	sadd.s32 @!p0 s3, s7;
	s7 =	simm.s32 @!p0 $0x108  }
0x21: {  	s3 =	sadd.s32 s3, s9;
	s6 =	sadd.s32 @!p0 $0x88, s6;
	s7 =	simm.s32 @p2 $0x1082  }
0x22: {  	[simem:s7], [sflag:s8] =	dma.local @!p0 [hbm:s6], $0xF7A  }
0x23: {  	s9 =	sor.u32 $0xD0000000, s2;
	s6 =	simm.s32 $0x108;
	_ =	swait.ge @!p0 [sflag:s8], $0x0  }
0x24: {  	s3 =	sadd.s32 $0x88, s3;
	s6 =	simm.s32 @!p1 $0x1082;
	[sflag:s4] =	ssyncset.s32 $0xFFFFF086  }
0x25: {  	[simem:s6], [sflag:s4] =	dma.local [hbm:s3], $0xF7A  }
0x26: {  	[smem:$0x3F97] =	sst s1;
	(tag) =	ssettag s2;
	_ =	strace s9  }
0x27: {  	s1 =	sld [smem:$0x3FA7]  }
0x28: {  	s2 =	sld [smem:$0x3FA8]  }
0x29: {  	s4 =	sld [smem:$0x3FAA]  }
0x2a: {  	p0 =	seq.s32 s5, $0x0;
	s5 =	sld [smem:$0x3FAB]  }
0x2b: {  	s6 =	sld [smem:$0x3FAC]  }
0x2c: {  	s7 =	sld [smem:$0x3FAD]  }
0x2d: {  	s3 =	simm.s32 $0x108;
	s8 =	sld [smem:$0x3FAE]  }
0x2e: {  	s3 =	simm.s32 @!p0 $0x1082;
	s9 =	sld [smem:$0x3FAF]  }
0x2f: {  	lr =	sadd.s32 s0, s3;
	s0 =	sld [smem:$0x3FA6]  }
0x30: {  	s3 =	sld [smem:$0x3FA9]  }
0x31: {  	[smem:$0x3FB2] =	sst s10  }
0x32: {  	s10 =	sld [smem:$0x3FB0];
	_ =	sdelay $0x3  }
0x33: {  	p0 =	seq.s32 s10, $0x1;
	s10 =	sld [smem:$0x3FB2];
	_ =	sdelay $0x3  }
0x34: {  	[smem:$0x3FB2] =	sst s10  }
0x35: {  	s10 =	sld [smem:$0x3FB1];
	_ =	sdelay $0x3  }
0x36: {  	p1 =	seq.s32 s10, $0x1;
	s10 =	sld [smem:$0x3FB2];
	_ =	sdelay $0x3  }
0x37: {  	[smem:$0x3FB2] =	sst s10  }
0x38: {  	s10 =	sld [smem:$0x3FB3]  }
0x39: {  	_ = 	snop;
	(pc) =	sbr.ind lr, $3  }
0x3a: {  	_ = 	snop  }
0x3b: {  	_ = 	snop  }
0x3c: {  	p2 =	seq.s32 s10, $0x1;
	s10 =	sld [smem:$0x3FB2]  }
0x3d: {  	_ =	shalt  }
0x3e: {  	_ =	shalt  }
0x3f: {  	_ =	shalt  }
0x40: {  	_ =	shalt  }
0x41: {  	_ =	shalt  }
0x42: {  	_ =	shalt  }
0x43: {  	_ =	shalt  }
0x44: {  	_ =	shalt  }
0x45: {  	_ =	shalt  }
0x46: {  	_ =	shalt  }
0x47: {  	_ =	shalt  }
0x48: {  	_ =	shalt  }
0x49: {  	_ =	shalt  }
0x4a: {  	_ =	shalt  }
0x4b: {  	_ =	shalt  }
0x4c: {  	_ =	shalt  }
0x4d: {  	_ =	shalt  }
0x4e: {  	_ =	shalt  }
0x4f: {  	_ =	shalt  }
0x50: {  	_ =	shalt  }
0x51: {  	_ =	shalt  }
0x52: {  	_ =	shalt  }
0x53: {  	_ =	shalt  }
0x54: {  	_ =	shalt  }
0x55: {  	_ =	shalt  }
0x56: {  	_ =	shalt  }
0x57: {  	_ =	shalt  }
0x58: {  	_ =	shalt  }
0x59: {  	_ =	shalt  }
0x5a: {  	_ =	shalt  }
0x5b: {  	_ =	shalt  }
0x5c: {  	_ =	shalt  }
0x5d: {  	_ =	shalt  }
0x5e: {  	_ =	shalt  }
0x5f: {  	_ =	shalt  }
0x60: {  	_ =	shalt  }
0x61: {  	_ =	shalt  }
0x62: {  	_ =	shalt  }
0x63: {  	_ =	shalt  }
0x64: {  	_ =	shalt  }
0x65: {  	_ =	shalt  }
0x66: {  	_ =	shalt  }
0x67: {  	_ =	shalt  }
0x68: {  	_ =	shalt  }
0x69: {  	_ =	shalt  }
0x6a: {  	_ =	shalt  }
0x6b: {  	_ =	shalt  }
0x6c: {  	_ =	shalt  }
0x6d: {  	_ =	shalt  }
0x6e: {  	_ =	shalt  }
0x6f: {  	_ =	shalt  }
0x70: {  	_ =	shalt  }
0x71: {  	_ =	shalt  }
0x72: {  	_ =	shalt  }
0x73: {  	_ =	shalt  }
0x74: {  	_ =	shalt  }
0x75: {  	_ =	shalt  }
0x76: {  	_ =	shalt  }
0x77: {  	_ =	shalt  }
0x78: {  	_ =	shalt  }
0x79: {  	_ =	shalt  }
0x7a: {  	_ =	shalt  }
0x7b: {  	_ =	shalt  }
0x7c: {  	_ =	shalt  }
0x7d: {  	_ =	shalt  }
0x7e: {  	_ =	shalt  }
0x7f: {  	_ =	shalt  }
0x80: {  	_ =	shalt  }
0x81: {  	_ =	shalt  }
0x82: {  	_ =	shalt  }
0x83: {  	_ =	shalt  }
0x84: {  	_ =	shalt  }
0x85: {  	_ =	shalt  }
0x86: {  	_ =	shalt  }
0x87: {  	_ =	shalt  }
.Lfunc_end0:
.L_simem_size_0:
called_computation.1_lowered:
.L_overlay_start_0:
0x88: {  	s2 =	sld [smem:$0x3FD9]  }
0x89: {  	s3 =	sld [smem:$0x3FFE];
	_ =	sdelay $0x1  }
0x8a: {  	s1 =	srdreg.scid  }
0x8b: {  	s0 =	sand.u32 $0x1, s1  }
0x8c: {  	s16 =	sshll.u32 s0, $0xA;
	s2 =	sadd.s32 s3, s2  }
0x8d: {  	s2 =	sadd.s32 s2, s16  }
0x8e: {  	[smem:$0x3FBE] =	sst s2  }
0x8f: {  	_ = 	snop  }
0x90: {  	(tm) =	ssettm $0x1  }
0x91: {  	s17 =	sld [smem:$0x3FFB];
	_ =	sdelay $0x3  }
0x92: {  	_ =	strace s17  }
0x93: {  	s2 =	sld [smem:$0x3FFC];
	_ =	sdelay $0x3  }
0x94: {  	_ =	strace s2  }
0x95: {  	s2 =	sld [smem:$0x3FFD];
	_ =	sdelay $0x3  }
0x96: {  	_ =	strace s2  }
0x97: {  	_ =	strace $0x8FFFFFFF  }
0x98: {  	s18 =	sld [smem:$0x3FDB];
	_ =	sdelay $0x1  }
0x99: {  	s19 =	simm.s32 $_scs_section_size  }
0x9a: {  	s4 =	simm.s32 $_size__tile_overlayer_lowered;
	s5 =	simm.s32 $_tile_overlayer_lowered  }
0x9b: {  	s22 =	simm.s32 $0x1BFF;
	s21 =	sshll.u32 s5, $0x1;
	s2 =	sadd.s32 s19, s18  }
0x9c: {  	s6 =	simm.s32 $0x0;
	s20 =	sshll.u32 s4, $0x1;
	s4 =	sadd.s32 s21, s2  }
0x9d: {  	[timem:s6], [sflag:s22] =	dma.local [hbm:s4], s20  }
0x9e: {  	_ =	swait.ge [sflag:s22], s20  }
0x9f: {  	s3 =	ssub.s32 $0x0, s20;
	[sflag:s22] =	ssyncset.done $0x0  }
0xa0: {  	[sflag:s22] =	ssyncadd.s32 s3;
	_ =	sdelay $0x1  }
0xa1: {  	s23 =	simm.s32 $0x1B8B  }
0xa2: {  	_ =	swait.ge [sflag:s23], $0x1  }
0xa3: {  	[sflag:s23] =	ssyncset.done $0x0  }
0xa4: {  	s25 =	simm.s32 $0x1B8E;
	s24 =	sld [smem:$0x3FFE];
	[sflag:s23] =	ssyncadd.s32 $0xFFFFFFFF  }
0xa5: {  	s26 =	simm.s32 $execute0_lowered;
	[smem:$0x3FD2] =	sst s25  }
0xa6: {  	s4 =	sshll.u32 s26, $0x1;
	_ =	strace $0x80000049;
	[dreg:$0x1] =	wrdreg $0xFFFFFFFF  }
0xa7: {  	s28 =	simm.s32 $_size_execute0_lowered;
	s2 =	sadd.s32 s2, s4;
	[dreg:$0x0] =	wrdreg $0x0  }
0xa8: {  	s4 =	sshll.u32 s28, $0x1;
	[dreg:$0x2] =	wrdreg s2  }
0xa9: {  	[dreg:$0x3] =	wrdreg s4  }
0xaa: {  	[dreg:$0x4] =	wrdreg $0xC0  }
0xab: {  	_ =	task [dreg:s6], $0x5FFFF  }
0xac: {  	[dreg:$0x1] =	wrdreg $0xFFFFFFFF  }
0xad: {  	[dreg:$0x0] =	wrdreg $0x60  }
0xae: {  	[dreg:$0x2] =	wrdreg s24  }
0xaf: {  	[dreg:$0x3] =	wrdreg $0x4C000  }
0xb0: {  	[dreg:$0x4] =	wrdreg $0x9  }
0xb1: {  	_ =	task.clear_ibuf [dreg:s6], $0x5FFFF;
	_ =	strace $0x90000049  }
0xb2: {  	s29 =	simm.s32 $0x9;
	_ =	strace $0x8000004B  }
0xb3: {  	_ =	swait.ge [sflag:s29], $0x1  }
0xb4: {  	[sflag:s29] =	ssyncadd.s32 $0xFFFFFFFF  }
0xb5: {  	_ =	strace $0x9000004B  }
0xb6: {  	_ =	sfence  }
0xb7: {  	s30 =	sld [smem:$0x0];
	_ =	sdelay $0x2  }
0xb8: {  	s31 =	sshll.u32 s1, $0xD;
	s1 =	sshrl.u32 s1, $0x2  }
0xb9: {  	s3 =	sand.u32 $0x4000, s31;
	s1 =	sadd.s32 s1, s30  }
0xba: {  	s0 =	sor.u32 s3, s0;
	s1 =	sshll.u32 s1, $0x11  }
0xbb: {  	s0 =	sor.u32 s1, s0  }
0xbc: {  	s0 =	sadd.s32 $0x8F2B, s0  }
0xbd: {  	[sflag:s0] =	ssyncadd.remote.s32 $0x1  }
0xbe: {  	_ =	sfence.sel $0xFFFF  }
0xbf: {  	[dreg:$0x0] =	wrdreg $0xFFFFFFFF;
	(pc) =	sbr.abs _section_cstart, $3  }
0xc0: {  	[dreg:$0x1] =	wrdreg $0xFFFFFFFF  }
0xc1: {  	_ =	task.clear_ibuf [dreg:s6], $0x2FFFF;
	_ =	strace $0x9FFFFFFF  }
0xc2: {  	(tm) =	ssettm $0x7FFFFFFF  }
0xc3: {  	_ =	shalt  }
tec
execute0_lowered:
.L_overlay_start_1:
0x0: {  	(tag) =	ssettag $0x1  }
0x1: {  	s0 =	rddreg [dreg:$0x0]  }
0x2: {  	s2 =	rddreg [dreg:$0x1];
	s11 =	stileid.u32  }
0x3: {  	s4 =	srdreg.scid;
	s3 =	simm.s32 $0x0;
	s14 =	simm.s32 $0x5  }
0x4: {  	s15 =	simm.s32 $0xE00;
	s16 =	simm.s32 $0x1;
	s17 =	simm.s32 $0x2  }
0x5: {  	s18 =	simm.s32 $0x80;
	s19 =	simm.s32 $0x1C00;
	s20 =	simm.s32 $0x2400  }
0x6: {  	s21 =	simm.s32 $0x2C00;
	s22 =	simm.s32 $0x100;
	s23 =	simm.s32 $0xE80  }
0x7: {  	s24 =	simm.s32 $0x3C00;
	s25 =	simm.s32 $0x3;
	s1 =	smul.u32 $0x1C0, s11  }
0x8: {  	s26 =	simm.s32 $0x4;
	s5 =	smul.u32 $0x160, s11;
	s7 =	sand.u32 $0x1, s4  }
0x9: {  	s6 =	smul.u32 $0x5000, s11;
	[smem:$0x7FF] =	sst s3;
	s4 =	sadd.s32 $0x6200, s0  }
0xa: {  	s11 =	sshll.u32 s11, $0x6;
	s8 =	smul.u32 $0x50000, s7;
	_ =	strace $0x8000004A  }
0xb: {  	s9 =	ssub.s32 $0x2, s7;
	p0 =	seq.s32 s7, $0x1;
	s1 =	sadd.s32 s1, s0  }
0xc: {  	s10 =	sadd.s32 s5, s0;
	s5 =	sadd.s32 $0x2EA00, s0;
	s30 =	sshrl.u32 s9, $0x1  }
.Ltmp0:
0xd: {  	s13 =	sadd.s32 s6, s2;
	s8 =	sadd.s32 s6, s8;
	(pc) =	sbr.rel .LBB2_1-.Ltmp0, $4  }
0xe: {  	s12 =	ssub.s32 s9, s30;
	s6 =	sor.u32 $0x1C05, s11;
	s31 =	sadd.s32 $0x1400, s1  }
0xf: {  	s9 =	sadd.s32 $0x3000, s10;
	s10 =	sadd.s32 $0x2D400, s10;
	s8 =	sshrl.u32 s8, $0x3  }
0x10: {  	s13 =	sshrl.u32 s13, $0x3;
	[dreg:$0x3] =	wrdreg s31;
	s0 =	sadd.s32 s8, s0  }
0x11: {  	s12 =	smax.u32 s12, $0x1;
	s8 =	sadd.s32 $0x4600, s1;
	s11 =	sadd.s32 $0x2F400, s0  }
.LBB2_22:
0x12: {  	_ =	swait.ge [sflag:s25], $0x1000  }
0x13: {  	[sflag:s25] =	ssyncset.done $0x0  }
0x14: {  	[sflag:s25] =	ssyncadd.s32 $0xFFFFF000  }
0x15: {  	_ =	swait.ge [sflag:s26], $0x1000  }
0x16: {  	[sflag:s26] =	ssyncset.done $0x0  }
0x17: {  	[sflag:s26] =	ssyncadd.s32 $0xFFFFF000  }
0x18: {  	_ =	swait.ge [sflag:s16], $0x800  }
0x19: {  	s3 =	sadd.s32 $0x1, s3;
	[sflag:s16] =	ssyncset.done $0x0  }
0x1a: {  	p1 =	sne.s32 s3, s12;
	[sflag:s16] =	ssyncadd.s32 $0xFFFFF800  }
.Ltmp1:
0x1b: {  	[bflag:$0x0] =	sbarrier.arrive $0xFFFF;
	(pc) =	sbr.rel @!p1 .LBB2_23-.Ltmp1, $4  }
0x1c: {  	[hbm:s11], [sflag:s6] =	dma.local [spmem:s13], $0xA00  }
0x1d: {  	_ =	swait.ge [sflag:s14], $0xA00  }
0x1e: {  	[sflag:s14] =	ssyncset.done $0x0  }
0x1f: {  	[sflag:s14] =	ssyncadd.s32 $0xFFFFF600  }
.LBB2_1:
0x20: {  	[spmem:s13], [sflag:s6] =	dma.local [hbm:s5], $0xA00  }
.Ltmp2:
0x21: {  	_ =	swait.ge [sflag:s14], $0xA00;
	(pc) =	sbr.rel @!p0 .LBB2_2-.Ltmp2, $4  }
0x22: {  	[sflag:s14] =	ssyncset.done $0x0  }
0x23: {  	[sflag:s14] =	ssyncadd.s32 $0xFFFFF600  }
0x24: {  	[bflag:$0x0] =	sbarrier.arrive $0xFFFF  }
0x25: {  	s0 =	simm.s32 $0x0  }
0x26: {  	[tilespmem:s0], [sflag:$0x1] =	stream.linear.gather [hbm4b:s9+s0], $0xB00, $0x38;
	[tilespmem:$0x9C00] =	vst v63  }
0x27: {  	_ = 	snop  }
0x28: {  	[tilespmem:s15], [sflag:$0x2] =	stream.linear.gather [hbm4b:s10+s0], $0xB00, $0x38;
	[tilespmem:$0x9C00] =	vst v63  }
0x29: {  	_ =	swait.ge [sflag:s16], $0xB00  }
0x2a: {  	[sflag:s16] =	ssyncset.done $0x0  }
0x2b: {  	[sflag:s16] =	ssyncadd.s32 $0xFFFFF500  }
0x2c: {  	_ =	swait.ge [sflag:s17], $0xB00  }
0x2d: {  	[sflag:s17] =	ssyncset.done $0x0  }
0x2e: {  	[sflag:s17] =	ssyncadd.s32 $0xFFFFF500  }
0x2f: {  	[tilespmem:s19], [sflag:$0x1] =	stream.indirect.gather [hbm4b:s4+s18], $0x10, s0, s18, $0xb8;
	[tilespmem:$0x9C00] =	vst v63  }
0x30: {  	_ = 	snop  }
0x31: {  	[tilespmem:s20], [sflag:$0x2] =	stream.indirect.gather [hbm4b:s4+s18], $0x10, s18, s18, $0xb8;
	[tilespmem:$0x9C00] =	vst v63  }
0x32: {  	_ =	swait.ge [sflag:s16], $0x800  }
0x33: {  	[sflag:s16] =	ssyncset.done $0x0  }
0x34: {  	s31 =	simm.s32 $0x0;
	[sflag:s16] =	ssyncadd.s32 $0xFFFFF800  }
0x35: {  	v0 =	vld [tilespmem:s31+$0x1C00];
	_ =	sdelay $0x4  }
0x36: {  	s0 =	simm.s32 $0x2C10;
	v1 =	vunpack.i.l.bf16.f32 v0  }
0x37: {  	v0 =	vunpack.i.u.bf16.f32 v0;
	[tilespmem:s0+$0xFFFFFFF0] =	vst v1  }
0x38: {  	s7 =	simm.s32 $0x10;
	s1 =	simm.s32 $0x80;
	[tilespmem:s0+$0x0] =	vst v0  }
.LBB2_13:
0x39: {  	p1 =	sne.s32 s1, $0x1FC0;
	v0 =	vld [tilespmem:s7+$0x1C00];
	_ =	sdelay $0x2  }
.Ltmp3:
0x3a: {  	(pc) =	sbr.rel @p1 .LBB2_13-.Ltmp3, $4  }
0x3b: {  	_ = 	snop  }
0x3c: {  	s0 =	sadd.s32 $0x20, s0;
	v1 =	vunpack.i.u.bf16.f32 v0;
	v0 =	vunpack.i.l.bf16.f32 v0  }
0x3d: {  	[tilespmem:s0+$0xFFFFFFF0] =	vst v0  }
0x3e: {  	s7 =	sshra.s32 s1, $0x2;
	s1 =	sadd.s32 $0x40, s1;
	[tilespmem:s0+$0x0] =	vst v1  }
0x3f: {  	v0 =	vld [tilespmem:s7+$0x1C00];
	_ =	sdelay $0x4  }
0x40: {  	s0 =	sadd.s32 $0x20, s0;
	v1 =	vunpack.i.l.bf16.f32 v0  }
0x41: {  	v0 =	vunpack.i.u.bf16.f32 v0;
	[tilespmem:s0+$0xFFFFFFF0] =	vst v1  }
0x42: {  	[tilespmem:s0+$0x0] =	vst v0  }
0x43: {  	[spmem:s2] =	stream.indirect.scatter.add.f32 [tilespmem:s21], [sflag:$0x3], $0x20, s15, s18, $0xb8;
	[tilespmem:$0x9C00] =	vst v63  }
0x44: {  	_ = 	snop  }
0x45: {  	[tilespmem:s19], [sflag:$0x1] =	stream.indirect.gather [hbm4b:s4+s18], $0x10, s22, s18, $0xb8;
	[tilespmem:$0x9C00] =	vst v63  }
0x46: {  	_ =	swait.ge [sflag:s17], $0x800  }
0x47: {  	[sflag:s17] =	ssyncset.done $0x0  }
0x48: {  	s31 =	simm.s32 $0x0;
	[sflag:s17] =	ssyncadd.s32 $0xFFFFF800  }
0x49: {  	v62 =	vld [tilespmem:s31+$0x2400];
	_ =	sdelay $0x4  }
0x4a: {  	s0 =	simm.s32 $0x3C10;
	v63 =	vunpack.i.l.bf16.f32 v62  }
0x4b: {  	v0 =	vunpack.i.u.bf16.f32 v62;
	[tilespmem:s0+$0xFFFFFFF0] =	vst v63  }
0x4c: {  	s7 =	simm.s32 $0x10;
	s1 =	simm.s32 $0x80;
	[tilespmem:s0+$0x0] =	vst v0  }
.LBB2_15:
0x4d: {  	p1 =	sne.s32 s1, $0x1FC0;
	v0 =	vld [tilespmem:s7+$0x2400];
	_ =	sdelay $0x2  }
.Ltmp4:
0x4e: {  	(pc) =	sbr.rel @p1 .LBB2_15-.Ltmp4, $4  }
0x4f: {  	_ = 	snop  }
0x50: {  	s0 =	sadd.s32 $0x20, s0;
	v1 =	vunpack.i.u.bf16.f32 v0;
	v0 =	vunpack.i.l.bf16.f32 v0  }
0x51: {  	[tilespmem:s0+$0xFFFFFFF0] =	vst v0  }
0x52: {  	s7 =	sshra.s32 s1, $0x2;
	s1 =	sadd.s32 $0x40, s1;
	[tilespmem:s0+$0x0] =	vst v1  }
0x53: {  	v0 =	vld [tilespmem:s7+$0x2400];
	_ =	sdelay $0x4  }
0x54: {  	s0 =	sadd.s32 $0x20, s0;
	v1 =	vunpack.i.l.bf16.f32 v0  }
0x55: {  	v0 =	vunpack.i.u.bf16.f32 v0;
	[tilespmem:s0+$0xFFFFFFF0] =	vst v1  }
0x56: {  	s28 =	simm.s32 $0x0;
	[tilespmem:s0+$0x0] =	vst v0  }
0x57: {  	[spmem:s2] =	stream.indirect.scatter.add.f32 [tilespmem:s24], [sflag:$0x4], $0x20, s23, s18, $0xb8;
	[tilespmem:$0x9C00] =	vst v63  }
.LBB2_17:
0x58: {  	s30 =	sshll.u32 s28, $0xA  }
0x59: {  	s0 =	sadd.s32 $0x600, s30  }
0x5a: {  	s29 =	sshra.s32 s0, $0x2  }
0x5b: {  	[tilespmem:s20], [sflag:$0x2] =	stream.indirect.gather [hbm4b:s4+s18], $0x10, s29, s18, $0xb8;
	[tilespmem:$0x9C00] =	vst v63  }
0x5c: {  	_ =	swait.ge [sflag:s25], $0x1000  }
0x5d: {  	[sflag:s25] =	ssyncset.done $0x0  }
0x5e: {  	[sflag:s25] =	ssyncadd.s32 $0xFFFFF000  }
0x5f: {  	_ =	swait.ge [sflag:s16], $0x800  }
0x60: {  	[sflag:s16] =	ssyncset.done $0x0  }
0x61: {  	s7 =	simm.s32 $0x0;
	[sflag:s16] =	ssyncadd.s32 $0xFFFFF800  }
0x62: {  	v0 =	vld [tilespmem:s7+$0x1C00];
	_ =	sdelay $0x4  }
0x63: {  	s0 =	simm.s32 $0x2C10;
	v1 =	vunpack.i.l.bf16.f32 v0  }
0x64: {  	v0 =	vunpack.i.u.bf16.f32 v0;
	[tilespmem:s0+$0xFFFFFFF0] =	vst v1  }
0x65: {  	s31 =	sshll.u32 s28, $0x1;
	s1 =	simm.s32 $0x80;
	s7 =	simm.s32 $0x10;
	[tilespmem:s0+$0x0] =	vst v0  }
.LBB2_18:
0x66: {  	p1 =	sne.s32 s1, $0x1FC0;
	v0 =	vld [tilespmem:s7+$0x1C00];
	_ =	sdelay $0x2  }
.Ltmp5:
0x67: {  	(pc) =	sbr.rel @p1 .LBB2_18-.Ltmp5, $4  }
0x68: {  	_ = 	snop  }
0x69: {  	s0 =	sadd.s32 $0x20, s0;
	v1 =	vunpack.i.u.bf16.f32 v0;
	v0 =	vunpack.i.l.bf16.f32 v0  }
0x6a: {  	[tilespmem:s0+$0xFFFFFFF0] =	vst v0  }
0x6b: {  	s7 =	sshra.s32 s1, $0x2;
	s1 =	sadd.s32 $0x40, s1;
	[tilespmem:s0+$0x0] =	vst v1  }
0x6c: {  	v0 =	vld [tilespmem:s7+$0x1C00];
	_ =	sdelay $0x4  }
0x6d: {  	s0 =	sadd.s32 $0x20, s0;
	v1 =	vunpack.i.l.bf16.f32 v0  }
0x6e: {  	s1 =	sshra.s32 s30, $0x2;
	s30 =	smin.u32 s31, $0x11;
	v0 =	vunpack.i.u.bf16.f32 v0;
	[tilespmem:s0+$0xFFFFFFF0] =	vst v1  }
0x6f: {  	s7 =	sadd.s32 $0xF00, s1;
	[tilespmem:s0+$0x0] =	vst v0;
	s0 =	sshll.u32 s30, $0x7  }
0x70: {  	[spmem:s2] =	stream.indirect.scatter.add.f32 [tilespmem:s21], [sflag:$0x3], $0x20, s7, s18, $0xb8;
	[tilespmem:$0x9C00] =	vst v63  }
0x71: {  	s0 =	sadd.s32 $0x200, s0  }
0x72: {  	[tilespmem:s19], [sflag:$0x1] =	stream.indirect.gather [hbm4b:s4+s18], $0x10, s0, s18, $0xb8;
	[tilespmem:$0x9C00] =	vst v63  }
0x73: {  	_ =	swait.ge [sflag:s26], $0x1000  }
0x74: {  	[sflag:s26] =	ssyncset.done $0x0  }
0x75: {  	[sflag:s26] =	ssyncadd.s32 $0xFFFFF000  }
0x76: {  	_ =	swait.ge [sflag:s17], $0x800  }
0x77: {  	[sflag:s17] =	ssyncset.done $0x0  }
0x78: {  	s31 =	simm.s32 $0x0;
	[sflag:s17] =	ssyncadd.s32 $0xFFFFF800  }
0x79: {  	v62 =	vld [tilespmem:s31+$0x2400];
	_ =	sdelay $0x4  }
0x7a: {  	s0 =	simm.s32 $0x3C10;
	v63 =	vunpack.i.l.bf16.f32 v62  }
0x7b: {  	v0 =	vunpack.i.u.bf16.f32 v62;
	[tilespmem:s0+$0xFFFFFFF0] =	vst v63  }
0x7c: {  	s1 =	simm.s32 $0x80;
	s7 =	simm.s32 $0x10;
	[tilespmem:s0+$0x0] =	vst v0  }
.LBB2_20:
0x7d: {  	p1 =	sne.s32 s1, $0x1FC0;
	v0 =	vld [tilespmem:s7+$0x2400];
	_ =	sdelay $0x2  }
.Ltmp6:
0x7e: {  	(pc) =	sbr.rel @p1 .LBB2_20-.Ltmp6, $4  }
0x7f: {  	_ = 	snop  }
0x80: {  	s0 =	sadd.s32 $0x20, s0;
	v1 =	vunpack.i.u.bf16.f32 v0;
	v0 =	vunpack.i.l.bf16.f32 v0  }
0x81: {  	[tilespmem:s0+$0xFFFFFFF0] =	vst v0  }
0x82: {  	s7 =	sshra.s32 s1, $0x2;
	s1 =	sadd.s32 $0x40, s1;
	[tilespmem:s0+$0x0] =	vst v1  }
0x83: {  	v0 =	vld [tilespmem:s7+$0x2400];
	_ =	sdelay $0x1  }
0x84: {  	s28 =	sadd.s32 $0x1, s28  }
0x85: {  	p1 =	sne.s32 s28, $0xA  }
.Ltmp7:
0x86: {  	_ = 	snop;
	(pc) =	sbr.rel @p1 .LBB2_17-.Ltmp7, $4  }
.Ltmp8:
0x87: {  	s0 =	sadd.s32 $0x20, s0;
	v1 =	vunpack.i.l.bf16.f32 v0;
	(pc) =	sbr.rel @!p1 .LBB2_22-.Ltmp8, $4  }
0x88: {  	v0 =	vunpack.i.u.bf16.f32 v0;
	[tilespmem:s0+$0xFFFFFFF0] =	vst v1  }
0x89: {  	s31 =	sadd.s32 $0xE00, s29;
	[tilespmem:s0+$0x0] =	vst v0  }
0x8a: {  	[spmem:s2] =	stream.indirect.scatter.add.f32 [tilespmem:s24], [sflag:$0x4], $0x20, s31, s18, $0xb8;
	[tilespmem:$0x9C00] =	vst v63  }
0x8b: {  	_ = 	snop  }
.LBB2_2:
0x8c: {  	s1 =	rddreg [dreg:$0x3]  }
0x8d: {  	[tilespmem:s0], [sflag:$0x1] =	stream.linear.gather [hbm4b:s1+s0], $0xE00, $0x38;
	[tilespmem:$0x9C00] =	vst v63  }
0x8e: {  	_ = 	snop  }
0x8f: {  	[tilespmem:s15], [sflag:$0x2] =	stream.linear.gather [hbm4b:s8+s0], $0xE00, $0x38;
	[tilespmem:$0x9C00] =	vst v63  }
0x90: {  	_ =	swait.ge [sflag:s16], $0xE00  }
0x91: {  	[sflag:s16] =	ssyncset.done $0x0  }
0x92: {  	[sflag:s16] =	ssyncadd.s32 $0xFFFFF200  }
0x93: {  	_ =	swait.ge [sflag:s17], $0xE00  }
0x94: {  	[sflag:s17] =	ssyncset.done $0x0  }
0x95: {  	[sflag:s17] =	ssyncadd.s32 $0xFFFFF200  }
0x96: {  	[tilespmem:s19], [sflag:$0x1] =	stream.indirect.gather [hbm4b:s4+s18], $0x10, s0, s18, $0xb8;
	[tilespmem:$0x9C00] =	vst v63  }
0x97: {  	_ = 	snop  }
0x98: {  	[tilespmem:s20], [sflag:$0x2] =	stream.indirect.gather [hbm4b:s4+s18], $0x10, s18, s18, $0xb8;
	[tilespmem:$0x9C00] =	vst v63  }
0x99: {  	_ =	swait.ge [sflag:s16], $0x800  }
0x9a: {  	[sflag:s16] =	ssyncset.done $0x0  }
0x9b: {  	s31 =	simm.s32 $0x0;
	[sflag:s16] =	ssyncadd.s32 $0xFFFFF800  }
0x9c: {  	v0 =	vld [tilespmem:s31+$0x1C00];
	_ =	sdelay $0x4  }
0x9d: {  	s0 =	simm.s32 $0x2C10;
	v1 =	vunpack.i.l.bf16.f32 v0  }
0x9e: {  	v0 =	vunpack.i.u.bf16.f32 v0;
	[tilespmem:s0+$0xFFFFFFF0] =	vst v1  }
0x9f: {  	s28 =	simm.s32 $0x80;
	s1 =	simm.s32 $0x10;
	[tilespmem:s0+$0x0] =	vst v0  }
.LBB2_3:
0xa0: {  	p1 =	sne.s32 s28, $0x1FC0;
	v0 =	vld [tilespmem:s1+$0x1C00];
	_ =	sdelay $0x2  }
.Ltmp9:
0xa1: {  	(pc) =	sbr.rel @p1 .LBB2_3-.Ltmp9, $4  }
0xa2: {  	_ = 	snop  }
0xa3: {  	s0 =	sadd.s32 $0x20, s0;
	v1 =	vunpack.i.u.bf16.f32 v0;
	v0 =	vunpack.i.l.bf16.f32 v0  }
0xa4: {  	[tilespmem:s0+$0xFFFFFFF0] =	vst v0  }
0xa5: {  	s1 =	sshra.s32 s28, $0x2;
	s28 =	sadd.s32 $0x40, s28;
	[tilespmem:s0+$0x0] =	vst v1  }
0xa6: {  	v0 =	vld [tilespmem:s1+$0x1C00];
	_ =	sdelay $0x4  }
0xa7: {  	s0 =	sadd.s32 $0x20, s0;
	v1 =	vunpack.i.l.bf16.f32 v0  }
0xa8: {  	v0 =	vunpack.i.u.bf16.f32 v0;
	[tilespmem:s0+$0xFFFFFFF0] =	vst v1  }
0xa9: {  	[tilespmem:s0+$0x0] =	vst v0  }
0xaa: {  	[spmem:s2] =	stream.indirect.scatter.add.f32 [tilespmem:s21], [sflag:$0x3], $0x20, s15, s18, $0xb8;
	[tilespmem:$0x9C00] =	vst v63  }
0xab: {  	_ = 	snop  }
0xac: {  	[tilespmem:s19], [sflag:$0x1] =	stream.indirect.gather [hbm4b:s4+s18], $0x10, s22, s18, $0xb8;
	[tilespmem:$0x9C00] =	vst v63  }
0xad: {  	_ =	swait.ge [sflag:s17], $0x800  }
0xae: {  	[sflag:s17] =	ssyncset.done $0x0  }
0xaf: {  	s31 =	simm.s32 $0x0;
	[sflag:s17] =	ssyncadd.s32 $0xFFFFF800  }
0xb0: {  	v62 =	vld [tilespmem:s31+$0x2400];
	_ =	sdelay $0x4  }
0xb1: {  	s0 =	simm.s32 $0x3C10;
	v63 =	vunpack.i.l.bf16.f32 v62  }
0xb2: {  	v0 =	vunpack.i.u.bf16.f32 v62;
	[tilespmem:s0+$0xFFFFFFF0] =	vst v63  }
0xb3: {  	s1 =	simm.s32 $0x10;
	s28 =	simm.s32 $0x80;
	[tilespmem:s0+$0x0] =	vst v0  }
.LBB2_5:
0xb4: {  	p1 =	sne.s32 s28, $0x1FC0;
	v0 =	vld [tilespmem:s1+$0x2400];
	_ =	sdelay $0x2  }
.Ltmp10:
0xb5: {  	(pc) =	sbr.rel @p1 .LBB2_5-.Ltmp10, $4  }
0xb6: {  	_ = 	snop  }
0xb7: {  	s0 =	sadd.s32 $0x20, s0;
	v1 =	vunpack.i.u.bf16.f32 v0;
	v0 =	vunpack.i.l.bf16.f32 v0  }
0xb8: {  	[tilespmem:s0+$0xFFFFFFF0] =	vst v0  }
0xb9: {  	s1 =	sshra.s32 s28, $0x2;
	s28 =	sadd.s32 $0x40, s28;
	[tilespmem:s0+$0x0] =	vst v1  }
0xba: {  	v0 =	vld [tilespmem:s1+$0x2400];
	_ =	sdelay $0x4  }
0xbb: {  	s0 =	sadd.s32 $0x20, s0;
	v1 =	vunpack.i.l.bf16.f32 v0  }
0xbc: {  	v0 =	vunpack.i.u.bf16.f32 v0;
	[tilespmem:s0+$0xFFFFFFF0] =	vst v1  }
0xbd: {  	s28 =	simm.s32 $0x0;
	[tilespmem:s0+$0x0] =	vst v0  }
0xbe: {  	[spmem:s2] =	stream.indirect.scatter.add.f32 [tilespmem:s24], [sflag:$0x4], $0x20, s23, s18, $0xb8;
	[tilespmem:$0x9C00] =	vst v63  }
.LBB2_7:
0xbf: {  	s30 =	sshll.u32 s28, $0xA  }
0xc0: {  	s0 =	sadd.s32 $0x600, s30  }
0xc1: {  	s29 =	sshra.s32 s0, $0x2  }
0xc2: {  	[tilespmem:s20], [sflag:$0x2] =	stream.indirect.gather [hbm4b:s4+s18], $0x10, s29, s18, $0xb8;
	[tilespmem:$0x9C00] =	vst v63  }
0xc3: {  	_ =	swait.ge [sflag:s25], $0x1000  }
0xc4: {  	[sflag:s25] =	ssyncset.done $0x0  }
0xc5: {  	[sflag:s25] =	ssyncadd.s32 $0xFFFFF000  }
0xc6: {  	_ =	swait.ge [sflag:s16], $0x800  }
0xc7: {  	[sflag:s16] =	ssyncset.done $0x0  }
0xc8: {  	s7 =	simm.s32 $0x0;
	[sflag:s16] =	ssyncadd.s32 $0xFFFFF800  }
0xc9: {  	v0 =	vld [tilespmem:s7+$0x1C00];
	_ =	sdelay $0x4  }
0xca: {  	s0 =	simm.s32 $0x2C10;
	v1 =	vunpack.i.l.bf16.f32 v0  }
0xcb: {  	v0 =	vunpack.i.u.bf16.f32 v0;
	[tilespmem:s0+$0xFFFFFFF0] =	vst v1  }
0xcc: {  	s31 =	sshll.u32 s28, $0x1;
	s1 =	simm.s32 $0x80;
	s7 =	simm.s32 $0x10;
	[tilespmem:s0+$0x0] =	vst v0  }
.LBB2_8:
0xcd: {  	p1 =	sne.s32 s1, $0x1FC0;
	v0 =	vld [tilespmem:s7+$0x1C00];
	_ =	sdelay $0x2  }
.Ltmp11:
0xce: {  	(pc) =	sbr.rel @p1 .LBB2_8-.Ltmp11, $4  }
0xcf: {  	_ = 	snop  }
0xd0: {  	s0 =	sadd.s32 $0x20, s0;
	v1 =	vunpack.i.u.bf16.f32 v0;
	v0 =	vunpack.i.l.bf16.f32 v0  }
0xd1: {  	[tilespmem:s0+$0xFFFFFFF0] =	vst v0  }
0xd2: {  	s7 =	sshra.s32 s1, $0x2;
	s1 =	sadd.s32 $0x40, s1;
	[tilespmem:s0+$0x0] =	vst v1  }
0xd3: {  	v0 =	vld [tilespmem:s7+$0x1C00];
	_ =	sdelay $0x4  }
0xd4: {  	s0 =	sadd.s32 $0x20, s0;
	v1 =	vunpack.i.l.bf16.f32 v0  }
0xd5: {  	s1 =	sshra.s32 s30, $0x2;
	s30 =	smin.u32 s31, $0x17;
	v0 =	vunpack.i.u.bf16.f32 v0;
	[tilespmem:s0+$0xFFFFFFF0] =	vst v1  }
0xd6: {  	s7 =	sadd.s32 $0xF00, s1;
	[tilespmem:s0+$0x0] =	vst v0;
	s0 =	sshll.u32 s30, $0x7  }
0xd7: {  	[spmem:s2] =	stream.indirect.scatter.add.f32 [tilespmem:s21], [sflag:$0x3], $0x20, s7, s18, $0xb8;
	[tilespmem:$0x9C00] =	vst v63  }
0xd8: {  	s0 =	sadd.s32 $0x200, s0  }
0xd9: {  	[tilespmem:s19], [sflag:$0x1] =	stream.indirect.gather [hbm4b:s4+s18], $0x10, s0, s18, $0xb8;
	[tilespmem:$0x9C00] =	vst v63  }
0xda: {  	_ =	swait.ge [sflag:s26], $0x1000  }
0xdb: {  	[sflag:s26] =	ssyncset.done $0x0  }
0xdc: {  	[sflag:s26] =	ssyncadd.s32 $0xFFFFF000  }
0xdd: {  	_ =	swait.ge [sflag:s17], $0x800  }
0xde: {  	[sflag:s17] =	ssyncset.done $0x0  }
0xdf: {  	s31 =	simm.s32 $0x0;
	[sflag:s17] =	ssyncadd.s32 $0xFFFFF800  }
0xe0: {  	v62 =	vld [tilespmem:s31+$0x2400];
	_ =	sdelay $0x4  }
0xe1: {  	s0 =	simm.s32 $0x3C10;
	v63 =	vunpack.i.l.bf16.f32 v62  }
0xe2: {  	v0 =	vunpack.i.u.bf16.f32 v62;
	[tilespmem:s0+$0xFFFFFFF0] =	vst v63  }
0xe3: {  	s1 =	simm.s32 $0x80;
	s7 =	simm.s32 $0x10;
	[tilespmem:s0+$0x0] =	vst v0  }
.LBB2_10:
0xe4: {  	p1 =	sne.s32 s1, $0x1FC0;
	v0 =	vld [tilespmem:s7+$0x2400];
	_ =	sdelay $0x2  }
.Ltmp12:
0xe5: {  	(pc) =	sbr.rel @p1 .LBB2_10-.Ltmp12, $4  }
0xe6: {  	_ = 	snop  }
0xe7: {  	s0 =	sadd.s32 $0x20, s0;
	v1 =	vunpack.i.u.bf16.f32 v0;
	v0 =	vunpack.i.l.bf16.f32 v0  }
0xe8: {  	[tilespmem:s0+$0xFFFFFFF0] =	vst v0  }
0xe9: {  	s7 =	sshra.s32 s1, $0x2;
	s1 =	sadd.s32 $0x40, s1;
	[tilespmem:s0+$0x0] =	vst v1  }
0xea: {  	v0 =	vld [tilespmem:s7+$0x2400];
	_ =	sdelay $0x1  }
0xeb: {  	s28 =	sadd.s32 $0x1, s28  }
0xec: {  	p1 =	seq.s32 s28, $0xD  }
.Ltmp13:
0xed: {  	_ = 	snop;
	(pc) =	sbr.rel @!p1 .LBB2_7-.Ltmp13, $4  }
.Ltmp14:
0xee: {  	s0 =	sadd.s32 $0x20, s0;
	v1 =	vunpack.i.l.bf16.f32 v0;
	(pc) =	sbr.rel @p1 .LBB2_22-.Ltmp14, $4  }
0xef: {  	v0 =	vunpack.i.u.bf16.f32 v0;
	[tilespmem:s0+$0xFFFFFFF0] =	vst v1  }
0xf0: {  	s31 =	sadd.s32 $0xE00, s29;
	[tilespmem:s0+$0x0] =	vst v0  }
0xf1: {  	[spmem:s2] =	stream.indirect.scatter.add.f32 [tilespmem:s24], [sflag:$0x4], $0x20, s31, s18, $0xb8;
	[tilespmem:$0x9C00] =	vst v63  }
0xf2: {  	_ = 	snop  }
.LBB2_23:
0xf3: {  	_ =	sfence.sel $0x180000  }
0xf4: {  	[bflag:$0x0] =	sbarrier.arrive $0xFFFF  }
0xf5: {  	_ =	strace $0x9000004A  }
0xf6: {  	s0 =	stileid.u32;
	[bflag:$0x2] =	sbarrier.arrive $0xFFFF  }
0xf7: {  	p0 =	sne.s32 s0, $0x0;
	s0 =	rddreg [dreg:$0x2]  }
0xf8: {  	s0 =	sadd.s32 @!p0 $0x100000, s0  }
0xf9: {  	[sflag:s0] =	ssyncadd.tile.s32 @!p0 $0x1;
	_ =	shalt  }
.Lfunc_end2:
_tile_overlayer_lowered:
.L_overlay_start_2:
0xfa: {  	(tag) =	ssettag $0x2  }
0xfb: {  	s0 =	rddreg [dreg:$0x0];
	s2 =	stileid.u32  }
0xfc: {  	s1 =	rddreg [dreg:$0x1];
	p0 =	sne.s32 s2, $0x0  }
0xfd: {  	s3 =	rddreg [dreg:$0x2];
	[bflag:$0x3] =	sbarrier.arrive $0xFFFF;
	s2 =	simm.s32 @!p0 $0x1C05  }
0xfe: {  	[timem:s3], [sflag:s2] =	dma.local @!p0 [hbm:s0], s1  }
0xff: {  	s0 =	simm.s32 @!p0 $0x5  }
0x100: {  	_ =	swait.ge @!p0 [sflag:s0], s1  }
0x101: {  	s1 =	ssub.s32 @!p0 $0x0, s1;
	[sflag:s0] =	ssyncset.done @!p0 $0x0  }
0x102: {  	[sflag:s0] =	ssyncadd.s32 @!p0 s1  }
0x103: {  	[bflag:$0x3] =	sbarrier.arrive $0xFFFF  }
0x104: {  	_ =	shalt  }

// kernel: kernel.15.cloned.1.call-start
scs
__scs_entry_jumppad:
0x0: {  	(pc) =	sbr.rel $0x88, $3  }
0x1: {  	(tag) =	ssettag $0x0;
	lr =	simm.s32 $0x1  }
0x2: {  	[smem:$0x3F97] =	sst lr;
	_ =	strace $0xD0000000  }
0x3: {  	_ = 	snop  }
0x4: {  	_ = 	snop  }
0x5: {  	_ = 	snop  }
0x6: {  	_ = 	snop  }
0x7: {  	_ = 	snop  }
__scs_overlays_trampoline_lowered:
0x8: {  	[smem:$0x3FA6] =	sst s0  }
0x9: {  	[smem:$0x3FA7] =	sst s1  }
0xa: {  	[smem:$0x3FA8] =	sst s2  }
0xb: {  	[smem:$0x3FA9] =	sst s3  }
0xc: {  	[smem:$0x3FAA] =	sst s4  }
0xd: {  	[smem:$0x3FAB] =	sst s5  }
0xe: {  	[smem:$0x3FAC] =	sst s6  }
0xf: {  	[smem:$0x3FAD] =	sst s7  }
0x10: {  	[smem:$0x3FAE] =	sst s8  }
0x11: {  	[smem:$0x3FAF] =	sst s9;
	s0 =	simm.s32 @!p0 $0x0  }
0x12: {  	s1 =	sld [smem:$0x3F95];
	s0 =	simm.s32 @p0 $0x1  }
0x13: {  	[smem:$0x3FB0] =	sst s0;
	s0 =	simm.s32 @!p1 $0x0  }
0x14: {  	s2 =	sld [smem:$0x3F94];
	s0 =	simm.s32 @p1 $0x1  }
0x15: {  	[smem:$0x3FB1] =	sst s0;
	s0 =	simm.s32 @!p2 $0x0  }
0x16: {  	s3 =	sld [smem:$0x3FDB];
	s0 =	simm.s32 @p2 $0x1  }
0x17: {  	s4 =	simm.s32 $0x1BF5;
	[smem:$0x3FB3] =	sst s0  }
0x18: {  	s0 =	sld [smem:$0x3F96];
	_ =	swait.ge [sflag:s4], $0x0  }
0x19: {  	s7 =	sld [smem:$0x3F97]  }
0x1a: {  	s8 =	sadd.s32 $0xFFFFE003, lr  }
0x1b: {  	s9 =	sadd.s32 $0xFFFFFEF7, lr;
	s5 =	simm.s32 $0xFFFFFFFF;
	p2 =	slt.u32 s8, $0xFFFFF086  }
0x1c: {  	p1 =	slt.u32 s9, $0xF7A;
	s5 =	simm.s32 @!p2 $0x0  }
0x1d: {  	s5 =	simm.s32 @p1 $0x1;
	p0 =	seq.s32 s7, s2  }
0x1e: {  	s7 =	smul.u32 @!p0 $0xF7A, s2;
	p2 =	seq.s32 @!p0 s5, $0x0  }
0x1f: {  	s9 =	smul.u32 $0xF7A, s1;
	s8 =	simm.s32 @!p0 $0x1BF5;
	p2 =	por !p2, p0  }
0x20: {  	[sflag:s8] =	ssyncset.s32 @!p0 $0xFFFFF086;
	s6 =	sadd.s32 @!p0 s3, s7;
	s7 =	simm.s32 @!p0 $0x108  }
0x21: {  	s3 =	sadd.s32 s3, s9;
	s6 =	sadd.s32 @!p0 $0x88, s6;
	s7 =	simm.s32 @p2 $0x1082  }
0x22: {  	[simem:s7], [sflag:s8] =	dma.local @!p0 [hbm:s6], $0xF7A  }
0x23: {  	s9 =	sor.u32 $0xD0000000, s2;
	s6 =	simm.s32 $0x108;
	_ =	swait.ge @!p0 [sflag:s8], $0x0  }
0x24: {  	s3 =	sadd.s32 $0x88, s3;
	s6 =	simm.s32 @!p1 $0x1082;
	[sflag:s4] =	ssyncset.s32 $0xFFFFF086  }
0x25: {  	[simem:s6], [sflag:s4] =	dma.local [hbm:s3], $0xF7A  }
0x26: {  	[smem:$0x3F97] =	sst s1;
	(tag) =	ssettag s2;
	_ =	strace s9  }
0x27: {  	s1 =	sld [smem:$0x3FA7]  }
0x28: {  	s2 =	sld [smem:$0x3FA8]  }
0x29: {  	s4 =	sld [smem:$0x3FAA]  }
0x2a: {  	p0 =	seq.s32 s5, $0x0;
	s5 =	sld [smem:$0x3FAB]  }
0x2b: {  	s6 =	sld [smem:$0x3FAC]  }
0x2c: {  	s7 =	sld [smem:$0x3FAD]  }
0x2d: {  	s3 =	simm.s32 $0x108;
	s8 =	sld [smem:$0x3FAE]  }
0x2e: {  	s3 =	simm.s32 @!p0 $0x1082;
	s9 =	sld [smem:$0x3FAF]  }
0x2f: {  	lr =	sadd.s32 s0, s3;
	s0 =	sld [smem:$0x3FA6]  }
0x30: {  	s3 =	sld [smem:$0x3FA9]  }
0x31: {  	[smem:$0x3FB2] =	sst s10  }
0x32: {  	s10 =	sld [smem:$0x3FB0];
	_ =	sdelay $0x3  }
0x33: {  	p0 =	seq.s32 s10, $0x1;
	s10 =	sld [smem:$0x3FB2];
	_ =	sdelay $0x3  }
0x34: {  	[smem:$0x3FB2] =	sst s10  }
0x35: {  	s10 =	sld [smem:$0x3FB1];
	_ =	sdelay $0x3  }
0x36: {  	p1 =	seq.s32 s10, $0x1;
	s10 =	sld [smem:$0x3FB2];
	_ =	sdelay $0x3  }
0x37: {  	[smem:$0x3FB2] =	sst s10  }
0x38: {  	s10 =	sld [smem:$0x3FB3]  }
0x39: {  	_ = 	snop;
	(pc) =	sbr.ind lr, $3  }
0x3a: {  	_ = 	snop  }
0x3b: {  	_ = 	snop  }
0x3c: {  	p2 =	seq.s32 s10, $0x1;
	s10 =	sld [smem:$0x3FB2]  }
0x3d: {  	_ =	shalt  }
0x3e: {  	_ =	shalt  }
0x3f: {  	_ =	shalt  }
0x40: {  	_ =	shalt  }
0x41: {  	_ =	shalt  }
0x42: {  	_ =	shalt  }
0x43: {  	_ =	shalt  }
0x44: {  	_ =	shalt  }
0x45: {  	_ =	shalt  }
0x46: {  	_ =	shalt  }
0x47: {  	_ =	shalt  }
0x48: {  	_ =	shalt  }
0x49: {  	_ =	shalt  }
0x4a: {  	_ =	shalt  }
0x4b: {  	_ =	shalt  }
0x4c: {  	_ =	shalt  }
0x4d: {  	_ =	shalt  }
0x4e: {  	_ =	shalt  }
0x4f: {  	_ =	shalt  }
0x50: {  	_ =	shalt  }
0x51: {  	_ =	shalt  }
0x52: {  	_ =	shalt  }
0x53: {  	_ =	shalt  }
0x54: {  	_ =	shalt  }
0x55: {  	_ =	shalt  }
0x56: {  	_ =	shalt  }
0x57: {  	_ =	shalt  }
0x58: {  	_ =	shalt  }
0x59: {  	_ =	shalt  }
0x5a: {  	_ =	shalt  }
0x5b: {  	_ =	shalt  }
0x5c: {  	_ =	shalt  }
0x5d: {  	_ =	shalt  }
0x5e: {  	_ =	shalt  }
0x5f: {  	_ =	shalt  }
0x60: {  	_ =	shalt  }
0x61: {  	_ =	shalt  }
0x62: {  	_ =	shalt  }
0x63: {  	_ =	shalt  }
0x64: {  	_ =	shalt  }
0x65: {  	_ =	shalt  }
0x66: {  	_ =	shalt  }
0x67: {  	_ =	shalt  }
0x68: {  	_ =	shalt  }
0x69: {  	_ =	shalt  }
0x6a: {  	_ =	shalt  }
0x6b: {  	_ =	shalt  }
0x6c: {  	_ =	shalt  }
0x6d: {  	_ =	shalt  }
0x6e: {  	_ =	shalt  }
0x6f: {  	_ =	shalt  }
0x70: {  	_ =	shalt  }
0x71: {  	_ =	shalt  }
0x72: {  	_ =	shalt  }
0x73: {  	_ =	shalt  }
0x74: {  	_ =	shalt  }
0x75: {  	_ =	shalt  }
0x76: {  	_ =	shalt  }
0x77: {  	_ =	shalt  }
0x78: {  	_ =	shalt  }
0x79: {  	_ =	shalt  }
0x7a: {  	_ =	shalt  }
0x7b: {  	_ =	shalt  }
0x7c: {  	_ =	shalt  }
0x7d: {  	_ =	shalt  }
0x7e: {  	_ =	shalt  }
0x7f: {  	_ =	shalt  }
0x80: {  	_ =	shalt  }
0x81: {  	_ =	shalt  }
0x82: {  	_ =	shalt  }
0x83: {  	_ =	shalt  }
0x84: {  	_ =	shalt  }
0x85: {  	_ =	shalt  }
0x86: {  	_ =	shalt  }
0x87: {  	_ =	shalt  }
.Lfunc_end0:
.L_simem_size_0:
called_computation.2_lowered:
.L_overlay_start_0:
0x88: {  	s2 =	sld [smem:$0x3FD9]  }
0x89: {  	s3 =	sld [smem:$0x3FFE];
	_ =	sdelay $0x1  }
0x8a: {  	s1 =	srdreg.scid  }
0x8b: {  	s0 =	sand.u32 $0x1, s1  }
0x8c: {  	s16 =	sshll.u32 s0, $0xA;
	s2 =	sadd.s32 s3, s2  }
0x8d: {  	s2 =	sadd.s32 s2, s16  }
0x8e: {  	[smem:$0x3FBE] =	sst s2  }
0x8f: {  	_ = 	snop  }
0x90: {  	(tm) =	ssettm $0x1  }
0x91: {  	s17 =	sld [smem:$0x3FFB];
	_ =	sdelay $0x3  }
0x92: {  	_ =	strace s17  }
0x93: {  	s2 =	sld [smem:$0x3FFC];
	_ =	sdelay $0x3  }
0x94: {  	_ =	strace s2  }
0x95: {  	s2 =	sld [smem:$0x3FFD];
	_ =	sdelay $0x3  }
0x96: {  	_ =	strace s2  }
0x97: {  	_ =	strace $0x8FFFFFFF  }
0x98: {  	s18 =	sld [smem:$0x3FDB];
	_ =	sdelay $0x1  }
0x99: {  	s19 =	simm.s32 $_scs_section_size  }
0x9a: {  	s4 =	simm.s32 $_size__tile_overlayer_lowered;
	s5 =	simm.s32 $_tile_overlayer_lowered  }
0x9b: {  	s22 =	simm.s32 $0x1BFF;
	s21 =	sshll.u32 s5, $0x1;
	s2 =	sadd.s32 s19, s18  }
0x9c: {  	s6 =	simm.s32 $0x0;
	s20 =	sshll.u32 s4, $0x1;
	s4 =	sadd.s32 s21, s2  }
0x9d: {  	[timem:s6], [sflag:s22] =	dma.local [hbm:s4], s20  }
0x9e: {  	_ =	swait.ge [sflag:s22], s20  }
0x9f: {  	s3 =	ssub.s32 $0x0, s20;
	[sflag:s22] =	ssyncset.done $0x0  }
0xa0: {  	[sflag:s22] =	ssyncadd.s32 s3;
	_ =	sdelay $0x1  }
0xa1: {  	s23 =	simm.s32 $0x1B8B  }
0xa2: {  	_ =	swait.ge [sflag:s23], $0x1  }
0xa3: {  	[sflag:s23] =	ssyncset.done $0x0  }
0xa4: {  	s25 =	simm.s32 $0x1B8E;
	s24 =	sld [smem:$0x3FFE];
	[sflag:s23] =	ssyncadd.s32 $0xFFFFFFFF  }
0xa5: {  	s26 =	simm.s32 $execute0_lowered;
	[smem:$0x3FD2] =	sst s25  }
0xa6: {  	s4 =	sshll.u32 s26, $0x1;
	_ =	strace $0x8000004C;
	[dreg:$0x1] =	wrdreg $0xFFFFFFFF  }
0xa7: {  	s28 =	simm.s32 $_size_execute0_lowered;
	s2 =	sadd.s32 s2, s4;
	[dreg:$0x0] =	wrdreg $0x0  }
0xa8: {  	s4 =	sshll.u32 s28, $0x1;
	[dreg:$0x2] =	wrdreg s2  }
0xa9: {  	[dreg:$0x3] =	wrdreg s4  }
0xaa: {  	[dreg:$0x4] =	wrdreg $0xC0  }
0xab: {  	_ =	task [dreg:s6], $0x5FFFF  }
0xac: {  	[dreg:$0x1] =	wrdreg $0xFFFFFFFF  }
0xad: {  	[dreg:$0x0] =	wrdreg $0x60  }
0xae: {  	[dreg:$0x2] =	wrdreg s24  }
0xaf: {  	[dreg:$0x3] =	wrdreg $0x4C000  }
0xb0: {  	[dreg:$0x4] =	wrdreg $0x9  }
0xb1: {  	_ =	task.clear_ibuf [dreg:s6], $0x5FFFF;
	_ =	strace $0x9000004C  }
0xb2: {  	s29 =	simm.s32 $0x9;
	_ =	strace $0x8000004E  }
0xb3: {  	_ =	swait.ge [sflag:s29], $0x1  }
0xb4: {  	[sflag:s29] =	ssyncadd.s32 $0xFFFFFFFF  }
0xb5: {  	_ =	strace $0x9000004E  }
0xb6: {  	_ =	sfence  }
0xb7: {  	s30 =	sld [smem:$0x0];
	_ =	sdelay $0x2  }
0xb8: {  	s31 =	sshll.u32 s1, $0xD;
	s1 =	sshrl.u32 s1, $0x2  }
0xb9: {  	s3 =	sand.u32 $0x4000, s31;
	s1 =	sadd.s32 s1, s30  }
0xba: {  	s0 =	sor.u32 s3, s0;
	s1 =	sshll.u32 s1, $0x11  }
0xbb: {  	s0 =	sor.u32 s1, s0  }
0xbc: {  	s0 =	sadd.s32 $0x8F2B, s0  }
0xbd: {  	[sflag:s0] =	ssyncadd.remote.s32 $0x1  }
0xbe: {  	_ =	sfence.sel $0xFFFF  }
0xbf: {  	[dreg:$0x0] =	wrdreg $0xFFFFFFFF;
	(pc) =	sbr.abs _section_cstart, $3  }
0xc0: {  	[dreg:$0x1] =	wrdreg $0xFFFFFFFF  }
0xc1: {  	_ =	task.clear_ibuf [dreg:s6], $0x2FFFF;
	_ =	strace $0x9FFFFFFF  }
0xc2: {  	(tm) =	ssettm $0x7FFFFFFF  }
0xc3: {  	_ =	shalt  }
tec
execute0_lowered:
.L_overlay_start_1:
0x0: {  	(tag) =	ssettag $0x1  }
0x1: {  	s0 =	rddreg [dreg:$0x0]  }
0x2: {  	s2 =	rddreg [dreg:$0x1];
	s11 =	stileid.u32  }
0x3: {  	s4 =	srdreg.scid;
	s3 =	simm.s32 $0x0;
	s14 =	simm.s32 $0x5  }
0x4: {  	s15 =	simm.s32 $0xE00;
	s16 =	simm.s32 $0x1;
	s17 =	simm.s32 $0x2  }
0x5: {  	s18 =	simm.s32 $0x80;
	s19 =	simm.s32 $0x1C00;
	s20 =	simm.s32 $0x2400  }
0x6: {  	s21 =	simm.s32 $0x2C00;
	s22 =	simm.s32 $0x100;
	s23 =	simm.s32 $0xE80  }
0x7: {  	s24 =	simm.s32 $0x3C00;
	s25 =	simm.s32 $0x3;
	s1 =	smul.u32 $0x1C0, s11  }
0x8: {  	s26 =	simm.s32 $0x4;
	s5 =	smul.u32 $0x160, s11;
	s7 =	sand.u32 $0x1, s4  }
0x9: {  	s6 =	smul.u32 $0x5000, s11;
	[smem:$0x7FF] =	sst s3;
	s4 =	sadd.s32 $0x6200, s0  }
0xa: {  	s11 =	sshll.u32 s11, $0x6;
	s8 =	smul.u32 $0x50000, s7;
	_ =	strace $0x8000004D  }
0xb: {  	s9 =	ssub.s32 $0x2, s7;
	p0 =	seq.s32 s7, $0x1;
	s1 =	sadd.s32 s1, s0  }
0xc: {  	s10 =	sadd.s32 s5, s0;
	s5 =	sadd.s32 $0x2EA00, s0;
	s30 =	sshrl.u32 s9, $0x1  }
.Ltmp0:
0xd: {  	s13 =	sadd.s32 s6, s2;
	s8 =	sadd.s32 s6, s8;
	(pc) =	sbr.rel .LBB2_1-.Ltmp0, $4  }
0xe: {  	s12 =	ssub.s32 s9, s30;
	s6 =	sor.u32 $0x1C05, s11;
	s31 =	sadd.s32 $0x1400, s1  }
0xf: {  	s9 =	sadd.s32 $0x3000, s10;
	s10 =	sadd.s32 $0x2D400, s10;
	s8 =	sshrl.u32 s8, $0x3  }
0x10: {  	s13 =	sshrl.u32 s13, $0x3;
	[dreg:$0x3] =	wrdreg s31;
	s0 =	sadd.s32 s8, s0  }
0x11: {  	s12 =	smax.u32 s12, $0x1;
	s8 =	sadd.s32 $0x4600, s1;
	s11 =	sadd.s32 $0x2F400, s0  }
.LBB2_22:
0x12: {  	_ =	swait.ge [sflag:s25], $0x1000  }
0x13: {  	[sflag:s25] =	ssyncset.done $0x0  }
0x14: {  	[sflag:s25] =	ssyncadd.s32 $0xFFFFF000  }
0x15: {  	_ =	swait.ge [sflag:s26], $0x1000  }
0x16: {  	[sflag:s26] =	ssyncset.done $0x0  }
0x17: {  	[sflag:s26] =	ssyncadd.s32 $0xFFFFF000  }
0x18: {  	_ =	swait.ge [sflag:s16], $0x800  }
0x19: {  	s3 =	sadd.s32 $0x1, s3;
	[sflag:s16] =	ssyncset.done $0x0  }
0x1a: {  	p1 =	sne.s32 s3, s12;
	[sflag:s16] =	ssyncadd.s32 $0xFFFFF800  }
.Ltmp1:
0x1b: {  	[bflag:$0x0] =	sbarrier.arrive $0xFFFF;
	(pc) =	sbr.rel @!p1 .LBB2_23-.Ltmp1, $4  }
0x1c: {  	[hbm:s11], [sflag:s6] =	dma.local [spmem:s13], $0xA00  }
0x1d: {  	_ =	swait.ge [sflag:s14], $0xA00  }
0x1e: {  	[sflag:s14] =	ssyncset.done $0x0  }
0x1f: {  	[sflag:s14] =	ssyncadd.s32 $0xFFFFF600  }
.LBB2_1:
0x20: {  	[spmem:s13], [sflag:s6] =	dma.local [hbm:s5], $0xA00  }
.Ltmp2:
0x21: {  	_ =	swait.ge [sflag:s14], $0xA00;
	(pc) =	sbr.rel @!p0 .LBB2_2-.Ltmp2, $4  }
0x22: {  	[sflag:s14] =	ssyncset.done $0x0  }
0x23: {  	[sflag:s14] =	ssyncadd.s32 $0xFFFFF600  }
0x24: {  	[bflag:$0x0] =	sbarrier.arrive $0xFFFF  }
0x25: {  	s0 =	simm.s32 $0x0  }
0x26: {  	[tilespmem:s0], [sflag:$0x1] =	stream.linear.gather [hbm4b:s9+s0], $0xB00, $0x38;
	[tilespmem:$0x9C00] =	vst v63  }
0x27: {  	_ = 	snop  }
0x28: {  	[tilespmem:s15], [sflag:$0x2] =	stream.linear.gather [hbm4b:s10+s0], $0xB00, $0x38;
	[tilespmem:$0x9C00] =	vst v63  }
0x29: {  	_ =	swait.ge [sflag:s16], $0xB00  }
0x2a: {  	[sflag:s16] =	ssyncset.done $0x0  }
0x2b: {  	[sflag:s16] =	ssyncadd.s32 $0xFFFFF500  }
0x2c: {  	_ =	swait.ge [sflag:s17], $0xB00  }
0x2d: {  	[sflag:s17] =	ssyncset.done $0x0  }
0x2e: {  	[sflag:s17] =	ssyncadd.s32 $0xFFFFF500  }
0x2f: {  	[tilespmem:s19], [sflag:$0x1] =	stream.indirect.gather [hbm4b:s4+s18], $0x10, s0, s18, $0xb8;
	[tilespmem:$0x9C00] =	vst v63  }
0x30: {  	_ = 	snop  }
0x31: {  	[tilespmem:s20], [sflag:$0x2] =	stream.indirect.gather [hbm4b:s4+s18], $0x10, s18, s18, $0xb8;
	[tilespmem:$0x9C00] =	vst v63  }
0x32: {  	_ =	swait.ge [sflag:s16], $0x800  }
0x33: {  	[sflag:s16] =	ssyncset.done $0x0  }
0x34: {  	s31 =	simm.s32 $0x0;
	[sflag:s16] =	ssyncadd.s32 $0xFFFFF800  }
0x35: {  	v0 =	vld [tilespmem:s31+$0x1C00];
	_ =	sdelay $0x4  }
0x36: {  	s0 =	simm.s32 $0x2C10;
	v1 =	vunpack.i.l.bf16.f32 v0  }
0x37: {  	v0 =	vunpack.i.u.bf16.f32 v0;
	[tilespmem:s0+$0xFFFFFFF0] =	vst v1  }
0x38: {  	s7 =	simm.s32 $0x10;
	s1 =	simm.s32 $0x80;
	[tilespmem:s0+$0x0] =	vst v0  }
.LBB2_13:
0x39: {  	p1 =	sne.s32 s1, $0x1FC0;
	v0 =	vld [tilespmem:s7+$0x1C00];
	_ =	sdelay $0x2  }
.Ltmp3:
0x3a: {  	(pc) =	sbr.rel @p1 .LBB2_13-.Ltmp3, $4  }
0x3b: {  	_ = 	snop  }
0x3c: {  	s0 =	sadd.s32 $0x20, s0;
	v1 =	vunpack.i.u.bf16.f32 v0;
	v0 =	vunpack.i.l.bf16.f32 v0  }
0x3d: {  	[tilespmem:s0+$0xFFFFFFF0] =	vst v0  }
0x3e: {  	s7 =	sshra.s32 s1, $0x2;
	s1 =	sadd.s32 $0x40, s1;
	[tilespmem:s0+$0x0] =	vst v1  }
0x3f: {  	v0 =	vld [tilespmem:s7+$0x1C00];
	_ =	sdelay $0x4  }
0x40: {  	s0 =	sadd.s32 $0x20, s0;
	v1 =	vunpack.i.l.bf16.f32 v0  }
0x41: {  	v0 =	vunpack.i.u.bf16.f32 v0;
	[tilespmem:s0+$0xFFFFFFF0] =	vst v1  }
0x42: {  	[tilespmem:s0+$0x0] =	vst v0  }
0x43: {  	[spmem:s2] =	stream.indirect.scatter.add.f32 [tilespmem:s21], [sflag:$0x3], $0x20, s15, s18, $0xb8;
	[tilespmem:$0x9C00] =	vst v63  }
0x44: {  	_ = 	snop  }
0x45: {  	[tilespmem:s19], [sflag:$0x1] =	stream.indirect.gather [hbm4b:s4+s18], $0x10, s22, s18, $0xb8;
	[tilespmem:$0x9C00] =	vst v63  }
0x46: {  	_ =	swait.ge [sflag:s17], $0x800  }
0x47: {  	[sflag:s17] =	ssyncset.done $0x0  }
0x48: {  	s31 =	simm.s32 $0x0;
	[sflag:s17] =	ssyncadd.s32 $0xFFFFF800  }
0x49: {  	v62 =	vld [tilespmem:s31+$0x2400];
	_ =	sdelay $0x4  }
0x4a: {  	s0 =	simm.s32 $0x3C10;
	v63 =	vunpack.i.l.bf16.f32 v62  }
0x4b: {  	v0 =	vunpack.i.u.bf16.f32 v62;
	[tilespmem:s0+$0xFFFFFFF0] =	vst v63  }
0x4c: {  	s7 =	simm.s32 $0x10;
	s1 =	simm.s32 $0x80;
	[tilespmem:s0+$0x0] =	vst v0  }
.LBB2_15:
0x4d: {  	p1 =	sne.s32 s1, $0x1FC0;
	v0 =	vld [tilespmem:s7+$0x2400];
	_ =	sdelay $0x2  }
.Ltmp4:
0x4e: {  	(pc) =	sbr.rel @p1 .LBB2_15-.Ltmp4, $4  }
0x4f: {  	_ = 	snop  }
0x50: {  	s0 =	sadd.s32 $0x20, s0;
	v1 =	vunpack.i.u.bf16.f32 v0;
	v0 =	vunpack.i.l.bf16.f32 v0  }
0x51: {  	[tilespmem:s0+$0xFFFFFFF0] =	vst v0  }
0x52: {  	s7 =	sshra.s32 s1, $0x2;
	s1 =	sadd.s32 $0x40, s1;
	[tilespmem:s0+$0x0] =	vst v1  }
0x53: {  	v0 =	vld [tilespmem:s7+$0x2400];
	_ =	sdelay $0x4  }
0x54: {  	s0 =	sadd.s32 $0x20, s0;
	v1 =	vunpack.i.l.bf16.f32 v0  }
0x55: {  	v0 =	vunpack.i.u.bf16.f32 v0;
	[tilespmem:s0+$0xFFFFFFF0] =	vst v1  }
0x56: {  	s28 =	simm.s32 $0x0;
	[tilespmem:s0+$0x0] =	vst v0  }
0x57: {  	[spmem:s2] =	stream.indirect.scatter.add.f32 [tilespmem:s24], [sflag:$0x4], $0x20, s23, s18, $0xb8;
	[tilespmem:$0x9C00] =	vst v63  }
.LBB2_17:
0x58: {  	s30 =	sshll.u32 s28, $0xA  }
0x59: {  	s0 =	sadd.s32 $0x600, s30  }
0x5a: {  	s29 =	sshra.s32 s0, $0x2  }
0x5b: {  	[tilespmem:s20], [sflag:$0x2] =	stream.indirect.gather [hbm4b:s4+s18], $0x10, s29, s18, $0xb8;
	[tilespmem:$0x9C00] =	vst v63  }
0x5c: {  	_ =	swait.ge [sflag:s25], $0x1000  }
0x5d: {  	[sflag:s25] =	ssyncset.done $0x0  }
0x5e: {  	[sflag:s25] =	ssyncadd.s32 $0xFFFFF000  }
0x5f: {  	_ =	swait.ge [sflag:s16], $0x800  }
0x60: {  	[sflag:s16] =	ssyncset.done $0x0  }
0x61: {  	s7 =	simm.s32 $0x0;
	[sflag:s16] =	ssyncadd.s32 $0xFFFFF800  }
0x62: {  	v0 =	vld [tilespmem:s7+$0x1C00];
	_ =	sdelay $0x4  }
0x63: {  	s0 =	simm.s32 $0x2C10;
	v1 =	vunpack.i.l.bf16.f32 v0  }
0x64: {  	v0 =	vunpack.i.u.bf16.f32 v0;
	[tilespmem:s0+$0xFFFFFFF0] =	vst v1  }
0x65: {  	s31 =	sshll.u32 s28, $0x1;
	s1 =	simm.s32 $0x80;
	s7 =	simm.s32 $0x10;
	[tilespmem:s0+$0x0] =	vst v0  }
.LBB2_18:
0x66: {  	p1 =	sne.s32 s1, $0x1FC0;
	v0 =	vld [tilespmem:s7+$0x1C00];
	_ =	sdelay $0x2  }
.Ltmp5:
0x67: {  	(pc) =	sbr.rel @p1 .LBB2_18-.Ltmp5, $4  }
0x68: {  	_ = 	snop  }
0x69: {  	s0 =	sadd.s32 $0x20, s0;
	v1 =	vunpack.i.u.bf16.f32 v0;
	v0 =	vunpack.i.l.bf16.f32 v0  }
0x6a: {  	[tilespmem:s0+$0xFFFFFFF0] =	vst v0  }
0x6b: {  	s7 =	sshra.s32 s1, $0x2;
	s1 =	sadd.s32 $0x40, s1;
	[tilespmem:s0+$0x0] =	vst v1  }
0x6c: {  	v0 =	vld [tilespmem:s7+$0x1C00];
	_ =	sdelay $0x4  }
0x6d: {  	s0 =	sadd.s32 $0x20, s0;
	v1 =	vunpack.i.l.bf16.f32 v0  }
0x6e: {  	s1 =	sshra.s32 s30, $0x2;
	s30 =	smin.u32 s31, $0x11;
	v0 =	vunpack.i.u.bf16.f32 v0;
	[tilespmem:s0+$0xFFFFFFF0] =	vst v1  }
0x6f: {  	s7 =	sadd.s32 $0xF00, s1;
	[tilespmem:s0+$0x0] =	vst v0;
	s0 =	sshll.u32 s30, $0x7  }
0x70: {  	[spmem:s2] =	stream.indirect.scatter.add.f32 [tilespmem:s21], [sflag:$0x3], $0x20, s7, s18, $0xb8;
	[tilespmem:$0x9C00] =	vst v63  }
0x71: {  	s0 =	sadd.s32 $0x200, s0  }
0x72: {  	[tilespmem:s19], [sflag:$0x1] =	stream.indirect.gather [hbm4b:s4+s18], $0x10, s0, s18, $0xb8;
	[tilespmem:$0x9C00] =	vst v63  }
0x73: {  	_ =	swait.ge [sflag:s26], $0x1000  }
0x74: {  	[sflag:s26] =	ssyncset.done $0x0  }
0x75: {  	[sflag:s26] =	ssyncadd.s32 $0xFFFFF000  }
0x76: {  	_ =	swait.ge [sflag:s17], $0x800  }
0x77: {  	[sflag:s17] =	ssyncset.done $0x0  }
0x78: {  	s31 =	simm.s32 $0x0;
	[sflag:s17] =	ssyncadd.s32 $0xFFFFF800  }
0x79: {  	v62 =	vld [tilespmem:s31+$0x2400];
	_ =	sdelay $0x4  }
0x7a: {  	s0 =	simm.s32 $0x3C10;
	v63 =	vunpack.i.l.bf16.f32 v62  }
0x7b: {  	v0 =	vunpack.i.u.bf16.f32 v62;
	[tilespmem:s0+$0xFFFFFFF0] =	vst v63  }
0x7c: {  	s1 =	simm.s32 $0x80;
	s7 =	simm.s32 $0x10;
	[tilespmem:s0+$0x0] =	vst v0  }
.LBB2_20:
0x7d: {  	p1 =	sne.s32 s1, $0x1FC0;
	v0 =	vld [tilespmem:s7+$0x2400];
	_ =	sdelay $0x2  }
.Ltmp6:
0x7e: {  	(pc) =	sbr.rel @p1 .LBB2_20-.Ltmp6, $4  }
0x7f: {  	_ = 	snop  }
0x80: {  	s0 =	sadd.s32 $0x20, s0;
	v1 =	vunpack.i.u.bf16.f32 v0;
	v0 =	vunpack.i.l.bf16.f32 v0  }
0x81: {  	[tilespmem:s0+$0xFFFFFFF0] =	vst v0  }
0x82: {  	s7 =	sshra.s32 s1, $0x2;
	s1 =	sadd.s32 $0x40, s1;
	[tilespmem:s0+$0x0] =	vst v1  }
0x83: {  	v0 =	vld [tilespmem:s7+$0x2400];
	_ =	sdelay $0x1  }
0x84: {  	s28 =	sadd.s32 $0x1, s28  }
0x85: {  	p1 =	sne.s32 s28, $0xA  }
.Ltmp7:
0x86: {  	_ = 	snop;
	(pc) =	sbr.rel @p1 .LBB2_17-.Ltmp7, $4  }
.Ltmp8:
0x87: {  	s0 =	sadd.s32 $0x20, s0;
	v1 =	vunpack.i.l.bf16.f32 v0;
	(pc) =	sbr.rel @!p1 .LBB2_22-.Ltmp8, $4  }
0x88: {  	v0 =	vunpack.i.u.bf16.f32 v0;
	[tilespmem:s0+$0xFFFFFFF0] =	vst v1  }
0x89: {  	s31 =	sadd.s32 $0xE00, s29;
	[tilespmem:s0+$0x0] =	vst v0  }
0x8a: {  	[spmem:s2] =	stream.indirect.scatter.add.f32 [tilespmem:s24], [sflag:$0x4], $0x20, s31, s18, $0xb8;
	[tilespmem:$0x9C00] =	vst v63  }
0x8b: {  	_ = 	snop  }
.LBB2_2:
0x8c: {  	s1 =	rddreg [dreg:$0x3]  }
0x8d: {  	[tilespmem:s0], [sflag:$0x1] =	stream.linear.gather [hbm4b:s1+s0], $0xE00, $0x38;
	[tilespmem:$0x9C00] =	vst v63  }
0x8e: {  	_ = 	snop  }
0x8f: {  	[tilespmem:s15], [sflag:$0x2] =	stream.linear.gather [hbm4b:s8+s0], $0xE00, $0x38;
	[tilespmem:$0x9C00] =	vst v63  }
0x90: {  	_ =	swait.ge [sflag:s16], $0xE00  }
0x91: {  	[sflag:s16] =	ssyncset.done $0x0  }
0x92: {  	[sflag:s16] =	ssyncadd.s32 $0xFFFFF200  }
0x93: {  	_ =	swait.ge [sflag:s17], $0xE00  }
0x94: {  	[sflag:s17] =	ssyncset.done $0x0  }
0x95: {  	[sflag:s17] =	ssyncadd.s32 $0xFFFFF200  }
0x96: {  	[tilespmem:s19], [sflag:$0x1] =	stream.indirect.gather [hbm4b:s4+s18], $0x10, s0, s18, $0xb8;
	[tilespmem:$0x9C00] =	vst v63  }
0x97: {  	_ = 	snop  }
0x98: {  	[tilespmem:s20], [sflag:$0x2] =	stream.indirect.gather [hbm4b:s4+s18], $0x10, s18, s18, $0xb8;
	[tilespmem:$0x9C00] =	vst v63  }
0x99: {  	_ =	swait.ge [sflag:s16], $0x800  }
0x9a: {  	[sflag:s16] =	ssyncset.done $0x0  }
0x9b: {  	s31 =	simm.s32 $0x0;
	[sflag:s16] =	ssyncadd.s32 $0xFFFFF800  }
0x9c: {  	v0 =	vld [tilespmem:s31+$0x1C00];
	_ =	sdelay $0x4  }
0x9d: {  	s0 =	simm.s32 $0x2C10;
	v1 =	vunpack.i.l.bf16.f32 v0  }
0x9e: {  	v0 =	vunpack.i.u.bf16.f32 v0;
	[tilespmem:s0+$0xFFFFFFF0] =	vst v1  }
0x9f: {  	s28 =	simm.s32 $0x80;
	s1 =	simm.s32 $0x10;
	[tilespmem:s0+$0x0] =	vst v0  }
.LBB2_3:
0xa0: {  	p1 =	sne.s32 s28, $0x1FC0;
	v0 =	vld [tilespmem:s1+$0x1C00];
	_ =	sdelay $0x2  }
.Ltmp9:
0xa1: {  	(pc) =	sbr.rel @p1 .LBB2_3-.Ltmp9, $4  }
0xa2: {  	_ = 	snop  }
0xa3: {  	s0 =	sadd.s32 $0x20, s0;
	v1 =	vunpack.i.u.bf16.f32 v0;
	v0 =	vunpack.i.l.bf16.f32 v0  }
0xa4: {  	[tilespmem:s0+$0xFFFFFFF0] =	vst v0  }
0xa5: {  	s1 =	sshra.s32 s28, $0x2;
	s28 =	sadd.s32 $0x40, s28;
	[tilespmem:s0+$0x0] =	vst v1  }
0xa6: {  	v0 =	vld [tilespmem:s1+$0x1C00];
	_ =	sdelay $0x4  }
0xa7: {  	s0 =	sadd.s32 $0x20, s0;
	v1 =	vunpack.i.l.bf16.f32 v0  }
0xa8: {  	v0 =	vunpack.i.u.bf16.f32 v0;
	[tilespmem:s0+$0xFFFFFFF0] =	vst v1  }
0xa9: {  	[tilespmem:s0+$0x0] =	vst v0  }
0xaa: {  	[spmem:s2] =	stream.indirect.scatter.add.f32 [tilespmem:s21], [sflag:$0x3], $0x20, s15, s18, $0xb8;
	[tilespmem:$0x9C00] =	vst v63  }
0xab: {  	_ = 	snop  }
0xac: {  	[tilespmem:s19], [sflag:$0x1] =	stream.indirect.gather [hbm4b:s4+s18], $0x10, s22, s18, $0xb8;
	[tilespmem:$0x9C00] =	vst v63  }
0xad: {  	_ =	swait.ge [sflag:s17], $0x800  }
0xae: {  	[sflag:s17] =	ssyncset.done $0x0  }
0xaf: {  	s31 =	simm.s32 $0x0;
	[sflag:s17] =	ssyncadd.s32 $0xFFFFF800  }
0xb0: {  	v62 =	vld [tilespmem:s31+$0x2400];
	_ =	sdelay $0x4  }
0xb1: {  	s0 =	simm.s32 $0x3C10;
	v63 =	vunpack.i.l.bf16.f32 v62  }
0xb2: {  	v0 =	vunpack.i.u.bf16.f32 v62;
	[tilespmem:s0+$0xFFFFFFF0] =	vst v63  }
0xb3: {  	s1 =	simm.s32 $0x10;
	s28 =	simm.s32 $0x80;
	[tilespmem:s0+$0x0] =	vst v0  }
.LBB2_5:
0xb4: {  	p1 =	sne.s32 s28, $0x1FC0;
	v0 =	vld [tilespmem:s1+$0x2400];
	_ =	sdelay $0x2  }
.Ltmp10:
0xb5: {  	(pc) =	sbr.rel @p1 .LBB2_5-.Ltmp10, $4  }
0xb6: {  	_ = 	snop  }
0xb7: {  	s0 =	sadd.s32 $0x20, s0;
	v1 =	vunpack.i.u.bf16.f32 v0;
	v0 =	vunpack.i.l.bf16.f32 v0  }
0xb8: {  	[tilespmem:s0+$0xFFFFFFF0] =	vst v0  }
0xb9: {  	s1 =	sshra.s32 s28, $0x2;
	s28 =	sadd.s32 $0x40, s28;
	[tilespmem:s0+$0x0] =	vst v1  }
0xba: {  	v0 =	vld [tilespmem:s1+$0x2400];
	_ =	sdelay $0x4  }
0xbb: {  	s0 =	sadd.s32 $0x20, s0;
	v1 =	vunpack.i.l.bf16.f32 v0  }
0xbc: {  	v0 =	vunpack.i.u.bf16.f32 v0;
	[tilespmem:s0+$0xFFFFFFF0] =	vst v1  }
0xbd: {  	s28 =	simm.s32 $0x0;
	[tilespmem:s0+$0x0] =	vst v0  }
0xbe: {  	[spmem:s2] =	stream.indirect.scatter.add.f32 [tilespmem:s24], [sflag:$0x4], $0x20, s23, s18, $0xb8;
	[tilespmem:$0x9C00] =	vst v63  }
.LBB2_7:
0xbf: {  	s30 =	sshll.u32 s28, $0xA  }
0xc0: {  	s0 =	sadd.s32 $0x600, s30  }
0xc1: {  	s29 =	sshra.s32 s0, $0x2  }
0xc2: {  	[tilespmem:s20], [sflag:$0x2] =	stream.indirect.gather [hbm4b:s4+s18], $0x10, s29, s18, $0xb8;
	[tilespmem:$0x9C00] =	vst v63  }
0xc3: {  	_ =	swait.ge [sflag:s25], $0x1000  }
0xc4: {  	[sflag:s25] =	ssyncset.done $0x0  }
0xc5: {  	[sflag:s25] =	ssyncadd.s32 $0xFFFFF000  }
0xc6: {  	_ =	swait.ge [sflag:s16], $0x800  }
0xc7: {  	[sflag:s16] =	ssyncset.done $0x0  }
0xc8: {  	s7 =	simm.s32 $0x0;
	[sflag:s16] =	ssyncadd.s32 $0xFFFFF800  }
0xc9: {  	v0 =	vld [tilespmem:s7+$0x1C00];
	_ =	sdelay $0x4  }
0xca: {  	s0 =	simm.s32 $0x2C10;
	v1 =	vunpack.i.l.bf16.f32 v0  }
0xcb: {  	v0 =	vunpack.i.u.bf16.f32 v0;
	[tilespmem:s0+$0xFFFFFFF0] =	vst v1  }
0xcc: {  	s31 =	sshll.u32 s28, $0x1;
	s1 =	simm.s32 $0x80;
	s7 =	simm.s32 $0x10;
	[tilespmem:s0+$0x0] =	vst v0  }
.LBB2_8:
0xcd: {  	p1 =	sne.s32 s1, $0x1FC0;
	v0 =	vld [tilespmem:s7+$0x1C00];
	_ =	sdelay $0x2  }
.Ltmp11:
0xce: {  	(pc) =	sbr.rel @p1 .LBB2_8-.Ltmp11, $4  }
0xcf: {  	_ = 	snop  }
0xd0: {  	s0 =	sadd.s32 $0x20, s0;
	v1 =	vunpack.i.u.bf16.f32 v0;
	v0 =	vunpack.i.l.bf16.f32 v0  }
0xd1: {  	[tilespmem:s0+$0xFFFFFFF0] =	vst v0  }
0xd2: {  	s7 =	sshra.s32 s1, $0x2;
	s1 =	sadd.s32 $0x40, s1;
	[tilespmem:s0+$0x0] =	vst v1  }
0xd3: {  	v0 =	vld [tilespmem:s7+$0x1C00];
	_ =	sdelay $0x4  }
0xd4: {  	s0 =	sadd.s32 $0x20, s0;
	v1 =	vunpack.i.l.bf16.f32 v0  }
0xd5: {  	s1 =	sshra.s32 s30, $0x2;
	s30 =	smin.u32 s31, $0x17;
	v0 =	vunpack.i.u.bf16.f32 v0;
	[tilespmem:s0+$0xFFFFFFF0] =	vst v1  }
0xd6: {  	s7 =	sadd.s32 $0xF00, s1;
	[tilespmem:s0+$0x0] =	vst v0;
	s0 =	sshll.u32 s30, $0x7  }
0xd7: {  	[spmem:s2] =	stream.indirect.scatter.add.f32 [tilespmem:s21], [sflag:$0x3], $0x20, s7, s18, $0xb8;
	[tilespmem:$0x9C00] =	vst v63  }
0xd8: {  	s0 =	sadd.s32 $0x200, s0  }
0xd9: {  	[tilespmem:s19], [sflag:$0x1] =	stream.indirect.gather [hbm4b:s4+s18], $0x10, s0, s18, $0xb8;
	[tilespmem:$0x9C00] =	vst v63  }
0xda: {  	_ =	swait.ge [sflag:s26], $0x1000  }
0xdb: {  	[sflag:s26] =	ssyncset.done $0x0  }
0xdc: {  	[sflag:s26] =	ssyncadd.s32 $0xFFFFF000  }
0xdd: {  	_ =	swait.ge [sflag:s17], $0x800  }
0xde: {  	[sflag:s17] =	ssyncset.done $0x0  }
0xdf: {  	s31 =	simm.s32 $0x0;
	[sflag:s17] =	ssyncadd.s32 $0xFFFFF800  }
0xe0: {  	v62 =	vld [tilespmem:s31+$0x2400];
	_ =	sdelay $0x4  }
0xe1: {  	s0 =	simm.s32 $0x3C10;
	v63 =	vunpack.i.l.bf16.f32 v62  }
0xe2: {  	v0 =	vunpack.i.u.bf16.f32 v62;
	[tilespmem:s0+$0xFFFFFFF0] =	vst v63  }
0xe3: {  	s1 =	simm.s32 $0x80;
	s7 =	simm.s32 $0x10;
	[tilespmem:s0+$0x0] =	vst v0  }
.LBB2_10:
0xe4: {  	p1 =	sne.s32 s1, $0x1FC0;
	v0 =	vld [tilespmem:s7+$0x2400];
	_ =	sdelay $0x2  }
.Ltmp12:
0xe5: {  	(pc) =	sbr.rel @p1 .LBB2_10-.Ltmp12, $4  }
0xe6: {  	_ = 	snop  }
0xe7: {  	s0 =	sadd.s32 $0x20, s0;
	v1 =	vunpack.i.u.bf16.f32 v0;
	v0 =	vunpack.i.l.bf16.f32 v0  }
0xe8: {  	[tilespmem:s0+$0xFFFFFFF0] =	vst v0  }
0xe9: {  	s7 =	sshra.s32 s1, $0x2;
	s1 =	sadd.s32 $0x40, s1;
	[tilespmem:s0+$0x0] =	vst v1  }
0xea: {  	v0 =	vld [tilespmem:s7+$0x2400];
	_ =	sdelay $0x1  }
0xeb: {  	s28 =	sadd.s32 $0x1, s28  }
0xec: {  	p1 =	seq.s32 s28, $0xD  }
.Ltmp13:
0xed: {  	_ = 	snop;
	(pc) =	sbr.rel @!p1 .LBB2_7-.Ltmp13, $4  }
.Ltmp14:
0xee: {  	s0 =	sadd.s32 $0x20, s0;
	v1 =	vunpack.i.l.bf16.f32 v0;
	(pc) =	sbr.rel @p1 .LBB2_22-.Ltmp14, $4  }
0xef: {  	v0 =	vunpack.i.u.bf16.f32 v0;
	[tilespmem:s0+$0xFFFFFFF0] =	vst v1  }
0xf0: {  	s31 =	sadd.s32 $0xE00, s29;
	[tilespmem:s0+$0x0] =	vst v0  }
0xf1: {  	[spmem:s2] =	stream.indirect.scatter.add.f32 [tilespmem:s24], [sflag:$0x4], $0x20, s31, s18, $0xb8;
	[tilespmem:$0x9C00] =	vst v63  }
0xf2: {  	_ = 	snop  }
.LBB2_23:
0xf3: {  	_ =	sfence.sel $0x180000  }
0xf4: {  	[bflag:$0x0] =	sbarrier.arrive $0xFFFF  }
0xf5: {  	_ =	strace $0x9000004D  }
0xf6: {  	s0 =	stileid.u32;
	[bflag:$0x2] =	sbarrier.arrive $0xFFFF  }
0xf7: {  	p0 =	sne.s32 s0, $0x0;
	s0 =	rddreg [dreg:$0x2]  }
0xf8: {  	s0 =	sadd.s32 @!p0 $0x100000, s0  }
0xf9: {  	[sflag:s0] =	ssyncadd.tile.s32 @!p0 $0x1;
	_ =	shalt  }
.Lfunc_end2:
_tile_overlayer_lowered:
.L_overlay_start_2:
0xfa: {  	(tag) =	ssettag $0x2  }
0xfb: {  	s0 =	rddreg [dreg:$0x0];
	s2 =	stileid.u32  }
0xfc: {  	s1 =	rddreg [dreg:$0x1];
	p0 =	sne.s32 s2, $0x0  }
0xfd: {  	s3 =	rddreg [dreg:$0x2];
	[bflag:$0x3] =	sbarrier.arrive $0xFFFF;
	s2 =	simm.s32 @!p0 $0x1C05  }
0xfe: {  	[timem:s3], [sflag:s2] =	dma.local @!p0 [hbm:s0], s1  }
0xff: {  	s0 =	simm.s32 @!p0 $0x5  }
0x100: {  	_ =	swait.ge @!p0 [sflag:s0], s1  }
0x101: {  	s1 =	ssub.s32 @!p0 $0x0, s1;
	[sflag:s0] =	ssyncset.done @!p0 $0x0  }
0x102: {  	[sflag:s0] =	ssyncadd.s32 @!p0 s1  }
0x103: {  	[bflag:$0x3] =	sbarrier.arrive $0xFFFF  }
0x104: {  	_ =	shalt  }

// kernel: kernel.9.cloned.1.call-start
scs
__scs_entry_jumppad:
0x0: {  	(pc) =	sbr.rel $0x88, $3  }
0x1: {  	(tag) =	ssettag $0x0;
	lr =	simm.s32 $0x1  }
0x2: {  	[smem:$0x3F97] =	sst lr;
	_ =	strace $0xD0000000  }
0x3: {  	_ = 	snop  }
0x4: {  	_ = 	snop  }
0x5: {  	_ = 	snop  }
0x6: {  	_ = 	snop  }
0x7: {  	_ = 	snop  }
__scs_overlays_trampoline_lowered:
0x8: {  	[smem:$0x3FA6] =	sst s0  }
0x9: {  	[smem:$0x3FA7] =	sst s1  }
0xa: {  	[smem:$0x3FA8] =	sst s2  }
0xb: {  	[smem:$0x3FA9] =	sst s3  }
0xc: {  	[smem:$0x3FAA] =	sst s4  }
0xd: {  	[smem:$0x3FAB] =	sst s5  }
0xe: {  	[smem:$0x3FAC] =	sst s6  }
0xf: {  	[smem:$0x3FAD] =	sst s7  }
0x10: {  	[smem:$0x3FAE] =	sst s8  }
0x11: {  	[smem:$0x3FAF] =	sst s9;
	s0 =	simm.s32 @!p0 $0x0  }
0x12: {  	s1 =	sld [smem:$0x3F95];
	s0 =	simm.s32 @p0 $0x1  }
0x13: {  	[smem:$0x3FB0] =	sst s0;
	s0 =	simm.s32 @!p1 $0x0  }
0x14: {  	s2 =	sld [smem:$0x3F94];
	s0 =	simm.s32 @p1 $0x1  }
0x15: {  	[smem:$0x3FB1] =	sst s0;
	s0 =	simm.s32 @!p2 $0x0  }
0x16: {  	s3 =	sld [smem:$0x3FDB];
	s0 =	simm.s32 @p2 $0x1  }
0x17: {  	s4 =	simm.s32 $0x1BF5;
	[smem:$0x3FB3] =	sst s0  }
0x18: {  	s0 =	sld [smem:$0x3F96];
	_ =	swait.ge [sflag:s4], $0x0  }
0x19: {  	s7 =	sld [smem:$0x3F97]  }
0x1a: {  	s8 =	sadd.s32 $0xFFFFE003, lr  }
0x1b: {  	s9 =	sadd.s32 $0xFFFFFEF7, lr;
	s5 =	simm.s32 $0xFFFFFFFF;
	p2 =	slt.u32 s8, $0xFFFFF086  }
0x1c: {  	p1 =	slt.u32 s9, $0xF7A;
	s5 =	simm.s32 @!p2 $0x0  }
0x1d: {  	s5 =	simm.s32 @p1 $0x1;
	p0 =	seq.s32 s7, s2  }
0x1e: {  	s7 =	smul.u32 @!p0 $0xF7A, s2;
	p2 =	seq.s32 @!p0 s5, $0x0  }
0x1f: {  	s9 =	smul.u32 $0xF7A, s1;
	s8 =	simm.s32 @!p0 $0x1BF5;
	p2 =	por !p2, p0  }
0x20: {  	[sflag:s8] =	ssyncset.s32 @!p0 $0xFFFFF086;
	s6 =	sadd.s32 @!p0 s3, s7;
	s7 =	simm.s32 @!p0 $0x108  }
0x21: {  	s3 =	sadd.s32 s3, s9;
	s6 =	sadd.s32 @!p0 $0x88, s6;
	s7 =	simm.s32 @p2 $0x1082  }
0x22: {  	[simem:s7], [sflag:s8] =	dma.local @!p0 [hbm:s6], $0xF7A  }
0x23: {  	s9 =	sor.u32 $0xD0000000, s2;
	s6 =	simm.s32 $0x108;
	_ =	swait.ge @!p0 [sflag:s8], $0x0  }
0x24: {  	s3 =	sadd.s32 $0x88, s3;
	s6 =	simm.s32 @!p1 $0x1082;
	[sflag:s4] =	ssyncset.s32 $0xFFFFF086  }
0x25: {  	[simem:s6], [sflag:s4] =	dma.local [hbm:s3], $0xF7A  }
0x26: {  	[smem:$0x3F97] =	sst s1;
	(tag) =	ssettag s2;
	_ =	strace s9  }
0x27: {  	s1 =	sld [smem:$0x3FA7]  }
0x28: {  	s2 =	sld [smem:$0x3FA8]  }
0x29: {  	s4 =	sld [smem:$0x3FAA]  }
0x2a: {  	p0 =	seq.s32 s5, $0x0;
	s5 =	sld [smem:$0x3FAB]  }
0x2b: {  	s6 =	sld [smem:$0x3FAC]  }
0x2c: {  	s7 =	sld [smem:$0x3FAD]  }
0x2d: {  	s3 =	simm.s32 $0x108;
	s8 =	sld [smem:$0x3FAE]  }
0x2e: {  	s3 =	simm.s32 @!p0 $0x1082;
	s9 =	sld [smem:$0x3FAF]  }
0x2f: {  	lr =	sadd.s32 s0, s3;
	s0 =	sld [smem:$0x3FA6]  }
0x30: {  	s3 =	sld [smem:$0x3FA9]  }
0x31: {  	[smem:$0x3FB2] =	sst s10  }
0x32: {  	s10 =	sld [smem:$0x3FB0];
	_ =	sdelay $0x3  }
0x33: {  	p0 =	seq.s32 s10, $0x1;
	s10 =	sld [smem:$0x3FB2];
	_ =	sdelay $0x3  }
0x34: {  	[smem:$0x3FB2] =	sst s10  }
0x35: {  	s10 =	sld [smem:$0x3FB1];
	_ =	sdelay $0x3  }
0x36: {  	p1 =	seq.s32 s10, $0x1;
	s10 =	sld [smem:$0x3FB2];
	_ =	sdelay $0x3  }
0x37: {  	[smem:$0x3FB2] =	sst s10  }
0x38: {  	s10 =	sld [smem:$0x3FB3]  }
0x39: {  	_ = 	snop;
	(pc) =	sbr.ind lr, $3  }
0x3a: {  	_ = 	snop  }
0x3b: {  	_ = 	snop  }
0x3c: {  	p2 =	seq.s32 s10, $0x1;
	s10 =	sld [smem:$0x3FB2]  }
0x3d: {  	_ =	shalt  }
0x3e: {  	_ =	shalt  }
0x3f: {  	_ =	shalt  }
0x40: {  	_ =	shalt  }
0x41: {  	_ =	shalt  }
0x42: {  	_ =	shalt  }
0x43: {  	_ =	shalt  }
0x44: {  	_ =	shalt  }
0x45: {  	_ =	shalt  }
0x46: {  	_ =	shalt  }
0x47: {  	_ =	shalt  }
0x48: {  	_ =	shalt  }
0x49: {  	_ =	shalt  }
0x4a: {  	_ =	shalt  }
0x4b: {  	_ =	shalt  }
0x4c: {  	_ =	shalt  }
0x4d: {  	_ =	shalt  }
0x4e: {  	_ =	shalt  }
0x4f: {  	_ =	shalt  }
0x50: {  	_ =	shalt  }
0x51: {  	_ =	shalt  }
0x52: {  	_ =	shalt  }
0x53: {  	_ =	shalt  }
0x54: {  	_ =	shalt  }
0x55: {  	_ =	shalt  }
0x56: {  	_ =	shalt  }
0x57: {  	_ =	shalt  }
0x58: {  	_ =	shalt  }
0x59: {  	_ =	shalt  }
0x5a: {  	_ =	shalt  }
0x5b: {  	_ =	shalt  }
0x5c: {  	_ =	shalt  }
0x5d: {  	_ =	shalt  }
0x5e: {  	_ =	shalt  }
0x5f: {  	_ =	shalt  }
0x60: {  	_ =	shalt  }
0x61: {  	_ =	shalt  }
0x62: {  	_ =	shalt  }
0x63: {  	_ =	shalt  }
0x64: {  	_ =	shalt  }
0x65: {  	_ =	shalt  }
0x66: {  	_ =	shalt  }
0x67: {  	_ =	shalt  }
0x68: {  	_ =	shalt  }
0x69: {  	_ =	shalt  }
0x6a: {  	_ =	shalt  }
0x6b: {  	_ =	shalt  }
0x6c: {  	_ =	shalt  }
0x6d: {  	_ =	shalt  }
0x6e: {  	_ =	shalt  }
0x6f: {  	_ =	shalt  }
0x70: {  	_ =	shalt  }
0x71: {  	_ =	shalt  }
0x72: {  	_ =	shalt  }
0x73: {  	_ =	shalt  }
0x74: {  	_ =	shalt  }
0x75: {  	_ =	shalt  }
0x76: {  	_ =	shalt  }
0x77: {  	_ =	shalt  }
0x78: {  	_ =	shalt  }
0x79: {  	_ =	shalt  }
0x7a: {  	_ =	shalt  }
0x7b: {  	_ =	shalt  }
0x7c: {  	_ =	shalt  }
0x7d: {  	_ =	shalt  }
0x7e: {  	_ =	shalt  }
0x7f: {  	_ =	shalt  }
0x80: {  	_ =	shalt  }
0x81: {  	_ =	shalt  }
0x82: {  	_ =	shalt  }
0x83: {  	_ =	shalt  }
0x84: {  	_ =	shalt  }
0x85: {  	_ =	shalt  }
0x86: {  	_ =	shalt  }
0x87: {  	_ =	shalt  }
.Lfunc_end0:
.L_simem_size_0:
called_computation_lowered:
.L_overlay_start_0:
0x88: {  	s2 =	sld [smem:$0x3FD9]  }
0x89: {  	s3 =	sld [smem:$0x3FFE];
	_ =	sdelay $0x1  }
0x8a: {  	s1 =	srdreg.scid  }
0x8b: {  	s0 =	sand.u32 $0x1, s1  }
0x8c: {  	s16 =	sshll.u32 s0, $0xA;
	s2 =	sadd.s32 s3, s2  }
0x8d: {  	s2 =	sadd.s32 s2, s16  }
0x8e: {  	[smem:$0x3FBE] =	sst s2  }
0x8f: {  	_ = 	snop  }
0x90: {  	(tm) =	ssettm $0x1  }
0x91: {  	s17 =	sld [smem:$0x3FFB];
	_ =	sdelay $0x3  }
0x92: {  	_ =	strace s17  }
0x93: {  	s2 =	sld [smem:$0x3FFC];
	_ =	sdelay $0x3  }
0x94: {  	_ =	strace s2  }
0x95: {  	s2 =	sld [smem:$0x3FFD];
	_ =	sdelay $0x3  }
0x96: {  	_ =	strace s2  }
0x97: {  	_ =	strace $0x8FFFFFFF  }
0x98: {  	s18 =	sld [smem:$0x3FDB];
	_ =	sdelay $0x1  }
0x99: {  	s19 =	simm.s32 $_scs_section_size  }
0x9a: {  	s4 =	simm.s32 $_size__tile_overlayer_lowered;
	s5 =	simm.s32 $_tile_overlayer_lowered  }
0x9b: {  	s22 =	simm.s32 $0x1BFF;
	s21 =	sshll.u32 s5, $0x1;
	s2 =	sadd.s32 s19, s18  }
0x9c: {  	s6 =	simm.s32 $0x0;
	s20 =	sshll.u32 s4, $0x1;
	s4 =	sadd.s32 s21, s2  }
0x9d: {  	[timem:s6], [sflag:s22] =	dma.local [hbm:s4], s20  }
0x9e: {  	_ =	swait.ge [sflag:s22], s20  }
0x9f: {  	s3 =	ssub.s32 $0x0, s20;
	[sflag:s22] =	ssyncset.done $0x0  }
0xa0: {  	[sflag:s22] =	ssyncadd.s32 s3;
	_ =	sdelay $0x1  }
0xa1: {  	s23 =	simm.s32 $0x1B8B  }
0xa2: {  	_ =	swait.ge [sflag:s23], $0x1  }
0xa3: {  	[sflag:s23] =	ssyncset.done $0x0  }
0xa4: {  	s25 =	simm.s32 $0x1B8E;
	s24 =	sld [smem:$0x3FFE];
	[sflag:s23] =	ssyncadd.s32 $0xFFFFFFFF  }
0xa5: {  	s26 =	simm.s32 $execute0_lowered;
	[smem:$0x3FD2] =	sst s25  }
0xa6: {  	s4 =	sshll.u32 s26, $0x1;
	_ =	strace $0x80000046;
	[dreg:$0x1] =	wrdreg $0xFFFFFFFF  }
0xa7: {  	s28 =	simm.s32 $_size_execute0_lowered;
	s2 =	sadd.s32 s2, s4;
	[dreg:$0x0] =	wrdreg $0x0  }
0xa8: {  	s4 =	sshll.u32 s28, $0x1;
	[dreg:$0x2] =	wrdreg s2  }
0xa9: {  	[dreg:$0x3] =	wrdreg s4  }
0xaa: {  	[dreg:$0x4] =	wrdreg $0xC0  }
0xab: {  	_ =	task [dreg:s6], $0x5FFFF  }
0xac: {  	[dreg:$0x1] =	wrdreg $0xFFFFFFFF  }
0xad: {  	[dreg:$0x0] =	wrdreg $0x60  }
0xae: {  	[dreg:$0x2] =	wrdreg s24  }
0xaf: {  	[dreg:$0x3] =	wrdreg $0x4C000  }
0xb0: {  	[dreg:$0x4] =	wrdreg $0x9  }
0xb1: {  	_ =	task.clear_ibuf [dreg:s6], $0x5FFFF;
	_ =	strace $0x90000046  }
0xb2: {  	s29 =	simm.s32 $0x9;
	_ =	strace $0x80000048  }
0xb3: {  	_ =	swait.ge [sflag:s29], $0x1  }
0xb4: {  	[sflag:s29] =	ssyncadd.s32 $0xFFFFFFFF  }
0xb5: {  	_ =	strace $0x90000048  }
0xb6: {  	_ =	sfence  }
0xb7: {  	s30 =	sld [smem:$0x0];
	_ =	sdelay $0x2  }
0xb8: {  	s31 =	sshll.u32 s1, $0xD;
	s1 =	sshrl.u32 s1, $0x2  }
0xb9: {  	s3 =	sand.u32 $0x4000, s31;
	s1 =	sadd.s32 s1, s30  }
0xba: {  	s0 =	sor.u32 s3, s0;
	s1 =	sshll.u32 s1, $0x11  }
0xbb: {  	s0 =	sor.u32 s1, s0  }
0xbc: {  	s0 =	sadd.s32 $0x8F2B, s0  }
0xbd: {  	[sflag:s0] =	ssyncadd.remote.s32 $0x1  }
0xbe: {  	_ =	sfence.sel $0xFFFF  }
0xbf: {  	[dreg:$0x0] =	wrdreg $0xFFFFFFFF;
	(pc) =	sbr.abs _section_cstart, $3  }
0xc0: {  	[dreg:$0x1] =	wrdreg $0xFFFFFFFF  }
0xc1: {  	_ =	task.clear_ibuf [dreg:s6], $0x2FFFF;
	_ =	strace $0x9FFFFFFF  }
0xc2: {  	(tm) =	ssettm $0x7FFFFFFF  }
0xc3: {  	_ =	shalt  }
tec
execute0_lowered:
.L_overlay_start_1:
0x0: {  	(tag) =	ssettag $0x1  }
0x1: {  	s0 =	rddreg [dreg:$0x0]  }
0x2: {  	s2 =	rddreg [dreg:$0x1];
	s11 =	stileid.u32  }
0x3: {  	s4 =	srdreg.scid;
	s3 =	simm.s32 $0x0;
	s14 =	simm.s32 $0x5  }
0x4: {  	s15 =	simm.s32 $0xE00;
	s16 =	simm.s32 $0x1;
	s17 =	simm.s32 $0x2  }
0x5: {  	s18 =	simm.s32 $0x80;
	s19 =	simm.s32 $0x1C00;
	s20 =	simm.s32 $0x2400  }
0x6: {  	s21 =	simm.s32 $0x2C00;
	s22 =	simm.s32 $0x100;
	s23 =	simm.s32 $0xE80  }
0x7: {  	s24 =	simm.s32 $0x3C00;
	s25 =	simm.s32 $0x3;
	s1 =	smul.u32 $0x1C0, s11  }
0x8: {  	s26 =	simm.s32 $0x4;
	s5 =	smul.u32 $0x160, s11;
	s7 =	sand.u32 $0x1, s4  }
0x9: {  	s6 =	smul.u32 $0x5000, s11;
	[smem:$0x7FF] =	sst s3;
	s4 =	sadd.s32 $0x6200, s0  }
0xa: {  	s11 =	sshll.u32 s11, $0x6;
	s8 =	smul.u32 $0x50000, s7;
	_ =	strace $0x80000047  }
0xb: {  	s9 =	ssub.s32 $0x2, s7;
	p0 =	seq.s32 s7, $0x1;
	s1 =	sadd.s32 s1, s0  }
0xc: {  	s10 =	sadd.s32 s5, s0;
	s5 =	sadd.s32 $0x2EA00, s0;
	s30 =	sshrl.u32 s9, $0x1  }
.Ltmp0:
0xd: {  	s13 =	sadd.s32 s6, s2;
	s8 =	sadd.s32 s6, s8;
	(pc) =	sbr.rel .LBB2_1-.Ltmp0, $4  }
0xe: {  	s12 =	ssub.s32 s9, s30;
	s6 =	sor.u32 $0x1C05, s11;
	s31 =	sadd.s32 $0x1400, s1  }
0xf: {  	s9 =	sadd.s32 $0x3000, s10;
	s10 =	sadd.s32 $0x2D400, s10;
	s8 =	sshrl.u32 s8, $0x3  }
0x10: {  	s13 =	sshrl.u32 s13, $0x3;
	[dreg:$0x3] =	wrdreg s31;
	s0 =	sadd.s32 s8, s0  }
0x11: {  	s12 =	smax.u32 s12, $0x1;
	s8 =	sadd.s32 $0x4600, s1;
	s11 =	sadd.s32 $0x2F400, s0  }
.LBB2_22:
0x12: {  	_ =	swait.ge [sflag:s25], $0x1000  }
0x13: {  	[sflag:s25] =	ssyncset.done $0x0  }
0x14: {  	[sflag:s25] =	ssyncadd.s32 $0xFFFFF000  }
0x15: {  	_ =	swait.ge [sflag:s26], $0x1000  }
0x16: {  	[sflag:s26] =	ssyncset.done $0x0  }
0x17: {  	[sflag:s26] =	ssyncadd.s32 $0xFFFFF000  }
0x18: {  	_ =	swait.ge [sflag:s16], $0x800  }
0x19: {  	s3 =	sadd.s32 $0x1, s3;
	[sflag:s16] =	ssyncset.done $0x0  }
0x1a: {  	p1 =	sne.s32 s3, s12;
	[sflag:s16] =	ssyncadd.s32 $0xFFFFF800  }
.Ltmp1:
0x1b: {  	[bflag:$0x0] =	sbarrier.arrive $0xFFFF;
	(pc) =	sbr.rel @!p1 .LBB2_23-.Ltmp1, $4  }
0x1c: {  	[hbm:s11], [sflag:s6] =	dma.local [spmem:s13], $0xA00  }
0x1d: {  	_ =	swait.ge [sflag:s14], $0xA00  }
0x1e: {  	[sflag:s14] =	ssyncset.done $0x0  }
0x1f: {  	[sflag:s14] =	ssyncadd.s32 $0xFFFFF600  }
.LBB2_1:
0x20: {  	[spmem:s13], [sflag:s6] =	dma.local [hbm:s5], $0xA00  }
.Ltmp2:
0x21: {  	_ =	swait.ge [sflag:s14], $0xA00;
	(pc) =	sbr.rel @!p0 .LBB2_2-.Ltmp2, $4  }
0x22: {  	[sflag:s14] =	ssyncset.done $0x0  }
0x23: {  	[sflag:s14] =	ssyncadd.s32 $0xFFFFF600  }
0x24: {  	[bflag:$0x0] =	sbarrier.arrive $0xFFFF  }
0x25: {  	s0 =	simm.s32 $0x0  }
0x26: {  	[tilespmem:s0], [sflag:$0x1] =	stream.linear.gather [hbm4b:s9+s0], $0xB00, $0x38;
	[tilespmem:$0x9C00] =	vst v63  }
0x27: {  	_ = 	snop  }
0x28: {  	[tilespmem:s15], [sflag:$0x2] =	stream.linear.gather [hbm4b:s10+s0], $0xB00, $0x38;
	[tilespmem:$0x9C00] =	vst v63  }
0x29: {  	_ =	swait.ge [sflag:s16], $0xB00  }
0x2a: {  	[sflag:s16] =	ssyncset.done $0x0  }
0x2b: {  	[sflag:s16] =	ssyncadd.s32 $0xFFFFF500  }
0x2c: {  	_ =	swait.ge [sflag:s17], $0xB00  }
0x2d: {  	[sflag:s17] =	ssyncset.done $0x0  }
0x2e: {  	[sflag:s17] =	ssyncadd.s32 $0xFFFFF500  }
0x2f: {  	[tilespmem:s19], [sflag:$0x1] =	stream.indirect.gather [hbm4b:s4+s18], $0x10, s0, s18, $0xb8;
	[tilespmem:$0x9C00] =	vst v63  }
0x30: {  	_ = 	snop  }
0x31: {  	[tilespmem:s20], [sflag:$0x2] =	stream.indirect.gather [hbm4b:s4+s18], $0x10, s18, s18, $0xb8;
	[tilespmem:$0x9C00] =	vst v63  }
0x32: {  	_ =	swait.ge [sflag:s16], $0x800  }
0x33: {  	[sflag:s16] =	ssyncset.done $0x0  }
0x34: {  	s31 =	simm.s32 $0x0;
	[sflag:s16] =	ssyncadd.s32 $0xFFFFF800  }
0x35: {  	v0 =	vld [tilespmem:s31+$0x1C00];
	_ =	sdelay $0x4  }
0x36: {  	s0 =	simm.s32 $0x2C10;
	v1 =	vunpack.i.l.bf16.f32 v0  }
0x37: {  	v0 =	vunpack.i.u.bf16.f32 v0;
	[tilespmem:s0+$0xFFFFFFF0] =	vst v1  }
0x38: {  	s7 =	simm.s32 $0x10;
	s1 =	simm.s32 $0x80;
	[tilespmem:s0+$0x0] =	vst v0  }
.LBB2_13:
0x39: {  	p1 =	sne.s32 s1, $0x1FC0;
	v0 =	vld [tilespmem:s7+$0x1C00];
	_ =	sdelay $0x2  }
.Ltmp3:
0x3a: {  	(pc) =	sbr.rel @p1 .LBB2_13-.Ltmp3, $4  }
0x3b: {  	_ = 	snop  }
0x3c: {  	s0 =	sadd.s32 $0x20, s0;
	v1 =	vunpack.i.u.bf16.f32 v0;
	v0 =	vunpack.i.l.bf16.f32 v0  }
0x3d: {  	[tilespmem:s0+$0xFFFFFFF0] =	vst v0  }
0x3e: {  	s7 =	sshra.s32 s1, $0x2;
	s1 =	sadd.s32 $0x40, s1;
	[tilespmem:s0+$0x0] =	vst v1  }
0x3f: {  	v0 =	vld [tilespmem:s7+$0x1C00];
	_ =	sdelay $0x4  }
0x40: {  	s0 =	sadd.s32 $0x20, s0;
	v1 =	vunpack.i.l.bf16.f32 v0  }
0x41: {  	v0 =	vunpack.i.u.bf16.f32 v0;
	[tilespmem:s0+$0xFFFFFFF0] =	vst v1  }
0x42: {  	[tilespmem:s0+$0x0] =	vst v0  }
0x43: {  	[spmem:s2] =	stream.indirect.scatter.add.f32 [tilespmem:s21], [sflag:$0x3], $0x20, s15, s18, $0xb8;
	[tilespmem:$0x9C00] =	vst v63  }
0x44: {  	_ = 	snop  }
0x45: {  	[tilespmem:s19], [sflag:$0x1] =	stream.indirect.gather [hbm4b:s4+s18], $0x10, s22, s18, $0xb8;
	[tilespmem:$0x9C00] =	vst v63  }
0x46: {  	_ =	swait.ge [sflag:s17], $0x800  }
0x47: {  	[sflag:s17] =	ssyncset.done $0x0  }
0x48: {  	s31 =	simm.s32 $0x0;
	[sflag:s17] =	ssyncadd.s32 $0xFFFFF800  }
0x49: {  	v62 =	vld [tilespmem:s31+$0x2400];
	_ =	sdelay $0x4  }
0x4a: {  	s0 =	simm.s32 $0x3C10;
	v63 =	vunpack.i.l.bf16.f32 v62  }
0x4b: {  	v0 =	vunpack.i.u.bf16.f32 v62;
	[tilespmem:s0+$0xFFFFFFF0] =	vst v63  }
0x4c: {  	s7 =	simm.s32 $0x10;
	s1 =	simm.s32 $0x80;
	[tilespmem:s0+$0x0] =	vst v0  }
.LBB2_15:
0x4d: {  	p1 =	sne.s32 s1, $0x1FC0;
	v0 =	vld [tilespmem:s7+$0x2400];
	_ =	sdelay $0x2  }
.Ltmp4:
0x4e: {  	(pc) =	sbr.rel @p1 .LBB2_15-.Ltmp4, $4  }
0x4f: {  	_ = 	snop  }
0x50: {  	s0 =	sadd.s32 $0x20, s0;
	v1 =	vunpack.i.u.bf16.f32 v0;
	v0 =	vunpack.i.l.bf16.f32 v0  }
0x51: {  	[tilespmem:s0+$0xFFFFFFF0] =	vst v0  }
0x52: {  	s7 =	sshra.s32 s1, $0x2;
	s1 =	sadd.s32 $0x40, s1;
	[tilespmem:s0+$0x0] =	vst v1  }
0x53: {  	v0 =	vld [tilespmem:s7+$0x2400];
	_ =	sdelay $0x4  }
0x54: {  	s0 =	sadd.s32 $0x20, s0;
	v1 =	vunpack.i.l.bf16.f32 v0  }
0x55: {  	v0 =	vunpack.i.u.bf16.f32 v0;
	[tilespmem:s0+$0xFFFFFFF0] =	vst v1  }
0x56: {  	s28 =	simm.s32 $0x0;
	[tilespmem:s0+$0x0] =	vst v0  }
0x57: {  	[spmem:s2] =	stream.indirect.scatter.add.f32 [tilespmem:s24], [sflag:$0x4], $0x20, s23, s18, $0xb8;
	[tilespmem:$0x9C00] =	vst v63  }
.LBB2_17:
0x58: {  	s30 =	sshll.u32 s28, $0xA  }
0x59: {  	s0 =	sadd.s32 $0x600, s30  }
0x5a: {  	s29 =	sshra.s32 s0, $0x2  }
0x5b: {  	[tilespmem:s20], [sflag:$0x2] =	stream.indirect.gather [hbm4b:s4+s18], $0x10, s29, s18, $0xb8;
	[tilespmem:$0x9C00] =	vst v63  }
0x5c: {  	_ =	swait.ge [sflag:s25], $0x1000  }
0x5d: {  	[sflag:s25] =	ssyncset.done $0x0  }
0x5e: {  	[sflag:s25] =	ssyncadd.s32 $0xFFFFF000  }
0x5f: {  	_ =	swait.ge [sflag:s16], $0x800  }
0x60: {  	[sflag:s16] =	ssyncset.done $0x0  }
0x61: {  	s7 =	simm.s32 $0x0;
	[sflag:s16] =	ssyncadd.s32 $0xFFFFF800  }
0x62: {  	v0 =	vld [tilespmem:s7+$0x1C00];
	_ =	sdelay $0x4  }
0x63: {  	s0 =	simm.s32 $0x2C10;
	v1 =	vunpack.i.l.bf16.f32 v0  }
0x64: {  	v0 =	vunpack.i.u.bf16.f32 v0;
	[tilespmem:s0+$0xFFFFFFF0] =	vst v1  }
0x65: {  	s31 =	sshll.u32 s28, $0x1;
	s1 =	simm.s32 $0x80;
	s7 =	simm.s32 $0x10;
	[tilespmem:s0+$0x0] =	vst v0  }
.LBB2_18:
0x66: {  	p1 =	sne.s32 s1, $0x1FC0;
	v0 =	vld [tilespmem:s7+$0x1C00];
	_ =	sdelay $0x2  }
.Ltmp5:
0x67: {  	(pc) =	sbr.rel @p1 .LBB2_18-.Ltmp5, $4  }
0x68: {  	_ = 	snop  }
0x69: {  	s0 =	sadd.s32 $0x20, s0;
	v1 =	vunpack.i.u.bf16.f32 v0;
	v0 =	vunpack.i.l.bf16.f32 v0  }
0x6a: {  	[tilespmem:s0+$0xFFFFFFF0] =	vst v0  }
0x6b: {  	s7 =	sshra.s32 s1, $0x2;
	s1 =	sadd.s32 $0x40, s1;
	[tilespmem:s0+$0x0] =	vst v1  }
0x6c: {  	v0 =	vld [tilespmem:s7+$0x1C00];
	_ =	sdelay $0x4  }
0x6d: {  	s0 =	sadd.s32 $0x20, s0;
	v1 =	vunpack.i.l.bf16.f32 v0  }
0x6e: {  	s1 =	sshra.s32 s30, $0x2;
	s30 =	smin.u32 s31, $0x11;
	v0 =	vunpack.i.u.bf16.f32 v0;
	[tilespmem:s0+$0xFFFFFFF0] =	vst v1  }
0x6f: {  	s7 =	sadd.s32 $0xF00, s1;
	[tilespmem:s0+$0x0] =	vst v0;
	s0 =	sshll.u32 s30, $0x7  }
0x70: {  	[spmem:s2] =	stream.indirect.scatter.add.f32 [tilespmem:s21], [sflag:$0x3], $0x20, s7, s18, $0xb8;
	[tilespmem:$0x9C00] =	vst v63  }
0x71: {  	s0 =	sadd.s32 $0x200, s0  }
0x72: {  	[tilespmem:s19], [sflag:$0x1] =	stream.indirect.gather [hbm4b:s4+s18], $0x10, s0, s18, $0xb8;
	[tilespmem:$0x9C00] =	vst v63  }
0x73: {  	_ =	swait.ge [sflag:s26], $0x1000  }
0x74: {  	[sflag:s26] =	ssyncset.done $0x0  }
0x75: {  	[sflag:s26] =	ssyncadd.s32 $0xFFFFF000  }
0x76: {  	_ =	swait.ge [sflag:s17], $0x800  }
0x77: {  	[sflag:s17] =	ssyncset.done $0x0  }
0x78: {  	s31 =	simm.s32 $0x0;
	[sflag:s17] =	ssyncadd.s32 $0xFFFFF800  }
0x79: {  	v62 =	vld [tilespmem:s31+$0x2400];
	_ =	sdelay $0x4  }
0x7a: {  	s0 =	simm.s32 $0x3C10;
	v63 =	vunpack.i.l.bf16.f32 v62  }
0x7b: {  	v0 =	vunpack.i.u.bf16.f32 v62;
	[tilespmem:s0+$0xFFFFFFF0] =	vst v63  }
0x7c: {  	s1 =	simm.s32 $0x80;
	s7 =	simm.s32 $0x10;
	[tilespmem:s0+$0x0] =	vst v0  }
.LBB2_20:
0x7d: {  	p1 =	sne.s32 s1, $0x1FC0;
	v0 =	vld [tilespmem:s7+$0x2400];
	_ =	sdelay $0x2  }
.Ltmp6:
0x7e: {  	(pc) =	sbr.rel @p1 .LBB2_20-.Ltmp6, $4  }
0x7f: {  	_ = 	snop  }
0x80: {  	s0 =	sadd.s32 $0x20, s0;
	v1 =	vunpack.i.u.bf16.f32 v0;
	v0 =	vunpack.i.l.bf16.f32 v0  }
0x81: {  	[tilespmem:s0+$0xFFFFFFF0] =	vst v0  }
0x82: {  	s7 =	sshra.s32 s1, $0x2;
	s1 =	sadd.s32 $0x40, s1;
	[tilespmem:s0+$0x0] =	vst v1  }
0x83: {  	v0 =	vld [tilespmem:s7+$0x2400];
	_ =	sdelay $0x1  }
0x84: {  	s28 =	sadd.s32 $0x1, s28  }
0x85: {  	p1 =	sne.s32 s28, $0xA  }
.Ltmp7:
0x86: {  	_ = 	snop;
	(pc) =	sbr.rel @p1 .LBB2_17-.Ltmp7, $4  }
.Ltmp8:
0x87: {  	s0 =	sadd.s32 $0x20, s0;
	v1 =	vunpack.i.l.bf16.f32 v0;
	(pc) =	sbr.rel @!p1 .LBB2_22-.Ltmp8, $4  }
0x88: {  	v0 =	vunpack.i.u.bf16.f32 v0;
	[tilespmem:s0+$0xFFFFFFF0] =	vst v1  }
0x89: {  	s31 =	sadd.s32 $0xE00, s29;
	[tilespmem:s0+$0x0] =	vst v0  }
0x8a: {  	[spmem:s2] =	stream.indirect.scatter.add.f32 [tilespmem:s24], [sflag:$0x4], $0x20, s31, s18, $0xb8;
	[tilespmem:$0x9C00] =	vst v63  }
0x8b: {  	_ = 	snop  }
.LBB2_2:
0x8c: {  	s1 =	rddreg [dreg:$0x3]  }
0x8d: {  	[tilespmem:s0], [sflag:$0x1] =	stream.linear.gather [hbm4b:s1+s0], $0xE00, $0x38;
	[tilespmem:$0x9C00] =	vst v63  }
0x8e: {  	_ = 	snop  }
0x8f: {  	[tilespmem:s15], [sflag:$0x2] =	stream.linear.gather [hbm4b:s8+s0], $0xE00, $0x38;
	[tilespmem:$0x9C00] =	vst v63  }
0x90: {  	_ =	swait.ge [sflag:s16], $0xE00  }
0x91: {  	[sflag:s16] =	ssyncset.done $0x0  }
0x92: {  	[sflag:s16] =	ssyncadd.s32 $0xFFFFF200  }
0x93: {  	_ =	swait.ge [sflag:s17], $0xE00  }
0x94: {  	[sflag:s17] =	ssyncset.done $0x0  }
0x95: {  	[sflag:s17] =	ssyncadd.s32 $0xFFFFF200  }
0x96: {  	[tilespmem:s19], [sflag:$0x1] =	stream.indirect.gather [hbm4b:s4+s18], $0x10, s0, s18, $0xb8;
	[tilespmem:$0x9C00] =	vst v63  }
0x97: {  	_ = 	snop  }
0x98: {  	[tilespmem:s20], [sflag:$0x2] =	stream.indirect.gather [hbm4b:s4+s18], $0x10, s18, s18, $0xb8;
	[tilespmem:$0x9C00] =	vst v63  }
0x99: {  	_ =	swait.ge [sflag:s16], $0x800  }
0x9a: {  	[sflag:s16] =	ssyncset.done $0x0  }
0x9b: {  	s31 =	simm.s32 $0x0;
	[sflag:s16] =	ssyncadd.s32 $0xFFFFF800  }
0x9c: {  	v0 =	vld [tilespmem:s31+$0x1C00];
	_ =	sdelay $0x4  }
0x9d: {  	s0 =	simm.s32 $0x2C10;
	v1 =	vunpack.i.l.bf16.f32 v0  }
0x9e: {  	v0 =	vunpack.i.u.bf16.f32 v0;
	[tilespmem:s0+$0xFFFFFFF0] =	vst v1  }
0x9f: {  	s28 =	simm.s32 $0x80;
	s1 =	simm.s32 $0x10;
	[tilespmem:s0+$0x0] =	vst v0  }
.LBB2_3:
0xa0: {  	p1 =	sne.s32 s28, $0x1FC0;
	v0 =	vld [tilespmem:s1+$0x1C00];
	_ =	sdelay $0x2  }
.Ltmp9:
0xa1: {  	(pc) =	sbr.rel @p1 .LBB2_3-.Ltmp9, $4  }
0xa2: {  	_ = 	snop  }
0xa3: {  	s0 =	sadd.s32 $0x20, s0;
	v1 =	vunpack.i.u.bf16.f32 v0;
	v0 =	vunpack.i.l.bf16.f32 v0  }
0xa4: {  	[tilespmem:s0+$0xFFFFFFF0] =	vst v0  }
0xa5: {  	s1 =	sshra.s32 s28, $0x2;
	s28 =	sadd.s32 $0x40, s28;
	[tilespmem:s0+$0x0] =	vst v1  }
0xa6: {  	v0 =	vld [tilespmem:s1+$0x1C00];
	_ =	sdelay $0x4  }
0xa7: {  	s0 =	sadd.s32 $0x20, s0;
	v1 =	vunpack.i.l.bf16.f32 v0  }
0xa8: {  	v0 =	vunpack.i.u.bf16.f32 v0;
	[tilespmem:s0+$0xFFFFFFF0] =	vst v1  }
0xa9: {  	[tilespmem:s0+$0x0] =	vst v0  }
0xaa: {  	[spmem:s2] =	stream.indirect.scatter.add.f32 [tilespmem:s21], [sflag:$0x3], $0x20, s15, s18, $0xb8;
	[tilespmem:$0x9C00] =	vst v63  }
0xab: {  	_ = 	snop  }
0xac: {  	[tilespmem:s19], [sflag:$0x1] =	stream.indirect.gather [hbm4b:s4+s18], $0x10, s22, s18, $0xb8;
	[tilespmem:$0x9C00] =	vst v63  }
0xad: {  	_ =	swait.ge [sflag:s17], $0x800  }
0xae: {  	[sflag:s17] =	ssyncset.done $0x0  }
0xaf: {  	s31 =	simm.s32 $0x0;
	[sflag:s17] =	ssyncadd.s32 $0xFFFFF800  }
0xb0: {  	v62 =	vld [tilespmem:s31+$0x2400];
	_ =	sdelay $0x4  }
0xb1: {  	s0 =	simm.s32 $0x3C10;
	v63 =	vunpack.i.l.bf16.f32 v62  }
0xb2: {  	v0 =	vunpack.i.u.bf16.f32 v62;
	[tilespmem:s0+$0xFFFFFFF0] =	vst v63  }
0xb3: {  	s1 =	simm.s32 $0x10;
	s28 =	simm.s32 $0x80;
	[tilespmem:s0+$0x0] =	vst v0  }
.LBB2_5:
0xb4: {  	p1 =	sne.s32 s28, $0x1FC0;
	v0 =	vld [tilespmem:s1+$0x2400];
	_ =	sdelay $0x2  }
.Ltmp10:
0xb5: {  	(pc) =	sbr.rel @p1 .LBB2_5-.Ltmp10, $4  }
0xb6: {  	_ = 	snop  }
0xb7: {  	s0 =	sadd.s32 $0x20, s0;
	v1 =	vunpack.i.u.bf16.f32 v0;
	v0 =	vunpack.i.l.bf16.f32 v0  }
0xb8: {  	[tilespmem:s0+$0xFFFFFFF0] =	vst v0  }
0xb9: {  	s1 =	sshra.s32 s28, $0x2;
	s28 =	sadd.s32 $0x40, s28;
	[tilespmem:s0+$0x0] =	vst v1  }
0xba: {  	v0 =	vld [tilespmem:s1+$0x2400];
	_ =	sdelay $0x4  }
0xbb: {  	s0 =	sadd.s32 $0x20, s0;
	v1 =	vunpack.i.l.bf16.f32 v0  }
0xbc: {  	v0 =	vunpack.i.u.bf16.f32 v0;
	[tilespmem:s0+$0xFFFFFFF0] =	vst v1  }
0xbd: {  	s28 =	simm.s32 $0x0;
	[tilespmem:s0+$0x0] =	vst v0  }
0xbe: {  	[spmem:s2] =	stream.indirect.scatter.add.f32 [tilespmem:s24], [sflag:$0x4], $0x20, s23, s18, $0xb8;
	[tilespmem:$0x9C00] =	vst v63  }
.LBB2_7:
0xbf: {  	s30 =	sshll.u32 s28, $0xA  }
0xc0: {  	s0 =	sadd.s32 $0x600, s30  }
0xc1: {  	s29 =	sshra.s32 s0, $0x2  }
0xc2: {  	[tilespmem:s20], [sflag:$0x2] =	stream.indirect.gather [hbm4b:s4+s18], $0x10, s29, s18, $0xb8;
	[tilespmem:$0x9C00] =	vst v63  }
0xc3: {  	_ =	swait.ge [sflag:s25], $0x1000  }
0xc4: {  	[sflag:s25] =	ssyncset.done $0x0  }
0xc5: {  	[sflag:s25] =	ssyncadd.s32 $0xFFFFF000  }
0xc6: {  	_ =	swait.ge [sflag:s16], $0x800  }
0xc7: {  	[sflag:s16] =	ssyncset.done $0x0  }
0xc8: {  	s7 =	simm.s32 $0x0;
	[sflag:s16] =	ssyncadd.s32 $0xFFFFF800  }
0xc9: {  	v0 =	vld [tilespmem:s7+$0x1C00];
	_ =	sdelay $0x4  }
0xca: {  	s0 =	simm.s32 $0x2C10;
	v1 =	vunpack.i.l.bf16.f32 v0  }
0xcb: {  	v0 =	vunpack.i.u.bf16.f32 v0;
	[tilespmem:s0+$0xFFFFFFF0] =	vst v1  }
0xcc: {  	s31 =	sshll.u32 s28, $0x1;
	s1 =	simm.s32 $0x80;
	s7 =	simm.s32 $0x10;
	[tilespmem:s0+$0x0] =	vst v0  }
.LBB2_8:
0xcd: {  	p1 =	sne.s32 s1, $0x1FC0;
	v0 =	vld [tilespmem:s7+$0x1C00];
	_ =	sdelay $0x2  }
.Ltmp11:
0xce: {  	(pc) =	sbr.rel @p1 .LBB2_8-.Ltmp11, $4  }
0xcf: {  	_ = 	snop  }
0xd0: {  	s0 =	sadd.s32 $0x20, s0;
	v1 =	vunpack.i.u.bf16.f32 v0;
	v0 =	vunpack.i.l.bf16.f32 v0  }
0xd1: {  	[tilespmem:s0+$0xFFFFFFF0] =	vst v0  }
0xd2: {  	s7 =	sshra.s32 s1, $0x2;
	s1 =	sadd.s32 $0x40, s1;
	[tilespmem:s0+$0x0] =	vst v1  }
0xd3: {  	v0 =	vld [tilespmem:s7+$0x1C00];
	_ =	sdelay $0x4  }
0xd4: {  	s0 =	sadd.s32 $0x20, s0;
	v1 =	vunpack.i.l.bf16.f32 v0  }
0xd5: {  	s1 =	sshra.s32 s30, $0x2;
	s30 =	smin.u32 s31, $0x17;
	v0 =	vunpack.i.u.bf16.f32 v0;
	[tilespmem:s0+$0xFFFFFFF0] =	vst v1  }
0xd6: {  	s7 =	sadd.s32 $0xF00, s1;
	[tilespmem:s0+$0x0] =	vst v0;
	s0 =	sshll.u32 s30, $0x7  }
0xd7: {  	[spmem:s2] =	stream.indirect.scatter.add.f32 [tilespmem:s21], [sflag:$0x3], $0x20, s7, s18, $0xb8;
	[tilespmem:$0x9C00] =	vst v63  }
0xd8: {  	s0 =	sadd.s32 $0x200, s0  }
0xd9: {  	[tilespmem:s19], [sflag:$0x1] =	stream.indirect.gather [hbm4b:s4+s18], $0x10, s0, s18, $0xb8;
	[tilespmem:$0x9C00] =	vst v63  }
0xda: {  	_ =	swait.ge [sflag:s26], $0x1000  }
0xdb: {  	[sflag:s26] =	ssyncset.done $0x0  }
0xdc: {  	[sflag:s26] =	ssyncadd.s32 $0xFFFFF000  }
0xdd: {  	_ =	swait.ge [sflag:s17], $0x800  }
0xde: {  	[sflag:s17] =	ssyncset.done $0x0  }
0xdf: {  	s31 =	simm.s32 $0x0;
	[sflag:s17] =	ssyncadd.s32 $0xFFFFF800  }
0xe0: {  	v62 =	vld [tilespmem:s31+$0x2400];
	_ =	sdelay $0x4  }
0xe1: {  	s0 =	simm.s32 $0x3C10;
	v63 =	vunpack.i.l.bf16.f32 v62  }
0xe2: {  	v0 =	vunpack.i.u.bf16.f32 v62;
	[tilespmem:s0+$0xFFFFFFF0] =	vst v63  }
0xe3: {  	s1 =	simm.s32 $0x80;
	s7 =	simm.s32 $0x10;
	[tilespmem:s0+$0x0] =	vst v0  }
.LBB2_10:
0xe4: {  	p1 =	sne.s32 s1, $0x1FC0;
	v0 =	vld [tilespmem:s7+$0x2400];
	_ =	sdelay $0x2  }
.Ltmp12:
0xe5: {  	(pc) =	sbr.rel @p1 .LBB2_10-.Ltmp12, $4  }
0xe6: {  	_ = 	snop  }
0xe7: {  	s0 =	sadd.s32 $0x20, s0;
	v1 =	vunpack.i.u.bf16.f32 v0;
	v0 =	vunpack.i.l.bf16.f32 v0  }
0xe8: {  	[tilespmem:s0+$0xFFFFFFF0] =	vst v0  }
0xe9: {  	s7 =	sshra.s32 s1, $0x2;
	s1 =	sadd.s32 $0x40, s1;
	[tilespmem:s0+$0x0] =	vst v1  }
0xea: {  	v0 =	vld [tilespmem:s7+$0x2400];
	_ =	sdelay $0x1  }
0xeb: {  	s28 =	sadd.s32 $0x1, s28  }
0xec: {  	p1 =	seq.s32 s28, $0xD  }
.Ltmp13:
0xed: {  	_ = 	snop;
	(pc) =	sbr.rel @!p1 .LBB2_7-.Ltmp13, $4  }
.Ltmp14:
0xee: {  	s0 =	sadd.s32 $0x20, s0;
	v1 =	vunpack.i.l.bf16.f32 v0;
	(pc) =	sbr.rel @p1 .LBB2_22-.Ltmp14, $4  }
0xef: {  	v0 =	vunpack.i.u.bf16.f32 v0;
	[tilespmem:s0+$0xFFFFFFF0] =	vst v1  }
0xf0: {  	s31 =	sadd.s32 $0xE00, s29;
	[tilespmem:s0+$0x0] =	vst v0  }
0xf1: {  	[spmem:s2] =	stream.indirect.scatter.add.f32 [tilespmem:s24], [sflag:$0x4], $0x20, s31, s18, $0xb8;
	[tilespmem:$0x9C00] =	vst v63  }
0xf2: {  	_ = 	snop  }
.LBB2_23:
0xf3: {  	_ =	sfence.sel $0x180000  }
0xf4: {  	[bflag:$0x0] =	sbarrier.arrive $0xFFFF  }
0xf5: {  	_ =	strace $0x90000047  }
0xf6: {  	s0 =	stileid.u32;
	[bflag:$0x2] =	sbarrier.arrive $0xFFFF  }
0xf7: {  	p0 =	sne.s32 s0, $0x0;
	s0 =	rddreg [dreg:$0x2]  }
0xf8: {  	s0 =	sadd.s32 @!p0 $0x100000, s0  }
0xf9: {  	[sflag:s0] =	ssyncadd.tile.s32 @!p0 $0x1;
	_ =	shalt  }
.Lfunc_end2:
_tile_overlayer_lowered:
.L_overlay_start_2:
0xfa: {  	(tag) =	ssettag $0x2  }
0xfb: {  	s0 =	rddreg [dreg:$0x0];
	s2 =	stileid.u32  }
0xfc: {  	s1 =	rddreg [dreg:$0x1];
	p0 =	sne.s32 s2, $0x0  }
0xfd: {  	s3 =	rddreg [dreg:$0x2];
	[bflag:$0x3] =	sbarrier.arrive $0xFFFF;
	s2 =	simm.s32 @!p0 $0x1C05  }
0xfe: {  	[timem:s3], [sflag:s2] =	dma.local @!p0 [hbm:s0], s1  }
0xff: {  	s0 =	simm.s32 @!p0 $0x5  }
0x100: {  	_ =	swait.ge @!p0 [sflag:s0], s1  }
0x101: {  	s1 =	ssub.s32 @!p0 $0x0, s1;
	[sflag:s0] =	ssyncset.done @!p0 $0x0  }
0x102: {  	[sflag:s0] =	ssyncadd.s32 @!p0 s1  }
0x103: {  	[bflag:$0x3] =	sbarrier.arrive $0xFFFF  }
0x104: {  	_ =	shalt  }

</sc_bundles>
